<compile_context>
chip_gen: v7x
topology: tpu7x:2x2x1
jax: 0.10.2.dev20260603
libtpu: 0.0.44.dev20260713+nightly
codegen_flags: <defaults>
</compile_context>

<pallas_src>
import functools

import jax
import jax.numpy as jnp
from jax import lax
from jax.experimental import pallas as pl
from jax.experimental.pallas import tpu as pltpu
from jax.experimental.pallas import tpu_sc as plsc

def _scores_select_body(k, T, B, NT, h_ref, q_ref, m_ref, s_scr):
    b = pl.program_id(0)
    t = pl.program_id(1)
    T8 = T // 8
    rows_per_step = 8 // NT
    h = h_ref[0]
    q = q_ref[...]
    row = lax.dot_general(q, h, (((1,), (1,)), ((), ())),
                          preferred_element_type=jnp.float32)
    rows = row.reshape(rows_per_step, T8)
    for r in range(rows_per_step):
        s_scr[pl.ds(b * 8 + t * rows_per_step + r, 1), :] = rows[r:r + 1]

    @pl.when((b == B - 1) & (t == NT - 1))
    def _():
        _select_into(k, T, B, s_scr, m_ref)


def _radix16_kth_largest(vals, match0, kk, nbits, B):
    p = jnp.zeros((B, 1, 1), jnp.int32)
    npasses = (nbits + 3) // 4
    for step in range(npasses):
        sh = 4 * (npasses - 1 - step)
        pref_hi = lax.shift_right_logical(vals, sh + 4)
        p_hi = lax.shift_right_logical(p, sh + 4)
        m = match0 & (pref_hi == p_hi)
        nib = jnp.bitwise_and(lax.shift_right_logical(vals, sh),
                              jnp.int32(15))
        cnts = [jnp.sum((m & (nib == v)).astype(jnp.int32), axis=(1, 2),
                        keepdims=True) for v in range(16)]
        acc = jnp.zeros((B, 1, 1), jnp.int32)
        vstar = jnp.zeros((B, 1, 1), jnp.int32)
        kk_next = kk
        for v in range(15, -1, -1):
            acc_new = acc + cnts[v]
            sel = (acc_new >= kk) & (acc < kk)
            vstar = jnp.where(sel, jnp.int32(v), vstar)
            kk_next = jnp.where(sel, kk - acc, kk_next)
            acc = acc_new
        p = jnp.bitwise_or(p, lax.shift_left(vstar, jnp.int32(sh)))
        kk = kk_next
    return p, kk


def _select_into(k, T, B, s_ref, m_ref):
    imin = jnp.int32(-2147483648)
    T8 = T // 8
    s = s_ref[...].reshape(B, 8, T8)
    bits = lax.bitcast_convert_type(s, jnp.int32)
    key = jnp.where(bits < 0,
                    jnp.bitwise_xor(jnp.bitwise_not(bits), imin),
                    bits)
    ku = jnp.bitwise_xor(key, imin)

    ones = jnp.ones(s.shape, jnp.bool_)
    kkk = jnp.full((B, 1, 1), k, jnp.int32)
    pu, need = _radix16_kth_largest(ku, ones, kkk, 32, B)
    thr = jnp.bitwise_xor(pu, imin)
    eq = key == thr

    idx = (lax.broadcasted_iota(jnp.int32, s.shape, 1) * T8
           + lax.broadcasted_iota(jnp.int32, s.shape, 2))
    rj = jnp.int32(T - 1) - idx
    nbits = max(1, (T - 1).bit_length())
    rstar, _ = _radix16_kth_largest(rj, eq, need, nbits, B)
    istar = jnp.int32(T - 1) - rstar
    mask = (key > thr) | (eq & (idx <= istar))
    m_ref[...] = mask.astype(jnp.int32).reshape(B * 8, T8)


def _sc_gather_body(T, K, TPB, R, CH, NC,
                    h_ref, m_ref, out_ref,
                    mask_v, idx_v, buf0, buf1, sem0, sem1, sem2, sem3):
    wid = lax.axis_index("s") * NC + lax.axis_index("c")
    b = wid // TPB
    slot = wid % TPB

    pltpu.sync_copy(m_ref.at[b], mask_v)

    base_row = b * T

    def body(i, off):
        m = mask_v[pl.ds(i * 16, 16)]
        lane = lax.iota(jnp.int32, 16)
        s = m
        for dsh in (1, 2, 4, 8):
            g = lax.gather(
                s, jnp.maximum(lane - dsh, 0)[:, None],
                lax.GatherDimensionNumbers(
                    offset_dims=(), collapsed_slice_dims=(0,),
                    start_index_map=(0,)),
                (1,), mode=lax.GatherScatterMode.PROMISE_IN_BOUNDS)
            keep = jnp.minimum(jnp.maximum(lane - dsh + 1, 0), 1)
            s = s + g * keep
        tok = lane + (i * 16 + base_row)
        pos = m * (off + s - 1) + (1 - m) * (K + lane)
        plsc.store_scatter(idx_v, [pos], tok)
        return off + jnp.max(s)

    lax.fori_loop(0, T // 16, body, jnp.int32(0))

    gbase = slot * R
    obase = b * K + gbase
    bufs = (buf0, buf1)
    gsems = (sem0, sem1)
    wsems = (sem2, sem3)
    nchunk = R // CH
    gcp = [None, None]
    wcp = [None, None]
    for c in range(nchunk):
        if c >= 2:
            wcp[c % 2].wait()
        gcp[c % 2] = pltpu.async_copy(
            h_ref.at[idx_v.at[pl.ds(gbase + c * CH, CH)]],
            bufs[c % 2], gsems[c % 2])
        if c >= 1:
            gcp[(c - 1) % 2].wait()
            wcp[(c - 1) % 2] = pltpu.async_copy(
                bufs[(c - 1) % 2],
                out_ref.at[pl.ds(obase + (c - 1) * CH, CH)],
                wsems[(c - 1) % 2])
    last = nchunk - 1
    gcp[last % 2].wait()
    wcp[last % 2] = pltpu.async_copy(
        bufs[last % 2], out_ref.at[pl.ds(obase + last * CH, CH)],
        wsems[last % 2])
    wcp[(last - 1) % 2].wait()
    wcp[last % 2].wait()


def kernel(hidden, query):
    B, T, d = hidden.shape
    k = min(T, max(64, int(T * 0.5)))

    T8 = T // 8
    TT = 4 * T8
    NT = T // TT
    mask_i2 = pl.pallas_call(
        functools.partial(_scores_select_body, k, T, B, NT),
        grid=(B, NT),
        in_specs=[
            pl.BlockSpec((1, TT, d), lambda b, t: (b, t, 0)),
            pl.BlockSpec((1, d), lambda b, t: (0, 0)),
        ],
        out_specs=pl.BlockSpec((B * 8, T8), lambda b, t: (0, 0)),
        out_shape=jax.ShapeDtypeStruct((B * 8, T8), jnp.int32),
        scratch_shapes=[pltpu.VMEM((B * 8, T8), jnp.float32)],
    )(hidden, query.reshape(1, d))
    mask_i = mask_i2.reshape(B, T)

    try:
        info = plsc.get_sparse_core_info()
        NC, NS = info.num_cores, info.num_subcores
    except Exception:
        NC, NS = 2, 16
    NW = NC * NS
    TPB = NW // B
    R = k // TPB
    CH = 64
    assert NW % B == 0 and k % TPB == 0 and R % CH == 0 and k % CH == 0

    mesh = plsc.VectorSubcoreMesh(core_axis_name="c", subcore_axis_name="s")
    sc_gather = functools.partial(
        pl.kernel,
        mesh=mesh,
        compiler_params=pltpu.CompilerParams(needs_layout_passes=False),
        out_type=jax.ShapeDtypeStruct((B * k, d), jnp.float32),
        scratch_types=[
            pltpu.VMEM((T,), jnp.int32),
            pltpu.VMEM((k + 16,), jnp.int32),
            pltpu.VMEM((CH, d), jnp.float32),
            pltpu.VMEM((CH, d), jnp.float32),
            pltpu.SemaphoreType.DMA,
            pltpu.SemaphoreType.DMA,
            pltpu.SemaphoreType.DMA,
            pltpu.SemaphoreType.DMA,
        ],
    )(functools.partial(_sc_gather_body, T, k, TPB, R, CH, NC))

    out2 = sc_gather(hidden.reshape(B * T, d), mask_i)
    return out2.reshape(B, k, d), mask_i.astype(bool)

# --- scband reference (transcript-rebuilt; emitter-appended) ---
"""Pipeline reference for scband-context-compressor-37168646979630 (READ-ONLY COPY).

The authoritative reference and input builder live on the scoring server;
editing this copy changes nothing except your own understanding.
"""

import jax, jax.numpy as jnp
import numpy as np

TARGET_RATIO = 0.5
MIN_TOKENS = 64

def setup_inputs(seed: int = 0) -> dict:
    key = jax.random.key(seed)
    k1, k2 = jax.random.split(key)
    hidden = jax.random.normal(k1, (4, 8192, 768), dtype=jnp.float32)
    query = jax.random.normal(k2, (768,), dtype=jnp.float32)
    return {"hidden": hidden, "query": query}

def reference(hidden, query):
    B, T, d = hidden.shape
    k = max(MIN_TOKENS, int(T * TARGET_RATIO))
    k = min(k, T)
    # attention-score method: dot product of each token with the learned query
    scores = jnp.einsum('btd,d->bt', hidden, query)  # (B, T)
    _, topk_indices = jax.lax.top_k(scores, k)       # (B, k)
    # preserve original order
    topk_indices = jnp.sort(topk_indices, axis=-1)
    mask = jnp.zeros((B, T), dtype=bool)
    mask = mask.at[jnp.arange(B)[:, None], topk_indices].set(True)
    compressed = jnp.take_along_axis(hidden, topk_indices[:, :, None], axis=1)  # (B, k, d)
    return compressed, mask

if __name__ == "__main__":
    import jax
    _d = setup_inputs()
    print(jax.jit(kernel)(*tuple(_d.values())))

</pallas_src>

<mosaic_0001>
#map = affine_map<(d0, d1) -> (0, 0)>
module attributes {stable_mosaic.version = 14 : i64} {
  func.func @_sc_gather_body(%arg0: i32, %arg1: i32, %arg2: memref<32768x768xf32, #tpu.memory_space<hbm>>, %arg3: memref<4x8192xi32, #tpu.memory_space<hbm>>, %arg4: memref<16384x768xf32, #tpu.memory_space<hbm>>, %arg5: memref<8192xi32, #tpu.memory_space<vmem>>, %arg6: memref<4112xi32, #tpu.memory_space<vmem>>, %arg7: memref<64x768xf32, #tpu.memory_space<vmem>>, %arg8: memref<64x768xf32, #tpu.memory_space<vmem>>, %arg9: memref<!tpu.dma_semaphore, #tpu.memory_space<semaphore_mem>>, %arg10: memref<!tpu.dma_semaphore, #tpu.memory_space<semaphore_mem>>, %arg11: memref<!tpu.dma_semaphore, #tpu.memory_space<semaphore_mem>>, %arg12: memref<!tpu.dma_semaphore, #tpu.memory_space<semaphore_mem>>) attributes {dimension_semantics = [#tpu.dimension_semantics<core_parallel>, #tpu.dimension_semantics<subcore_parallel>], iteration_bounds = array<i64: 2, 16>, scalar_prefetch = 0 : i64, scratch_operands = 8 : i64, tpu.core_type = #tpu.core_type<sc_vector_subcore>, window_params = [{transform_indices = #map}, {transform_indices = #map}, {transform_indices = #map}]} {
    %mul3A = arith.constant 2 : i32
    %mul3A_0 = arith.muli %arg1, %mul3A : i32
    %add3A = arith.addi %mul3A_0, %arg0 : i32
    %jit3A = arith.constant 8 : i32
    %div3A = arith.divsi %add3A, %jit3A : i32
    %sign3A = arith.constant 0 : i32
    %sign3A_1 = arith.cmpi sgt, %add3A, %sign3A : i32
    %sign3A_2 = arith.extui %sign3A_1 : i1 to i32
    %sign3A_3 = arith.constant 0 : i32
    %sign3A_4 = arith.cmpi slt, %add3A, %sign3A_3 : i32
    %sign3A_5 = arith.extui %sign3A_4 : i1 to i32
    %sign3A_6 = arith.subi %sign3A_2, %sign3A_5 : i32
    %sign3A_7 = arith.constant 0 : i32
    %sign3A_8 = arith.cmpi sgt, %jit3A, %sign3A_7 : i32
    %sign3A_9 = arith.extui %sign3A_8 : i1 to i32
    %sign3A_10 = arith.constant 0 : i32
    %sign3A_11 = arith.cmpi slt, %jit3A, %sign3A_10 : i32
    %sign3A_12 = arith.extui %sign3A_11 : i1 to i32
    %sign3A_13 = arith.subi %sign3A_9, %sign3A_12 : i32
    %ne3A = arith.cmpi ne, %sign3A_6, %sign3A_13 : i32
    %rem3A = arith.remsi %add3A, %jit3A : i32
    %ne3A_14 = arith.constant 0 : i32
    %ne3A_15 = arith.cmpi ne, %rem3A, %ne3A_14 : i32
    %and3A = arith.andi %ne3A, %ne3A_15 : i1
    %sub3A = arith.constant 1 : i32
    %sub3A_16 = arith.subi %div3A, %sub3A : i32
    %select_n3A = arith.select %and3A, %sub3A_16, %div3A : i32
    %jit3A_17 = arith.constant 8 : i32
    %eq3A = arith.constant 0 : i32
    %eq3A_18 = arith.cmpi eq, %jit3A_17, %eq3A : i32
    %jit3A_19 = arith.constant 1 : i32
    %select_n3A_20 = arith.select %eq3A_18, %jit3A_19, %jit3A_17 : i32
    %rem3A_21 = arith.remsi %add3A, %select_n3A_20 : i32
    %ne3A_22 = arith.constant 0 : i32
    %ne3A_23 = arith.cmpi ne, %rem3A_21, %ne3A_22 : i32
    %lt3A = arith.constant 0 : i32
    %lt3A_24 = arith.cmpi slt, %rem3A_21, %lt3A : i32
    %lt3A_25 = arith.constant 0 : i32
    %lt3A_26 = arith.cmpi slt, %select_n3A_20, %lt3A_25 : i32
    %ne3A_27 = arith.xori %lt3A_24, %lt3A_26 : i1
    %and3A_28 = arith.andi %ne3A_27, %ne3A_23 : i1
    %add3A_29 = arith.addi %rem3A_21, %select_n3A_20 : i32
    %select_n3A_30 = arith.select %and3A_28, %add3A_29, %rem3A_21 : i32
    "tpu.region"() ({
      %run_scoped3A = tpu.sem_alloc : memref<!tpu.dma_semaphore, #tpu.memory_space<semaphore_mem>>
      %dma_start3A_202 = arith.constant 0 : i32
      %dma_start3A_203 = tpu.memref_slice %arg3[%select_n3A, %dma_start3A_202] : memref<4x8192xi32, #tpu.memory_space<hbm>> -> memref<1x8192xi32, #tpu.memory_space<hbm>>
      %dma_start3A_204 = tpu.memref_squeeze %dma_start3A_203 : memref<1x8192xi32, #tpu.memory_space<hbm>> -> memref<8192xi32, #tpu.memory_space<hbm>>
      %dma_start3A_205 = arith.constant 0 : i32
      %dma_start3A_206 = tpu.memref_slice %arg3[%select_n3A, %dma_start3A_205] : memref<4x8192xi32, #tpu.memory_space<hbm>> -> memref<1x8192xi32, #tpu.memory_space<hbm>>
      %dma_start3A_207 = tpu.memref_squeeze %dma_start3A_206 : memref<1x8192xi32, #tpu.memory_space<hbm>> -> memref<8192xi32, #tpu.memory_space<hbm>>
      tpu.enqueue_dma source(%dma_start3A_207 : memref<8192xi32, #tpu.memory_space<hbm>>) target(%arg5 : memref<8192xi32, #tpu.memory_space<vmem>>) target_semaphore(%run_scoped3A : memref<!tpu.dma_semaphore, #tpu.memory_space<semaphore_mem>>)
      %dma_wait3A_208 = arith.constant 0 : i32
      %dma_wait3A_209 = tpu.memref_slice %arg3[%select_n3A, %dma_wait3A_208] : memref<4x8192xi32, #tpu.memory_space<hbm>> -> memref<1x8192xi32, #tpu.memory_space<hbm>>
      %dma_wait3A_210 = tpu.memref_squeeze %dma_wait3A_209 : memref<1x8192xi32, #tpu.memory_space<hbm>> -> memref<8192xi32, #tpu.memory_space<hbm>>
      %dma_wait3A_211 = arith.constant 0 : i32
      %dma_wait3A_212 = tpu.memref_slice %arg3[%select_n3A, %dma_wait3A_211] : memref<4x8192xi32, #tpu.memory_space<hbm>> -> memref<1x8192xi32, #tpu.memory_space<hbm>>
      %dma_wait3A_213 = tpu.memref_squeeze %dma_wait3A_212 : memref<1x8192xi32, #tpu.memory_space<hbm>> -> memref<8192xi32, #tpu.memory_space<hbm>>
      tpu.wait_dma2 semaphore(%run_scoped3A : memref<!tpu.dma_semaphore, #tpu.memory_space<semaphore_mem>>) src(%dma_wait3A_213 : memref<8192xi32, #tpu.memory_space<hbm>>) dst(%arg5 : memref<8192xi32, #tpu.memory_space<vmem>>)
      tpu.yield
    }) : () -> ()
    %mul3A_31 = arith.constant 8192 : i32
    %mul3A_32 = arith.muli %select_n3A, %mul3A_31 : i32
    %scan3A = arith.constant 0 : i32
    %scan3A_33 = arith.constant 0 : i32
    %scan3A_34 = arith.constant 512 : i32
    %scan3A_35 = arith.addi %scan3A_33, %scan3A_34 : i32
    %scan3A_36 = arith.constant 1 : i32
    %scan3A_37 = scf.for %scan3A_202 = %scan3A_33 to %scan3A_35 step %scan3A_36 iter_args(%scan3A_203 = %scan3A) -> (i32)  : i32 {
      %mul3A_204 = arith.constant 16 : i32
      %mul3A_205 = arith.muli %scan3A_202, %mul3A_204 : i32
      %get3A = arith.index_cast %mul3A_205 : i32 to index
      %get3A_206 = tpu.vector_load %arg5[%get3A] {strides = array<i32>} : memref<8192xi32, #tpu.memory_space<vmem>>, vector<16xi32>,
      %iota3A = tpu.iota {dimensions = array<i32: 0>} : vector<16xi32>
      %sub3A_207 = arith.constant 1 : i32
      %sub3A_208 = vector.broadcast %sub3A_207 : i32 to vector<16xi32>
      %sub3A_209 = arith.subi %iota3A, %sub3A_208 : vector<16xi32>
      %max3A = arith.constant 0 : i32
      %max3A_210 = vector.broadcast %max3A : i32 to vector<16xi32>
      %max3A_211 = arith.maxsi %sub3A_209, %max3A_210 : vector<16xi32>
      %broadcast_in_dim3A = vector.shape_cast %max3A_211 : vector<16xi32> to vector<16x1xi32>
      %gather3A = vector.shape_cast %broadcast_in_dim3A : vector<16x1xi32> to vector<16xi32>
      %gather3A_212 = tpu.dynamic_gather %get3A_206[%gather3A] in [0] : vector<16xi32>, vector<16xi32> -> vector<16xi32>
      %sub3A_213 = arith.constant 1 : i32
      %sub3A_214 = vector.broadcast %sub3A_213 : i32 to vector<16xi32>
      %sub3A_215 = arith.subi %iota3A, %sub3A_214 : vector<16xi32>
      %add3A_216 = arith.constant 1 : i32
      %add3A_217 = vector.broadcast %add3A_216 : i32 to vector<16xi32>
      %add3A_218 = arith.addi %sub3A_215, %add3A_217 : vector<16xi32>
      %max3A_219 = arith.constant 0 : i32
      %max3A_220 = vector.broadcast %max3A_219 : i32 to vector<16xi32>
      %max3A_221 = arith.maxsi %add3A_218, %max3A_220 : vector<16xi32>
      %min3A = arith.constant 1 : i32
      %min3A_222 = vector.broadcast %min3A : i32 to vector<16xi32>
      %min3A_223 = arith.minsi %max3A_221, %min3A_222 : vector<16xi32>
      %mul3A_224 = arith.muli %gather3A_212, %min3A_223 : vector<16xi32>
      %add3A_225 = arith.addi %get3A_206, %mul3A_224 : vector<16xi32>
      %sub3A_226 = arith.constant 2 : i32
      %sub3A_227 = vector.broadcast %sub3A_226 : i32 to vector<16xi32>
      %sub3A_228 = arith.subi %iota3A, %sub3A_227 : vector<16xi32>
      %max3A_229 = arith.constant 0 : i32
      %max3A_230 = vector.broadcast %max3A_229 : i32 to vector<16xi32>
      %max3A_231 = arith.maxsi %sub3A_228, %max3A_230 : vector<16xi32>
      %broadcast_in_dim3A_232 = vector.shape_cast %max3A_231 : vector<16xi32> to vector<16x1xi32>
      %gather3A_233 = vector.shape_cast %broadcast_in_dim3A_232 : vector<16x1xi32> to vector<16xi32>
      %gather3A_234 = tpu.dynamic_gather %add3A_225[%gather3A_233] in [0] : vector<16xi32>, vector<16xi32> -> vector<16xi32>
      %sub3A_235 = arith.constant 2 : i32
      %sub3A_236 = vector.broadcast %sub3A_235 : i32 to vector<16xi32>
      %sub3A_237 = arith.subi %iota3A, %sub3A_236 : vector<16xi32>
      %add3A_238 = arith.constant 1 : i32
      %add3A_239 = vector.broadcast %add3A_238 : i32 to vector<16xi32>
      %add3A_240 = arith.addi %sub3A_237, %add3A_239 : vector<16xi32>
      %max3A_241 = arith.constant 0 : i32
      %max3A_242 = vector.broadcast %max3A_241 : i32 to vector<16xi32>
      %max3A_243 = arith.maxsi %add3A_240, %max3A_242 : vector<16xi32>
      %min3A_244 = arith.constant 1 : i32
      %min3A_245 = vector.broadcast %min3A_244 : i32 to vector<16xi32>
      %min3A_246 = arith.minsi %max3A_243, %min3A_245 : vector<16xi32>
      %mul3A_247 = arith.muli %gather3A_234, %min3A_246 : vector<16xi32>
      %add3A_248 = arith.addi %add3A_225, %mul3A_247 : vector<16xi32>
      %sub3A_249 = arith.constant 4 : i32
      %sub3A_250 = vector.broadcast %sub3A_249 : i32 to vector<16xi32>
      %sub3A_251 = arith.subi %iota3A, %sub3A_250 : vector<16xi32>
      %max3A_252 = arith.constant 0 : i32
      %max3A_253 = vector.broadcast %max3A_252 : i32 to vector<16xi32>
      %max3A_254 = arith.maxsi %sub3A_251, %max3A_253 : vector<16xi32>
      %broadcast_in_dim3A_255 = vector.shape_cast %max3A_254 : vector<16xi32> to vector<16x1xi32>
      %gather3A_256 = vector.shape_cast %broadcast_in_dim3A_255 : vector<16x1xi32> to vector<16xi32>
      %gather3A_257 = tpu.dynamic_gather %add3A_248[%gather3A_256] in [0] : vector<16xi32>, vector<16xi32> -> vector<16xi32>
      %sub3A_258 = arith.constant 4 : i32
      %sub3A_259 = vector.broadcast %sub3A_258 : i32 to vector<16xi32>
      %sub3A_260 = arith.subi %iota3A, %sub3A_259 : vector<16xi32>
      %add3A_261 = arith.constant 1 : i32
      %add3A_262 = vector.broadcast %add3A_261 : i32 to vector<16xi32>
      %add3A_263 = arith.addi %sub3A_260, %add3A_262 : vector<16xi32>
      %max3A_264 = arith.constant 0 : i32
      %max3A_265 = vector.broadcast %max3A_264 : i32 to vector<16xi32>
      %max3A_266 = arith.maxsi %add3A_263, %max3A_265 : vector<16xi32>
      %min3A_267 = arith.constant 1 : i32
      %min3A_268 = vector.broadcast %min3A_267 : i32 to vector<16xi32>
      %min3A_269 = arith.minsi %max3A_266, %min3A_268 : vector<16xi32>
      %mul3A_270 = arith.muli %gather3A_257, %min3A_269 : vector<16xi32>
      %add3A_271 = arith.addi %add3A_248, %mul3A_270 : vector<16xi32>
      %sub3A_272 = arith.constant 8 : i32
      %sub3A_273 = vector.broadcast %sub3A_272 : i32 to vector<16xi32>
      %sub3A_274 = arith.subi %iota3A, %sub3A_273 : vector<16xi32>
      %max3A_275 = arith.constant 0 : i32
      %max3A_276 = vector.broadcast %max3A_275 : i32 to vector<16xi32>
      %max3A_277 = arith.maxsi %sub3A_274, %max3A_276 : vector<16xi32>
      %broadcast_in_dim3A_278 = vector.shape_cast %max3A_277 : vector<16xi32> to vector<16x1xi32>
      %gather3A_279 = vector.shape_cast %broadcast_in_dim3A_278 : vector<16x1xi32> to vector<16xi32>
      %gather3A_280 = tpu.dynamic_gather %add3A_271[%gather3A_279] in [0] : vector<16xi32>, vector<16xi32> -> vector<16xi32>
      %sub3A_281 = arith.constant 8 : i32
      %sub3A_282 = vector.broadcast %sub3A_281 : i32 to vector<16xi32>
      %sub3A_283 = arith.subi %iota3A, %sub3A_282 : vector<16xi32>
      %add3A_284 = arith.constant 1 : i32
      %add3A_285 = vector.broadcast %add3A_284 : i32 to vector<16xi32>
      %add3A_286 = arith.addi %sub3A_283, %add3A_285 : vector<16xi32>
      %max3A_287 = arith.constant 0 : i32
      %max3A_288 = vector.broadcast %max3A_287 : i32 to vector<16xi32>
      %max3A_289 = arith.maxsi %add3A_286, %max3A_288 : vector<16xi32>
      %min3A_290 = arith.constant 1 : i32
      %min3A_291 = vector.broadcast %min3A_290 : i32 to vector<16xi32>
      %min3A_292 = arith.minsi %max3A_289, %min3A_291 : vector<16xi32>
      %mul3A_293 = arith.muli %gather3A_280, %min3A_292 : vector<16xi32>
      %add3A_294 = arith.addi %add3A_271, %mul3A_293 : vector<16xi32>
      %mul3A_295 = arith.constant 16 : i32
      %mul3A_296 = arith.muli %scan3A_202, %mul3A_295 : i32
      %add3A_297 = arith.addi %mul3A_296, %mul3A_32 : i32
      %add3A_298 = vector.broadcast %add3A_297 : i32 to vector<16xi32>
      %add3A_299 = arith.addi %iota3A, %add3A_298 : vector<16xi32>
      %add3A_300 = vector.broadcast %scan3A_203 : i32 to vector<16xi32>
      %add3A_301 = arith.addi %add3A_300, %add3A_294 : vector<16xi32>
      %sub3A_302 = arith.constant 1 : i32
      %sub3A_303 = vector.broadcast %sub3A_302 : i32 to vector<16xi32>
      %sub3A_304 = arith.subi %add3A_301, %sub3A_303 : vector<16xi32>
      %mul3A_305 = arith.muli %get3A_206, %sub3A_304 : vector<16xi32>
      %sub3A_306 = arith.constant 1 : i32
      %sub3A_307 = vector.broadcast %sub3A_306 : i32 to vector<16xi32>
      %sub3A_308 = arith.subi %sub3A_307, %get3A_206 : vector<16xi32>
      %add3A_309 = arith.constant 4096 : i32
      %add3A_310 = vector.broadcast %add3A_309 : i32 to vector<16xi32>
      %add3A_311 = arith.addi %add3A_310, %iota3A : vector<16xi32>
      %mul3A_312 = arith.muli %sub3A_308, %add3A_311 : vector<16xi32>
      %add3A_313 = arith.addi %mul3A_305, %mul3A_312 : vector<16xi32>
      tpu.vector_store_idx %arg6[%add3A_313], %add3A_299 : memref<4112xi32, #tpu.memory_space<vmem>>[vector<16xi32>], vector<16xi32>,
      %reduce_max3A = arith.constant true
      %reduce_max3A_314 = vector.broadcast %reduce_max3A : i1 to vector<16xi1>
      %reduce_max3A_315 = arith.constant -2147483648 : i32
      %reduce_max3A_316 = vector.broadcast %reduce_max3A_315 : i32 to vector<16xi32>
      %reduce_max3A_317 = arith.xori %add3A_294, %reduce_max3A_316 : vector<16xi32>
      %reduce_max3A_318 = tpu.scan <max>, %reduce_max3A_317 masked %reduce_max3A_314 : vector<16xi32>, vector<16xi1> -> vector<16xi32>
      %reduce_max3A_319 = arith.xori %reduce_max3A_318, %reduce_max3A_316 : vector<16xi32>
      %reduce_max3A_320 = vector.extract %reduce_max3A_319[15] : i32 from vector<16xi32>
      %add3A_321 = arith.addi %scan3A_203, %reduce_max3A_320 : i32
      scf.yield %add3A_321 : i32
    }
    %scan3A_38 = arith.constant 512 : i32
    %mul3A_39 = arith.constant 512 : i32
    %mul3A_40 = arith.muli %select_n3A_30, %mul3A_39 : i32
    %mul3A_41 = arith.constant 4096 : i32
    %mul3A_42 = arith.muli %select_n3A, %mul3A_41 : i32
    %add3A_43 = arith.addi %mul3A_42, %mul3A_40 : i32
    %add3A_44 = arith.constant 0 : i32
    %add3A_45 = arith.addi %mul3A_40, %add3A_44 : i32
    %dma_start3A = tpu.memref_slice %arg6[%add3A_45] : memref<4112xi32, #tpu.memory_space<vmem>> -> memref<64xi32, #tpu.memory_space<vmem>>
    %dma_start3A_46 = arith.constant 0 : i32
    %dma_start3A_47 = arith.constant 0 : i32
    %dma_start3A_48 = tpu.memref_slice %arg2[%dma_start3A_46, %dma_start3A_47] : memref<32768x768xf32, #tpu.memory_space<hbm>> -> memref<32768x768xf32, #tpu.memory_space<hbm>>
    tpu.enqueue_indirect_dma source(%dma_start3A_48 : memref<32768x768xf32, #tpu.memory_space<hbm>>) target(%arg7 : memref<64x768xf32, #tpu.memory_space<vmem>>) offsets(%dma_start3A : memref<64xi32, #tpu.memory_space<vmem>>) semaphore(%arg9 : memref<!tpu.dma_semaphore, #tpu.memory_space<semaphore_mem>>)
    %add3A_49 = arith.constant 64 : i32
    %add3A_50 = arith.addi %mul3A_40, %add3A_49 : i32
    %dma_start3A_51 = tpu.memref_slice %arg6[%add3A_50] : memref<4112xi32, #tpu.memory_space<vmem>> -> memref<64xi32, #tpu.memory_space<vmem>>
    %dma_start3A_52 = arith.constant 0 : i32
    %dma_start3A_53 = arith.constant 0 : i32
    %dma_start3A_54 = tpu.memref_slice %arg2[%dma_start3A_52, %dma_start3A_53] : memref<32768x768xf32, #tpu.memory_space<hbm>> -> memref<32768x768xf32, #tpu.memory_space<hbm>>
    tpu.enqueue_indirect_dma source(%dma_start3A_54 : memref<32768x768xf32, #tpu.memory_space<hbm>>) target(%arg8 : memref<64x768xf32, #tpu.memory_space<vmem>>) offsets(%dma_start3A_51 : memref<64xi32, #tpu.memory_space<vmem>>) semaphore(%arg10 : memref<!tpu.dma_semaphore, #tpu.memory_space<semaphore_mem>>)
    %dma_wait3A = tpu.memref_slice %arg6[%add3A_45] : memref<4112xi32, #tpu.memory_space<vmem>> -> memref<64xi32, #tpu.memory_space<vmem>>
    %dma_wait3A_55 = arith.constant 0 : i32
    %dma_wait3A_56 = arith.constant 0 : i32
    %dma_wait3A_57 = tpu.memref_slice %arg2[%dma_wait3A_55, %dma_wait3A_56] : memref<32768x768xf32, #tpu.memory_space<hbm>> -> memref<32768x768xf32, #tpu.memory_space<hbm>>
    tpu.wait_indirect_dma semaphore(%arg9 : memref<!tpu.dma_semaphore, #tpu.memory_space<semaphore_mem>>) src(%dma_wait3A_57 : memref<32768x768xf32, #tpu.memory_space<hbm>>) dst(%arg7 : memref<64x768xf32, #tpu.memory_space<vmem>>)
    %add3A_58 = arith.constant 0 : i32
    %add3A_59 = arith.addi %add3A_43, %add3A_58 : i32
    %dma_start3A_60 = arith.constant 0 : i32
    %dma_start3A_61 = tpu.memref_slice %arg4[%add3A_59, %dma_start3A_60] : memref<16384x768xf32, #tpu.memory_space<hbm>> -> memref<64x768xf32, #tpu.memory_space<hbm>>
    %dma_start3A_62 = arith.constant 0 : i32
    %dma_start3A_63 = tpu.memref_slice %arg4[%add3A_59, %dma_start3A_62] : memref<16384x768xf32, #tpu.memory_space<hbm>> -> memref<64x768xf32, #tpu.memory_space<hbm>>
    tpu.enqueue_dma source(%arg7 : memref<64x768xf32, #tpu.memory_space<vmem>>) target(%dma_start3A_63 : memref<64x768xf32, #tpu.memory_space<hbm>>) target_semaphore(%arg11 : memref<!tpu.dma_semaphore, #tpu.memory_space<semaphore_mem>>)
    %dma_wait3A_64 = arith.constant 0 : i32
    %dma_wait3A_65 = tpu.memref_slice %arg4[%add3A_59, %dma_wait3A_64] : memref<16384x768xf32, #tpu.memory_space<hbm>> -> memref<64x768xf32, #tpu.memory_space<hbm>>
    %dma_wait3A_66 = arith.constant 0 : i32
    %dma_wait3A_67 = tpu.memref_slice %arg4[%add3A_59, %dma_wait3A_66] : memref<16384x768xf32, #tpu.memory_space<hbm>> -> memref<64x768xf32, #tpu.memory_space<hbm>>
    tpu.wait_dma2 semaphore(%arg11 : memref<!tpu.dma_semaphore, #tpu.memory_space<semaphore_mem>>) src(%arg7 : memref<64x768xf32, #tpu.memory_space<vmem>>) dst(%dma_wait3A_67 : memref<64x768xf32, #tpu.memory_space<hbm>>)
    %add3A_68 = arith.constant 128 : i32
    %add3A_69 = arith.addi %mul3A_40, %add3A_68 : i32
    %dma_start3A_70 = tpu.memref_slice %arg6[%add3A_69] : memref<4112xi32, #tpu.memory_space<vmem>> -> memref<64xi32, #tpu.memory_space<vmem>>
    %dma_start3A_71 = arith.constant 0 : i32
    %dma_start3A_72 = arith.constant 0 : i32
    %dma_start3A_73 = tpu.memref_slice %arg2[%dma_start3A_71, %dma_start3A_72] : memref<32768x768xf32, #tpu.memory_space<hbm>> -> memref<32768x768xf32, #tpu.memory_space<hbm>>
    tpu.enqueue_indirect_dma source(%dma_start3A_73 : memref<32768x768xf32, #tpu.memory_space<hbm>>) target(%arg7 : memref<64x768xf32, #tpu.memory_space<vmem>>) offsets(%dma_start3A_70 : memref<64xi32, #tpu.memory_space<vmem>>) semaphore(%arg9 : memref<!tpu.dma_semaphore, #tpu.memory_space<semaphore_mem>>)
    %dma_wait3A_74 = tpu.memref_slice %arg6[%add3A_50] : memref<4112xi32, #tpu.memory_space<vmem>> -> memref<64xi32, #tpu.memory_space<vmem>>
    %dma_wait3A_75 = arith.constant 0 : i32
    %dma_wait3A_76 = arith.constant 0 : i32
    %dma_wait3A_77 = tpu.memref_slice %arg2[%dma_wait3A_75, %dma_wait3A_76] : memref<32768x768xf32, #tpu.memory_space<hbm>> -> memref<32768x768xf32, #tpu.memory_space<hbm>>
    tpu.wait_indirect_dma semaphore(%arg10 : memref<!tpu.dma_semaphore, #tpu.memory_space<semaphore_mem>>) src(%dma_wait3A_77 : memref<32768x768xf32, #tpu.memory_space<hbm>>) dst(%arg8 : memref<64x768xf32, #tpu.memory_space<vmem>>)
    %add3A_78 = arith.constant 64 : i32
    %add3A_79 = arith.addi %add3A_43, %add3A_78 : i32
    %dma_start3A_80 = arith.constant 0 : i32
    %dma_start3A_81 = tpu.memref_slice %arg4[%add3A_79, %dma_start3A_80] : memref<16384x768xf32, #tpu.memory_space<hbm>> -> memref<64x768xf32, #tpu.memory_space<hbm>>
    %dma_start3A_82 = arith.constant 0 : i32
    %dma_start3A_83 = tpu.memref_slice %arg4[%add3A_79, %dma_start3A_82] : memref<16384x768xf32, #tpu.memory_space<hbm>> -> memref<64x768xf32, #tpu.memory_space<hbm>>
    tpu.enqueue_dma source(%arg8 : memref<64x768xf32, #tpu.memory_space<vmem>>) target(%dma_start3A_83 : memref<64x768xf32, #tpu.memory_space<hbm>>) target_semaphore(%arg12 : memref<!tpu.dma_semaphore, #tpu.memory_space<semaphore_mem>>)
    %dma_wait3A_84 = arith.constant 0 : i32
    %dma_wait3A_85 = tpu.memref_slice %arg4[%add3A_79, %dma_wait3A_84] : memref<16384x768xf32, #tpu.memory_space<hbm>> -> memref<64x768xf32, #tpu.memory_space<hbm>>
    %dma_wait3A_86 = arith.constant 0 : i32
    %dma_wait3A_87 = tpu.memref_slice %arg4[%add3A_79, %dma_wait3A_86] : memref<16384x768xf32, #tpu.memory_space<hbm>> -> memref<64x768xf32, #tpu.memory_space<hbm>>
    tpu.wait_dma2 semaphore(%arg12 : memref<!tpu.dma_semaphore, #tpu.memory_space<semaphore_mem>>) src(%arg8 : memref<64x768xf32, #tpu.memory_space<vmem>>) dst(%dma_wait3A_87 : memref<64x768xf32, #tpu.memory_space<hbm>>)
    %add3A_88 = arith.constant 192 : i32
    %add3A_89 = arith.addi %mul3A_40, %add3A_88 : i32
    %dma_start3A_90 = tpu.memref_slice %arg6[%add3A_89] : memref<4112xi32, #tpu.memory_space<vmem>> -> memref<64xi32, #tpu.memory_space<vmem>>
    %dma_start3A_91 = arith.constant 0 : i32
    %dma_start3A_92 = arith.constant 0 : i32
    %dma_start3A_93 = tpu.memref_slice %arg2[%dma_start3A_91, %dma_start3A_92] : memref<32768x768xf32, #tpu.memory_space<hbm>> -> memref<32768x768xf32, #tpu.memory_space<hbm>>
    tpu.enqueue_indirect_dma source(%dma_start3A_93 : memref<32768x768xf32, #tpu.memory_space<hbm>>) target(%arg8 : memref<64x768xf32, #tpu.memory_space<vmem>>) offsets(%dma_start3A_90 : memref<64xi32, #tpu.memory_space<vmem>>) semaphore(%arg10 : memref<!tpu.dma_semaphore, #tpu.memory_space<semaphore_mem>>)
    %dma_wait3A_94 = tpu.memref_slice %arg6[%add3A_69] : memref<4112xi32, #tpu.memory_space<vmem>> -> memref<64xi32, #tpu.memory_space<vmem>>
    %dma_wait3A_95 = arith.constant 0 : i32
    %dma_wait3A_96 = arith.constant 0 : i32
    %dma_wait3A_97 = tpu.memref_slice %arg2[%dma_wait3A_95, %dma_wait3A_96] : memref<32768x768xf32, #tpu.memory_space<hbm>> -> memref<32768x768xf32, #tpu.memory_space<hbm>>
    tpu.wait_indirect_dma semaphore(%arg9 : memref<!tpu.dma_semaphore, #tpu.memory_space<semaphore_mem>>) src(%dma_wait3A_97 : memref<32768x768xf32, #tpu.memory_space<hbm>>) dst(%arg7 : memref<64x768xf32, #tpu.memory_space<vmem>>)
    %add3A_98 = arith.constant 128 : i32
    %add3A_99 = arith.addi %add3A_43, %add3A_98 : i32
    %dma_start3A_100 = arith.constant 0 : i32
    %dma_start3A_101 = tpu.memref_slice %arg4[%add3A_99, %dma_start3A_100] : memref<16384x768xf32, #tpu.memory_space<hbm>> -> memref<64x768xf32, #tpu.memory_space<hbm>>
    %dma_start3A_102 = arith.constant 0 : i32
    %dma_start3A_103 = tpu.memref_slice %arg4[%add3A_99, %dma_start3A_102] : memref<16384x768xf32, #tpu.memory_space<hbm>> -> memref<64x768xf32, #tpu.memory_space<hbm>>
    tpu.enqueue_dma source(%arg7 : memref<64x768xf32, #tpu.memory_space<vmem>>) target(%dma_start3A_103 : memref<64x768xf32, #tpu.memory_space<hbm>>) target_semaphore(%arg11 : memref<!tpu.dma_semaphore, #tpu.memory_space<semaphore_mem>>)
    %dma_wait3A_104 = arith.constant 0 : i32
    %dma_wait3A_105 = tpu.memref_slice %arg4[%add3A_99, %dma_wait3A_104] : memref<16384x768xf32, #tpu.memory_space<hbm>> -> memref<64x768xf32, #tpu.memory_space<hbm>>
    %dma_wait3A_106 = arith.constant 0 : i32
    %dma_wait3A_107 = tpu.memref_slice %arg4[%add3A_99, %dma_wait3A_106] : memref<16384x768xf32, #tpu.memory_space<hbm>> -> memref<64x768xf32, #tpu.memory_space<hbm>>
    tpu.wait_dma2 semaphore(%arg11 : memref<!tpu.dma_semaphore, #tpu.memory_space<semaphore_mem>>) src(%arg7 : memref<64x768xf32, #tpu.memory_space<vmem>>) dst(%dma_wait3A_107 : memref<64x768xf32, #tpu.memory_space<hbm>>)
    %add3A_108 = arith.constant 256 : i32
    %add3A_109 = arith.addi %mul3A_40, %add3A_108 : i32
    %dma_start3A_110 = tpu.memref_slice %arg6[%add3A_109] : memref<4112xi32, #tpu.memory_space<vmem>> -> memref<64xi32, #tpu.memory_space<vmem>>
    %dma_start3A_111 = arith.constant 0 : i32
    %dma_start3A_112 = arith.constant 0 : i32
    %dma_start3A_113 = tpu.memref_slice %arg2[%dma_start3A_111, %dma_start3A_112] : memref<32768x768xf32, #tpu.memory_space<hbm>> -> memref<32768x768xf32, #tpu.memory_space<hbm>>
    tpu.enqueue_indirect_dma source(%dma_start3A_113 : memref<32768x768xf32, #tpu.memory_space<hbm>>) target(%arg7 : memref<64x768xf32, #tpu.memory_space<vmem>>) offsets(%dma_start3A_110 : memref<64xi32, #tpu.memory_space<vmem>>) semaphore(%arg9 : memref<!tpu.dma_semaphore, #tpu.memory_space<semaphore_mem>>)
    %dma_wait3A_114 = tpu.memref_slice %arg6[%add3A_89] : memref<4112xi32, #tpu.memory_space<vmem>> -> memref<64xi32, #tpu.memory_space<vmem>>
    %dma_wait3A_115 = arith.constant 0 : i32
    %dma_wait3A_116 = arith.constant 0 : i32
    %dma_wait3A_117 = tpu.memref_slice %arg2[%dma_wait3A_115, %dma_wait3A_116] : memref<32768x768xf32, #tpu.memory_space<hbm>> -> memref<32768x768xf32, #tpu.memory_space<hbm>>
    tpu.wait_indirect_dma semaphore(%arg10 : memref<!tpu.dma_semaphore, #tpu.memory_space<semaphore_mem>>) src(%dma_wait3A_117 : memref<32768x768xf32, #tpu.memory_space<hbm>>) dst(%arg8 : memref<64x768xf32, #tpu.memory_space<vmem>>)
    %add3A_118 = arith.constant 192 : i32
    %add3A_119 = arith.addi %add3A_43, %add3A_118 : i32
    %dma_start3A_120 = arith.constant 0 : i32
    %dma_start3A_121 = tpu.memref_slice %arg4[%add3A_119, %dma_start3A_120] : memref<16384x768xf32, #tpu.memory_space<hbm>> -> memref<64x768xf32, #tpu.memory_space<hbm>>
    %dma_start3A_122 = arith.constant 0 : i32
    %dma_start3A_123 = tpu.memref_slice %arg4[%add3A_119, %dma_start3A_122] : memref<16384x768xf32, #tpu.memory_space<hbm>> -> memref<64x768xf32, #tpu.memory_space<hbm>>
    tpu.enqueue_dma source(%arg8 : memref<64x768xf32, #tpu.memory_space<vmem>>) target(%dma_start3A_123 : memref<64x768xf32, #tpu.memory_space<hbm>>) target_semaphore(%arg12 : memref<!tpu.dma_semaphore, #tpu.memory_space<semaphore_mem>>)
    %dma_wait3A_124 = arith.constant 0 : i32
    %dma_wait3A_125 = tpu.memref_slice %arg4[%add3A_119, %dma_wait3A_124] : memref<16384x768xf32, #tpu.memory_space<hbm>> -> memref<64x768xf32, #tpu.memory_space<hbm>>
    %dma_wait3A_126 = arith.constant 0 : i32
    %dma_wait3A_127 = tpu.memref_slice %arg4[%add3A_119, %dma_wait3A_126] : memref<16384x768xf32, #tpu.memory_space<hbm>> -> memref<64x768xf32, #tpu.memory_space<hbm>>
    tpu.wait_dma2 semaphore(%arg12 : memref<!tpu.dma_semaphore, #tpu.memory_space<semaphore_mem>>) src(%arg8 : memref<64x768xf32, #tpu.memory_space<vmem>>) dst(%dma_wait3A_127 : memref<64x768xf32, #tpu.memory_space<hbm>>)
    %add3A_128 = arith.constant 320 : i32
    %add3A_129 = arith.addi %mul3A_40, %add3A_128 : i32
    %dma_start3A_130 = tpu.memref_slice %arg6[%add3A_129] : memref<4112xi32, #tpu.memory_space<vmem>> -> memref<64xi32, #tpu.memory_space<vmem>>
    %dma_start3A_131 = arith.constant 0 : i32
    %dma_start3A_132 = arith.constant 0 : i32
    %dma_start3A_133 = tpu.memref_slice %arg2[%dma_start3A_131, %dma_start3A_132] : memref<32768x768xf32, #tpu.memory_space<hbm>> -> memref<32768x768xf32, #tpu.memory_space<hbm>>
    tpu.enqueue_indirect_dma source(%dma_start3A_133 : memref<32768x768xf32, #tpu.memory_space<hbm>>) target(%arg8 : memref<64x768xf32, #tpu.memory_space<vmem>>) offsets(%dma_start3A_130 : memref<64xi32, #tpu.memory_space<vmem>>) semaphore(%arg10 : memref<!tpu.dma_semaphore, #tpu.memory_space<semaphore_mem>>)
    %dma_wait3A_134 = tpu.memref_slice %arg6[%add3A_109] : memref<4112xi32, #tpu.memory_space<vmem>> -> memref<64xi32, #tpu.memory_space<vmem>>
    %dma_wait3A_135 = arith.constant 0 : i32
    %dma_wait3A_136 = arith.constant 0 : i32
    %dma_wait3A_137 = tpu.memref_slice %arg2[%dma_wait3A_135, %dma_wait3A_136] : memref<32768x768xf32, #tpu.memory_space<hbm>> -> memref<32768x768xf32, #tpu.memory_space<hbm>>
    tpu.wait_indirect_dma semaphore(%arg9 : memref<!tpu.dma_semaphore, #tpu.memory_space<semaphore_mem>>) src(%dma_wait3A_137 : memref<32768x768xf32, #tpu.memory_space<hbm>>) dst(%arg7 : memref<64x768xf32, #tpu.memory_space<vmem>>)
    %add3A_138 = arith.constant 256 : i32
    %add3A_139 = arith.addi %add3A_43, %add3A_138 : i32
    %dma_start3A_140 = arith.constant 0 : i32
    %dma_start3A_141 = tpu.memref_slice %arg4[%add3A_139, %dma_start3A_140] : memref<16384x768xf32, #tpu.memory_space<hbm>> -> memref<64x768xf32, #tpu.memory_space<hbm>>
    %dma_start3A_142 = arith.constant 0 : i32
    %dma_start3A_143 = tpu.memref_slice %arg4[%add3A_139, %dma_start3A_142] : memref<16384x768xf32, #tpu.memory_space<hbm>> -> memref<64x768xf32, #tpu.memory_space<hbm>>
    tpu.enqueue_dma source(%arg7 : memref<64x768xf32, #tpu.memory_space<vmem>>) target(%dma_start3A_143 : memref<64x768xf32, #tpu.memory_space<hbm>>) target_semaphore(%arg11 : memref<!tpu.dma_semaphore, #tpu.memory_space<semaphore_mem>>)
    %dma_wait3A_144 = arith.constant 0 : i32
    %dma_wait3A_145 = tpu.memref_slice %arg4[%add3A_139, %dma_wait3A_144] : memref<16384x768xf32, #tpu.memory_space<hbm>> -> memref<64x768xf32, #tpu.memory_space<hbm>>
    %dma_wait3A_146 = arith.constant 0 : i32
    %dma_wait3A_147 = tpu.memref_slice %arg4[%add3A_139, %dma_wait3A_146] : memref<16384x768xf32, #tpu.memory_space<hbm>> -> memref<64x768xf32, #tpu.memory_space<hbm>>
    tpu.wait_dma2 semaphore(%arg11 : memref<!tpu.dma_semaphore, #tpu.memory_space<semaphore_mem>>) src(%arg7 : memref<64x768xf32, #tpu.memory_space<vmem>>) dst(%dma_wait3A_147 : memref<64x768xf32, #tpu.memory_space<hbm>>)
    %add3A_148 = arith.constant 384 : i32
    %add3A_149 = arith.addi %mul3A_40, %add3A_148 : i32
    %dma_start3A_150 = tpu.memref_slice %arg6[%add3A_149] : memref<4112xi32, #tpu.memory_space<vmem>> -> memref<64xi32, #tpu.memory_space<vmem>>
    %dma_start3A_151 = arith.constant 0 : i32
    %dma_start3A_152 = arith.constant 0 : i32
    %dma_start3A_153 = tpu.memref_slice %arg2[%dma_start3A_151, %dma_start3A_152] : memref<32768x768xf32, #tpu.memory_space<hbm>> -> memref<32768x768xf32, #tpu.memory_space<hbm>>
    tpu.enqueue_indirect_dma source(%dma_start3A_153 : memref<32768x768xf32, #tpu.memory_space<hbm>>) target(%arg7 : memref<64x768xf32, #tpu.memory_space<vmem>>) offsets(%dma_start3A_150 : memref<64xi32, #tpu.memory_space<vmem>>) semaphore(%arg9 : memref<!tpu.dma_semaphore, #tpu.memory_space<semaphore_mem>>)
    %dma_wait3A_154 = tpu.memref_slice %arg6[%add3A_129] : memref<4112xi32, #tpu.memory_space<vmem>> -> memref<64xi32, #tpu.memory_space<vmem>>
    %dma_wait3A_155 = arith.constant 0 : i32
    %dma_wait3A_156 = arith.constant 0 : i32
    %dma_wait3A_157 = tpu.memref_slice %arg2[%dma_wait3A_155, %dma_wait3A_156] : memref<32768x768xf32, #tpu.memory_space<hbm>> -> memref<32768x768xf32, #tpu.memory_space<hbm>>
    tpu.wait_indirect_dma semaphore(%arg10 : memref<!tpu.dma_semaphore, #tpu.memory_space<semaphore_mem>>) src(%dma_wait3A_157 : memref<32768x768xf32, #tpu.memory_space<hbm>>) dst(%arg8 : memref<64x768xf32, #tpu.memory_space<vmem>>)
    %add3A_158 = arith.constant 320 : i32
    %add3A_159 = arith.addi %add3A_43, %add3A_158 : i32
    %dma_start3A_160 = arith.constant 0 : i32
    %dma_start3A_161 = tpu.memref_slice %arg4[%add3A_159, %dma_start3A_160] : memref<16384x768xf32, #tpu.memory_space<hbm>> -> memref<64x768xf32, #tpu.memory_space<hbm>>
    %dma_start3A_162 = arith.constant 0 : i32
    %dma_start3A_163 = tpu.memref_slice %arg4[%add3A_159, %dma_start3A_162] : memref<16384x768xf32, #tpu.memory_space<hbm>> -> memref<64x768xf32, #tpu.memory_space<hbm>>
    tpu.enqueue_dma source(%arg8 : memref<64x768xf32, #tpu.memory_space<vmem>>) target(%dma_start3A_163 : memref<64x768xf32, #tpu.memory_space<hbm>>) target_semaphore(%arg12 : memref<!tpu.dma_semaphore, #tpu.memory_space<semaphore_mem>>)
    %dma_wait3A_164 = arith.constant 0 : i32
    %dma_wait3A_165 = tpu.memref_slice %arg4[%add3A_159, %dma_wait3A_164] : memref<16384x768xf32, #tpu.memory_space<hbm>> -> memref<64x768xf32, #tpu.memory_space<hbm>>
    %dma_wait3A_166 = arith.constant 0 : i32
    %dma_wait3A_167 = tpu.memref_slice %arg4[%add3A_159, %dma_wait3A_166] : memref<16384x768xf32, #tpu.memory_space<hbm>> -> memref<64x768xf32, #tpu.memory_space<hbm>>
    tpu.wait_dma2 semaphore(%arg12 : memref<!tpu.dma_semaphore, #tpu.memory_space<semaphore_mem>>) src(%arg8 : memref<64x768xf32, #tpu.memory_space<vmem>>) dst(%dma_wait3A_167 : memref<64x768xf32, #tpu.memory_space<hbm>>)
    %add3A_168 = arith.constant 448 : i32
    %add3A_169 = arith.addi %mul3A_40, %add3A_168 : i32
    %dma_start3A_170 = tpu.memref_slice %arg6[%add3A_169] : memref<4112xi32, #tpu.memory_space<vmem>> -> memref<64xi32, #tpu.memory_space<vmem>>
    %dma_start3A_171 = arith.constant 0 : i32
    %dma_start3A_172 = arith.constant 0 : i32
    %dma_start3A_173 = tpu.memref_slice %arg2[%dma_start3A_171, %dma_start3A_172] : memref<32768x768xf32, #tpu.memory_space<hbm>> -> memref<32768x768xf32, #tpu.memory_space<hbm>>
    tpu.enqueue_indirect_dma source(%dma_start3A_173 : memref<32768x768xf32, #tpu.memory_space<hbm>>) target(%arg8 : memref<64x768xf32, #tpu.memory_space<vmem>>) offsets(%dma_start3A_170 : memref<64xi32, #tpu.memory_space<vmem>>) semaphore(%arg10 : memref<!tpu.dma_semaphore, #tpu.memory_space<semaphore_mem>>)
    %dma_wait3A_174 = tpu.memref_slice %arg6[%add3A_149] : memref<4112xi32, #tpu.memory_space<vmem>> -> memref<64xi32, #tpu.memory_space<vmem>>
    %dma_wait3A_175 = arith.constant 0 : i32
    %dma_wait3A_176 = arith.constant 0 : i32
    %dma_wait3A_177 = tpu.memref_slice %arg2[%dma_wait3A_175, %dma_wait3A_176] : memref<32768x768xf32, #tpu.memory_space<hbm>> -> memref<32768x768xf32, #tpu.memory_space<hbm>>
    tpu.wait_indirect_dma semaphore(%arg9 : memref<!tpu.dma_semaphore, #tpu.memory_space<semaphore_mem>>) src(%dma_wait3A_177 : memref<32768x768xf32, #tpu.memory_space<hbm>>) dst(%arg7 : memref<64x768xf32, #tpu.memory_space<vmem>>)
    %add3A_178 = arith.constant 384 : i32
    %add3A_179 = arith.addi %add3A_43, %add3A_178 : i32
    %dma_start3A_180 = arith.constant 0 : i32
    %dma_start3A_181 = tpu.memref_slice %arg4[%add3A_179, %dma_start3A_180] : memref<16384x768xf32, #tpu.memory_space<hbm>> -> memref<64x768xf32, #tpu.memory_space<hbm>>
    %dma_start3A_182 = arith.constant 0 : i32
    %dma_start3A_183 = tpu.memref_slice %arg4[%add3A_179, %dma_start3A_182] : memref<16384x768xf32, #tpu.memory_space<hbm>> -> memref<64x768xf32, #tpu.memory_space<hbm>>
    tpu.enqueue_dma source(%arg7 : memref<64x768xf32, #tpu.memory_space<vmem>>) target(%dma_start3A_183 : memref<64x768xf32, #tpu.memory_space<hbm>>) target_semaphore(%arg11 : memref<!tpu.dma_semaphore, #tpu.memory_space<semaphore_mem>>)
    %dma_wait3A_184 = tpu.memref_slice %arg6[%add3A_169] : memref<4112xi32, #tpu.memory_space<vmem>> -> memref<64xi32, #tpu.memory_space<vmem>>
    %dma_wait3A_185 = arith.constant 0 : i32
    %dma_wait3A_186 = arith.constant 0 : i32
    %dma_wait3A_187 = tpu.memref_slice %arg2[%dma_wait3A_185, %dma_wait3A_186] : memref<32768x768xf32, #tpu.memory_space<hbm>> -> memref<32768x768xf32, #tpu.memory_space<hbm>>
    tpu.wait_indirect_dma semaphore(%arg10 : memref<!tpu.dma_semaphore, #tpu.memory_space<semaphore_mem>>) src(%dma_wait3A_187 : memref<32768x768xf32, #tpu.memory_space<hbm>>) dst(%arg8 : memref<64x768xf32, #tpu.memory_space<vmem>>)
    %add3A_188 = arith.constant 448 : i32
    %add3A_189 = arith.addi %add3A_43, %add3A_188 : i32
    %dma_start3A_190 = arith.constant 0 : i32
    %dma_start3A_191 = tpu.memref_slice %arg4[%add3A_189, %dma_start3A_190] : memref<16384x768xf32, #tpu.memory_space<hbm>> -> memref<64x768xf32, #tpu.memory_space<hbm>>
    %dma_start3A_192 = arith.constant 0 : i32
    %dma_start3A_193 = tpu.memref_slice %arg4[%add3A_189, %dma_start3A_192] : memref<16384x768xf32, #tpu.memory_space<hbm>> -> memref<64x768xf32, #tpu.memory_space<hbm>>
    tpu.enqueue_dma source(%arg8 : memref<64x768xf32, #tpu.memory_space<vmem>>) target(%dma_start3A_193 : memref<64x768xf32, #tpu.memory_space<hbm>>) target_semaphore(%arg12 : memref<!tpu.dma_semaphore, #tpu.memory_space<semaphore_mem>>)
    %dma_wait3A_194 = arith.constant 0 : i32
    %dma_wait3A_195 = tpu.memref_slice %arg4[%add3A_179, %dma_wait3A_194] : memref<16384x768xf32, #tpu.memory_space<hbm>> -> memref<64x768xf32, #tpu.memory_space<hbm>>
    %dma_wait3A_196 = arith.constant 0 : i32
    %dma_wait3A_197 = tpu.memref_slice %arg4[%add3A_179, %dma_wait3A_196] : memref<16384x768xf32, #tpu.memory_space<hbm>> -> memref<64x768xf32, #tpu.memory_space<hbm>>
    tpu.wait_dma2 semaphore(%arg11 : memref<!tpu.dma_semaphore, #tpu.memory_space<semaphore_mem>>) src(%arg7 : memref<64x768xf32, #tpu.memory_space<vmem>>) dst(%dma_wait3A_197 : memref<64x768xf32, #tpu.memory_space<hbm>>)
    %dma_wait3A_198 = arith.constant 0 : i32
    %dma_wait3A_199 = tpu.memref_slice %arg4[%add3A_189, %dma_wait3A_198] : memref<16384x768xf32, #tpu.memory_space<hbm>> -> memref<64x768xf32, #tpu.memory_space<hbm>>
    %dma_wait3A_200 = arith.constant 0 : i32
    %dma_wait3A_201 = tpu.memref_slice %arg4[%add3A_189, %dma_wait3A_200] : memref<16384x768xf32, #tpu.memory_space<hbm>> -> memref<64x768xf32, #tpu.memory_space<hbm>>
    tpu.wait_dma2 semaphore(%arg12 : memref<!tpu.dma_semaphore, #tpu.memory_space<semaphore_mem>>) src(%arg8 : memref<64x768xf32, #tpu.memory_space<vmem>>) dst(%dma_wait3A_201 : memref<64x768xf32, #tpu.memory_space<hbm>>)
    return
  }
}

module attributes {stable_mosaic.version = 14 : i64} {
  func.func @_scores_select_body(%arg0: i32, %arg1: i32, %arg2: memref<1x4096x768xf32, #tpu.memory_space<vmem>>, %arg3: memref<1x768xf32, #tpu.memory_space<vmem>>, %arg4: memref<32x1024xi32, #tpu.memory_space<vmem>>, %arg5: memref<32x1024xf32, #tpu.memory_space<vmem>>) attributes {dimension_semantics = [#tpu.dimension_semantics<arbitrary>, #tpu.dimension_semantics<arbitrary>], iteration_bounds = array<i64: 4, 2>, scalar_prefetch = 0 : i64, scratch_operands = 1 : i64, tpu.core_type = #tpu.core_type<tc>, window_params = [{transform_indices = @transform_0, window_bounds = array<i64: 1, 4096, 768>}, {pipeline_mode = #tpu.pipeline_mode<synchronous>, transform_indices = @transform_1, window_bounds = array<i64: 1, 768>}, {pipeline_mode = #tpu.pipeline_mode<synchronous>, transform_indices = @transform_2, window_bounds = array<i64: 32, 1024>}]} {
    %get3A = arith.constant 0 : index
    %get3A_0 = arith.constant 0 : index
    %get3A_1 = arith.constant 0 : index
    %get3A_2 = vector.load %arg2[%get3A, %get3A_0, %get3A_1] : memref<1x4096x768xf32, #tpu.memory_space<vmem>>, vector<1x4096x768xf32>
    %get3A_3 = vector.shape_cast %get3A_2 : vector<1x4096x768xf32> to vector<4096x768xf32>
    %get3A_4 = arith.constant 0 : index
    %get3A_5 = arith.constant 0 : index
    %get3A_6 = vector.load %arg3[%get3A_4, %get3A_5] : memref<1x768xf32, #tpu.memory_space<vmem>>, vector<1x768xf32>
    %dot_general3A = arith.constant dense<0.000000e+00> : vector<1x4096xf32>
    %dot_general3A_7 = tpu.matmul %get3A_6, %get3A_3, %dot_general3A {dimension_numbers = #tpu.dot_dimension_numbers<[1], [1], [0], [0], [0, 0, 1, 0], [], []>, transpose_lhs_hint = false} : vector<1x768xf32>, vector<4096x768xf32>, vector<1x4096xf32> -> vector<1x4096xf32>
    %reshape3A = vector.shape_cast %dot_general3A_7 : vector<1x4096xf32> to vector<4x1024xf32>
    %slice3A = vector.extract_strided_slice %reshape3A {offsets = [0, 0], sizes = [1, 1024], strides = [1, 1]} : vector<4x1024xf32> to vector<1x1024xf32>
    %mul3A = arith.constant 8 : i32
    %mul3A_8 = arith.muli %arg0, %mul3A : i32
    %mul3A_9 = arith.constant 4 : i32
    %mul3A_10 = arith.muli %arg1, %mul3A_9 : i32
    %add3A = arith.addi %mul3A_8, %mul3A_10 : i32
    %add3A_11 = arith.constant 0 : i32
    %add3A_12 = arith.addi %add3A, %add3A_11 : i32
    %swap3A = arith.index_cast %add3A_12 : i32 to index
    %swap3A_13 = arith.constant 0 : index
    %swap3A_14 = vector.load %arg5[%swap3A, %swap3A_13] : memref<32x1024xf32, #tpu.memory_space<vmem>>, vector<1x1024xf32>
    tpu.vector_store %arg5[%swap3A, %swap3A_13], %slice3A {strides = array<i32>} : memref<32x1024xf32, #tpu.memory_space<vmem>>, vector<1x1024xf32>,
    %slice3A_15 = vector.extract_strided_slice %reshape3A {offsets = [1, 0], sizes = [1, 1024], strides = [1, 1]} : vector<4x1024xf32> to vector<1x1024xf32>
    %mul3A_16 = arith.constant 8 : i32
    %mul3A_17 = arith.muli %arg0, %mul3A_16 : i32
    %mul3A_18 = arith.constant 4 : i32
    %mul3A_19 = arith.muli %arg1, %mul3A_18 : i32
    %add3A_20 = arith.addi %mul3A_17, %mul3A_19 : i32
    %add3A_21 = arith.constant 1 : i32
    %add3A_22 = arith.addi %add3A_20, %add3A_21 : i32
    %swap3A_23 = arith.index_cast %add3A_22 : i32 to index
    %swap3A_24 = arith.constant 0 : index
    %swap3A_25 = vector.load %arg5[%swap3A_23, %swap3A_24] : memref<32x1024xf32, #tpu.memory_space<vmem>>, vector<1x1024xf32>
    tpu.vector_store %arg5[%swap3A_23, %swap3A_24], %slice3A_15 {strides = array<i32>} : memref<32x1024xf32, #tpu.memory_space<vmem>>, vector<1x1024xf32>,
    %slice3A_26 = vector.extract_strided_slice %reshape3A {offsets = [2, 0], sizes = [1, 1024], strides = [1, 1]} : vector<4x1024xf32> to vector<1x1024xf32>
    %mul3A_27 = arith.constant 8 : i32
    %mul3A_28 = arith.muli %arg0, %mul3A_27 : i32
    %mul3A_29 = arith.constant 4 : i32
    %mul3A_30 = arith.muli %arg1, %mul3A_29 : i32
    %add3A_31 = arith.addi %mul3A_28, %mul3A_30 : i32
    %add3A_32 = arith.constant 2 : i32
    %add3A_33 = arith.addi %add3A_31, %add3A_32 : i32
    %swap3A_34 = arith.index_cast %add3A_33 : i32 to index
    %swap3A_35 = arith.constant 0 : index
    %swap3A_36 = vector.load %arg5[%swap3A_34, %swap3A_35] : memref<32x1024xf32, #tpu.memory_space<vmem>>, vector<1x1024xf32>
    tpu.vector_store %arg5[%swap3A_34, %swap3A_35], %slice3A_26 {strides = array<i32>} : memref<32x1024xf32, #tpu.memory_space<vmem>>, vector<1x1024xf32>,
    %slice3A_37 = vector.extract_strided_slice %reshape3A {offsets = [3, 0], sizes = [1, 1024], strides = [1, 1]} : vector<4x1024xf32> to vector<1x1024xf32>
    %mul3A_38 = arith.constant 8 : i32
    %mul3A_39 = arith.muli %arg0, %mul3A_38 : i32
    %mul3A_40 = arith.constant 4 : i32
    %mul3A_41 = arith.muli %arg1, %mul3A_40 : i32
    %add3A_42 = arith.addi %mul3A_39, %mul3A_41 : i32
    %add3A_43 = arith.constant 3 : i32
    %add3A_44 = arith.addi %add3A_42, %add3A_43 : i32
    %swap3A_45 = arith.index_cast %add3A_44 : i32 to index
    %swap3A_46 = arith.constant 0 : index
    %swap3A_47 = vector.load %arg5[%swap3A_45, %swap3A_46] : memref<32x1024xf32, #tpu.memory_space<vmem>>, vector<1x1024xf32>
    tpu.vector_store %arg5[%swap3A_45, %swap3A_46], %slice3A_37 {strides = array<i32>} : memref<32x1024xf32, #tpu.memory_space<vmem>>, vector<1x1024xf32>,
    %eq3A = arith.constant 3 : i32
    %eq3A_48 = arith.cmpi eq, %arg0, %eq3A : i32
    %eq3A_49 = arith.constant 1 : i32
    %eq3A_50 = arith.cmpi eq, %arg1, %eq3A_49 : i32
    %and3A = arith.andi %eq3A_48, %eq3A_50 : i1
    %convert_element_type3A = arith.extui %and3A : i1 to i32
    %cond3A = arith.constant 0 : i32
    %cond3A_51 = arith.cmpi ne, %convert_element_type3A, %cond3A : i32
    scf.if %cond3A_51 {
      %get3A_52 = arith.constant 0 : index
      %get3A_53 = arith.constant 0 : index
      %get3A_54 = vector.load %arg5[%get3A_52, %get3A_53] : memref<32x1024xf32, #tpu.memory_space<vmem>>, vector<32x1024xf32>
      %reshape3A_55 = vector.shape_cast %get3A_54 : vector<32x1024xf32> to vector<4x8x1024xf32>
      %bitcast_convert_type3A = tpu.bitcast %reshape3A_55 : vector<4x8x1024xf32> -> vector<4x8x1024xi32>
      %lt3A = arith.constant 0 : i32
      %lt3A_56 = vector.broadcast %lt3A : i32 to vector<4x8x1024xi32>
      %lt3A_57 = arith.cmpi slt, %bitcast_convert_type3A, %lt3A_56 : vector<4x8x1024xi32>
      %not3A = arith.constant dense<-1> : vector<4x8x1024xi32>
      %not3A_58 = arith.xori %bitcast_convert_type3A, %not3A : vector<4x8x1024xi32>
      %xor3A = arith.constant -2147483648 : i32
      %xor3A_59 = vector.broadcast %xor3A : i32 to vector<4x8x1024xi32>
      %xor3A_60 = arith.xori %not3A_58, %xor3A_59 : vector<4x8x1024xi32>
      %select_n3A = arith.select %lt3A_57, %xor3A_60, %bitcast_convert_type3A : vector<4x8x1024xi1>, vector<4x8x1024xi32>
      %xor3A_61 = arith.constant -2147483648 : i32
      %xor3A_62 = vector.broadcast %xor3A_61 : i32 to vector<4x8x1024xi32>
      %xor3A_63 = arith.xori %select_n3A, %xor3A_62 : vector<4x8x1024xi32>
      %broadcast_in_dim3A = arith.constant true
      %broadcast_in_dim3A_64 = vector.broadcast %broadcast_in_dim3A : i1 to vector<4x8x1024xi1>
      %broadcast_in_dim3A_65 = arith.constant 4096 : i32
      %broadcast_in_dim3A_66 = vector.broadcast %broadcast_in_dim3A_65 : i32 to vector<4x1x1xi32>
      %broadcast_in_dim3A_67 = arith.constant 0 : i32
      %broadcast_in_dim3A_68 = vector.broadcast %broadcast_in_dim3A_67 : i32 to vector<4x1x1xi32>
      %shift_right_logical3A = arith.constant 32 : i32
      %shift_right_logical3A_69 = vector.broadcast %shift_right_logical3A : i32 to vector<4x8x1024xi32>
      %shift_right_logical3A_70 = arith.shrui %xor3A_63, %shift_right_logical3A_69 : vector<4x8x1024xi32>
      %shift_right_logical3A_71 = arith.constant 32 : i32
      %shift_right_logical3A_72 = vector.broadcast %shift_right_logical3A_71 : i32 to vector<4x1x1xi32>
      %shift_right_logical3A_73 = arith.shrui %broadcast_in_dim3A_68, %shift_right_logical3A_72 : vector<4x1x1xi32>
      %eq3A_74 = vector.broadcast %shift_right_logical3A_73 : vector<4x1x1xi32> to vector<4x8x1024xi32>
      %eq3A_75 = arith.cmpi eq, %shift_right_logical3A_70, %eq3A_74 : vector<4x8x1024xi32>
      %and3A_76 = arith.andi %broadcast_in_dim3A_64, %eq3A_75 : vector<4x8x1024xi1>
      %shift_right_logical3A_77 = arith.constant 28 : i32
      %shift_right_logical3A_78 = vector.broadcast %shift_right_logical3A_77 : i32 to vector<4x8x1024xi32>
      %shift_right_logical3A_79 = arith.shrui %xor3A_63, %shift_right_logical3A_78 : vector<4x8x1024xi32>
      %and3A_80 = arith.constant 15 : i32
      %and3A_81 = vector.broadcast %and3A_80 : i32 to vector<4x8x1024xi32>
      %and3A_82 = arith.andi %shift_right_logical3A_79, %and3A_81 : vector<4x8x1024xi32>
      %eq3A_83 = arith.constant 0 : i32
      %eq3A_84 = vector.broadcast %eq3A_83 : i32 to vector<4x8x1024xi32>
      %eq3A_85 = arith.cmpi eq, %and3A_82, %eq3A_84 : vector<4x8x1024xi32>
      %and3A_86 = arith.andi %and3A_76, %eq3A_85 : vector<4x8x1024xi1>
      %convert_element_type3A_87 = arith.extui %and3A_86 : vector<4x8x1024xi1> to vector<4x8x1024xi32>
      %reduce_sum3A = arith.constant dense<0> : vector<4xi32>
      %reduce_sum3A_88 = vector.multi_reduction <add>, %convert_element_type3A_87, %reduce_sum3A [1, 2] : vector<4x8x1024xi32> to vector<4xi32>
      %broadcast_in_dim3A_89 = vector.shape_cast %reduce_sum3A_88 : vector<4xi32> to vector<4x1x1xi32>
      %eq3A_90 = arith.constant 1 : i32
      %eq3A_91 = vector.broadcast %eq3A_90 : i32 to vector<4x8x1024xi32>
      %eq3A_92 = arith.cmpi eq, %and3A_82, %eq3A_91 : vector<4x8x1024xi32>
      %and3A_93 = arith.andi %and3A_76, %eq3A_92 : vector<4x8x1024xi1>
      %convert_element_type3A_94 = arith.extui %and3A_93 : vector<4x8x1024xi1> to vector<4x8x1024xi32>
      %reduce_sum3A_95 = arith.constant dense<0> : vector<4xi32>
      %reduce_sum3A_96 = vector.multi_reduction <add>, %convert_element_type3A_94, %reduce_sum3A_95 [1, 2] : vector<4x8x1024xi32> to vector<4xi32>
      %broadcast_in_dim3A_97 = vector.shape_cast %reduce_sum3A_96 : vector<4xi32> to vector<4x1x1xi32>
      %eq3A_98 = arith.constant 2 : i32
      %eq3A_99 = vector.broadcast %eq3A_98 : i32 to vector<4x8x1024xi32>
      %eq3A_100 = arith.cmpi eq, %and3A_82, %eq3A_99 : vector<4x8x1024xi32>
      %and3A_101 = arith.andi %and3A_76, %eq3A_100 : vector<4x8x1024xi1>
      %convert_element_type3A_102 = arith.extui %and3A_101 : vector<4x8x1024xi1> to vector<4x8x1024xi32>
      %reduce_sum3A_103 = arith.constant dense<0> : vector<4xi32>
      %reduce_sum3A_104 = vector.multi_reduction <add>, %convert_element_type3A_102, %reduce_sum3A_103 [1, 2] : vector<4x8x1024xi32> to vector<4xi32>
      %broadcast_in_dim3A_105 = vector.shape_cast %reduce_sum3A_104 : vector<4xi32> to vector<4x1x1xi32>
      %eq3A_106 = arith.constant 3 : i32
      %eq3A_107 = vector.broadcast %eq3A_106 : i32 to vector<4x8x1024xi32>
      %eq3A_108 = arith.cmpi eq, %and3A_82, %eq3A_107 : vector<4x8x1024xi32>
      %and3A_109 = arith.andi %and3A_76, %eq3A_108 : vector<4x8x1024xi1>
      %convert_element_type3A_110 = arith.extui %and3A_109 : vector<4x8x1024xi1> to vector<4x8x1024xi32>
      %reduce_sum3A_111 = arith.constant dense<0> : vector<4xi32>
      %reduce_sum3A_112 = vector.multi_reduction <add>, %convert_element_type3A_110, %reduce_sum3A_111 [1, 2] : vector<4x8x1024xi32> to vector<4xi32>
      %broadcast_in_dim3A_113 = vector.shape_cast %reduce_sum3A_112 : vector<4xi32> to vector<4x1x1xi32>
      %eq3A_114 = arith.constant 4 : i32
      %eq3A_115 = vector.broadcast %eq3A_114 : i32 to vector<4x8x1024xi32>
      %eq3A_116 = arith.cmpi eq, %and3A_82, %eq3A_115 : vector<4x8x1024xi32>
      %and3A_117 = arith.andi %and3A_76, %eq3A_116 : vector<4x8x1024xi1>
      %convert_element_type3A_118 = arith.extui %and3A_117 : vector<4x8x1024xi1> to vector<4x8x1024xi32>
      %reduce_sum3A_119 = arith.constant dense<0> : vector<4xi32>
      %reduce_sum3A_120 = vector.multi_reduction <add>, %convert_element_type3A_118, %reduce_sum3A_119 [1, 2] : vector<4x8x1024xi32> to vector<4xi32>
      %broadcast_in_dim3A_121 = vector.shape_cast %reduce_sum3A_120 : vector<4xi32> to vector<4x1x1xi32>
      %eq3A_122 = arith.constant 5 : i32
      %eq3A_123 = vector.broadcast %eq3A_122 : i32 to vector<4x8x1024xi32>
      %eq3A_124 = arith.cmpi eq, %and3A_82, %eq3A_123 : vector<4x8x1024xi32>
      %and3A_125 = arith.andi %and3A_76, %eq3A_124 : vector<4x8x1024xi1>
      %convert_element_type3A_126 = arith.extui %and3A_125 : vector<4x8x1024xi1> to vector<4x8x1024xi32>
      %reduce_sum3A_127 = arith.constant dense<0> : vector<4xi32>
      %reduce_sum3A_128 = vector.multi_reduction <add>, %convert_element_type3A_126, %reduce_sum3A_127 [1, 2] : vector<4x8x1024xi32> to vector<4xi32>
      %broadcast_in_dim3A_129 = vector.shape_cast %reduce_sum3A_128 : vector<4xi32> to vector<4x1x1xi32>
      %eq3A_130 = arith.constant 6 : i32
      %eq3A_131 = vector.broadcast %eq3A_130 : i32 to vector<4x8x1024xi32>
      %eq3A_132 = arith.cmpi eq, %and3A_82, %eq3A_131 : vector<4x8x1024xi32>
      %and3A_133 = arith.andi %and3A_76, %eq3A_132 : vector<4x8x1024xi1>
      %convert_element_type3A_134 = arith.extui %and3A_133 : vector<4x8x1024xi1> to vector<4x8x1024xi32>
      %reduce_sum3A_135 = arith.constant dense<0> : vector<4xi32>
      %reduce_sum3A_136 = vector.multi_reduction <add>, %convert_element_type3A_134, %reduce_sum3A_135 [1, 2] : vector<4x8x1024xi32> to vector<4xi32>
      %broadcast_in_dim3A_137 = vector.shape_cast %reduce_sum3A_136 : vector<4xi32> to vector<4x1x1xi32>
      %eq3A_138 = arith.constant 7 : i32
      %eq3A_139 = vector.broadcast %eq3A_138 : i32 to vector<4x8x1024xi32>
      %eq3A_140 = arith.cmpi eq, %and3A_82, %eq3A_139 : vector<4x8x1024xi32>
      %and3A_141 = arith.andi %and3A_76, %eq3A_140 : vector<4x8x1024xi1>
      %convert_element_type3A_142 = arith.extui %and3A_141 : vector<4x8x1024xi1> to vector<4x8x1024xi32>
      %reduce_sum3A_143 = arith.constant dense<0> : vector<4xi32>
      %reduce_sum3A_144 = vector.multi_reduction <add>, %convert_element_type3A_142, %reduce_sum3A_143 [1, 2] : vector<4x8x1024xi32> to vector<4xi32>
      %broadcast_in_dim3A_145 = vector.shape_cast %reduce_sum3A_144 : vector<4xi32> to vector<4x1x1xi32>
      %eq3A_146 = arith.constant 8 : i32
      %eq3A_147 = vector.broadcast %eq3A_146 : i32 to vector<4x8x1024xi32>
      %eq3A_148 = arith.cmpi eq, %and3A_82, %eq3A_147 : vector<4x8x1024xi32>
      %and3A_149 = arith.andi %and3A_76, %eq3A_148 : vector<4x8x1024xi1>
      %convert_element_type3A_150 = arith.extui %and3A_149 : vector<4x8x1024xi1> to vector<4x8x1024xi32>
      %reduce_sum3A_151 = arith.constant dense<0> : vector<4xi32>
      %reduce_sum3A_152 = vector.multi_reduction <add>, %convert_element_type3A_150, %reduce_sum3A_151 [1, 2] : vector<4x8x1024xi32> to vector<4xi32>
      %broadcast_in_dim3A_153 = vector.shape_cast %reduce_sum3A_152 : vector<4xi32> to vector<4x1x1xi32>
      %eq3A_154 = arith.constant 9 : i32
      %eq3A_155 = vector.broadcast %eq3A_154 : i32 to vector<4x8x1024xi32>
      %eq3A_156 = arith.cmpi eq, %and3A_82, %eq3A_155 : vector<4x8x1024xi32>
      %and3A_157 = arith.andi %and3A_76, %eq3A_156 : vector<4x8x1024xi1>
      %convert_element_type3A_158 = arith.extui %and3A_157 : vector<4x8x1024xi1> to vector<4x8x1024xi32>
      %reduce_sum3A_159 = arith.constant dense<0> : vector<4xi32>
      %reduce_sum3A_160 = vector.multi_reduction <add>, %convert_element_type3A_158, %reduce_sum3A_159 [1, 2] : vector<4x8x1024xi32> to vector<4xi32>
      %broadcast_in_dim3A_161 = vector.shape_cast %reduce_sum3A_160 : vector<4xi32> to vector<4x1x1xi32>
      %eq3A_162 = arith.constant 10 : i32
      %eq3A_163 = vector.broadcast %eq3A_162 : i32 to vector<4x8x1024xi32>
      %eq3A_164 = arith.cmpi eq, %and3A_82, %eq3A_163 : vector<4x8x1024xi32>
      %and3A_165 = arith.andi %and3A_76, %eq3A_164 : vector<4x8x1024xi1>
      %convert_element_type3A_166 = arith.extui %and3A_165 : vector<4x8x1024xi1> to vector<4x8x1024xi32>
      %reduce_sum3A_167 = arith.constant dense<0> : vector<4xi32>
      %reduce_sum3A_168 = vector.multi_reduction <add>, %convert_element_type3A_166, %reduce_sum3A_167 [1, 2] : vector<4x8x1024xi32> to vector<4xi32>
      %broadcast_in_dim3A_169 = vector.shape_cast %reduce_sum3A_168 : vector<4xi32> to vector<4x1x1xi32>
      %eq3A_170 = arith.constant 11 : i32
      %eq3A_171 = vector.broadcast %eq3A_170 : i32 to vector<4x8x1024xi32>
      %eq3A_172 = arith.cmpi eq, %and3A_82, %eq3A_171 : vector<4x8x1024xi32>
      %and3A_173 = arith.andi %and3A_76, %eq3A_172 : vector<4x8x1024xi1>
      %convert_element_type3A_174 = arith.extui %and3A_173 : vector<4x8x1024xi1> to vector<4x8x1024xi32>
      %reduce_sum3A_175 = arith.constant dense<0> : vector<4xi32>
      %reduce_sum3A_176 = vector.multi_reduction <add>, %convert_element_type3A_174, %reduce_sum3A_175 [1, 2] : vector<4x8x1024xi32> to vector<4xi32>
      %broadcast_in_dim3A_177 = vector.shape_cast %reduce_sum3A_176 : vector<4xi32> to vector<4x1x1xi32>
      %eq3A_178 = arith.constant 12 : i32
      %eq3A_179 = vector.broadcast %eq3A_178 : i32 to vector<4x8x1024xi32>
      %eq3A_180 = arith.cmpi eq, %and3A_82, %eq3A_179 : vector<4x8x1024xi32>
      %and3A_181 = arith.andi %and3A_76, %eq3A_180 : vector<4x8x1024xi1>
      %convert_element_type3A_182 = arith.extui %and3A_181 : vector<4x8x1024xi1> to vector<4x8x1024xi32>
      %reduce_sum3A_183 = arith.constant dense<0> : vector<4xi32>
      %reduce_sum3A_184 = vector.multi_reduction <add>, %convert_element_type3A_182, %reduce_sum3A_183 [1, 2] : vector<4x8x1024xi32> to vector<4xi32>
      %broadcast_in_dim3A_185 = vector.shape_cast %reduce_sum3A_184 : vector<4xi32> to vector<4x1x1xi32>
      %eq3A_186 = arith.constant 13 : i32
      %eq3A_187 = vector.broadcast %eq3A_186 : i32 to vector<4x8x1024xi32>
      %eq3A_188 = arith.cmpi eq, %and3A_82, %eq3A_187 : vector<4x8x1024xi32>
      %and3A_189 = arith.andi %and3A_76, %eq3A_188 : vector<4x8x1024xi1>
      %convert_element_type3A_190 = arith.extui %and3A_189 : vector<4x8x1024xi1> to vector<4x8x1024xi32>
      %reduce_sum3A_191 = arith.constant dense<0> : vector<4xi32>
      %reduce_sum3A_192 = vector.multi_reduction <add>, %convert_element_type3A_190, %reduce_sum3A_191 [1, 2] : vector<4x8x1024xi32> to vector<4xi32>
      %broadcast_in_dim3A_193 = vector.shape_cast %reduce_sum3A_192 : vector<4xi32> to vector<4x1x1xi32>
      %eq3A_194 = arith.constant 14 : i32
      %eq3A_195 = vector.broadcast %eq3A_194 : i32 to vector<4x8x1024xi32>
      %eq3A_196 = arith.cmpi eq, %and3A_82, %eq3A_195 : vector<4x8x1024xi32>
      %and3A_197 = arith.andi %and3A_76, %eq3A_196 : vector<4x8x1024xi1>
      %convert_element_type3A_198 = arith.extui %and3A_197 : vector<4x8x1024xi1> to vector<4x8x1024xi32>
      %reduce_sum3A_199 = arith.constant dense<0> : vector<4xi32>
      %reduce_sum3A_200 = vector.multi_reduction <add>, %convert_element_type3A_198, %reduce_sum3A_199 [1, 2] : vector<4x8x1024xi32> to vector<4xi32>
      %broadcast_in_dim3A_201 = vector.shape_cast %reduce_sum3A_200 : vector<4xi32> to vector<4x1x1xi32>
      %eq3A_202 = arith.constant 15 : i32
      %eq3A_203 = vector.broadcast %eq3A_202 : i32 to vector<4x8x1024xi32>
      %eq3A_204 = arith.cmpi eq, %and3A_82, %eq3A_203 : vector<4x8x1024xi32>
      %and3A_205 = arith.andi %and3A_76, %eq3A_204 : vector<4x8x1024xi1>
      %convert_element_type3A_206 = arith.extui %and3A_205 : vector<4x8x1024xi1> to vector<4x8x1024xi32>
      %reduce_sum3A_207 = arith.constant dense<0> : vector<4xi32>
      %reduce_sum3A_208 = vector.multi_reduction <add>, %convert_element_type3A_206, %reduce_sum3A_207 [1, 2] : vector<4x8x1024xi32> to vector<4xi32>
      %broadcast_in_dim3A_209 = vector.shape_cast %reduce_sum3A_208 : vector<4xi32> to vector<4x1x1xi32>
      %broadcast_in_dim3A_210 = arith.constant 0 : i32
      %broadcast_in_dim3A_211 = vector.broadcast %broadcast_in_dim3A_210 : i32 to vector<4x1x1xi32>
      %broadcast_in_dim3A_212 = arith.constant 0 : i32
      %broadcast_in_dim3A_213 = vector.broadcast %broadcast_in_dim3A_212 : i32 to vector<4x1x1xi32>
      %add3A_214 = arith.addi %broadcast_in_dim3A_211, %broadcast_in_dim3A_209 : vector<4x1x1xi32>
      %ge3A = arith.cmpi sge, %add3A_214, %broadcast_in_dim3A_66 : vector<4x1x1xi32>
      %lt3A_215 = arith.cmpi slt, %broadcast_in_dim3A_211, %broadcast_in_dim3A_66 : vector<4x1x1xi32>
      %and3A_216 = arith.andi %ge3A, %lt3A_215 : vector<4x1x1xi1>
      %jit3A = arith.constant 15 : i32
      %broadcast_in_dim3A_217 = vector.broadcast %jit3A : i32 to vector<4x1x1xi32>
      %select_n3A_218 = arith.select %and3A_216, %broadcast_in_dim3A_217, %broadcast_in_dim3A_213 : vector<4x1x1xi1>, vector<4x1x1xi32>
      %sub3A = arith.subi %broadcast_in_dim3A_66, %broadcast_in_dim3A_211 : vector<4x1x1xi32>
      %select_n3A_219 = arith.select %and3A_216, %sub3A, %broadcast_in_dim3A_66 : vector<4x1x1xi1>, vector<4x1x1xi32>
      %add3A_220 = arith.addi %add3A_214, %broadcast_in_dim3A_201 : vector<4x1x1xi32>
      %ge3A_221 = arith.cmpi sge, %add3A_220, %broadcast_in_dim3A_66 : vector<4x1x1xi32>
      %lt3A_222 = arith.cmpi slt, %add3A_214, %broadcast_in_dim3A_66 : vector<4x1x1xi32>
      %and3A_223 = arith.andi %ge3A_221, %lt3A_222 : vector<4x1x1xi1>
      %jit3A_224 = arith.constant 14 : i32
      %broadcast_in_dim3A_225 = vector.broadcast %jit3A_224 : i32 to vector<4x1x1xi32>
      %select_n3A_226 = arith.select %and3A_223, %broadcast_in_dim3A_225, %select_n3A_218 : vector<4x1x1xi1>, vector<4x1x1xi32>
      %sub3A_227 = arith.subi %broadcast_in_dim3A_66, %add3A_214 : vector<4x1x1xi32>
      %select_n3A_228 = arith.select %and3A_223, %sub3A_227, %select_n3A_219 : vector<4x1x1xi1>, vector<4x1x1xi32>
      %add3A_229 = arith.addi %add3A_220, %broadcast_in_dim3A_193 : vector<4x1x1xi32>
      %ge3A_230 = arith.cmpi sge, %add3A_229, %broadcast_in_dim3A_66 : vector<4x1x1xi32>
      %lt3A_231 = arith.cmpi slt, %add3A_220, %broadcast_in_dim3A_66 : vector<4x1x1xi32>
      %and3A_232 = arith.andi %ge3A_230, %lt3A_231 : vector<4x1x1xi1>
      %jit3A_233 = arith.constant 13 : i32
      %broadcast_in_dim3A_234 = vector.broadcast %jit3A_233 : i32 to vector<4x1x1xi32>
      %select_n3A_235 = arith.select %and3A_232, %broadcast_in_dim3A_234, %select_n3A_226 : vector<4x1x1xi1>, vector<4x1x1xi32>
      %sub3A_236 = arith.subi %broadcast_in_dim3A_66, %add3A_220 : vector<4x1x1xi32>
      %select_n3A_237 = arith.select %and3A_232, %sub3A_236, %select_n3A_228 : vector<4x1x1xi1>, vector<4x1x1xi32>
      %add3A_238 = arith.addi %add3A_229, %broadcast_in_dim3A_185 : vector<4x1x1xi32>
      %ge3A_239 = arith.cmpi sge, %add3A_238, %broadcast_in_dim3A_66 : vector<4x1x1xi32>
      %lt3A_240 = arith.cmpi slt, %add3A_229, %broadcast_in_dim3A_66 : vector<4x1x1xi32>
      %and3A_241 = arith.andi %ge3A_239, %lt3A_240 : vector<4x1x1xi1>
      %jit3A_242 = arith.constant 12 : i32
      %broadcast_in_dim3A_243 = vector.broadcast %jit3A_242 : i32 to vector<4x1x1xi32>
      %select_n3A_244 = arith.select %and3A_241, %broadcast_in_dim3A_243, %select_n3A_235 : vector<4x1x1xi1>, vector<4x1x1xi32>
      %sub3A_245 = arith.subi %broadcast_in_dim3A_66, %add3A_229 : vector<4x1x1xi32>
      %select_n3A_246 = arith.select %and3A_241, %sub3A_245, %select_n3A_237 : vector<4x1x1xi1>, vector<4x1x1xi32>
      %add3A_247 = arith.addi %add3A_238, %broadcast_in_dim3A_177 : vector<4x1x1xi32>
      %ge3A_248 = arith.cmpi sge, %add3A_247, %broadcast_in_dim3A_66 : vector<4x1x1xi32>
      %lt3A_249 = arith.cmpi slt, %add3A_238, %broadcast_in_dim3A_66 : vector<4x1x1xi32>
      %and3A_250 = arith.andi %ge3A_248, %lt3A_249 : vector<4x1x1xi1>
      %jit3A_251 = arith.constant 11 : i32
      %broadcast_in_dim3A_252 = vector.broadcast %jit3A_251 : i32 to vector<4x1x1xi32>
      %select_n3A_253 = arith.select %and3A_250, %broadcast_in_dim3A_252, %select_n3A_244 : vector<4x1x1xi1>, vector<4x1x1xi32>
      %sub3A_254 = arith.subi %broadcast_in_dim3A_66, %add3A_238 : vector<4x1x1xi32>
      %select_n3A_255 = arith.select %and3A_250, %sub3A_254, %select_n3A_246 : vector<4x1x1xi1>, vector<4x1x1xi32>
      %add3A_256 = arith.addi %add3A_247, %broadcast_in_dim3A_169 : vector<4x1x1xi32>
      %ge3A_257 = arith.cmpi sge, %add3A_256, %broadcast_in_dim3A_66 : vector<4x1x1xi32>
      %lt3A_258 = arith.cmpi slt, %add3A_247, %broadcast_in_dim3A_66 : vector<4x1x1xi32>
      %and3A_259 = arith.andi %ge3A_257, %lt3A_258 : vector<4x1x1xi1>
      %jit3A_260 = arith.constant 10 : i32
      %broadcast_in_dim3A_261 = vector.broadcast %jit3A_260 : i32 to vector<4x1x1xi32>
      %select_n3A_262 = arith.select %and3A_259, %broadcast_in_dim3A_261, %select_n3A_253 : vector<4x1x1xi1>, vector<4x1x1xi32>
      %sub3A_263 = arith.subi %broadcast_in_dim3A_66, %add3A_247 : vector<4x1x1xi32>
      %select_n3A_264 = arith.select %and3A_259, %sub3A_263, %select_n3A_255 : vector<4x1x1xi1>, vector<4x1x1xi32>
      %add3A_265 = arith.addi %add3A_256, %broadcast_in_dim3A_161 : vector<4x1x1xi32>
      %ge3A_266 = arith.cmpi sge, %add3A_265, %broadcast_in_dim3A_66 : vector<4x1x1xi32>
      %lt3A_267 = arith.cmpi slt, %add3A_256, %broadcast_in_dim3A_66 : vector<4x1x1xi32>
      %and3A_268 = arith.andi %ge3A_266, %lt3A_267 : vector<4x1x1xi1>
      %jit3A_269 = arith.constant 9 : i32
      %broadcast_in_dim3A_270 = vector.broadcast %jit3A_269 : i32 to vector<4x1x1xi32>
      %select_n3A_271 = arith.select %and3A_268, %broadcast_in_dim3A_270, %select_n3A_262 : vector<4x1x1xi1>, vector<4x1x1xi32>
      %sub3A_272 = arith.subi %broadcast_in_dim3A_66, %add3A_256 : vector<4x1x1xi32>
      %select_n3A_273 = arith.select %and3A_268, %sub3A_272, %select_n3A_264 : vector<4x1x1xi1>, vector<4x1x1xi32>
      %add3A_274 = arith.addi %add3A_265, %broadcast_in_dim3A_153 : vector<4x1x1xi32>
      %ge3A_275 = arith.cmpi sge, %add3A_274, %broadcast_in_dim3A_66 : vector<4x1x1xi32>
      %lt3A_276 = arith.cmpi slt, %add3A_265, %broadcast_in_dim3A_66 : vector<4x1x1xi32>
      %and3A_277 = arith.andi %ge3A_275, %lt3A_276 : vector<4x1x1xi1>
      %jit3A_278 = arith.constant 8 : i32
      %broadcast_in_dim3A_279 = vector.broadcast %jit3A_278 : i32 to vector<4x1x1xi32>
      %select_n3A_280 = arith.select %and3A_277, %broadcast_in_dim3A_279, %select_n3A_271 : vector<4x1x1xi1>, vector<4x1x1xi32>
      %sub3A_281 = arith.subi %broadcast_in_dim3A_66, %add3A_265 : vector<4x1x1xi32>
      %select_n3A_282 = arith.select %and3A_277, %sub3A_281, %select_n3A_273 : vector<4x1x1xi1>, vector<4x1x1xi32>
      %add3A_283 = arith.addi %add3A_274, %broadcast_in_dim3A_145 : vector<4x1x1xi32>
      %ge3A_284 = arith.cmpi sge, %add3A_283, %broadcast_in_dim3A_66 : vector<4x1x1xi32>
      %lt3A_285 = arith.cmpi slt, %add3A_274, %broadcast_in_dim3A_66 : vector<4x1x1xi32>
      %and3A_286 = arith.andi %ge3A_284, %lt3A_285 : vector<4x1x1xi1>
      %jit3A_287 = arith.constant 7 : i32
      %broadcast_in_dim3A_288 = vector.broadcast %jit3A_287 : i32 to vector<4x1x1xi32>
      %select_n3A_289 = arith.select %and3A_286, %broadcast_in_dim3A_288, %select_n3A_280 : vector<4x1x1xi1>, vector<4x1x1xi32>
      %sub3A_290 = arith.subi %broadcast_in_dim3A_66, %add3A_274 : vector<4x1x1xi32>
      %select_n3A_291 = arith.select %and3A_286, %sub3A_290, %select_n3A_282 : vector<4x1x1xi1>, vector<4x1x1xi32>
      %add3A_292 = arith.addi %add3A_283, %broadcast_in_dim3A_137 : vector<4x1x1xi32>
      %ge3A_293 = arith.cmpi sge, %add3A_292, %broadcast_in_dim3A_66 : vector<4x1x1xi32>
      %lt3A_294 = arith.cmpi slt, %add3A_283, %broadcast_in_dim3A_66 : vector<4x1x1xi32>
      %and3A_295 = arith.andi %ge3A_293, %lt3A_294 : vector<4x1x1xi1>
      %jit3A_296 = arith.constant 6 : i32
      %broadcast_in_dim3A_297 = vector.broadcast %jit3A_296 : i32 to vector<4x1x1xi32>
      %select_n3A_298 = arith.select %and3A_295, %broadcast_in_dim3A_297, %select_n3A_289 : vector<4x1x1xi1>, vector<4x1x1xi32>
      %sub3A_299 = arith.subi %broadcast_in_dim3A_66, %add3A_283 : vector<4x1x1xi32>
      %select_n3A_300 = arith.select %and3A_295, %sub3A_299, %select_n3A_291 : vector<4x1x1xi1>, vector<4x1x1xi32>
      %add3A_301 = arith.addi %add3A_292, %broadcast_in_dim3A_129 : vector<4x1x1xi32>
      %ge3A_302 = arith.cmpi sge, %add3A_301, %broadcast_in_dim3A_66 : vector<4x1x1xi32>
      %lt3A_303 = arith.cmpi slt, %add3A_292, %broadcast_in_dim3A_66 : vector<4x1x1xi32>
      %and3A_304 = arith.andi %ge3A_302, %lt3A_303 : vector<4x1x1xi1>
      %jit3A_305 = arith.constant 5 : i32
      %broadcast_in_dim3A_306 = vector.broadcast %jit3A_305 : i32 to vector<4x1x1xi32>
      %select_n3A_307 = arith.select %and3A_304, %broadcast_in_dim3A_306, %select_n3A_298 : vector<4x1x1xi1>, vector<4x1x1xi32>
      %sub3A_308 = arith.subi %broadcast_in_dim3A_66, %add3A_292 : vector<4x1x1xi32>
      %select_n3A_309 = arith.select %and3A_304, %sub3A_308, %select_n3A_300 : vector<4x1x1xi1>, vector<4x1x1xi32>
      %add3A_310 = arith.addi %add3A_301, %broadcast_in_dim3A_121 : vector<4x1x1xi32>
      %ge3A_311 = arith.cmpi sge, %add3A_310, %broadcast_in_dim3A_66 : vector<4x1x1xi32>
      %lt3A_312 = arith.cmpi slt, %add3A_301, %broadcast_in_dim3A_66 : vector<4x1x1xi32>
      %and3A_313 = arith.andi %ge3A_311, %lt3A_312 : vector<4x1x1xi1>
      %jit3A_314 = arith.constant 4 : i32
      %broadcast_in_dim3A_315 = vector.broadcast %jit3A_314 : i32 to vector<4x1x1xi32>
      %select_n3A_316 = arith.select %and3A_313, %broadcast_in_dim3A_315, %select_n3A_307 : vector<4x1x1xi1>, vector<4x1x1xi32>
      %sub3A_317 = arith.subi %broadcast_in_dim3A_66, %add3A_301 : vector<4x1x1xi32>
      %select_n3A_318 = arith.select %and3A_313, %sub3A_317, %select_n3A_309 : vector<4x1x1xi1>, vector<4x1x1xi32>
      %add3A_319 = arith.addi %add3A_310, %broadcast_in_dim3A_113 : vector<4x1x1xi32>
      %ge3A_320 = arith.cmpi sge, %add3A_319, %broadcast_in_dim3A_66 : vector<4x1x1xi32>
      %lt3A_321 = arith.cmpi slt, %add3A_310, %broadcast_in_dim3A_66 : vector<4x1x1xi32>
      %and3A_322 = arith.andi %ge3A_320, %lt3A_321 : vector<4x1x1xi1>
      %jit3A_323 = arith.constant 3 : i32
      %broadcast_in_dim3A_324 = vector.broadcast %jit3A_323 : i32 to vector<4x1x1xi32>
      %select_n3A_325 = arith.select %and3A_322, %broadcast_in_dim3A_324, %select_n3A_316 : vector<4x1x1xi1>, vector<4x1x1xi32>
      %sub3A_326 = arith.subi %broadcast_in_dim3A_66, %add3A_310 : vector<4x1x1xi32>
      %select_n3A_327 = arith.select %and3A_322, %sub3A_326, %select_n3A_318 : vector<4x1x1xi1>, vector<4x1x1xi32>
      %add3A_328 = arith.addi %add3A_319, %broadcast_in_dim3A_105 : vector<4x1x1xi32>
      %ge3A_329 = arith.cmpi sge, %add3A_328, %broadcast_in_dim3A_66 : vector<4x1x1xi32>
      %lt3A_330 = arith.cmpi slt, %add3A_319, %broadcast_in_dim3A_66 : vector<4x1x1xi32>
      %and3A_331 = arith.andi %ge3A_329, %lt3A_330 : vector<4x1x1xi1>
      %jit3A_332 = arith.constant 2 : i32
      %broadcast_in_dim3A_333 = vector.broadcast %jit3A_332 : i32 to vector<4x1x1xi32>
      %select_n3A_334 = arith.select %and3A_331, %broadcast_in_dim3A_333, %select_n3A_325 : vector<4x1x1xi1>, vector<4x1x1xi32>
      %sub3A_335 = arith.subi %broadcast_in_dim3A_66, %add3A_319 : vector<4x1x1xi32>
      %select_n3A_336 = arith.select %and3A_331, %sub3A_335, %select_n3A_327 : vector<4x1x1xi1>, vector<4x1x1xi32>
      %add3A_337 = arith.addi %add3A_328, %broadcast_in_dim3A_97 : vector<4x1x1xi32>
      %ge3A_338 = arith.cmpi sge, %add3A_337, %broadcast_in_dim3A_66 : vector<4x1x1xi32>
      %lt3A_339 = arith.cmpi slt, %add3A_328, %broadcast_in_dim3A_66 : vector<4x1x1xi32>
      %and3A_340 = arith.andi %ge3A_338, %lt3A_339 : vector<4x1x1xi1>
      %jit3A_341 = arith.constant 1 : i32
      %broadcast_in_dim3A_342 = vector.broadcast %jit3A_341 : i32 to vector<4x1x1xi32>
      %select_n3A_343 = arith.select %and3A_340, %broadcast_in_dim3A_342, %select_n3A_334 : vector<4x1x1xi1>, vector<4x1x1xi32>
      %sub3A_344 = arith.subi %broadcast_in_dim3A_66, %add3A_328 : vector<4x1x1xi32>
      %select_n3A_345 = arith.select %and3A_340, %sub3A_344, %select_n3A_336 : vector<4x1x1xi1>, vector<4x1x1xi32>
      %add3A_346 = arith.addi %add3A_337, %broadcast_in_dim3A_89 : vector<4x1x1xi32>
      %ge3A_347 = arith.cmpi sge, %add3A_346, %broadcast_in_dim3A_66 : vector<4x1x1xi32>
      %lt3A_348 = arith.cmpi slt, %add3A_337, %broadcast_in_dim3A_66 : vector<4x1x1xi32>
      %and3A_349 = arith.andi %ge3A_347, %lt3A_348 : vector<4x1x1xi1>
      %jit3A_350 = arith.constant 0 : i32
      %broadcast_in_dim3A_351 = vector.broadcast %jit3A_350 : i32 to vector<4x1x1xi32>
      %select_n3A_352 = arith.select %and3A_349, %broadcast_in_dim3A_351, %select_n3A_343 : vector<4x1x1xi1>, vector<4x1x1xi32>
      %sub3A_353 = arith.subi %broadcast_in_dim3A_66, %add3A_337 : vector<4x1x1xi32>
      %select_n3A_354 = arith.select %and3A_349, %sub3A_353, %select_n3A_345 : vector<4x1x1xi1>, vector<4x1x1xi32>
      %shift_left3A = arith.constant 28 : i32
      %shift_left3A_355 = vector.broadcast %shift_left3A : i32 to vector<4x1x1xi32>
      %shift_left3A_356 = arith.shli %select_n3A_352, %shift_left3A_355 : vector<4x1x1xi32>
      %or3A = arith.ori %broadcast_in_dim3A_68, %shift_left3A_356 : vector<4x1x1xi32>
      %shift_right_logical3A_357 = arith.constant 28 : i32
      %shift_right_logical3A_358 = vector.broadcast %shift_right_logical3A_357 : i32 to vector<4x8x1024xi32>
      %shift_right_logical3A_359 = arith.shrui %xor3A_63, %shift_right_logical3A_358 : vector<4x8x1024xi32>
      %shift_right_logical3A_360 = arith.constant 28 : i32
      %shift_right_logical3A_361 = vector.broadcast %shift_right_logical3A_360 : i32 to vector<4x1x1xi32>
      %shift_right_logical3A_362 = arith.shrui %or3A, %shift_right_logical3A_361 : vector<4x1x1xi32>
      %eq3A_363 = vector.broadcast %shift_right_logical3A_362 : vector<4x1x1xi32> to vector<4x8x1024xi32>
      %eq3A_364 = arith.cmpi eq, %shift_right_logical3A_359, %eq3A_363 : vector<4x8x1024xi32>
      %and3A_365 = arith.andi %broadcast_in_dim3A_64, %eq3A_364 : vector<4x8x1024xi1>
      %shift_right_logical3A_366 = arith.constant 24 : i32
      %shift_right_logical3A_367 = vector.broadcast %shift_right_logical3A_366 : i32 to vector<4x8x1024xi32>
      %shift_right_logical3A_368 = arith.shrui %xor3A_63, %shift_right_logical3A_367 : vector<4x8x1024xi32>
      %and3A_369 = arith.constant 15 : i32
      %and3A_370 = vector.broadcast %and3A_369 : i32 to vector<4x8x1024xi32>
      %and3A_371 = arith.andi %shift_right_logical3A_368, %and3A_370 : vector<4x8x1024xi32>
      %eq3A_372 = arith.constant 0 : i32
      %eq3A_373 = vector.broadcast %eq3A_372 : i32 to vector<4x8x1024xi32>
      %eq3A_374 = arith.cmpi eq, %and3A_371, %eq3A_373 : vector<4x8x1024xi32>
      %and3A_375 = arith.andi %and3A_365, %eq3A_374 : vector<4x8x1024xi1>
      %convert_element_type3A_376 = arith.extui %and3A_375 : vector<4x8x1024xi1> to vector<4x8x1024xi32>
      %reduce_sum3A_377 = arith.constant dense<0> : vector<4xi32>
      %reduce_sum3A_378 = vector.multi_reduction <add>, %convert_element_type3A_376, %reduce_sum3A_377 [1, 2] : vector<4x8x1024xi32> to vector<4xi32>
      %broadcast_in_dim3A_379 = vector.shape_cast %reduce_sum3A_378 : vector<4xi32> to vector<4x1x1xi32>
      %eq3A_380 = arith.constant 1 : i32
      %eq3A_381 = vector.broadcast %eq3A_380 : i32 to vector<4x8x1024xi32>
      %eq3A_382 = arith.cmpi eq, %and3A_371, %eq3A_381 : vector<4x8x1024xi32>
      %and3A_383 = arith.andi %and3A_365, %eq3A_382 : vector<4x8x1024xi1>
      %convert_element_type3A_384 = arith.extui %and3A_383 : vector<4x8x1024xi1> to vector<4x8x1024xi32>
      %reduce_sum3A_385 = arith.constant dense<0> : vector<4xi32>
      %reduce_sum3A_386 = vector.multi_reduction <add>, %convert_element_type3A_384, %reduce_sum3A_385 [1, 2] : vector<4x8x1024xi32> to vector<4xi32>
      %broadcast_in_dim3A_387 = vector.shape_cast %reduce_sum3A_386 : vector<4xi32> to vector<4x1x1xi32>
      %eq3A_388 = arith.constant 2 : i32
      %eq3A_389 = vector.broadcast %eq3A_388 : i32 to vector<4x8x1024xi32>
      %eq3A_390 = arith.cmpi eq, %and3A_371, %eq3A_389 : vector<4x8x1024xi32>
      %and3A_391 = arith.andi %and3A_365, %eq3A_390 : vector<4x8x1024xi1>
      %convert_element_type3A_392 = arith.extui %and3A_391 : vector<4x8x1024xi1> to vector<4x8x1024xi32>
      %reduce_sum3A_393 = arith.constant dense<0> : vector<4xi32>
      %reduce_sum3A_394 = vector.multi_reduction <add>, %convert_element_type3A_392, %reduce_sum3A_393 [1, 2] : vector<4x8x1024xi32> to vector<4xi32>
      %broadcast_in_dim3A_395 = vector.shape_cast %reduce_sum3A_394 : vector<4xi32> to vector<4x1x1xi32>
      %eq3A_396 = arith.constant 3 : i32
      %eq3A_397 = vector.broadcast %eq3A_396 : i32 to vector<4x8x1024xi32>
      %eq3A_398 = arith.cmpi eq, %and3A_371, %eq3A_397 : vector<4x8x1024xi32>
      %and3A_399 = arith.andi %and3A_365, %eq3A_398 : vector<4x8x1024xi1>
      %convert_element_type3A_400 = arith.extui %and3A_399 : vector<4x8x1024xi1> to vector<4x8x1024xi32>
      %reduce_sum3A_401 = arith.constant dense<0> : vector<4xi32>
      %reduce_sum3A_402 = vector.multi_reduction <add>, %convert_element_type3A_400, %reduce_sum3A_401 [1, 2] : vector<4x8x1024xi32> to vector<4xi32>
      %broadcast_in_dim3A_403 = vector.shape_cast %reduce_sum3A_402 : vector<4xi32> to vector<4x1x1xi32>
      %eq3A_404 = arith.constant 4 : i32
      %eq3A_405 = vector.broadcast %eq3A_404 : i32 to vector<4x8x1024xi32>
      %eq3A_406 = arith.cmpi eq, %and3A_371, %eq3A_405 : vector<4x8x1024xi32>
      %and3A_407 = arith.andi %and3A_365, %eq3A_406 : vector<4x8x1024xi1>
      %convert_element_type3A_408 = arith.extui %and3A_407 : vector<4x8x1024xi1> to vector<4x8x1024xi32>
      %reduce_sum3A_409 = arith.constant dense<0> : vector<4xi32>
      %reduce_sum3A_410 = vector.multi_reduction <add>, %convert_element_type3A_408, %reduce_sum3A_409 [1, 2] : vector<4x8x1024xi32> to vector<4xi32>
      %broadcast_in_dim3A_411 = vector.shape_cast %reduce_sum3A_410 : vector<4xi32> to vector<4x1x1xi32>
      %eq3A_412 = arith.constant 5 : i32
      %eq3A_413 = vector.broadcast %eq3A_412 : i32 to vector<4x8x1024xi32>
      %eq3A_414 = arith.cmpi eq, %and3A_371, %eq3A_413 : vector<4x8x1024xi32>
      %and3A_415 = arith.andi %and3A_365, %eq3A_414 : vector<4x8x1024xi1>
      %convert_element_type3A_416 = arith.extui %and3A_415 : vector<4x8x1024xi1> to vector<4x8x1024xi32>
      %reduce_sum3A_417 = arith.constant dense<0> : vector<4xi32>
      %reduce_sum3A_418 = vector.multi_reduction <add>, %convert_element_type3A_416, %reduce_sum3A_417 [1, 2] : vector<4x8x1024xi32> to vector<4xi32>
      %broadcast_in_dim3A_419 = vector.shape_cast %reduce_sum3A_418 : vector<4xi32> to vector<4x1x1xi32>
      %eq3A_420 = arith.constant 6 : i32
      %eq3A_421 = vector.broadcast %eq3A_420 : i32 to vector<4x8x1024xi32>
      %eq3A_422 = arith.cmpi eq, %and3A_371, %eq3A_421 : vector<4x8x1024xi32>
      %and3A_423 = arith.andi %and3A_365, %eq3A_422 : vector<4x8x1024xi1>
      %convert_element_type3A_424 = arith.extui %and3A_423 : vector<4x8x1024xi1> to vector<4x8x1024xi32>
      %reduce_sum3A_425 = arith.constant dense<0> : vector<4xi32>
      %reduce_sum3A_426 = vector.multi_reduction <add>, %convert_element_type3A_424, %reduce_sum3A_425 [1, 2] : vector<4x8x1024xi32> to vector<4xi32>
      %broadcast_in_dim3A_427 = vector.shape_cast %reduce_sum3A_426 : vector<4xi32> to vector<4x1x1xi32>
      %eq3A_428 = arith.constant 7 : i32
      %eq3A_429 = vector.broadcast %eq3A_428 : i32 to vector<4x8x1024xi32>
      %eq3A_430 = arith.cmpi eq, %and3A_371, %eq3A_429 : vector<4x8x1024xi32>
      %and3A_431 = arith.andi %and3A_365, %eq3A_430 : vector<4x8x1024xi1>
      %convert_element_type3A_432 = arith.extui %and3A_431 : vector<4x8x1024xi1> to vector<4x8x1024xi32>
      %reduce_sum3A_433 = arith.constant dense<0> : vector<4xi32>
      %reduce_sum3A_434 = vector.multi_reduction <add>, %convert_element_type3A_432, %reduce_sum3A_433 [1, 2] : vector<4x8x1024xi32> to vector<4xi32>
      %broadcast_in_dim3A_435 = vector.shape_cast %reduce_sum3A_434 : vector<4xi32> to vector<4x1x1xi32>
      %eq3A_436 = arith.constant 8 : i32
      %eq3A_437 = vector.broadcast %eq3A_436 : i32 to vector<4x8x1024xi32>
      %eq3A_438 = arith.cmpi eq, %and3A_371, %eq3A_437 : vector<4x8x1024xi32>
      %and3A_439 = arith.andi %and3A_365, %eq3A_438 : vector<4x8x1024xi1>
      %convert_element_type3A_440 = arith.extui %and3A_439 : vector<4x8x1024xi1> to vector<4x8x1024xi32>
      %reduce_sum3A_441 = arith.constant dense<0> : vector<4xi32>
      %reduce_sum3A_442 = vector.multi_reduction <add>, %convert_element_type3A_440, %reduce_sum3A_441 [1, 2] : vector<4x8x1024xi32> to vector<4xi32>
      %broadcast_in_dim3A_443 = vector.shape_cast %reduce_sum3A_442 : vector<4xi32> to vector<4x1x1xi32>
      %eq3A_444 = arith.constant 9 : i32
      %eq3A_445 = vector.broadcast %eq3A_444 : i32 to vector<4x8x1024xi32>
      %eq3A_446 = arith.cmpi eq, %and3A_371, %eq3A_445 : vector<4x8x1024xi32>
      %and3A_447 = arith.andi %and3A_365, %eq3A_446 : vector<4x8x1024xi1>
      %convert_element_type3A_448 = arith.extui %and3A_447 : vector<4x8x1024xi1> to vector<4x8x1024xi32>
      %reduce_sum3A_449 = arith.constant dense<0> : vector<4xi32>
      %reduce_sum3A_450 = vector.multi_reduction <add>, %convert_element_type3A_448, %reduce_sum3A_449 [1, 2] : vector<4x8x1024xi32> to vector<4xi32>
      %broadcast_in_dim3A_451 = vector.shape_cast %reduce_sum3A_450 : vector<4xi32> to vector<4x1x1xi32>
      %eq3A_452 = arith.constant 10 : i32
      %eq3A_453 = vector.broadcast %eq3A_452 : i32 to vector<4x8x1024xi32>
      %eq3A_454 = arith.cmpi eq, %and3A_371, %eq3A_453 : vector<4x8x1024xi32>
      %and3A_455 = arith.andi %and3A_365, %eq3A_454 : vector<4x8x1024xi1>
      %convert_element_type3A_456 = arith.extui %and3A_455 : vector<4x8x1024xi1> to vector<4x8x1024xi32>
      %reduce_sum3A_457 = arith.constant dense<0> : vector<4xi32>
      %reduce_sum3A_458 = vector.multi_reduction <add>, %convert_element_type3A_456, %reduce_sum3A_457 [1, 2] : vector<4x8x1024xi32> to vector<4xi32>
      %broadcast_in_dim3A_459 = vector.shape_cast %reduce_sum3A_458 : vector<4xi32> to vector<4x1x1xi32>
      %eq3A_460 = arith.constant 11 : i32
      %eq3A_461 = vector.broadcast %eq3A_460 : i32 to vector<4x8x1024xi32>
      %eq3A_462 = arith.cmpi eq, %and3A_371, %eq3A_461 : vector<4x8x1024xi32>
      %and3A_463 = arith.andi %and3A_365, %eq3A_462 : vector<4x8x1024xi1>
      %convert_element_type3A_464 = arith.extui %and3A_463 : vector<4x8x1024xi1> to vector<4x8x1024xi32>
      %reduce_sum3A_465 = arith.constant dense<0> : vector<4xi32>
      %reduce_sum3A_466 = vector.multi_reduction <add>, %convert_element_type3A_464, %reduce_sum3A_465 [1, 2] : vector<4x8x1024xi32> to vector<4xi32>
      %broadcast_in_dim3A_467 = vector.shape_cast %reduce_sum3A_466 : vector<4xi32> to vector<4x1x1xi32>
      %eq3A_468 = arith.constant 12 : i32
      %eq3A_469 = vector.broadcast %eq3A_468 : i32 to vector<4x8x1024xi32>
      %eq3A_470 = arith.cmpi eq, %and3A_371, %eq3A_469 : vector<4x8x1024xi32>
      %and3A_471 = arith.andi %and3A_365, %eq3A_470 : vector<4x8x1024xi1>
      %convert_element_type3A_472 = arith.extui %and3A_471 : vector<4x8x1024xi1> to vector<4x8x1024xi32>
      %reduce_sum3A_473 = arith.constant dense<0> : vector<4xi32>
      %reduce_sum3A_474 = vector.multi_reduction <add>, %convert_element_type3A_472, %reduce_sum3A_473 [1, 2] : vector<4x8x1024xi32> to vector<4xi32>
      %broadcast_in_dim3A_475 = vector.shape_cast %reduce_sum3A_474 : vector<4xi32> to vector<4x1x1xi32>
      %eq3A_476 = arith.constant 13 : i32
      %eq3A_477 = vector.broadcast %eq3A_476 : i32 to vector<4x8x1024xi32>
      %eq3A_478 = arith.cmpi eq, %and3A_371, %eq3A_477 : vector<4x8x1024xi32>
      %and3A_479 = arith.andi %and3A_365, %eq3A_478 : vector<4x8x1024xi1>
      %convert_element_type3A_480 = arith.extui %and3A_479 : vector<4x8x1024xi1> to vector<4x8x1024xi32>
      %reduce_sum3A_481 = arith.constant dense<0> : vector<4xi32>
      %reduce_sum3A_482 = vector.multi_reduction <add>, %convert_element_type3A_480, %reduce_sum3A_481 [1, 2] : vector<4x8x1024xi32> to vector<4xi32>
      %broadcast_in_dim3A_483 = vector.shape_cast %reduce_sum3A_482 : vector<4xi32> to vector<4x1x1xi32>
      %eq3A_484 = arith.constant 14 : i32
      %eq3A_485 = vector.broadcast %eq3A_484 : i32 to vector<4x8x1024xi32>
      %eq3A_486 = arith.cmpi eq, %and3A_371, %eq3A_485 : vector<4x8x1024xi32>
      %and3A_487 = arith.andi %and3A_365, %eq3A_486 : vector<4x8x1024xi1>
      %convert_element_type3A_488 = arith.extui %and3A_487 : vector<4x8x1024xi1> to vector<4x8x1024xi32>
      %reduce_sum3A_489 = arith.constant dense<0> : vector<4xi32>
      %reduce_sum3A_490 = vector.multi_reduction <add>, %convert_element_type3A_488, %reduce_sum3A_489 [1, 2] : vector<4x8x1024xi32> to vector<4xi32>
      %broadcast_in_dim3A_491 = vector.shape_cast %reduce_sum3A_490 : vector<4xi32> to vector<4x1x1xi32>
      %eq3A_492 = arith.constant 15 : i32
      %eq3A_493 = vector.broadcast %eq3A_492 : i32 to vector<4x8x1024xi32>
      %eq3A_494 = arith.cmpi eq, %and3A_371, %eq3A_493 : vector<4x8x1024xi32>
      %and3A_495 = arith.andi %and3A_365, %eq3A_494 : vector<4x8x1024xi1>
      %convert_element_type3A_496 = arith.extui %and3A_495 : vector<4x8x1024xi1> to vector<4x8x1024xi32>
      %reduce_sum3A_497 = arith.constant dense<0> : vector<4xi32>
      %reduce_sum3A_498 = vector.multi_reduction <add>, %convert_element_type3A_496, %reduce_sum3A_497 [1, 2] : vector<4x8x1024xi32> to vector<4xi32>
      %broadcast_in_dim3A_499 = vector.shape_cast %reduce_sum3A_498 : vector<4xi32> to vector<4x1x1xi32>
      %broadcast_in_dim3A_500 = arith.constant 0 : i32
      %broadcast_in_dim3A_501 = vector.broadcast %broadcast_in_dim3A_500 : i32 to vector<4x1x1xi32>
      %broadcast_in_dim3A_502 = arith.constant 0 : i32
      %broadcast_in_dim3A_503 = vector.broadcast %broadcast_in_dim3A_502 : i32 to vector<4x1x1xi32>
      %add3A_504 = arith.addi %broadcast_in_dim3A_501, %broadcast_in_dim3A_499 : vector<4x1x1xi32>
      %ge3A_505 = arith.cmpi sge, %add3A_504, %select_n3A_354 : vector<4x1x1xi32>
      %lt3A_506 = arith.cmpi slt, %broadcast_in_dim3A_501, %select_n3A_354 : vector<4x1x1xi32>
      %and3A_507 = arith.andi %ge3A_505, %lt3A_506 : vector<4x1x1xi1>
      %jit3A_508 = arith.constant 15 : i32
      %broadcast_in_dim3A_509 = vector.broadcast %jit3A_508 : i32 to vector<4x1x1xi32>
      %select_n3A_510 = arith.select %and3A_507, %broadcast_in_dim3A_509, %broadcast_in_dim3A_503 : vector<4x1x1xi1>, vector<4x1x1xi32>
      %sub3A_511 = arith.subi %select_n3A_354, %broadcast_in_dim3A_501 : vector<4x1x1xi32>
      %select_n3A_512 = arith.select %and3A_507, %sub3A_511, %select_n3A_354 : vector<4x1x1xi1>, vector<4x1x1xi32>
      %add3A_513 = arith.addi %add3A_504, %broadcast_in_dim3A_491 : vector<4x1x1xi32>
      %ge3A_514 = arith.cmpi sge, %add3A_513, %select_n3A_354 : vector<4x1x1xi32>
      %lt3A_515 = arith.cmpi slt, %add3A_504, %select_n3A_354 : vector<4x1x1xi32>
      %and3A_516 = arith.andi %ge3A_514, %lt3A_515 : vector<4x1x1xi1>
      %jit3A_517 = arith.constant 14 : i32
      %broadcast_in_dim3A_518 = vector.broadcast %jit3A_517 : i32 to vector<4x1x1xi32>
      %select_n3A_519 = arith.select %and3A_516, %broadcast_in_dim3A_518, %select_n3A_510 : vector<4x1x1xi1>, vector<4x1x1xi32>
      %sub3A_520 = arith.subi %select_n3A_354, %add3A_504 : vector<4x1x1xi32>
      %select_n3A_521 = arith.select %and3A_516, %sub3A_520, %select_n3A_512 : vector<4x1x1xi1>, vector<4x1x1xi32>
      %add3A_522 = arith.addi %add3A_513, %broadcast_in_dim3A_483 : vector<4x1x1xi32>
      %ge3A_523 = arith.cmpi sge, %add3A_522, %select_n3A_354 : vector<4x1x1xi32>
      %lt3A_524 = arith.cmpi slt, %add3A_513, %select_n3A_354 : vector<4x1x1xi32>
      %and3A_525 = arith.andi %ge3A_523, %lt3A_524 : vector<4x1x1xi1>
      %jit3A_526 = arith.constant 13 : i32
      %broadcast_in_dim3A_527 = vector.broadcast %jit3A_526 : i32 to vector<4x1x1xi32>
      %select_n3A_528 = arith.select %and3A_525, %broadcast_in_dim3A_527, %select_n3A_519 : vector<4x1x1xi1>, vector<4x1x1xi32>
      %sub3A_529 = arith.subi %select_n3A_354, %add3A_513 : vector<4x1x1xi32>
      %select_n3A_530 = arith.select %and3A_525, %sub3A_529, %select_n3A_521 : vector<4x1x1xi1>, vector<4x1x1xi32>
      %add3A_531 = arith.addi %add3A_522, %broadcast_in_dim3A_475 : vector<4x1x1xi32>
      %ge3A_532 = arith.cmpi sge, %add3A_531, %select_n3A_354 : vector<4x1x1xi32>
      %lt3A_533 = arith.cmpi slt, %add3A_522, %select_n3A_354 : vector<4x1x1xi32>
      %and3A_534 = arith.andi %ge3A_532, %lt3A_533 : vector<4x1x1xi1>
      %jit3A_535 = arith.constant 12 : i32
      %broadcast_in_dim3A_536 = vector.broadcast %jit3A_535 : i32 to vector<4x1x1xi32>
      %select_n3A_537 = arith.select %and3A_534, %broadcast_in_dim3A_536, %select_n3A_528 : vector<4x1x1xi1>, vector<4x1x1xi32>
      %sub3A_538 = arith.subi %select_n3A_354, %add3A_522 : vector<4x1x1xi32>
      %select_n3A_539 = arith.select %and3A_534, %sub3A_538, %select_n3A_530 : vector<4x1x1xi1>, vector<4x1x1xi32>
      %add3A_540 = arith.addi %add3A_531, %broadcast_in_dim3A_467 : vector<4x1x1xi32>
      %ge3A_541 = arith.cmpi sge, %add3A_540, %select_n3A_354 : vector<4x1x1xi32>
      %lt3A_542 = arith.cmpi slt, %add3A_531, %select_n3A_354 : vector<4x1x1xi32>
      %and3A_543 = arith.andi %ge3A_541, %lt3A_542 : vector<4x1x1xi1>
      %jit3A_544 = arith.constant 11 : i32
      %broadcast_in_dim3A_545 = vector.broadcast %jit3A_544 : i32 to vector<4x1x1xi32>
      %select_n3A_546 = arith.select %and3A_543, %broadcast_in_dim3A_545, %select_n3A_537 : vector<4x1x1xi1>, vector<4x1x1xi32>
      %sub3A_547 = arith.subi %select_n3A_354, %add3A_531 : vector<4x1x1xi32>
      %select_n3A_548 = arith.select %and3A_543, %sub3A_547, %select_n3A_539 : vector<4x1x1xi1>, vector<4x1x1xi32>
      %add3A_549 = arith.addi %add3A_540, %broadcast_in_dim3A_459 : vector<4x1x1xi32>
      %ge3A_550 = arith.cmpi sge, %add3A_549, %select_n3A_354 : vector<4x1x1xi32>
      %lt3A_551 = arith.cmpi slt, %add3A_540, %select_n3A_354 : vector<4x1x1xi32>
      %and3A_552 = arith.andi %ge3A_550, %lt3A_551 : vector<4x1x1xi1>
      %jit3A_553 = arith.constant 10 : i32
      %broadcast_in_dim3A_554 = vector.broadcast %jit3A_553 : i32 to vector<4x1x1xi32>
      %select_n3A_555 = arith.select %and3A_552, %broadcast_in_dim3A_554, %select_n3A_546 : vector<4x1x1xi1>, vector<4x1x1xi32>
      %sub3A_556 = arith.subi %select_n3A_354, %add3A_540 : vector<4x1x1xi32>
      %select_n3A_557 = arith.select %and3A_552, %sub3A_556, %select_n3A_548 : vector<4x1x1xi1>, vector<4x1x1xi32>
      %add3A_558 = arith.addi %add3A_549, %broadcast_in_dim3A_451 : vector<4x1x1xi32>
      %ge3A_559 = arith.cmpi sge, %add3A_558, %select_n3A_354 : vector<4x1x1xi32>
      %lt3A_560 = arith.cmpi slt, %add3A_549, %select_n3A_354 : vector<4x1x1xi32>
      %and3A_561 = arith.andi %ge3A_559, %lt3A_560 : vector<4x1x1xi1>
      %jit3A_562 = arith.constant 9 : i32
      %broadcast_in_dim3A_563 = vector.broadcast %jit3A_562 : i32 to vector<4x1x1xi32>
      %select_n3A_564 = arith.select %and3A_561, %broadcast_in_dim3A_563, %select_n3A_555 : vector<4x1x1xi1>, vector<4x1x1xi32>
      %sub3A_565 = arith.subi %select_n3A_354, %add3A_549 : vector<4x1x1xi32>
      %select_n3A_566 = arith.select %and3A_561, %sub3A_565, %select_n3A_557 : vector<4x1x1xi1>, vector<4x1x1xi32>
      %add3A_567 = arith.addi %add3A_558, %broadcast_in_dim3A_443 : vector<4x1x1xi32>
      %ge3A_568 = arith.cmpi sge, %add3A_567, %select_n3A_354 : vector<4x1x1xi32>
      %lt3A_569 = arith.cmpi slt, %add3A_558, %select_n3A_354 : vector<4x1x1xi32>
      %and3A_570 = arith.andi %ge3A_568, %lt3A_569 : vector<4x1x1xi1>
      %jit3A_571 = arith.constant 8 : i32
      %broadcast_in_dim3A_572 = vector.broadcast %jit3A_571 : i32 to vector<4x1x1xi32>
      %select_n3A_573 = arith.select %and3A_570, %broadcast_in_dim3A_572, %select_n3A_564 : vector<4x1x1xi1>, vector<4x1x1xi32>
      %sub3A_574 = arith.subi %select_n3A_354, %add3A_558 : vector<4x1x1xi32>
      %select_n3A_575 = arith.select %and3A_570, %sub3A_574, %select_n3A_566 : vector<4x1x1xi1>, vector<4x1x1xi32>
      %add3A_576 = arith.addi %add3A_567, %broadcast_in_dim3A_435 : vector<4x1x1xi32>
      %ge3A_577 = arith.cmpi sge, %add3A_576, %select_n3A_354 : vector<4x1x1xi32>
      %lt3A_578 = arith.cmpi slt, %add3A_567, %select_n3A_354 : vector<4x1x1xi32>
      %and3A_579 = arith.andi %ge3A_577, %lt3A_578 : vector<4x1x1xi1>
      %jit3A_580 = arith.constant 7 : i32
      %broadcast_in_dim3A_581 = vector.broadcast %jit3A_580 : i32 to vector<4x1x1xi32>
      %select_n3A_582 = arith.select %and3A_579, %broadcast_in_dim3A_581, %select_n3A_573 : vector<4x1x1xi1>, vector<4x1x1xi32>
      %sub3A_583 = arith.subi %select_n3A_354, %add3A_567 : vector<4x1x1xi32>
      %select_n3A_584 = arith.select %and3A_579, %sub3A_583, %select_n3A_575 : vector<4x1x1xi1>, vector<4x1x1xi32>
      %add3A_585 = arith.addi %add3A_576, %broadcast_in_dim3A_427 : vector<4x1x1xi32>
      %ge3A_586 = arith.cmpi sge, %add3A_585, %select_n3A_354 : vector<4x1x1xi32>
      %lt3A_587 = arith.cmpi slt, %add3A_576, %select_n3A_354 : vector<4x1x1xi32>
      %and3A_588 = arith.andi %ge3A_586, %lt3A_587 : vector<4x1x1xi1>
      %jit3A_589 = arith.constant 6 : i32
      %broadcast_in_dim3A_590 = vector.broadcast %jit3A_589 : i32 to vector<4x1x1xi32>
      %select_n3A_591 = arith.select %and3A_588, %broadcast_in_dim3A_590, %select_n3A_582 : vector<4x1x1xi1>, vector<4x1x1xi32>
      %sub3A_592 = arith.subi %select_n3A_354, %add3A_576 : vector<4x1x1xi32>
      %select_n3A_593 = arith.select %and3A_588, %sub3A_592, %select_n3A_584 : vector<4x1x1xi1>, vector<4x1x1xi32>
      %add3A_594 = arith.addi %add3A_585, %broadcast_in_dim3A_419 : vector<4x1x1xi32>
      %ge3A_595 = arith.cmpi sge, %add3A_594, %select_n3A_354 : vector<4x1x1xi32>
      %lt3A_596 = arith.cmpi slt, %add3A_585, %select_n3A_354 : vector<4x1x1xi32>
      %and3A_597 = arith.andi %ge3A_595, %lt3A_596 : vector<4x1x1xi1>
      %jit3A_598 = arith.constant 5 : i32
      %broadcast_in_dim3A_599 = vector.broadcast %jit3A_598 : i32 to vector<4x1x1xi32>
      %select_n3A_600 = arith.select %and3A_597, %broadcast_in_dim3A_599, %select_n3A_591 : vector<4x1x1xi1>, vector<4x1x1xi32>
      %sub3A_601 = arith.subi %select_n3A_354, %add3A_585 : vector<4x1x1xi32>
      %select_n3A_602 = arith.select %and3A_597, %sub3A_601, %select_n3A_593 : vector<4x1x1xi1>, vector<4x1x1xi32>
      %add3A_603 = arith.addi %add3A_594, %broadcast_in_dim3A_411 : vector<4x1x1xi32>
      %ge3A_604 = arith.cmpi sge, %add3A_603, %select_n3A_354 : vector<4x1x1xi32>
      %lt3A_605 = arith.cmpi slt, %add3A_594, %select_n3A_354 : vector<4x1x1xi32>
      %and3A_606 = arith.andi %ge3A_604, %lt3A_605 : vector<4x1x1xi1>
      %jit3A_607 = arith.constant 4 : i32
      %broadcast_in_dim3A_608 = vector.broadcast %jit3A_607 : i32 to vector<4x1x1xi32>
      %select_n3A_609 = arith.select %and3A_606, %broadcast_in_dim3A_608, %select_n3A_600 : vector<4x1x1xi1>, vector<4x1x1xi32>
      %sub3A_610 = arith.subi %select_n3A_354, %add3A_594 : vector<4x1x1xi32>
      %select_n3A_611 = arith.select %and3A_606, %sub3A_610, %select_n3A_602 : vector<4x1x1xi1>, vector<4x1x1xi32>
      %add3A_612 = arith.addi %add3A_603, %broadcast_in_dim3A_403 : vector<4x1x1xi32>
      %ge3A_613 = arith.cmpi sge, %add3A_612, %select_n3A_354 : vector<4x1x1xi32>
      %lt3A_614 = arith.cmpi slt, %add3A_603, %select_n3A_354 : vector<4x1x1xi32>
      %and3A_615 = arith.andi %ge3A_613, %lt3A_614 : vector<4x1x1xi1>
      %jit3A_616 = arith.constant 3 : i32
      %broadcast_in_dim3A_617 = vector.broadcast %jit3A_616 : i32 to vector<4x1x1xi32>
      %select_n3A_618 = arith.select %and3A_615, %broadcast_in_dim3A_617, %select_n3A_609 : vector<4x1x1xi1>, vector<4x1x1xi32>
      %sub3A_619 = arith.subi %select_n3A_354, %add3A_603 : vector<4x1x1xi32>
      %select_n3A_620 = arith.select %and3A_615, %sub3A_619, %select_n3A_611 : vector<4x1x1xi1>, vector<4x1x1xi32>
      %add3A_621 = arith.addi %add3A_612, %broadcast_in_dim3A_395 : vector<4x1x1xi32>
      %ge3A_622 = arith.cmpi sge, %add3A_621, %select_n3A_354 : vector<4x1x1xi32>
      %lt3A_623 = arith.cmpi slt, %add3A_612, %select_n3A_354 : vector<4x1x1xi32>
      %and3A_624 = arith.andi %ge3A_622, %lt3A_623 : vector<4x1x1xi1>
      %jit3A_625 = arith.constant 2 : i32
      %broadcast_in_dim3A_626 = vector.broadcast %jit3A_625 : i32 to vector<4x1x1xi32>
      %select_n3A_627 = arith.select %and3A_624, %broadcast_in_dim3A_626, %select_n3A_618 : vector<4x1x1xi1>, vector<4x1x1xi32>
      %sub3A_628 = arith.subi %select_n3A_354, %add3A_612 : vector<4x1x1xi32>
      %select_n3A_629 = arith.select %and3A_624, %sub3A_628, %select_n3A_620 : vector<4x1x1xi1>, vector<4x1x1xi32>
      %add3A_630 = arith.addi %add3A_621, %broadcast_in_dim3A_387 : vector<4x1x1xi32>
      %ge3A_631 = arith.cmpi sge, %add3A_630, %select_n3A_354 : vector<4x1x1xi32>
      %lt3A_632 = arith.cmpi slt, %add3A_621, %select_n3A_354 : vector<4x1x1xi32>
      %and3A_633 = arith.andi %ge3A_631, %lt3A_632 : vector<4x1x1xi1>
      %jit3A_634 = arith.constant 1 : i32
      %broadcast_in_dim3A_635 = vector.broadcast %jit3A_634 : i32 to vector<4x1x1xi32>
      %select_n3A_636 = arith.select %and3A_633, %broadcast_in_dim3A_635, %select_n3A_627 : vector<4x1x1xi1>, vector<4x1x1xi32>
      %sub3A_637 = arith.subi %select_n3A_354, %add3A_621 : vector<4x1x1xi32>
      %select_n3A_638 = arith.select %and3A_633, %sub3A_637, %select_n3A_629 : vector<4x1x1xi1>, vector<4x1x1xi32>
      %add3A_639 = arith.addi %add3A_630, %broadcast_in_dim3A_379 : vector<4x1x1xi32>
      %ge3A_640 = arith.cmpi sge, %add3A_639, %select_n3A_354 : vector<4x1x1xi32>
      %lt3A_641 = arith.cmpi slt, %add3A_630, %select_n3A_354 : vector<4x1x1xi32>
      %and3A_642 = arith.andi %ge3A_640, %lt3A_641 : vector<4x1x1xi1>
      %jit3A_643 = arith.constant 0 : i32
      %broadcast_in_dim3A_644 = vector.broadcast %jit3A_643 : i32 to vector<4x1x1xi32>
      %select_n3A_645 = arith.select %and3A_642, %broadcast_in_dim3A_644, %select_n3A_636 : vector<4x1x1xi1>, vector<4x1x1xi32>
      %sub3A_646 = arith.subi %select_n3A_354, %add3A_630 : vector<4x1x1xi32>
      %select_n3A_647 = arith.select %and3A_642, %sub3A_646, %select_n3A_638 : vector<4x1x1xi1>, vector<4x1x1xi32>
      %shift_left3A_648 = arith.constant 24 : i32
      %shift_left3A_649 = vector.broadcast %shift_left3A_648 : i32 to vector<4x1x1xi32>
      %shift_left3A_650 = arith.shli %select_n3A_645, %shift_left3A_649 : vector<4x1x1xi32>
      %or3A_651 = arith.ori %or3A, %shift_left3A_650 : vector<4x1x1xi32>
      %shift_right_logical3A_652 = arith.constant 24 : i32
      %shift_right_logical3A_653 = vector.broadcast %shift_right_logical3A_652 : i32 to vector<4x8x1024xi32>
      %shift_right_logical3A_654 = arith.shrui %xor3A_63, %shift_right_logical3A_653 : vector<4x8x1024xi32>
      %shift_right_logical3A_655 = arith.constant 24 : i32
      %shift_right_logical3A_656 = vector.broadcast %shift_right_logical3A_655 : i32 to vector<4x1x1xi32>
      %shift_right_logical3A_657 = arith.shrui %or3A_651, %shift_right_logical3A_656 : vector<4x1x1xi32>
      %eq3A_658 = vector.broadcast %shift_right_logical3A_657 : vector<4x1x1xi32> to vector<4x8x1024xi32>
      %eq3A_659 = arith.cmpi eq, %shift_right_logical3A_654, %eq3A_658 : vector<4x8x1024xi32>
      %and3A_660 = arith.andi %broadcast_in_dim3A_64, %eq3A_659 : vector<4x8x1024xi1>
      %shift_right_logical3A_661 = arith.constant 20 : i32
      %shift_right_logical3A_662 = vector.broadcast %shift_right_logical3A_661 : i32 to vector<4x8x1024xi32>
      %shift_right_logical3A_663 = arith.shrui %xor3A_63, %shift_right_logical3A_662 : vector<4x8x1024xi32>
      %and3A_664 = arith.constant 15 : i32
      %and3A_665 = vector.broadcast %and3A_664 : i32 to vector<4x8x1024xi32>
      %and3A_666 = arith.andi %shift_right_logical3A_663, %and3A_665 : vector<4x8x1024xi32>
      %eq3A_667 = arith.constant 0 : i32
      %eq3A_668 = vector.broadcast %eq3A_667 : i32 to vector<4x8x1024xi32>
      %eq3A_669 = arith.cmpi eq, %and3A_666, %eq3A_668 : vector<4x8x1024xi32>
      %and3A_670 = arith.andi %and3A_660, %eq3A_669 : vector<4x8x1024xi1>
      %convert_element_type3A_671 = arith.extui %and3A_670 : vector<4x8x1024xi1> to vector<4x8x1024xi32>
      %reduce_sum3A_672 = arith.constant dense<0> : vector<4xi32>
      %reduce_sum3A_673 = vector.multi_reduction <add>, %convert_element_type3A_671, %reduce_sum3A_672 [1, 2] : vector<4x8x1024xi32> to vector<4xi32>
      %broadcast_in_dim3A_674 = vector.shape_cast %reduce_sum3A_673 : vector<4xi32> to vector<4x1x1xi32>
      %eq3A_675 = arith.constant 1 : i32
      %eq3A_676 = vector.broadcast %eq3A_675 : i32 to vector<4x8x1024xi32>
      %eq3A_677 = arith.cmpi eq, %and3A_666, %eq3A_676 : vector<4x8x1024xi32>
      %and3A_678 = arith.andi %and3A_660, %eq3A_677 : vector<4x8x1024xi1>
      %convert_element_type3A_679 = arith.extui %and3A_678 : vector<4x8x1024xi1> to vector<4x8x1024xi32>
      %reduce_sum3A_680 = arith.constant dense<0> : vector<4xi32>
      %reduce_sum3A_681 = vector.multi_reduction <add>, %convert_element_type3A_679, %reduce_sum3A_680 [1, 2] : vector<4x8x1024xi32> to vector<4xi32>
      %broadcast_in_dim3A_682 = vector.shape_cast %reduce_sum3A_681 : vector<4xi32> to vector<4x1x1xi32>
      %eq3A_683 = arith.constant 2 : i32
      %eq3A_684 = vector.broadcast %eq3A_683 : i32 to vector<4x8x1024xi32>
      %eq3A_685 = arith.cmpi eq, %and3A_666, %eq3A_684 : vector<4x8x1024xi32>
      %and3A_686 = arith.andi %and3A_660, %eq3A_685 : vector<4x8x1024xi1>
      %convert_element_type3A_687 = arith.extui %and3A_686 : vector<4x8x1024xi1> to vector<4x8x1024xi32>
      %reduce_sum3A_688 = arith.constant dense<0> : vector<4xi32>
      %reduce_sum3A_689 = vector.multi_reduction <add>, %convert_element_type3A_687, %reduce_sum3A_688 [1, 2] : vector<4x8x1024xi32> to vector<4xi32>
      %broadcast_in_dim3A_690 = vector.shape_cast %reduce_sum3A_689 : vector<4xi32> to vector<4x1x1xi32>
      %eq3A_691 = arith.constant 3 : i32
      %eq3A_692 = vector.broadcast %eq3A_691 : i32 to vector<4x8x1024xi32>
      %eq3A_693 = arith.cmpi eq, %and3A_666, %eq3A_692 : vector<4x8x1024xi32>
      %and3A_694 = arith.andi %and3A_660, %eq3A_693 : vector<4x8x1024xi1>
      %convert_element_type3A_695 = arith.extui %and3A_694 : vector<4x8x1024xi1> to vector<4x8x1024xi32>
      %reduce_sum3A_696 = arith.constant dense<0> : vector<4xi32>
      %reduce_sum3A_697 = vector.multi_reduction <add>, %convert_element_type3A_695, %reduce_sum3A_696 [1, 2] : vector<4x8x1024xi32> to vector<4xi32>
      %broadcast_in_dim3A_698 = vector.shape_cast %reduce_sum3A_697 : vector<4xi32> to vector<4x1x1xi32>
      %eq3A_699 = arith.constant 4 : i32
      %eq3A_700 = vector.broadcast %eq3A_699 : i32 to vector<4x8x1024xi32>
      %eq3A_701 = arith.cmpi eq, %and3A_666, %eq3A_700 : vector<4x8x1024xi32>
      %and3A_702 = arith.andi %and3A_660, %eq3A_701 : vector<4x8x1024xi1>
      %convert_element_type3A_703 = arith.extui %and3A_702 : vector<4x8x1024xi1> to vector<4x8x1024xi32>
      %reduce_sum3A_704 = arith.constant dense<0> : vector<4xi32>
      %reduce_sum3A_705 = vector.multi_reduction <add>, %convert_element_type3A_703, %reduce_sum3A_704 [1, 2] : vector<4x8x1024xi32> to vector<4xi32>
      %broadcast_in_dim3A_706 = vector.shape_cast %reduce_sum3A_705 : vector<4xi32> to vector<4x1x1xi32>
      %eq3A_707 = arith.constant 5 : i32
      %eq3A_708 = vector.broadcast %eq3A_707 : i32 to vector<4x8x1024xi32>
      %eq3A_709 = arith.cmpi eq, %and3A_666, %eq3A_708 : vector<4x8x1024xi32>
      %and3A_710 = arith.andi %and3A_660, %eq3A_709 : vector<4x8x1024xi1>
      %convert_element_type3A_711 = arith.extui %and3A_710 : vector<4x8x1024xi1> to vector<4x8x1024xi32>
      %reduce_sum3A_712 = arith.constant dense<0> : vector<4xi32>
      %reduce_sum3A_713 = vector.multi_reduction <add>, %convert_element_type3A_711, %reduce_sum3A_712 [1, 2] : vector<4x8x1024xi32> to vector<4xi32>
      %broadcast_in_dim3A_714 = vector.shape_cast %reduce_sum3A_713 : vector<4xi32> to vector<4x1x1xi32>
      %eq3A_715 = arith.constant 6 : i32
      %eq3A_716 = vector.broadcast %eq3A_715 : i32 to vector<4x8x1024xi32>
      %eq3A_717 = arith.cmpi eq, %and3A_666, %eq3A_716 : vector<4x8x1024xi32>
      %and3A_718 = arith.andi %and3A_660, %eq3A_717 : vector<4x8x1024xi1>
      %convert_element_type3A_719 = arith.extui %and3A_718 : vector<4x8x1024xi1> to vector<4x8x1024xi32>
      %reduce_sum3A_720 = arith.constant dense<0> : vector<4xi32>
      %reduce_sum3A_721 = vector.multi_reduction <add>, %convert_element_type3A_719, %reduce_sum3A_720 [1, 2] : vector<4x8x1024xi32> to vector<4xi32>
      %broadcast_in_dim3A_722 = vector.shape_cast %reduce_sum3A_721 : vector<4xi32> to vector<4x1x1xi32>
      %eq3A_723 = arith.constant 7 : i32
      %eq3A_724 = vector.broadcast %eq3A_723 : i32 to vector<4x8x1024xi32>
      %eq3A_725 = arith.cmpi eq, %and3A_666, %eq3A_724 : vector<4x8x1024xi32>
      %and3A_726 = arith.andi %and3A_660, %eq3A_725 : vector<4x8x1024xi1>
      %convert_element_type3A_727 = arith.extui %and3A_726 : vector<4x8x1024xi1> to vector<4x8x1024xi32>
      %reduce_sum3A_728 = arith.constant dense<0> : vector<4xi32>
      %reduce_sum3A_729 = vector.multi_reduction <add>, %convert_element_type3A_727, %reduce_sum3A_728 [1, 2] : vector<4x8x1024xi32> to vector<4xi32>
      %broadcast_in_dim3A_730 = vector.shape_cast %reduce_sum3A_729 : vector<4xi32> to vector<4x1x1xi32>
      %eq3A_731 = arith.constant 8 : i32
      %eq3A_732 = vector.broadcast %eq3A_731 : i32 to vector<4x8x1024xi32>
      %eq3A_733 = arith.cmpi eq, %and3A_666, %eq3A_732 : vector<4x8x1024xi32>
      %and3A_734 = arith.andi %and3A_660, %eq3A_733 : vector<4x8x1024xi1>
      %convert_element_type3A_735 = arith.extui %and3A_734 : vector<4x8x1024xi1> to vector<4x8x1024xi32>
      %reduce_sum3A_736 = arith.constant dense<0> : vector<4xi32>
      %reduce_sum3A_737 = vector.multi_reduction <add>, %convert_element_type3A_735, %reduce_sum3A_736 [1, 2] : vector<4x8x1024xi32> to vector<4xi32>
      %broadcast_in_dim3A_738 = vector.shape_cast %reduce_sum3A_737 : vector<4xi32> to vector<4x1x1xi32>
      %eq3A_739 = arith.constant 9 : i32
      %eq3A_740 = vector.broadcast %eq3A_739 : i32 to vector<4x8x1024xi32>
      %eq3A_741 = arith.cmpi eq, %and3A_666, %eq3A_740 : vector<4x8x1024xi32>
      %and3A_742 = arith.andi %and3A_660, %eq3A_741 : vector<4x8x1024xi1>
      %convert_element_type3A_743 = arith.extui %and3A_742 : vector<4x8x1024xi1> to vector<4x8x1024xi32>
      %reduce_sum3A_744 = arith.constant dense<0> : vector<4xi32>
      %reduce_sum3A_745 = vector.multi_reduction <add>, %convert_element_type3A_743, %reduce_sum3A_744 [1, 2] : vector<4x8x1024xi32> to vector<4xi32>
      %broadcast_in_dim3A_746 = vector.shape_cast %reduce_sum3A_745 : vector<4xi32> to vector<4x1x1xi32>
      %eq3A_747 = arith.constant 10 : i32
      %eq3A_748 = vector.broadcast %eq3A_747 : i32 to vector<4x8x1024xi32>
      %eq3A_749 = arith.cmpi eq, %and3A_666, %eq3A_748 : vector<4x8x1024xi32>
      %and3A_750 = arith.andi %and3A_660, %eq3A_749 : vector<4x8x1024xi1>
      %convert_element_type3A_751 = arith.extui %and3A_750 : vector<4x8x1024xi1> to vector<4x8x1024xi32>
      %reduce_sum3A_752 = arith.constant dense<0> : vector<4xi32>
      %reduce_sum3A_753 = vector.multi_reduction <add>, %convert_element_type3A_751, %reduce_sum3A_752 [1, 2] : vector<4x8x1024xi32> to vector<4xi32>
      %broadcast_in_dim3A_754 = vector.shape_cast %reduce_sum3A_753 : vector<4xi32> to vector<4x1x1xi32>
      %eq3A_755 = arith.constant 11 : i32
      %eq3A_756 = vector.broadcast %eq3A_755 : i32 to vector<4x8x1024xi32>
      %eq3A_757 = arith.cmpi eq, %and3A_666, %eq3A_756 : vector<4x8x1024xi32>
      %and3A_758 = arith.andi %and3A_660, %eq3A_757 : vector<4x8x1024xi1>
      %convert_element_type3A_759 = arith.extui %and3A_758 : vector<4x8x1024xi1> to vector<4x8x1024xi32>
      %reduce_sum3A_760 = arith.constant dense<0> : vector<4xi32>
      %reduce_sum3A_761 = vector.multi_reduction <add>, %convert_element_type3A_759, %reduce_sum3A_760 [1, 2] : vector<4x8x1024xi32> to vector<4xi32>
      %broadcast_in_dim3A_762 = vector.shape_cast %reduce_sum3A_761 : vector<4xi32> to vector<4x1x1xi32>
      %eq3A_763 = arith.constant 12 : i32
      %eq3A_764 = vector.broadcast %eq3A_763 : i32 to vector<4x8x1024xi32>
      %eq3A_765 = arith.cmpi eq, %and3A_666, %eq3A_764 : vector<4x8x1024xi32>
      %and3A_766 = arith.andi %and3A_660, %eq3A_765 : vector<4x8x1024xi1>
      %convert_element_type3A_767 = arith.extui %and3A_766 : vector<4x8x1024xi1> to vector<4x8x1024xi32>
      %reduce_sum3A_768 = arith.constant dense<0> : vector<4xi32>
      %reduce_sum3A_769 = vector.multi_reduction <add>, %convert_element_type3A_767, %reduce_sum3A_768 [1, 2] : vector<4x8x1024xi32> to vector<4xi32>
      %broadcast_in_dim3A_770 = vector.shape_cast %reduce_sum3A_769 : vector<4xi32> to vector<4x1x1xi32>
      %eq3A_771 = arith.constant 13 : i32
      %eq3A_772 = vector.broadcast %eq3A_771 : i32 to vector<4x8x1024xi32>
      %eq3A_773 = arith.cmpi eq, %and3A_666, %eq3A_772 : vector<4x8x1024xi32>
      %and3A_774 = arith.andi %and3A_660, %eq3A_773 : vector<4x8x1024xi1>
      %convert_element_type3A_775 = arith.extui %and3A_774 : vector<4x8x1024xi1> to vector<4x8x1024xi32>
      %reduce_sum3A_776 = arith.constant dense<0> : vector<4xi32>
      %reduce_sum3A_777 = vector.multi_reduction <add>, %convert_element_type3A_775, %reduce_sum3A_776 [1, 2] : vector<4x8x1024xi32> to vector<4xi32>
      %broadcast_in_dim3A_778 = vector.shape_cast %reduce_sum3A_777 : vector<4xi32> to vector<4x1x1xi32>
      %eq3A_779 = arith.constant 14 : i32
      %eq3A_780 = vector.broadcast %eq3A_779 : i32 to vector<4x8x1024xi32>
      %eq3A_781 = arith.cmpi eq, %and3A_666, %eq3A_780 : vector<4x8x1024xi32>
      %and3A_782 = arith.andi %and3A_660, %eq3A_781 : vector<4x8x1024xi1>
      %convert_element_type3A_783 = arith.extui %and3A_782 : vector<4x8x1024xi1> to vector<4x8x1024xi32>
      %reduce_sum3A_784 = arith.constant dense<0> : vector<4xi32>
      %reduce_sum3A_785 = vector.multi_reduction <add>, %convert_element_type3A_783, %reduce_sum3A_784 [1, 2] : vector<4x8x1024xi32> to vector<4xi32>
      %broadcast_in_dim3A_786 = vector.shape_cast %reduce_sum3A_785 : vector<4xi32> to vector<4x1x1xi32>
      %eq3A_787 = arith.constant 15 : i32
      %eq3A_788 = vector.broadcast %eq3A_787 : i32 to vector<4x8x1024xi32>
      %eq3A_789 = arith.cmpi eq, %and3A_666, %eq3A_788 : vector<4x8x1024xi32>
      %and3A_790 = arith.andi %and3A_660, %eq3A_789 : vector<4x8x1024xi1>
      %convert_element_type3A_791 = arith.extui %and3A_790 : vector<4x8x1024xi1> to vector<4x8x1024xi32>
      %reduce_sum3A_792 = arith.constant dense<0> : vector<4xi32>
      %reduce_sum3A_793 = vector.multi_reduction <add>, %convert_element_type3A_791, %reduce_sum3A_792 [1, 2] : vector<4x8x1024xi32> to vector<4xi32>
      %broadcast_in_dim3A_794 = vector.shape_cast %reduce_sum3A_793 : vector<4xi32> to vector<4x1x1xi32>
      %broadcast_in_dim3A_795 = arith.constant 0 : i32
      %broadcast_in_dim3A_796 = vector.broadcast %broadcast_in_dim3A_795 : i32 to vector<4x1x1xi32>
      %broadcast_in_dim3A_797 = arith.constant 0 : i32
      %broadcast_in_dim3A_798 = vector.broadcast %broadcast_in_dim3A_797 : i32 to vector<4x1x1xi32>
      %add3A_799 = arith.addi %broadcast_in_dim3A_796, %broadcast_in_dim3A_794 : vector<4x1x1xi32>
      %ge3A_800 = arith.cmpi sge, %add3A_799, %select_n3A_647 : vector<4x1x1xi32>
      %lt3A_801 = arith.cmpi slt, %broadcast_in_dim3A_796, %select_n3A_647 : vector<4x1x1xi32>
      %and3A_802 = arith.andi %ge3A_800, %lt3A_801 : vector<4x1x1xi1>
      %jit3A_803 = arith.constant 15 : i32
      %broadcast_in_dim3A_804 = vector.broadcast %jit3A_803 : i32 to vector<4x1x1xi32>
      %select_n3A_805 = arith.select %and3A_802, %broadcast_in_dim3A_804, %broadcast_in_dim3A_798 : vector<4x1x1xi1>, vector<4x1x1xi32>
      %sub3A_806 = arith.subi %select_n3A_647, %broadcast_in_dim3A_796 : vector<4x1x1xi32>
      %select_n3A_807 = arith.select %and3A_802, %sub3A_806, %select_n3A_647 : vector<4x1x1xi1>, vector<4x1x1xi32>
      %add3A_808 = arith.addi %add3A_799, %broadcast_in_dim3A_786 : vector<4x1x1xi32>
      %ge3A_809 = arith.cmpi sge, %add3A_808, %select_n3A_647 : vector<4x1x1xi32>
      %lt3A_810 = arith.cmpi slt, %add3A_799, %select_n3A_647 : vector<4x1x1xi32>
      %and3A_811 = arith.andi %ge3A_809, %lt3A_810 : vector<4x1x1xi1>
      %jit3A_812 = arith.constant 14 : i32
      %broadcast_in_dim3A_813 = vector.broadcast %jit3A_812 : i32 to vector<4x1x1xi32>
      %select_n3A_814 = arith.select %and3A_811, %broadcast_in_dim3A_813, %select_n3A_805 : vector<4x1x1xi1>, vector<4x1x1xi32>
      %sub3A_815 = arith.subi %select_n3A_647, %add3A_799 : vector<4x1x1xi32>
      %select_n3A_816 = arith.select %and3A_811, %sub3A_815, %select_n3A_807 : vector<4x1x1xi1>, vector<4x1x1xi32>
      %add3A_817 = arith.addi %add3A_808, %broadcast_in_dim3A_778 : vector<4x1x1xi32>
      %ge3A_818 = arith.cmpi sge, %add3A_817, %select_n3A_647 : vector<4x1x1xi32>
      %lt3A_819 = arith.cmpi slt, %add3A_808, %select_n3A_647 : vector<4x1x1xi32>
      %and3A_820 = arith.andi %ge3A_818, %lt3A_819 : vector<4x1x1xi1>
      %jit3A_821 = arith.constant 13 : i32
      %broadcast_in_dim3A_822 = vector.broadcast %jit3A_821 : i32 to vector<4x1x1xi32>
      %select_n3A_823 = arith.select %and3A_820, %broadcast_in_dim3A_822, %select_n3A_814 : vector<4x1x1xi1>, vector<4x1x1xi32>
      %sub3A_824 = arith.subi %select_n3A_647, %add3A_808 : vector<4x1x1xi32>
      %select_n3A_825 = arith.select %and3A_820, %sub3A_824, %select_n3A_816 : vector<4x1x1xi1>, vector<4x1x1xi32>
      %add3A_826 = arith.addi %add3A_817, %broadcast_in_dim3A_770 : vector<4x1x1xi32>
      %ge3A_827 = arith.cmpi sge, %add3A_826, %select_n3A_647 : vector<4x1x1xi32>
      %lt3A_828 = arith.cmpi slt, %add3A_817, %select_n3A_647 : vector<4x1x1xi32>
      %and3A_829 = arith.andi %ge3A_827, %lt3A_828 : vector<4x1x1xi1>
      %jit3A_830 = arith.constant 12 : i32
      %broadcast_in_dim3A_831 = vector.broadcast %jit3A_830 : i32 to vector<4x1x1xi32>
      %select_n3A_832 = arith.select %and3A_829, %broadcast_in_dim3A_831, %select_n3A_823 : vector<4x1x1xi1>, vector<4x1x1xi32>
      %sub3A_833 = arith.subi %select_n3A_647, %add3A_817 : vector<4x1x1xi32>
      %select_n3A_834 = arith.select %and3A_829, %sub3A_833, %select_n3A_825 : vector<4x1x1xi1>, vector<4x1x1xi32>
      %add3A_835 = arith.addi %add3A_826, %broadcast_in_dim3A_762 : vector<4x1x1xi32>
      %ge3A_836 = arith.cmpi sge, %add3A_835, %select_n3A_647 : vector<4x1x1xi32>
      %lt3A_837 = arith.cmpi slt, %add3A_826, %select_n3A_647 : vector<4x1x1xi32>
      %and3A_838 = arith.andi %ge3A_836, %lt3A_837 : vector<4x1x1xi1>
      %jit3A_839 = arith.constant 11 : i32
      %broadcast_in_dim3A_840 = vector.broadcast %jit3A_839 : i32 to vector<4x1x1xi32>
      %select_n3A_841 = arith.select %and3A_838, %broadcast_in_dim3A_840, %select_n3A_832 : vector<4x1x1xi1>, vector<4x1x1xi32>
      %sub3A_842 = arith.subi %select_n3A_647, %add3A_826 : vector<4x1x1xi32>
      %select_n3A_843 = arith.select %and3A_838, %sub3A_842, %select_n3A_834 : vector<4x1x1xi1>, vector<4x1x1xi32>
      %add3A_844 = arith.addi %add3A_835, %broadcast_in_dim3A_754 : vector<4x1x1xi32>
      %ge3A_845 = arith.cmpi sge, %add3A_844, %select_n3A_647 : vector<4x1x1xi32>
      %lt3A_846 = arith.cmpi slt, %add3A_835, %select_n3A_647 : vector<4x1x1xi32>
      %and3A_847 = arith.andi %ge3A_845, %lt3A_846 : vector<4x1x1xi1>
      %jit3A_848 = arith.constant 10 : i32
      %broadcast_in_dim3A_849 = vector.broadcast %jit3A_848 : i32 to vector<4x1x1xi32>
      %select_n3A_850 = arith.select %and3A_847, %broadcast_in_dim3A_849, %select_n3A_841 : vector<4x1x1xi1>, vector<4x1x1xi32>
      %sub3A_851 = arith.subi %select_n3A_647, %add3A_835 : vector<4x1x1xi32>
      %select_n3A_852 = arith.select %and3A_847, %sub3A_851, %select_n3A_843 : vector<4x1x1xi1>, vector<4x1x1xi32>
      %add3A_853 = arith.addi %add3A_844, %broadcast_in_dim3A_746 : vector<4x1x1xi32>
      %ge3A_854 = arith.cmpi sge, %add3A_853, %select_n3A_647 : vector<4x1x1xi32>
      %lt3A_855 = arith.cmpi slt, %add3A_844, %select_n3A_647 : vector<4x1x1xi32>
      %and3A_856 = arith.andi %ge3A_854, %lt3A_855 : vector<4x1x1xi1>
      %jit3A_857 = arith.constant 9 : i32
      %broadcast_in_dim3A_858 = vector.broadcast %jit3A_857 : i32 to vector<4x1x1xi32>
      %select_n3A_859 = arith.select %and3A_856, %broadcast_in_dim3A_858, %select_n3A_850 : vector<4x1x1xi1>, vector<4x1x1xi32>
      %sub3A_860 = arith.subi %select_n3A_647, %add3A_844 : vector<4x1x1xi32>
      %select_n3A_861 = arith.select %and3A_856, %sub3A_860, %select_n3A_852 : vector<4x1x1xi1>, vector<4x1x1xi32>
      %add3A_862 = arith.addi %add3A_853, %broadcast_in_dim3A_738 : vector<4x1x1xi32>
      %ge3A_863 = arith.cmpi sge, %add3A_862, %select_n3A_647 : vector<4x1x1xi32>
      %lt3A_864 = arith.cmpi slt, %add3A_853, %select_n3A_647 : vector<4x1x1xi32>
      %and3A_865 = arith.andi %ge3A_863, %lt3A_864 : vector<4x1x1xi1>
      %jit3A_866 = arith.constant 8 : i32
      %broadcast_in_dim3A_867 = vector.broadcast %jit3A_866 : i32 to vector<4x1x1xi32>
      %select_n3A_868 = arith.select %and3A_865, %broadcast_in_dim3A_867, %select_n3A_859 : vector<4x1x1xi1>, vector<4x1x1xi32>
      %sub3A_869 = arith.subi %select_n3A_647, %add3A_853 : vector<4x1x1xi32>
      %select_n3A_870 = arith.select %and3A_865, %sub3A_869, %select_n3A_861 : vector<4x1x1xi1>, vector<4x1x1xi32>
      %add3A_871 = arith.addi %add3A_862, %broadcast_in_dim3A_730 : vector<4x1x1xi32>
      %ge3A_872 = arith.cmpi sge, %add3A_871, %select_n3A_647 : vector<4x1x1xi32>
      %lt3A_873 = arith.cmpi slt, %add3A_862, %select_n3A_647 : vector<4x1x1xi32>
      %and3A_874 = arith.andi %ge3A_872, %lt3A_873 : vector<4x1x1xi1>
      %jit3A_875 = arith.constant 7 : i32
      %broadcast_in_dim3A_876 = vector.broadcast %jit3A_875 : i32 to vector<4x1x1xi32>
      %select_n3A_877 = arith.select %and3A_874, %broadcast_in_dim3A_876, %select_n3A_868 : vector<4x1x1xi1>, vector<4x1x1xi32>
      %sub3A_878 = arith.subi %select_n3A_647, %add3A_862 : vector<4x1x1xi32>
      %select_n3A_879 = arith.select %and3A_874, %sub3A_878, %select_n3A_870 : vector<4x1x1xi1>, vector<4x1x1xi32>
      %add3A_880 = arith.addi %add3A_871, %broadcast_in_dim3A_722 : vector<4x1x1xi32>
      %ge3A_881 = arith.cmpi sge, %add3A_880, %select_n3A_647 : vector<4x1x1xi32>
      %lt3A_882 = arith.cmpi slt, %add3A_871, %select_n3A_647 : vector<4x1x1xi32>
      %and3A_883 = arith.andi %ge3A_881, %lt3A_882 : vector<4x1x1xi1>
      %jit3A_884 = arith.constant 6 : i32
      %broadcast_in_dim3A_885 = vector.broadcast %jit3A_884 : i32 to vector<4x1x1xi32>
      %select_n3A_886 = arith.select %and3A_883, %broadcast_in_dim3A_885, %select_n3A_877 : vector<4x1x1xi1>, vector<4x1x1xi32>
      %sub3A_887 = arith.subi %select_n3A_647, %add3A_871 : vector<4x1x1xi32>
      %select_n3A_888 = arith.select %and3A_883, %sub3A_887, %select_n3A_879 : vector<4x1x1xi1>, vector<4x1x1xi32>
      %add3A_889 = arith.addi %add3A_880, %broadcast_in_dim3A_714 : vector<4x1x1xi32>
      %ge3A_890 = arith.cmpi sge, %add3A_889, %select_n3A_647 : vector<4x1x1xi32>
      %lt3A_891 = arith.cmpi slt, %add3A_880, %select_n3A_647 : vector<4x1x1xi32>
      %and3A_892 = arith.andi %ge3A_890, %lt3A_891 : vector<4x1x1xi1>
      %jit3A_893 = arith.constant 5 : i32
      %broadcast_in_dim3A_894 = vector.broadcast %jit3A_893 : i32 to vector<4x1x1xi32>
      %select_n3A_895 = arith.select %and3A_892, %broadcast_in_dim3A_894, %select_n3A_886 : vector<4x1x1xi1>, vector<4x1x1xi32>
      %sub3A_896 = arith.subi %select_n3A_647, %add3A_880 : vector<4x1x1xi32>
      %select_n3A_897 = arith.select %and3A_892, %sub3A_896, %select_n3A_888 : vector<4x1x1xi1>, vector<4x1x1xi32>
      %add3A_898 = arith.addi %add3A_889, %broadcast_in_dim3A_706 : vector<4x1x1xi32>
      %ge3A_899 = arith.cmpi sge, %add3A_898, %select_n3A_647 : vector<4x1x1xi32>
      %lt3A_900 = arith.cmpi slt, %add3A_889, %select_n3A_647 : vector<4x1x1xi32>
      %and3A_901 = arith.andi %ge3A_899, %lt3A_900 : vector<4x1x1xi1>
      %jit3A_902 = arith.constant 4 : i32
      %broadcast_in_dim3A_903 = vector.broadcast %jit3A_902 : i32 to vector<4x1x1xi32>
      %select_n3A_904 = arith.select %and3A_901, %broadcast_in_dim3A_903, %select_n3A_895 : vector<4x1x1xi1>, vector<4x1x1xi32>
      %sub3A_905 = arith.subi %select_n3A_647, %add3A_889 : vector<4x1x1xi32>
      %select_n3A_906 = arith.select %and3A_901, %sub3A_905, %select_n3A_897 : vector<4x1x1xi1>, vector<4x1x1xi32>
      %add3A_907 = arith.addi %add3A_898, %broadcast_in_dim3A_698 : vector<4x1x1xi32>
      %ge3A_908 = arith.cmpi sge, %add3A_907, %select_n3A_647 : vector<4x1x1xi32>
      %lt3A_909 = arith.cmpi slt, %add3A_898, %select_n3A_647 : vector<4x1x1xi32>
      %and3A_910 = arith.andi %ge3A_908, %lt3A_909 : vector<4x1x1xi1>
      %jit3A_911 = arith.constant 3 : i32
      %broadcast_in_dim3A_912 = vector.broadcast %jit3A_911 : i32 to vector<4x1x1xi32>
      %select_n3A_913 = arith.select %and3A_910, %broadcast_in_dim3A_912, %select_n3A_904 : vector<4x1x1xi1>, vector<4x1x1xi32>
      %sub3A_914 = arith.subi %select_n3A_647, %add3A_898 : vector<4x1x1xi32>
      %select_n3A_915 = arith.select %and3A_910, %sub3A_914, %select_n3A_906 : vector<4x1x1xi1>, vector<4x1x1xi32>
      %add3A_916 = arith.addi %add3A_907, %broadcast_in_dim3A_690 : vector<4x1x1xi32>
      %ge3A_917 = arith.cmpi sge, %add3A_916, %select_n3A_647 : vector<4x1x1xi32>
      %lt3A_918 = arith.cmpi slt, %add3A_907, %select_n3A_647 : vector<4x1x1xi32>
      %and3A_919 = arith.andi %ge3A_917, %lt3A_918 : vector<4x1x1xi1>
      %jit3A_920 = arith.constant 2 : i32
      %broadcast_in_dim3A_921 = vector.broadcast %jit3A_920 : i32 to vector<4x1x1xi32>
      %select_n3A_922 = arith.select %and3A_919, %broadcast_in_dim3A_921, %select_n3A_913 : vector<4x1x1xi1>, vector<4x1x1xi32>
      %sub3A_923 = arith.subi %select_n3A_647, %add3A_907 : vector<4x1x1xi32>
      %select_n3A_924 = arith.select %and3A_919, %sub3A_923, %select_n3A_915 : vector<4x1x1xi1>, vector<4x1x1xi32>
      %add3A_925 = arith.addi %add3A_916, %broadcast_in_dim3A_682 : vector<4x1x1xi32>
      %ge3A_926 = arith.cmpi sge, %add3A_925, %select_n3A_647 : vector<4x1x1xi32>
      %lt3A_927 = arith.cmpi slt, %add3A_916, %select_n3A_647 : vector<4x1x1xi32>
      %and3A_928 = arith.andi %ge3A_926, %lt3A_927 : vector<4x1x1xi1>
      %jit3A_929 = arith.constant 1 : i32
      %broadcast_in_dim3A_930 = vector.broadcast %jit3A_929 : i32 to vector<4x1x1xi32>
      %select_n3A_931 = arith.select %and3A_928, %broadcast_in_dim3A_930, %select_n3A_922 : vector<4x1x1xi1>, vector<4x1x1xi32>
      %sub3A_932 = arith.subi %select_n3A_647, %add3A_916 : vector<4x1x1xi32>
      %select_n3A_933 = arith.select %and3A_928, %sub3A_932, %select_n3A_924 : vector<4x1x1xi1>, vector<4x1x1xi32>
      %add3A_934 = arith.addi %add3A_925, %broadcast_in_dim3A_674 : vector<4x1x1xi32>
      %ge3A_935 = arith.cmpi sge, %add3A_934, %select_n3A_647 : vector<4x1x1xi32>
      %lt3A_936 = arith.cmpi slt, %add3A_925, %select_n3A_647 : vector<4x1x1xi32>
      %and3A_937 = arith.andi %ge3A_935, %lt3A_936 : vector<4x1x1xi1>
      %jit3A_938 = arith.constant 0 : i32
      %broadcast_in_dim3A_939 = vector.broadcast %jit3A_938 : i32 to vector<4x1x1xi32>
      %select_n3A_940 = arith.select %and3A_937, %broadcast_in_dim3A_939, %select_n3A_931 : vector<4x1x1xi1>, vector<4x1x1xi32>
      %sub3A_941 = arith.subi %select_n3A_647, %add3A_925 : vector<4x1x1xi32>
      %select_n3A_942 = arith.select %and3A_937, %sub3A_941, %select_n3A_933 : vector<4x1x1xi1>, vector<4x1x1xi32>
      %shift_left3A_943 = arith.constant 20 : i32
      %shift_left3A_944 = vector.broadcast %shift_left3A_943 : i32 to vector<4x1x1xi32>
      %shift_left3A_945 = arith.shli %select_n3A_940, %shift_left3A_944 : vector<4x1x1xi32>
      %or3A_946 = arith.ori %or3A_651, %shift_left3A_945 : vector<4x1x1xi32>
      %shift_right_logical3A_947 = arith.constant 20 : i32
      %shift_right_logical3A_948 = vector.broadcast %shift_right_logical3A_947 : i32 to vector<4x8x1024xi32>
      %shift_right_logical3A_949 = arith.shrui %xor3A_63, %shift_right_logical3A_948 : vector<4x8x1024xi32>
      %shift_right_logical3A_950 = arith.constant 20 : i32
      %shift_right_logical3A_951 = vector.broadcast %shift_right_logical3A_950 : i32 to vector<4x1x1xi32>
      %shift_right_logical3A_952 = arith.shrui %or3A_946, %shift_right_logical3A_951 : vector<4x1x1xi32>
      %eq3A_953 = vector.broadcast %shift_right_logical3A_952 : vector<4x1x1xi32> to vector<4x8x1024xi32>
      %eq3A_954 = arith.cmpi eq, %shift_right_logical3A_949, %eq3A_953 : vector<4x8x1024xi32>
      %and3A_955 = arith.andi %broadcast_in_dim3A_64, %eq3A_954 : vector<4x8x1024xi1>
      %shift_right_logical3A_956 = arith.constant 16 : i32
      %shift_right_logical3A_957 = vector.broadcast %shift_right_logical3A_956 : i32 to vector<4x8x1024xi32>
      %shift_right_logical3A_958 = arith.shrui %xor3A_63, %shift_right_logical3A_957 : vector<4x8x1024xi32>
      %and3A_959 = arith.constant 15 : i32
      %and3A_960 = vector.broadcast %and3A_959 : i32 to vector<4x8x1024xi32>
      %and3A_961 = arith.andi %shift_right_logical3A_958, %and3A_960 : vector<4x8x1024xi32>
      %eq3A_962 = arith.constant 0 : i32
      %eq3A_963 = vector.broadcast %eq3A_962 : i32 to vector<4x8x1024xi32>
      %eq3A_964 = arith.cmpi eq, %and3A_961, %eq3A_963 : vector<4x8x1024xi32>
      %and3A_965 = arith.andi %and3A_955, %eq3A_964 : vector<4x8x1024xi1>
      %convert_element_type3A_966 = arith.extui %and3A_965 : vector<4x8x1024xi1> to vector<4x8x1024xi32>
      %reduce_sum3A_967 = arith.constant dense<0> : vector<4xi32>
      %reduce_sum3A_968 = vector.multi_reduction <add>, %convert_element_type3A_966, %reduce_sum3A_967 [1, 2] : vector<4x8x1024xi32> to vector<4xi32>
      %broadcast_in_dim3A_969 = vector.shape_cast %reduce_sum3A_968 : vector<4xi32> to vector<4x1x1xi32>
      %eq3A_970 = arith.constant 1 : i32
      %eq3A_971 = vector.broadcast %eq3A_970 : i32 to vector<4x8x1024xi32>
      %eq3A_972 = arith.cmpi eq, %and3A_961, %eq3A_971 : vector<4x8x1024xi32>
      %and3A_973 = arith.andi %and3A_955, %eq3A_972 : vector<4x8x1024xi1>
      %convert_element_type3A_974 = arith.extui %and3A_973 : vector<4x8x1024xi1> to vector<4x8x1024xi32>
      %reduce_sum3A_975 = arith.constant dense<0> : vector<4xi32>
      %reduce_sum3A_976 = vector.multi_reduction <add>, %convert_element_type3A_974, %reduce_sum3A_975 [1, 2] : vector<4x8x1024xi32> to vector<4xi32>
      %broadcast_in_dim3A_977 = vector.shape_cast %reduce_sum3A_976 : vector<4xi32> to vector<4x1x1xi32>
      %eq3A_978 = arith.constant 2 : i32
      %eq3A_979 = vector.broadcast %eq3A_978 : i32 to vector<4x8x1024xi32>
      %eq3A_980 = arith.cmpi eq, %and3A_961, %eq3A_979 : vector<4x8x1024xi32>
      %and3A_981 = arith.andi %and3A_955, %eq3A_980 : vector<4x8x1024xi1>
      %convert_element_type3A_982 = arith.extui %and3A_981 : vector<4x8x1024xi1> to vector<4x8x1024xi32>
      %reduce_sum3A_983 = arith.constant dense<0> : vector<4xi32>
      %reduce_sum3A_984 = vector.multi_reduction <add>, %convert_element_type3A_982, %reduce_sum3A_983 [1, 2] : vector<4x8x1024xi32> to vector<4xi32>
      %broadcast_in_dim3A_985 = vector.shape_cast %reduce_sum3A_984 : vector<4xi32> to vector<4x1x1xi32>
      %eq3A_986 = arith.constant 3 : i32
      %eq3A_987 = vector.broadcast %eq3A_986 : i32 to vector<4x8x1024xi32>
      %eq3A_988 = arith.cmpi eq, %and3A_961, %eq3A_987 : vector<4x8x1024xi32>
      %and3A_989 = arith.andi %and3A_955, %eq3A_988 : vector<4x8x1024xi1>
      %convert_element_type3A_990 = arith.extui %and3A_989 : vector<4x8x1024xi1> to vector<4x8x1024xi32>
      %reduce_sum3A_991 = arith.constant dense<0> : vector<4xi32>
      %reduce_sum3A_992 = vector.multi_reduction <add>, %convert_element_type3A_990, %reduce_sum3A_991 [1, 2] : vector<4x8x1024xi32> to vector<4xi32>
      %broadcast_in_dim3A_993 = vector.shape_cast %reduce_sum3A_992 : vector<4xi32> to vector<4x1x1xi32>
      %eq3A_994 = arith.constant 4 : i32
      %eq3A_995 = vector.broadcast %eq3A_994 : i32 to vector<4x8x1024xi32>
      %eq3A_996 = arith.cmpi eq, %and3A_961, %eq3A_995 : vector<4x8x1024xi32>
      %and3A_997 = arith.andi %and3A_955, %eq3A_996 : vector<4x8x1024xi1>
      %convert_element_type3A_998 = arith.extui %and3A_997 : vector<4x8x1024xi1> to vector<4x8x1024xi32>
      %reduce_sum3A_999 = arith.constant dense<0> : vector<4xi32>
      %reduce_sum3A_1000 = vector.multi_reduction <add>, %convert_element_type3A_998, %reduce_sum3A_999 [1, 2] : vector<4x8x1024xi32> to vector<4xi32>
      %broadcast_in_dim3A_1001 = vector.shape_cast %reduce_sum3A_1000 : vector<4xi32> to vector<4x1x1xi32>
      %eq3A_1002 = arith.constant 5 : i32
      %eq3A_1003 = vector.broadcast %eq3A_1002 : i32 to vector<4x8x1024xi32>
      %eq3A_1004 = arith.cmpi eq, %and3A_961, %eq3A_1003 : vector<4x8x1024xi32>
      %and3A_1005 = arith.andi %and3A_955, %eq3A_1004 : vector<4x8x1024xi1>
      %convert_element_type3A_1006 = arith.extui %and3A_1005 : vector<4x8x1024xi1> to vector<4x8x1024xi32>
      %reduce_sum3A_1007 = arith.constant dense<0> : vector<4xi32>
      %reduce_sum3A_1008 = vector.multi_reduction <add>, %convert_element_type3A_1006, %reduce_sum3A_1007 [1, 2] : vector<4x8x1024xi32> to vector<4xi32>
      %broadcast_in_dim3A_1009 = vector.shape_cast %reduce_sum3A_1008 : vector<4xi32> to vector<4x1x1xi32>
      %eq3A_1010 = arith.constant 6 : i32
      %eq3A_1011 = vector.broadcast %eq3A_1010 : i32 to vector<4x8x1024xi32>
      %eq3A_1012 = arith.cmpi eq, %and3A_961, %eq3A_1011 : vector<4x8x1024xi32>
      %and3A_1013 = arith.andi %and3A_955, %eq3A_1012 : vector<4x8x1024xi1>
      %convert_element_type3A_1014 = arith.extui %and3A_1013 : vector<4x8x1024xi1> to vector<4x8x1024xi32>
      %reduce_sum3A_1015 = arith.constant dense<0> : vector<4xi32>
      %reduce_sum3A_1016 = vector.multi_reduction <add>, %convert_element_type3A_1014, %reduce_sum3A_1015 [1, 2] : vector<4x8x1024xi32> to vector<4xi32>
      %broadcast_in_dim3A_1017 = vector.shape_cast %reduce_sum3A_1016 : vector<4xi32> to vector<4x1x1xi32>
      %eq3A_1018 = arith.constant 7 : i32
      %eq3A_1019 = vector.broadcast %eq3A_1018 : i32 to vector<4x8x1024xi32>
      %eq3A_1020 = arith.cmpi eq, %and3A_961, %eq3A_1019 : vector<4x8x1024xi32>
      %and3A_1021 = arith.andi %and3A_955, %eq3A_1020 : vector<4x8x1024xi1>
      %convert_element_type3A_1022 = arith.extui %and3A_1021 : vector<4x8x1024xi1> to vector<4x8x1024xi32>
      %reduce_sum3A_1023 = arith.constant dense<0> : vector<4xi32>
      %reduce_sum3A_1024 = vector.multi_reduction <add>, %convert_element_type3A_1022, %reduce_sum3A_1023 [1, 2] : vector<4x8x1024xi32> to vector<4xi32>
      %broadcast_in_dim3A_1025 = vector.shape_cast %reduce_sum3A_1024 : vector<4xi32> to vector<4x1x1xi32>
      %eq3A_1026 = arith.constant 8 : i32
      %eq3A_1027 = vector.broadcast %eq3A_1026 : i32 to vector<4x8x1024xi32>
      %eq3A_1028 = arith.cmpi eq, %and3A_961, %eq3A_1027 : vector<4x8x1024xi32>
      %and3A_1029 = arith.andi %and3A_955, %eq3A_1028 : vector<4x8x1024xi1>
      %convert_element_type3A_1030 = arith.extui %and3A_1029 : vector<4x8x1024xi1> to vector<4x8x1024xi32>
      %reduce_sum3A_1031 = arith.constant dense<0> : vector<4xi32>
      %reduce_sum3A_1032 = vector.multi_reduction <add>, %convert_element_type3A_1030, %reduce_sum3A_1031 [1, 2] : vector<4x8x1024xi32> to vector<4xi32>
      %broadcast_in_dim3A_1033 = vector.shape_cast %reduce_sum3A_1032 : vector<4xi32> to vector<4x1x1xi32>
      %eq3A_1034 = arith.constant 9 : i32
      %eq3A_1035 = vector.broadcast %eq3A_1034 : i32 to vector<4x8x1024xi32>
      %eq3A_1036 = arith.cmpi eq, %and3A_961, %eq3A_1035 : vector<4x8x1024xi32>
      %and3A_1037 = arith.andi %and3A_955, %eq3A_1036 : vector<4x8x1024xi1>
      %convert_element_type3A_1038 = arith.extui %and3A_1037 : vector<4x8x1024xi1> to vector<4x8x1024xi32>
      %reduce_sum3A_1039 = arith.constant dense<0> : vector<4xi32>
      %reduce_sum3A_1040 = vector.multi_reduction <add>, %convert_element_type3A_1038, %reduce_sum3A_1039 [1, 2] : vector<4x8x1024xi32> to vector<4xi32>
      %broadcast_in_dim3A_1041 = vector.shape_cast %reduce_sum3A_1040 : vector<4xi32> to vector<4x1x1xi32>
      %eq3A_1042 = arith.constant 10 : i32
      %eq3A_1043 = vector.broadcast %eq3A_1042 : i32 to vector<4x8x1024xi32>
      %eq3A_1044 = arith.cmpi eq, %and3A_961, %eq3A_1043 : vector<4x8x1024xi32>
      %and3A_1045 = arith.andi %and3A_955, %eq3A_1044 : vector<4x8x1024xi1>
      %convert_element_type3A_1046 = arith.extui %and3A_1045 : vector<4x8x1024xi1> to vector<4x8x1024xi32>
      %reduce_sum3A_1047 = arith.constant dense<0> : vector<4xi32>
      %reduce_sum3A_1048 = vector.multi_reduction <add>, %convert_element_type3A_1046, %reduce_sum3A_1047 [1, 2] : vector<4x8x1024xi32> to vector<4xi32>
      %broadcast_in_dim3A_1049 = vector.shape_cast %reduce_sum3A_1048 : vector<4xi32> to vector<4x1x1xi32>
      %eq3A_1050 = arith.constant 11 : i32
      %eq3A_1051 = vector.broadcast %eq3A_1050 : i32 to vector<4x8x1024xi32>
      %eq3A_1052 = arith.cmpi eq, %and3A_961, %eq3A_1051 : vector<4x8x1024xi32>
      %and3A_1053 = arith.andi %and3A_955, %eq3A_1052 : vector<4x8x1024xi1>
      %convert_element_type3A_1054 = arith.extui %and3A_1053 : vector<4x8x1024xi1> to vector<4x8x1024xi32>
      %reduce_sum3A_1055 = arith.constant dense<0> : vector<4xi32>
      %reduce_sum3A_1056 = vector.multi_reduction <add>, %convert_element_type3A_1054, %reduce_sum3A_1055 [1, 2] : vector<4x8x1024xi32> to vector<4xi32>
      %broadcast_in_dim3A_1057 = vector.shape_cast %reduce_sum3A_1056 : vector<4xi32> to vector<4x1x1xi32>
      %eq3A_1058 = arith.constant 12 : i32
      %eq3A_1059 = vector.broadcast %eq3A_1058 : i32 to vector<4x8x1024xi32>
      %eq3A_1060 = arith.cmpi eq, %and3A_961, %eq3A_1059 : vector<4x8x1024xi32>
      %and3A_1061 = arith.andi %and3A_955, %eq3A_1060 : vector<4x8x1024xi1>
      %convert_element_type3A_1062 = arith.extui %and3A_1061 : vector<4x8x1024xi1> to vector<4x8x1024xi32>
      %reduce_sum3A_1063 = arith.constant dense<0> : vector<4xi32>
      %reduce_sum3A_1064 = vector.multi_reduction <add>, %convert_element_type3A_1062, %reduce_sum3A_1063 [1, 2] : vector<4x8x1024xi32> to vector<4xi32>
      %broadcast_in_dim3A_1065 = vector.shape_cast %reduce_sum3A_1064 : vector<4xi32> to vector<4x1x1xi32>
      %eq3A_1066 = arith.constant 13 : i32
      %eq3A_1067 = vector.broadcast %eq3A_1066 : i32 to vector<4x8x1024xi32>
      %eq3A_1068 = arith.cmpi eq, %and3A_961, %eq3A_1067 : vector<4x8x1024xi32>
      %and3A_1069 = arith.andi %and3A_955, %eq3A_1068 : vector<4x8x1024xi1>
      %convert_element_type3A_1070 = arith.extui %and3A_1069 : vector<4x8x1024xi1> to vector<4x8x1024xi32>
      %reduce_sum3A_1071 = arith.constant dense<0> : vector<4xi32>
      %reduce_sum3A_1072 = vector.multi_reduction <add>, %convert_element_type3A_1070, %reduce_sum3A_1071 [1, 2] : vector<4x8x1024xi32> to vector<4xi32>
      %broadcast_in_dim3A_1073 = vector.shape_cast %reduce_sum3A_1072 : vector<4xi32> to vector<4x1x1xi32>
      %eq3A_1074 = arith.constant 14 : i32
      %eq3A_1075 = vector.broadcast %eq3A_1074 : i32 to vector<4x8x1024xi32>
      %eq3A_1076 = arith.cmpi eq, %and3A_961, %eq3A_1075 : vector<4x8x1024xi32>
      %and3A_1077 = arith.andi %and3A_955, %eq3A_1076 : vector<4x8x1024xi1>
      %convert_element_type3A_1078 = arith.extui %and3A_1077 : vector<4x8x1024xi1> to vector<4x8x1024xi32>
      %reduce_sum3A_1079 = arith.constant dense<0> : vector<4xi32>
      %reduce_sum3A_1080 = vector.multi_reduction <add>, %convert_element_type3A_1078, %reduce_sum3A_1079 [1, 2] : vector<4x8x1024xi32> to vector<4xi32>
      %broadcast_in_dim3A_1081 = vector.shape_cast %reduce_sum3A_1080 : vector<4xi32> to vector<4x1x1xi32>
      %eq3A_1082 = arith.constant 15 : i32
      %eq3A_1083 = vector.broadcast %eq3A_1082 : i32 to vector<4x8x1024xi32>
      %eq3A_1084 = arith.cmpi eq, %and3A_961, %eq3A_1083 : vector<4x8x1024xi32>
      %and3A_1085 = arith.andi %and3A_955, %eq3A_1084 : vector<4x8x1024xi1>
      %convert_element_type3A_1086 = arith.extui %and3A_1085 : vector<4x8x1024xi1> to vector<4x8x1024xi32>
      %reduce_sum3A_1087 = arith.constant dense<0> : vector<4xi32>
      %reduce_sum3A_1088 = vector.multi_reduction <add>, %convert_element_type3A_1086, %reduce_sum3A_1087 [1, 2] : vector<4x8x1024xi32> to vector<4xi32>
      %broadcast_in_dim3A_1089 = vector.shape_cast %reduce_sum3A_1088 : vector<4xi32> to vector<4x1x1xi32>
      %broadcast_in_dim3A_1090 = arith.constant 0 : i32
      %broadcast_in_dim3A_1091 = vector.broadcast %broadcast_in_dim3A_1090 : i32 to vector<4x1x1xi32>
      %broadcast_in_dim3A_1092 = arith.constant 0 : i32
      %broadcast_in_dim3A_1093 = vector.broadcast %broadcast_in_dim3A_1092 : i32 to vector<4x1x1xi32>
      %add3A_1094 = arith.addi %broadcast_in_dim3A_1091, %broadcast_in_dim3A_1089 : vector<4x1x1xi32>
      %ge3A_1095 = arith.cmpi sge, %add3A_1094, %select_n3A_942 : vector<4x1x1xi32>
      %lt3A_1096 = arith.cmpi slt, %broadcast_in_dim3A_1091, %select_n3A_942 : vector<4x1x1xi32>
      %and3A_1097 = arith.andi %ge3A_1095, %lt3A_1096 : vector<4x1x1xi1>
      %jit3A_1098 = arith.constant 15 : i32
      %broadcast_in_dim3A_1099 = vector.broadcast %jit3A_1098 : i32 to vector<4x1x1xi32>
      %select_n3A_1100 = arith.select %and3A_1097, %broadcast_in_dim3A_1099, %broadcast_in_dim3A_1093 : vector<4x1x1xi1>, vector<4x1x1xi32>
      %sub3A_1101 = arith.subi %select_n3A_942, %broadcast_in_dim3A_1091 : vector<4x1x1xi32>
      %select_n3A_1102 = arith.select %and3A_1097, %sub3A_1101, %select_n3A_942 : vector<4x1x1xi1>, vector<4x1x1xi32>
      %add3A_1103 = arith.addi %add3A_1094, %broadcast_in_dim3A_1081 : vector<4x1x1xi32>
      %ge3A_1104 = arith.cmpi sge, %add3A_1103, %select_n3A_942 : vector<4x1x1xi32>
      %lt3A_1105 = arith.cmpi slt, %add3A_1094, %select_n3A_942 : vector<4x1x1xi32>
      %and3A_1106 = arith.andi %ge3A_1104, %lt3A_1105 : vector<4x1x1xi1>
      %jit3A_1107 = arith.constant 14 : i32
      %broadcast_in_dim3A_1108 = vector.broadcast %jit3A_1107 : i32 to vector<4x1x1xi32>
      %select_n3A_1109 = arith.select %and3A_1106, %broadcast_in_dim3A_1108, %select_n3A_1100 : vector<4x1x1xi1>, vector<4x1x1xi32>
      %sub3A_1110 = arith.subi %select_n3A_942, %add3A_1094 : vector<4x1x1xi32>
      %select_n3A_1111 = arith.select %and3A_1106, %sub3A_1110, %select_n3A_1102 : vector<4x1x1xi1>, vector<4x1x1xi32>
      %add3A_1112 = arith.addi %add3A_1103, %broadcast_in_dim3A_1073 : vector<4x1x1xi32>
      %ge3A_1113 = arith.cmpi sge, %add3A_1112, %select_n3A_942 : vector<4x1x1xi32>
      %lt3A_1114 = arith.cmpi slt, %add3A_1103, %select_n3A_942 : vector<4x1x1xi32>
      %and3A_1115 = arith.andi %ge3A_1113, %lt3A_1114 : vector<4x1x1xi1>
      %jit3A_1116 = arith.constant 13 : i32
      %broadcast_in_dim3A_1117 = vector.broadcast %jit3A_1116 : i32 to vector<4x1x1xi32>
      %select_n3A_1118 = arith.select %and3A_1115, %broadcast_in_dim3A_1117, %select_n3A_1109 : vector<4x1x1xi1>, vector<4x1x1xi32>
      %sub3A_1119 = arith.subi %select_n3A_942, %add3A_1103 : vector<4x1x1xi32>
      %select_n3A_1120 = arith.select %and3A_1115, %sub3A_1119, %select_n3A_1111 : vector<4x1x1xi1>, vector<4x1x1xi32>
      %add3A_1121 = arith.addi %add3A_1112, %broadcast_in_dim3A_1065 : vector<4x1x1xi32>
      %ge3A_1122 = arith.cmpi sge, %add3A_1121, %select_n3A_942 : vector<4x1x1xi32>
      %lt3A_1123 = arith.cmpi slt, %add3A_1112, %select_n3A_942 : vector<4x1x1xi32>
      %and3A_1124 = arith.andi %ge3A_1122, %lt3A_1123 : vector<4x1x1xi1>
      %jit3A_1125 = arith.constant 12 : i32
      %broadcast_in_dim3A_1126 = vector.broadcast %jit3A_1125 : i32 to vector<4x1x1xi32>
      %select_n3A_1127 = arith.select %and3A_1124, %broadcast_in_dim3A_1126, %select_n3A_1118 : vector<4x1x1xi1>, vector<4x1x1xi32>
      %sub3A_1128 = arith.subi %select_n3A_942, %add3A_1112 : vector<4x1x1xi32>
      %select_n3A_1129 = arith.select %and3A_1124, %sub3A_1128, %select_n3A_1120 : vector<4x1x1xi1>, vector<4x1x1xi32>
      %add3A_1130 = arith.addi %add3A_1121, %broadcast_in_dim3A_1057 : vector<4x1x1xi32>
      %ge3A_1131 = arith.cmpi sge, %add3A_1130, %select_n3A_942 : vector<4x1x1xi32>
      %lt3A_1132 = arith.cmpi slt, %add3A_1121, %select_n3A_942 : vector<4x1x1xi32>
      %and3A_1133 = arith.andi %ge3A_1131, %lt3A_1132 : vector<4x1x1xi1>
      %jit3A_1134 = arith.constant 11 : i32
      %broadcast_in_dim3A_1135 = vector.broadcast %jit3A_1134 : i32 to vector<4x1x1xi32>
      %select_n3A_1136 = arith.select %and3A_1133, %broadcast_in_dim3A_1135, %select_n3A_1127 : vector<4x1x1xi1>, vector<4x1x1xi32>
      %sub3A_1137 = arith.subi %select_n3A_942, %add3A_1121 : vector<4x1x1xi32>
      %select_n3A_1138 = arith.select %and3A_1133, %sub3A_1137, %select_n3A_1129 : vector<4x1x1xi1>, vector<4x1x1xi32>
      %add3A_1139 = arith.addi %add3A_1130, %broadcast_in_dim3A_1049 : vector<4x1x1xi32>
      %ge3A_1140 = arith.cmpi sge, %add3A_1139, %select_n3A_942 : vector<4x1x1xi32>
      %lt3A_1141 = arith.cmpi slt, %add3A_1130, %select_n3A_942 : vector<4x1x1xi32>
      %and3A_1142 = arith.andi %ge3A_1140, %lt3A_1141 : vector<4x1x1xi1>
      %jit3A_1143 = arith.constant 10 : i32
      %broadcast_in_dim3A_1144 = vector.broadcast %jit3A_1143 : i32 to vector<4x1x1xi32>
      %select_n3A_1145 = arith.select %and3A_1142, %broadcast_in_dim3A_1144, %select_n3A_1136 : vector<4x1x1xi1>, vector<4x1x1xi32>
      %sub3A_1146 = arith.subi %select_n3A_942, %add3A_1130 : vector<4x1x1xi32>
      %select_n3A_1147 = arith.select %and3A_1142, %sub3A_1146, %select_n3A_1138 : vector<4x1x1xi1>, vector<4x1x1xi32>
      %add3A_1148 = arith.addi %add3A_1139, %broadcast_in_dim3A_1041 : vector<4x1x1xi32>
      %ge3A_1149 = arith.cmpi sge, %add3A_1148, %select_n3A_942 : vector<4x1x1xi32>
      %lt3A_1150 = arith.cmpi slt, %add3A_1139, %select_n3A_942 : vector<4x1x1xi32>
      %and3A_1151 = arith.andi %ge3A_1149, %lt3A_1150 : vector<4x1x1xi1>
      %jit3A_1152 = arith.constant 9 : i32
      %broadcast_in_dim3A_1153 = vector.broadcast %jit3A_1152 : i32 to vector<4x1x1xi32>
      %select_n3A_1154 = arith.select %and3A_1151, %broadcast_in_dim3A_1153, %select_n3A_1145 : vector<4x1x1xi1>, vector<4x1x1xi32>
      %sub3A_1155 = arith.subi %select_n3A_942, %add3A_1139 : vector<4x1x1xi32>
      %select_n3A_1156 = arith.select %and3A_1151, %sub3A_1155, %select_n3A_1147 : vector<4x1x1xi1>, vector<4x1x1xi32>
      %add3A_1157 = arith.addi %add3A_1148, %broadcast_in_dim3A_1033 : vector<4x1x1xi32>
      %ge3A_1158 = arith.cmpi sge, %add3A_1157, %select_n3A_942 : vector<4x1x1xi32>
      %lt3A_1159 = arith.cmpi slt, %add3A_1148, %select_n3A_942 : vector<4x1x1xi32>
      %and3A_1160 = arith.andi %ge3A_1158, %lt3A_1159 : vector<4x1x1xi1>
      %jit3A_1161 = arith.constant 8 : i32
      %broadcast_in_dim3A_1162 = vector.broadcast %jit3A_1161 : i32 to vector<4x1x1xi32>
      %select_n3A_1163 = arith.select %and3A_1160, %broadcast_in_dim3A_1162, %select_n3A_1154 : vector<4x1x1xi1>, vector<4x1x1xi32>
      %sub3A_1164 = arith.subi %select_n3A_942, %add3A_1148 : vector<4x1x1xi32>
      %select_n3A_1165 = arith.select %and3A_1160, %sub3A_1164, %select_n3A_1156 : vector<4x1x1xi1>, vector<4x1x1xi32>
      %add3A_1166 = arith.addi %add3A_1157, %broadcast_in_dim3A_1025 : vector<4x1x1xi32>
      %ge3A_1167 = arith.cmpi sge, %add3A_1166, %select_n3A_942 : vector<4x1x1xi32>
      %lt3A_1168 = arith.cmpi slt, %add3A_1157, %select_n3A_942 : vector<4x1x1xi32>
      %and3A_1169 = arith.andi %ge3A_1167, %lt3A_1168 : vector<4x1x1xi1>
      %jit3A_1170 = arith.constant 7 : i32
      %broadcast_in_dim3A_1171 = vector.broadcast %jit3A_1170 : i32 to vector<4x1x1xi32>
      %select_n3A_1172 = arith.select %and3A_1169, %broadcast_in_dim3A_1171, %select_n3A_1163 : vector<4x1x1xi1>, vector<4x1x1xi32>
      %sub3A_1173 = arith.subi %select_n3A_942, %add3A_1157 : vector<4x1x1xi32>
      %select_n3A_1174 = arith.select %and3A_1169, %sub3A_1173, %select_n3A_1165 : vector<4x1x1xi1>, vector<4x1x1xi32>
      %add3A_1175 = arith.addi %add3A_1166, %broadcast_in_dim3A_1017 : vector<4x1x1xi32>
      %ge3A_1176 = arith.cmpi sge, %add3A_1175, %select_n3A_942 : vector<4x1x1xi32>
      %lt3A_1177 = arith.cmpi slt, %add3A_1166, %select_n3A_942 : vector<4x1x1xi32>
      %and3A_1178 = arith.andi %ge3A_1176, %lt3A_1177 : vector<4x1x1xi1>
      %jit3A_1179 = arith.constant 6 : i32
      %broadcast_in_dim3A_1180 = vector.broadcast %jit3A_1179 : i32 to vector<4x1x1xi32>
      %select_n3A_1181 = arith.select %and3A_1178, %broadcast_in_dim3A_1180, %select_n3A_1172 : vector<4x1x1xi1>, vector<4x1x1xi32>
      %sub3A_1182 = arith.subi %select_n3A_942, %add3A_1166 : vector<4x1x1xi32>
      %select_n3A_1183 = arith.select %and3A_1178, %sub3A_1182, %select_n3A_1174 : vector<4x1x1xi1>, vector<4x1x1xi32>
      %add3A_1184 = arith.addi %add3A_1175, %broadcast_in_dim3A_1009 : vector<4x1x1xi32>
      %ge3A_1185 = arith.cmpi sge, %add3A_1184, %select_n3A_942 : vector<4x1x1xi32>
      %lt3A_1186 = arith.cmpi slt, %add3A_1175, %select_n3A_942 : vector<4x1x1xi32>
      %and3A_1187 = arith.andi %ge3A_1185, %lt3A_1186 : vector<4x1x1xi1>
      %jit3A_1188 = arith.constant 5 : i32
      %broadcast_in_dim3A_1189 = vector.broadcast %jit3A_1188 : i32 to vector<4x1x1xi32>
      %select_n3A_1190 = arith.select %and3A_1187, %broadcast_in_dim3A_1189, %select_n3A_1181 : vector<4x1x1xi1>, vector<4x1x1xi32>
      %sub3A_1191 = arith.subi %select_n3A_942, %add3A_1175 : vector<4x1x1xi32>
      %select_n3A_1192 = arith.select %and3A_1187, %sub3A_1191, %select_n3A_1183 : vector<4x1x1xi1>, vector<4x1x1xi32>
      %add3A_1193 = arith.addi %add3A_1184, %broadcast_in_dim3A_1001 : vector<4x1x1xi32>
      %ge3A_1194 = arith.cmpi sge, %add3A_1193, %select_n3A_942 : vector<4x1x1xi32>
      %lt3A_1195 = arith.cmpi slt, %add3A_1184, %select_n3A_942 : vector<4x1x1xi32>
      %and3A_1196 = arith.andi %ge3A_1194, %lt3A_1195 : vector<4x1x1xi1>
      %jit3A_1197 = arith.constant 4 : i32
      %broadcast_in_dim3A_1198 = vector.broadcast %jit3A_1197 : i32 to vector<4x1x1xi32>
      %select_n3A_1199 = arith.select %and3A_1196, %broadcast_in_dim3A_1198, %select_n3A_1190 : vector<4x1x1xi1>, vector<4x1x1xi32>
      %sub3A_1200 = arith.subi %select_n3A_942, %add3A_1184 : vector<4x1x1xi32>
      %select_n3A_1201 = arith.select %and3A_1196, %sub3A_1200, %select_n3A_1192 : vector<4x1x1xi1>, vector<4x1x1xi32>
      %add3A_1202 = arith.addi %add3A_1193, %broadcast_in_dim3A_993 : vector<4x1x1xi32>
      %ge3A_1203 = arith.cmpi sge, %add3A_1202, %select_n3A_942 : vector<4x1x1xi32>
      %lt3A_1204 = arith.cmpi slt, %add3A_1193, %select_n3A_942 : vector<4x1x1xi32>
      %and3A_1205 = arith.andi %ge3A_1203, %lt3A_1204 : vector<4x1x1xi1>
      %jit3A_1206 = arith.constant 3 : i32
      %broadcast_in_dim3A_1207 = vector.broadcast %jit3A_1206 : i32 to vector<4x1x1xi32>
      %select_n3A_1208 = arith.select %and3A_1205, %broadcast_in_dim3A_1207, %select_n3A_1199 : vector<4x1x1xi1>, vector<4x1x1xi32>
      %sub3A_1209 = arith.subi %select_n3A_942, %add3A_1193 : vector<4x1x1xi32>
      %select_n3A_1210 = arith.select %and3A_1205, %sub3A_1209, %select_n3A_1201 : vector<4x1x1xi1>, vector<4x1x1xi32>
      %add3A_1211 = arith.addi %add3A_1202, %broadcast_in_dim3A_985 : vector<4x1x1xi32>
      %ge3A_1212 = arith.cmpi sge, %add3A_1211, %select_n3A_942 : vector<4x1x1xi32>
      %lt3A_1213 = arith.cmpi slt, %add3A_1202, %select_n3A_942 : vector<4x1x1xi32>
      %and3A_1214 = arith.andi %ge3A_1212, %lt3A_1213 : vector<4x1x1xi1>
      %jit3A_1215 = arith.constant 2 : i32
      %broadcast_in_dim3A_1216 = vector.broadcast %jit3A_1215 : i32 to vector<4x1x1xi32>
      %select_n3A_1217 = arith.select %and3A_1214, %broadcast_in_dim3A_1216, %select_n3A_1208 : vector<4x1x1xi1>, vector<4x1x1xi32>
      %sub3A_1218 = arith.subi %select_n3A_942, %add3A_1202 : vector<4x1x1xi32>
      %select_n3A_1219 = arith.select %and3A_1214, %sub3A_1218, %select_n3A_1210 : vector<4x1x1xi1>, vector<4x1x1xi32>
      %add3A_1220 = arith.addi %add3A_1211, %broadcast_in_dim3A_977 : vector<4x1x1xi32>
      %ge3A_1221 = arith.cmpi sge, %add3A_1220, %select_n3A_942 : vector<4x1x1xi32>
      %lt3A_1222 = arith.cmpi slt, %add3A_1211, %select_n3A_942 : vector<4x1x1xi32>
      %and3A_1223 = arith.andi %ge3A_1221, %lt3A_1222 : vector<4x1x1xi1>
      %jit3A_1224 = arith.constant 1 : i32
      %broadcast_in_dim3A_1225 = vector.broadcast %jit3A_1224 : i32 to vector<4x1x1xi32>
      %select_n3A_1226 = arith.select %and3A_1223, %broadcast_in_dim3A_1225, %select_n3A_1217 : vector<4x1x1xi1>, vector<4x1x1xi32>
      %sub3A_1227 = arith.subi %select_n3A_942, %add3A_1211 : vector<4x1x1xi32>
      %select_n3A_1228 = arith.select %and3A_1223, %sub3A_1227, %select_n3A_1219 : vector<4x1x1xi1>, vector<4x1x1xi32>
      %add3A_1229 = arith.addi %add3A_1220, %broadcast_in_dim3A_969 : vector<4x1x1xi32>
      %ge3A_1230 = arith.cmpi sge, %add3A_1229, %select_n3A_942 : vector<4x1x1xi32>
      %lt3A_1231 = arith.cmpi slt, %add3A_1220, %select_n3A_942 : vector<4x1x1xi32>
      %and3A_1232 = arith.andi %ge3A_1230, %lt3A_1231 : vector<4x1x1xi1>
      %jit3A_1233 = arith.constant 0 : i32
      %broadcast_in_dim3A_1234 = vector.broadcast %jit3A_1233 : i32 to vector<4x1x1xi32>
      %select_n3A_1235 = arith.select %and3A_1232, %broadcast_in_dim3A_1234, %select_n3A_1226 : vector<4x1x1xi1>, vector<4x1x1xi32>
      %sub3A_1236 = arith.subi %select_n3A_942, %add3A_1220 : vector<4x1x1xi32>
      %select_n3A_1237 = arith.select %and3A_1232, %sub3A_1236, %select_n3A_1228 : vector<4x1x1xi1>, vector<4x1x1xi32>
      %shift_left3A_1238 = arith.constant 16 : i32
      %shift_left3A_1239 = vector.broadcast %shift_left3A_1238 : i32 to vector<4x1x1xi32>
      %shift_left3A_1240 = arith.shli %select_n3A_1235, %shift_left3A_1239 : vector<4x1x1xi32>
      %or3A_1241 = arith.ori %or3A_946, %shift_left3A_1240 : vector<4x1x1xi32>
      %shift_right_logical3A_1242 = arith.constant 16 : i32
      %shift_right_logical3A_1243 = vector.broadcast %shift_right_logical3A_1242 : i32 to vector<4x8x1024xi32>
      %shift_right_logical3A_1244 = arith.shrui %xor3A_63, %shift_right_logical3A_1243 : vector<4x8x1024xi32>
      %shift_right_logical3A_1245 = arith.constant 16 : i32
      %shift_right_logical3A_1246 = vector.broadcast %shift_right_logical3A_1245 : i32 to vector<4x1x1xi32>
      %shift_right_logical3A_1247 = arith.shrui %or3A_1241, %shift_right_logical3A_1246 : vector<4x1x1xi32>
      %eq3A_1248 = vector.broadcast %shift_right_logical3A_1247 : vector<4x1x1xi32> to vector<4x8x1024xi32>
      %eq3A_1249 = arith.cmpi eq, %shift_right_logical3A_1244, %eq3A_1248 : vector<4x8x1024xi32>
      %and3A_1250 = arith.andi %broadcast_in_dim3A_64, %eq3A_1249 : vector<4x8x1024xi1>
      %shift_right_logical3A_1251 = arith.constant 12 : i32
      %shift_right_logical3A_1252 = vector.broadcast %shift_right_logical3A_1251 : i32 to vector<4x8x1024xi32>
      %shift_right_logical3A_1253 = arith.shrui %xor3A_63, %shift_right_logical3A_1252 : vector<4x8x1024xi32>
      %and3A_1254 = arith.constant 15 : i32
      %and3A_1255 = vector.broadcast %and3A_1254 : i32 to vector<4x8x1024xi32>
      %and3A_1256 = arith.andi %shift_right_logical3A_1253, %and3A_1255 : vector<4x8x1024xi32>
      %eq3A_1257 = arith.constant 0 : i32
      %eq3A_1258 = vector.broadcast %eq3A_1257 : i32 to vector<4x8x1024xi32>
      %eq3A_1259 = arith.cmpi eq, %and3A_1256, %eq3A_1258 : vector<4x8x1024xi32>
      %and3A_1260 = arith.andi %and3A_1250, %eq3A_1259 : vector<4x8x1024xi1>
      %convert_element_type3A_1261 = arith.extui %and3A_1260 : vector<4x8x1024xi1> to vector<4x8x1024xi32>
      %reduce_sum3A_1262 = arith.constant dense<0> : vector<4xi32>
      %reduce_sum3A_1263 = vector.multi_reduction <add>, %convert_element_type3A_1261, %reduce_sum3A_1262 [1, 2] : vector<4x8x1024xi32> to vector<4xi32>
      %broadcast_in_dim3A_1264 = vector.shape_cast %reduce_sum3A_1263 : vector<4xi32> to vector<4x1x1xi32>
      %eq3A_1265 = arith.constant 1 : i32
      %eq3A_1266 = vector.broadcast %eq3A_1265 : i32 to vector<4x8x1024xi32>
      %eq3A_1267 = arith.cmpi eq, %and3A_1256, %eq3A_1266 : vector<4x8x1024xi32>
      %and3A_1268 = arith.andi %and3A_1250, %eq3A_1267 : vector<4x8x1024xi1>
      %convert_element_type3A_1269 = arith.extui %and3A_1268 : vector<4x8x1024xi1> to vector<4x8x1024xi32>
      %reduce_sum3A_1270 = arith.constant dense<0> : vector<4xi32>
      %reduce_sum3A_1271 = vector.multi_reduction <add>, %convert_element_type3A_1269, %reduce_sum3A_1270 [1, 2] : vector<4x8x1024xi32> to vector<4xi32>
      %broadcast_in_dim3A_1272 = vector.shape_cast %reduce_sum3A_1271 : vector<4xi32> to vector<4x1x1xi32>
      %eq3A_1273 = arith.constant 2 : i32
      %eq3A_1274 = vector.broadcast %eq3A_1273 : i32 to vector<4x8x1024xi32>
      %eq3A_1275 = arith.cmpi eq, %and3A_1256, %eq3A_1274 : vector<4x8x1024xi32>
      %and3A_1276 = arith.andi %and3A_1250, %eq3A_1275 : vector<4x8x1024xi1>
      %convert_element_type3A_1277 = arith.extui %and3A_1276 : vector<4x8x1024xi1> to vector<4x8x1024xi32>
      %reduce_sum3A_1278 = arith.constant dense<0> : vector<4xi32>
      %reduce_sum3A_1279 = vector.multi_reduction <add>, %convert_element_type3A_1277, %reduce_sum3A_1278 [1, 2] : vector<4x8x1024xi32> to vector<4xi32>
      %broadcast_in_dim3A_1280 = vector.shape_cast %reduce_sum3A_1279 : vector<4xi32> to vector<4x1x1xi32>
      %eq3A_1281 = arith.constant 3 : i32
      %eq3A_1282 = vector.broadcast %eq3A_1281 : i32 to vector<4x8x1024xi32>
      %eq3A_1283 = arith.cmpi eq, %and3A_1256, %eq3A_1282 : vector<4x8x1024xi32>
      %and3A_1284 = arith.andi %and3A_1250, %eq3A_1283 : vector<4x8x1024xi1>
      %convert_element_type3A_1285 = arith.extui %and3A_1284 : vector<4x8x1024xi1> to vector<4x8x1024xi32>
      %reduce_sum3A_1286 = arith.constant dense<0> : vector<4xi32>
      %reduce_sum3A_1287 = vector.multi_reduction <add>, %convert_element_type3A_1285, %reduce_sum3A_1286 [1, 2] : vector<4x8x1024xi32> to vector<4xi32>
      %broadcast_in_dim3A_1288 = vector.shape_cast %reduce_sum3A_1287 : vector<4xi32> to vector<4x1x1xi32>
      %eq3A_1289 = arith.constant 4 : i32
      %eq3A_1290 = vector.broadcast %eq3A_1289 : i32 to vector<4x8x1024xi32>
      %eq3A_1291 = arith.cmpi eq, %and3A_1256, %eq3A_1290 : vector<4x8x1024xi32>
      %and3A_1292 = arith.andi %and3A_1250, %eq3A_1291 : vector<4x8x1024xi1>
      %convert_element_type3A_1293 = arith.extui %and3A_1292 : vector<4x8x1024xi1> to vector<4x8x1024xi32>
      %reduce_sum3A_1294 = arith.constant dense<0> : vector<4xi32>
      %reduce_sum3A_1295 = vector.multi_reduction <add>, %convert_element_type3A_1293, %reduce_sum3A_1294 [1, 2] : vector<4x8x1024xi32> to vector<4xi32>
      %broadcast_in_dim3A_1296 = vector.shape_cast %reduce_sum3A_1295 : vector<4xi32> to vector<4x1x1xi32>
      %eq3A_1297 = arith.constant 5 : i32
      %eq3A_1298 = vector.broadcast %eq3A_1297 : i32 to vector<4x8x1024xi32>
      %eq3A_1299 = arith.cmpi eq, %and3A_1256, %eq3A_1298 : vector<4x8x1024xi32>
      %and3A_1300 = arith.andi %and3A_1250, %eq3A_1299 : vector<4x8x1024xi1>
      %convert_element_type3A_1301 = arith.extui %and3A_1300 : vector<4x8x1024xi1> to vector<4x8x1024xi32>
      %reduce_sum3A_1302 = arith.constant dense<0> : vector<4xi32>
      %reduce_sum3A_1303 = vector.multi_reduction <add>, %convert_element_type3A_1301, %reduce_sum3A_1302 [1, 2] : vector<4x8x1024xi32> to vector<4xi32>
      %broadcast_in_dim3A_1304 = vector.shape_cast %reduce_sum3A_1303 : vector<4xi32> to vector<4x1x1xi32>
      %eq3A_1305 = arith.constant 6 : i32
      %eq3A_1306 = vector.broadcast %eq3A_1305 : i32 to vector<4x8x1024xi32>
      %eq3A_1307 = arith.cmpi eq, %and3A_1256, %eq3A_1306 : vector<4x8x1024xi32>
      %and3A_1308 = arith.andi %and3A_1250, %eq3A_1307 : vector<4x8x1024xi1>
      %convert_element_type3A_1309 = arith.extui %and3A_1308 : vector<4x8x1024xi1> to vector<4x8x1024xi32>
      %reduce_sum3A_1310 = arith.constant dense<0> : vector<4xi32>
      %reduce_sum3A_1311 = vector.multi_reduction <add>, %convert_element_type3A_1309, %reduce_sum3A_1310 [1, 2] : vector<4x8x1024xi32> to vector<4xi32>
      %broadcast_in_dim3A_1312 = vector.shape_cast %reduce_sum3A_1311 : vector<4xi32> to vector<4x1x1xi32>
      %eq3A_1313 = arith.constant 7 : i32
      %eq3A_1314 = vector.broadcast %eq3A_1313 : i32 to vector<4x8x1024xi32>
      %eq3A_1315 = arith.cmpi eq, %and3A_1256, %eq3A_1314 : vector<4x8x1024xi32>
      %and3A_1316 = arith.andi %and3A_1250, %eq3A_1315 : vector<4x8x1024xi1>
      %convert_element_type3A_1317 = arith.extui %and3A_1316 : vector<4x8x1024xi1> to vector<4x8x1024xi32>
      %reduce_sum3A_1318 = arith.constant dense<0> : vector<4xi32>
      %reduce_sum3A_1319 = vector.multi_reduction <add>, %convert_element_type3A_1317, %reduce_sum3A_1318 [1, 2] : vector<4x8x1024xi32> to vector<4xi32>
      %broadcast_in_dim3A_1320 = vector.shape_cast %reduce_sum3A_1319 : vector<4xi32> to vector<4x1x1xi32>
      %eq3A_1321 = arith.constant 8 : i32
      %eq3A_1322 = vector.broadcast %eq3A_1321 : i32 to vector<4x8x1024xi32>
      %eq3A_1323 = arith.cmpi eq, %and3A_1256, %eq3A_1322 : vector<4x8x1024xi32>
      %and3A_1324 = arith.andi %and3A_1250, %eq3A_1323 : vector<4x8x1024xi1>
      %convert_element_type3A_1325 = arith.extui %and3A_1324 : vector<4x8x1024xi1> to vector<4x8x1024xi32>
      %reduce_sum3A_1326 = arith.constant dense<0> : vector<4xi32>
      %reduce_sum3A_1327 = vector.multi_reduction <add>, %convert_element_type3A_1325, %reduce_sum3A_1326 [1, 2] : vector<4x8x1024xi32> to vector<4xi32>
      %broadcast_in_dim3A_1328 = vector.shape_cast %reduce_sum3A_1327 : vector<4xi32> to vector<4x1x1xi32>
      %eq3A_1329 = arith.constant 9 : i32
      %eq3A_1330 = vector.broadcast %eq3A_1329 : i32 to vector<4x8x1024xi32>
      %eq3A_1331 = arith.cmpi eq, %and3A_1256, %eq3A_1330 : vector<4x8x1024xi32>
      %and3A_1332 = arith.andi %and3A_1250, %eq3A_1331 : vector<4x8x1024xi1>
      %convert_element_type3A_1333 = arith.extui %and3A_1332 : vector<4x8x1024xi1> to vector<4x8x1024xi32>
      %reduce_sum3A_1334 = arith.constant dense<0> : vector<4xi32>
      %reduce_sum3A_1335 = vector.multi_reduction <add>, %convert_element_type3A_1333, %reduce_sum3A_1334 [1, 2] : vector<4x8x1024xi32> to vector<4xi32>
      %broadcast_in_dim3A_1336 = vector.shape_cast %reduce_sum3A_1335 : vector<4xi32> to vector<4x1x1xi32>
      %eq3A_1337 = arith.constant 10 : i32
      %eq3A_1338 = vector.broadcast %eq3A_1337 : i32 to vector<4x8x1024xi32>
      %eq3A_1339 = arith.cmpi eq, %and3A_1256, %eq3A_1338 : vector<4x8x1024xi32>
      %and3A_1340 = arith.andi %and3A_1250, %eq3A_1339 : vector<4x8x1024xi1>
      %convert_element_type3A_1341 = arith.extui %and3A_1340 : vector<4x8x1024xi1> to vector<4x8x1024xi32>
      %reduce_sum3A_1342 = arith.constant dense<0> : vector<4xi32>
      %reduce_sum3A_1343 = vector.multi_reduction <add>, %convert_element_type3A_1341, %reduce_sum3A_1342 [1, 2] : vector<4x8x1024xi32> to vector<4xi32>
      %broadcast_in_dim3A_1344 = vector.shape_cast %reduce_sum3A_1343 : vector<4xi32> to vector<4x1x1xi32>
      %eq3A_1345 = arith.constant 11 : i32
      %eq3A_1346 = vector.broadcast %eq3A_1345 : i32 to vector<4x8x1024xi32>
      %eq3A_1347 = arith.cmpi eq, %and3A_1256, %eq3A_1346 : vector<4x8x1024xi32>
      %and3A_1348 = arith.andi %and3A_1250, %eq3A_1347 : vector<4x8x1024xi1>
      %convert_element_type3A_1349 = arith.extui %and3A_1348 : vector<4x8x1024xi1> to vector<4x8x1024xi32>
      %reduce_sum3A_1350 = arith.constant dense<0> : vector<4xi32>
      %reduce_sum3A_1351 = vector.multi_reduction <add>, %convert_element_type3A_1349, %reduce_sum3A_1350 [1, 2] : vector<4x8x1024xi32> to vector<4xi32>
      %broadcast_in_dim3A_1352 = vector.shape_cast %reduce_sum3A_1351 : vector<4xi32> to vector<4x1x1xi32>
      %eq3A_1353 = arith.constant 12 : i32
      %eq3A_1354 = vector.broadcast %eq3A_1353 : i32 to vector<4x8x1024xi32>
      %eq3A_1355 = arith.cmpi eq, %and3A_1256, %eq3A_1354 : vector<4x8x1024xi32>
      %and3A_1356 = arith.andi %and3A_1250, %eq3A_1355 : vector<4x8x1024xi1>
      %convert_element_type3A_1357 = arith.extui %and3A_1356 : vector<4x8x1024xi1> to vector<4x8x1024xi32>
      %reduce_sum3A_1358 = arith.constant dense<0> : vector<4xi32>
      %reduce_sum3A_1359 = vector.multi_reduction <add>, %convert_element_type3A_1357, %reduce_sum3A_1358 [1, 2] : vector<4x8x1024xi32> to vector<4xi32>
      %broadcast_in_dim3A_1360 = vector.shape_cast %reduce_sum3A_1359 : vector<4xi32> to vector<4x1x1xi32>
      %eq3A_1361 = arith.constant 13 : i32
      %eq3A_1362 = vector.broadcast %eq3A_1361 : i32 to vector<4x8x1024xi32>
      %eq3A_1363 = arith.cmpi eq, %and3A_1256, %eq3A_1362 : vector<4x8x1024xi32>
      %and3A_1364 = arith.andi %and3A_1250, %eq3A_1363 : vector<4x8x1024xi1>
      %convert_element_type3A_1365 = arith.extui %and3A_1364 : vector<4x8x1024xi1> to vector<4x8x1024xi32>
      %reduce_sum3A_1366 = arith.constant dense<0> : vector<4xi32>
      %reduce_sum3A_1367 = vector.multi_reduction <add>, %convert_element_type3A_1365, %reduce_sum3A_1366 [1, 2] : vector<4x8x1024xi32> to vector<4xi32>
      %broadcast_in_dim3A_1368 = vector.shape_cast %reduce_sum3A_1367 : vector<4xi32> to vector<4x1x1xi32>
      %eq3A_1369 = arith.constant 14 : i32
      %eq3A_1370 = vector.broadcast %eq3A_1369 : i32 to vector<4x8x1024xi32>
      %eq3A_1371 = arith.cmpi eq, %and3A_1256, %eq3A_1370 : vector<4x8x1024xi32>
      %and3A_1372 = arith.andi %and3A_1250, %eq3A_1371 : vector<4x8x1024xi1>
      %convert_element_type3A_1373 = arith.extui %and3A_1372 : vector<4x8x1024xi1> to vector<4x8x1024xi32>
      %reduce_sum3A_1374 = arith.constant dense<0> : vector<4xi32>
      %reduce_sum3A_1375 = vector.multi_reduction <add>, %convert_element_type3A_1373, %reduce_sum3A_1374 [1, 2] : vector<4x8x1024xi32> to vector<4xi32>
      %broadcast_in_dim3A_1376 = vector.shape_cast %reduce_sum3A_1375 : vector<4xi32> to vector<4x1x1xi32>
      %eq3A_1377 = arith.constant 15 : i32
      %eq3A_1378 = vector.broadcast %eq3A_1377 : i32 to vector<4x8x1024xi32>
      %eq3A_1379 = arith.cmpi eq, %and3A_1256, %eq3A_1378 : vector<4x8x1024xi32>
      %and3A_1380 = arith.andi %and3A_1250, %eq3A_1379 : vector<4x8x1024xi1>
      %convert_element_type3A_1381 = arith.extui %and3A_1380 : vector<4x8x1024xi1> to vector<4x8x1024xi32>
      %reduce_sum3A_1382 = arith.constant dense<0> : vector<4xi32>
      %reduce_sum3A_1383 = vector.multi_reduction <add>, %convert_element_type3A_1381, %reduce_sum3A_1382 [1, 2] : vector<4x8x1024xi32> to vector<4xi32>
      %broadcast_in_dim3A_1384 = vector.shape_cast %reduce_sum3A_1383 : vector<4xi32> to vector<4x1x1xi32>
      %broadcast_in_dim3A_1385 = arith.constant 0 : i32
      %broadcast_in_dim3A_1386 = vector.broadcast %broadcast_in_dim3A_1385 : i32 to vector<4x1x1xi32>
      %broadcast_in_dim3A_1387 = arith.constant 0 : i32
      %broadcast_in_dim3A_1388 = vector.broadcast %broadcast_in_dim3A_1387 : i32 to vector<4x1x1xi32>
      %add3A_1389 = arith.addi %broadcast_in_dim3A_1386, %broadcast_in_dim3A_1384 : vector<4x1x1xi32>
      %ge3A_1390 = arith.cmpi sge, %add3A_1389, %select_n3A_1237 : vector<4x1x1xi32>
      %lt3A_1391 = arith.cmpi slt, %broadcast_in_dim3A_1386, %select_n3A_1237 : vector<4x1x1xi32>
      %and3A_1392 = arith.andi %ge3A_1390, %lt3A_1391 : vector<4x1x1xi1>
      %jit3A_1393 = arith.constant 15 : i32
      %broadcast_in_dim3A_1394 = vector.broadcast %jit3A_1393 : i32 to vector<4x1x1xi32>
      %select_n3A_1395 = arith.select %and3A_1392, %broadcast_in_dim3A_1394, %broadcast_in_dim3A_1388 : vector<4x1x1xi1>, vector<4x1x1xi32>
      %sub3A_1396 = arith.subi %select_n3A_1237, %broadcast_in_dim3A_1386 : vector<4x1x1xi32>
      %select_n3A_1397 = arith.select %and3A_1392, %sub3A_1396, %select_n3A_1237 : vector<4x1x1xi1>, vector<4x1x1xi32>
      %add3A_1398 = arith.addi %add3A_1389, %broadcast_in_dim3A_1376 : vector<4x1x1xi32>
      %ge3A_1399 = arith.cmpi sge, %add3A_1398, %select_n3A_1237 : vector<4x1x1xi32>
      %lt3A_1400 = arith.cmpi slt, %add3A_1389, %select_n3A_1237 : vector<4x1x1xi32>
      %and3A_1401 = arith.andi %ge3A_1399, %lt3A_1400 : vector<4x1x1xi1>
      %jit3A_1402 = arith.constant 14 : i32
      %broadcast_in_dim3A_1403 = vector.broadcast %jit3A_1402 : i32 to vector<4x1x1xi32>
      %select_n3A_1404 = arith.select %and3A_1401, %broadcast_in_dim3A_1403, %select_n3A_1395 : vector<4x1x1xi1>, vector<4x1x1xi32>
      %sub3A_1405 = arith.subi %select_n3A_1237, %add3A_1389 : vector<4x1x1xi32>
      %select_n3A_1406 = arith.select %and3A_1401, %sub3A_1405, %select_n3A_1397 : vector<4x1x1xi1>, vector<4x1x1xi32>
      %add3A_1407 = arith.addi %add3A_1398, %broadcast_in_dim3A_1368 : vector<4x1x1xi32>
      %ge3A_1408 = arith.cmpi sge, %add3A_1407, %select_n3A_1237 : vector<4x1x1xi32>
      %lt3A_1409 = arith.cmpi slt, %add3A_1398, %select_n3A_1237 : vector<4x1x1xi32>
      %and3A_1410 = arith.andi %ge3A_1408, %lt3A_1409 : vector<4x1x1xi1>
      %jit3A_1411 = arith.constant 13 : i32
      %broadcast_in_dim3A_1412 = vector.broadcast %jit3A_1411 : i32 to vector<4x1x1xi32>
      %select_n3A_1413 = arith.select %and3A_1410, %broadcast_in_dim3A_1412, %select_n3A_1404 : vector<4x1x1xi1>, vector<4x1x1xi32>
      %sub3A_1414 = arith.subi %select_n3A_1237, %add3A_1398 : vector<4x1x1xi32>
      %select_n3A_1415 = arith.select %and3A_1410, %sub3A_1414, %select_n3A_1406 : vector<4x1x1xi1>, vector<4x1x1xi32>
      %add3A_1416 = arith.addi %add3A_1407, %broadcast_in_dim3A_1360 : vector<4x1x1xi32>
      %ge3A_1417 = arith.cmpi sge, %add3A_1416, %select_n3A_1237 : vector<4x1x1xi32>
      %lt3A_1418 = arith.cmpi slt, %add3A_1407, %select_n3A_1237 : vector<4x1x1xi32>
      %and3A_1419 = arith.andi %ge3A_1417, %lt3A_1418 : vector<4x1x1xi1>
      %jit3A_1420 = arith.constant 12 : i32
      %broadcast_in_dim3A_1421 = vector.broadcast %jit3A_1420 : i32 to vector<4x1x1xi32>
      %select_n3A_1422 = arith.select %and3A_1419, %broadcast_in_dim3A_1421, %select_n3A_1413 : vector<4x1x1xi1>, vector<4x1x1xi32>
      %sub3A_1423 = arith.subi %select_n3A_1237, %add3A_1407 : vector<4x1x1xi32>
      %select_n3A_1424 = arith.select %and3A_1419, %sub3A_1423, %select_n3A_1415 : vector<4x1x1xi1>, vector<4x1x1xi32>
      %add3A_1425 = arith.addi %add3A_1416, %broadcast_in_dim3A_1352 : vector<4x1x1xi32>
      %ge3A_1426 = arith.cmpi sge, %add3A_1425, %select_n3A_1237 : vector<4x1x1xi32>
      %lt3A_1427 = arith.cmpi slt, %add3A_1416, %select_n3A_1237 : vector<4x1x1xi32>
      %and3A_1428 = arith.andi %ge3A_1426, %lt3A_1427 : vector<4x1x1xi1>
      %jit3A_1429 = arith.constant 11 : i32
      %broadcast_in_dim3A_1430 = vector.broadcast %jit3A_1429 : i32 to vector<4x1x1xi32>
      %select_n3A_1431 = arith.select %and3A_1428, %broadcast_in_dim3A_1430, %select_n3A_1422 : vector<4x1x1xi1>, vector<4x1x1xi32>
      %sub3A_1432 = arith.subi %select_n3A_1237, %add3A_1416 : vector<4x1x1xi32>
      %select_n3A_1433 = arith.select %and3A_1428, %sub3A_1432, %select_n3A_1424 : vector<4x1x1xi1>, vector<4x1x1xi32>
      %add3A_1434 = arith.addi %add3A_1425, %broadcast_in_dim3A_1344 : vector<4x1x1xi32>
      %ge3A_1435 = arith.cmpi sge, %add3A_1434, %select_n3A_1237 : vector<4x1x1xi32>
      %lt3A_1436 = arith.cmpi slt, %add3A_1425, %select_n3A_1237 : vector<4x1x1xi32>
      %and3A_1437 = arith.andi %ge3A_1435, %lt3A_1436 : vector<4x1x1xi1>
      %jit3A_1438 = arith.constant 10 : i32
      %broadcast_in_dim3A_1439 = vector.broadcast %jit3A_1438 : i32 to vector<4x1x1xi32>
      %select_n3A_1440 = arith.select %and3A_1437, %broadcast_in_dim3A_1439, %select_n3A_1431 : vector<4x1x1xi1>, vector<4x1x1xi32>
      %sub3A_1441 = arith.subi %select_n3A_1237, %add3A_1425 : vector<4x1x1xi32>
      %select_n3A_1442 = arith.select %and3A_1437, %sub3A_1441, %select_n3A_1433 : vector<4x1x1xi1>, vector<4x1x1xi32>
      %add3A_1443 = arith.addi %add3A_1434, %broadcast_in_dim3A_1336 : vector<4x1x1xi32>
      %ge3A_1444 = arith.cmpi sge, %add3A_1443, %select_n3A_1237 : vector<4x1x1xi32>
      %lt3A_1445 = arith.cmpi slt, %add3A_1434, %select_n3A_1237 : vector<4x1x1xi32>
      %and3A_1446 = arith.andi %ge3A_1444, %lt3A_1445 : vector<4x1x1xi1>
      %jit3A_1447 = arith.constant 9 : i32
      %broadcast_in_dim3A_1448 = vector.broadcast %jit3A_1447 : i32 to vector<4x1x1xi32>
      %select_n3A_1449 = arith.select %and3A_1446, %broadcast_in_dim3A_1448, %select_n3A_1440 : vector<4x1x1xi1>, vector<4x1x1xi32>
      %sub3A_1450 = arith.subi %select_n3A_1237, %add3A_1434 : vector<4x1x1xi32>
      %select_n3A_1451 = arith.select %and3A_1446, %sub3A_1450, %select_n3A_1442 : vector<4x1x1xi1>, vector<4x1x1xi32>
      %add3A_1452 = arith.addi %add3A_1443, %broadcast_in_dim3A_1328 : vector<4x1x1xi32>
      %ge3A_1453 = arith.cmpi sge, %add3A_1452, %select_n3A_1237 : vector<4x1x1xi32>
      %lt3A_1454 = arith.cmpi slt, %add3A_1443, %select_n3A_1237 : vector<4x1x1xi32>
      %and3A_1455 = arith.andi %ge3A_1453, %lt3A_1454 : vector<4x1x1xi1>
      %jit3A_1456 = arith.constant 8 : i32
      %broadcast_in_dim3A_1457 = vector.broadcast %jit3A_1456 : i32 to vector<4x1x1xi32>
      %select_n3A_1458 = arith.select %and3A_1455, %broadcast_in_dim3A_1457, %select_n3A_1449 : vector<4x1x1xi1>, vector<4x1x1xi32>
      %sub3A_1459 = arith.subi %select_n3A_1237, %add3A_1443 : vector<4x1x1xi32>
      %select_n3A_1460 = arith.select %and3A_1455, %sub3A_1459, %select_n3A_1451 : vector<4x1x1xi1>, vector<4x1x1xi32>
      %add3A_1461 = arith.addi %add3A_1452, %broadcast_in_dim3A_1320 : vector<4x1x1xi32>
      %ge3A_1462 = arith.cmpi sge, %add3A_1461, %select_n3A_1237 : vector<4x1x1xi32>
      %lt3A_1463 = arith.cmpi slt, %add3A_1452, %select_n3A_1237 : vector<4x1x1xi32>
      %and3A_1464 = arith.andi %ge3A_1462, %lt3A_1463 : vector<4x1x1xi1>
      %jit3A_1465 = arith.constant 7 : i32
      %broadcast_in_dim3A_1466 = vector.broadcast %jit3A_1465 : i32 to vector<4x1x1xi32>
      %select_n3A_1467 = arith.select %and3A_1464, %broadcast_in_dim3A_1466, %select_n3A_1458 : vector<4x1x1xi1>, vector<4x1x1xi32>
      %sub3A_1468 = arith.subi %select_n3A_1237, %add3A_1452 : vector<4x1x1xi32>
      %select_n3A_1469 = arith.select %and3A_1464, %sub3A_1468, %select_n3A_1460 : vector<4x1x1xi1>, vector<4x1x1xi32>
      %add3A_1470 = arith.addi %add3A_1461, %broadcast_in_dim3A_1312 : vector<4x1x1xi32>
      %ge3A_1471 = arith.cmpi sge, %add3A_1470, %select_n3A_1237 : vector<4x1x1xi32>
      %lt3A_1472 = arith.cmpi slt, %add3A_1461, %select_n3A_1237 : vector<4x1x1xi32>
      %and3A_1473 = arith.andi %ge3A_1471, %lt3A_1472 : vector<4x1x1xi1>
      %jit3A_1474 = arith.constant 6 : i32
      %broadcast_in_dim3A_1475 = vector.broadcast %jit3A_1474 : i32 to vector<4x1x1xi32>
      %select_n3A_1476 = arith.select %and3A_1473, %broadcast_in_dim3A_1475, %select_n3A_1467 : vector<4x1x1xi1>, vector<4x1x1xi32>
      %sub3A_1477 = arith.subi %select_n3A_1237, %add3A_1461 : vector<4x1x1xi32>
      %select_n3A_1478 = arith.select %and3A_1473, %sub3A_1477, %select_n3A_1469 : vector<4x1x1xi1>, vector<4x1x1xi32>
      %add3A_1479 = arith.addi %add3A_1470, %broadcast_in_dim3A_1304 : vector<4x1x1xi32>
      %ge3A_1480 = arith.cmpi sge, %add3A_1479, %select_n3A_1237 : vector<4x1x1xi32>
      %lt3A_1481 = arith.cmpi slt, %add3A_1470, %select_n3A_1237 : vector<4x1x1xi32>
      %and3A_1482 = arith.andi %ge3A_1480, %lt3A_1481 : vector<4x1x1xi1>
      %jit3A_1483 = arith.constant 5 : i32
      %broadcast_in_dim3A_1484 = vector.broadcast %jit3A_1483 : i32 to vector<4x1x1xi32>
      %select_n3A_1485 = arith.select %and3A_1482, %broadcast_in_dim3A_1484, %select_n3A_1476 : vector<4x1x1xi1>, vector<4x1x1xi32>
      %sub3A_1486 = arith.subi %select_n3A_1237, %add3A_1470 : vector<4x1x1xi32>
      %select_n3A_1487 = arith.select %and3A_1482, %sub3A_1486, %select_n3A_1478 : vector<4x1x1xi1>, vector<4x1x1xi32>
      %add3A_1488 = arith.addi %add3A_1479, %broadcast_in_dim3A_1296 : vector<4x1x1xi32>
      %ge3A_1489 = arith.cmpi sge, %add3A_1488, %select_n3A_1237 : vector<4x1x1xi32>
      %lt3A_1490 = arith.cmpi slt, %add3A_1479, %select_n3A_1237 : vector<4x1x1xi32>
      %and3A_1491 = arith.andi %ge3A_1489, %lt3A_1490 : vector<4x1x1xi1>
      %jit3A_1492 = arith.constant 4 : i32
      %broadcast_in_dim3A_1493 = vector.broadcast %jit3A_1492 : i32 to vector<4x1x1xi32>
      %select_n3A_1494 = arith.select %and3A_1491, %broadcast_in_dim3A_1493, %select_n3A_1485 : vector<4x1x1xi1>, vector<4x1x1xi32>
      %sub3A_1495 = arith.subi %select_n3A_1237, %add3A_1479 : vector<4x1x1xi32>
      %select_n3A_1496 = arith.select %and3A_1491, %sub3A_1495, %select_n3A_1487 : vector<4x1x1xi1>, vector<4x1x1xi32>
      %add3A_1497 = arith.addi %add3A_1488, %broadcast_in_dim3A_1288 : vector<4x1x1xi32>
      %ge3A_1498 = arith.cmpi sge, %add3A_1497, %select_n3A_1237 : vector<4x1x1xi32>
      %lt3A_1499 = arith.cmpi slt, %add3A_1488, %select_n3A_1237 : vector<4x1x1xi32>
      %and3A_1500 = arith.andi %ge3A_1498, %lt3A_1499 : vector<4x1x1xi1>
      %jit3A_1501 = arith.constant 3 : i32
      %broadcast_in_dim3A_1502 = vector.broadcast %jit3A_1501 : i32 to vector<4x1x1xi32>
      %select_n3A_1503 = arith.select %and3A_1500, %broadcast_in_dim3A_1502, %select_n3A_1494 : vector<4x1x1xi1>, vector<4x1x1xi32>
      %sub3A_1504 = arith.subi %select_n3A_1237, %add3A_1488 : vector<4x1x1xi32>
      %select_n3A_1505 = arith.select %and3A_1500, %sub3A_1504, %select_n3A_1496 : vector<4x1x1xi1>, vector<4x1x1xi32>
      %add3A_1506 = arith.addi %add3A_1497, %broadcast_in_dim3A_1280 : vector<4x1x1xi32>
      %ge3A_1507 = arith.cmpi sge, %add3A_1506, %select_n3A_1237 : vector<4x1x1xi32>
      %lt3A_1508 = arith.cmpi slt, %add3A_1497, %select_n3A_1237 : vector<4x1x1xi32>
      %and3A_1509 = arith.andi %ge3A_1507, %lt3A_1508 : vector<4x1x1xi1>
      %jit3A_1510 = arith.constant 2 : i32
      %broadcast_in_dim3A_1511 = vector.broadcast %jit3A_1510 : i32 to vector<4x1x1xi32>
      %select_n3A_1512 = arith.select %and3A_1509, %broadcast_in_dim3A_1511, %select_n3A_1503 : vector<4x1x1xi1>, vector<4x1x1xi32>
      %sub3A_1513 = arith.subi %select_n3A_1237, %add3A_1497 : vector<4x1x1xi32>
      %select_n3A_1514 = arith.select %and3A_1509, %sub3A_1513, %select_n3A_1505 : vector<4x1x1xi1>, vector<4x1x1xi32>
      %add3A_1515 = arith.addi %add3A_1506, %broadcast_in_dim3A_1272 : vector<4x1x1xi32>
      %ge3A_1516 = arith.cmpi sge, %add3A_1515, %select_n3A_1237 : vector<4x1x1xi32>
      %lt3A_1517 = arith.cmpi slt, %add3A_1506, %select_n3A_1237 : vector<4x1x1xi32>
      %and3A_1518 = arith.andi %ge3A_1516, %lt3A_1517 : vector<4x1x1xi1>
      %jit3A_1519 = arith.constant 1 : i32
      %broadcast_in_dim3A_1520 = vector.broadcast %jit3A_1519 : i32 to vector<4x1x1xi32>
      %select_n3A_1521 = arith.select %and3A_1518, %broadcast_in_dim3A_1520, %select_n3A_1512 : vector<4x1x1xi1>, vector<4x1x1xi32>
      %sub3A_1522 = arith.subi %select_n3A_1237, %add3A_1506 : vector<4x1x1xi32>
      %select_n3A_1523 = arith.select %and3A_1518, %sub3A_1522, %select_n3A_1514 : vector<4x1x1xi1>, vector<4x1x1xi32>
      %add3A_1524 = arith.addi %add3A_1515, %broadcast_in_dim3A_1264 : vector<4x1x1xi32>
      %ge3A_1525 = arith.cmpi sge, %add3A_1524, %select_n3A_1237 : vector<4x1x1xi32>
      %lt3A_1526 = arith.cmpi slt, %add3A_1515, %select_n3A_1237 : vector<4x1x1xi32>
      %and3A_1527 = arith.andi %ge3A_1525, %lt3A_1526 : vector<4x1x1xi1>
      %jit3A_1528 = arith.constant 0 : i32
      %broadcast_in_dim3A_1529 = vector.broadcast %jit3A_1528 : i32 to vector<4x1x1xi32>
      %select_n3A_1530 = arith.select %and3A_1527, %broadcast_in_dim3A_1529, %select_n3A_1521 : vector<4x1x1xi1>, vector<4x1x1xi32>
      %sub3A_1531 = arith.subi %select_n3A_1237, %add3A_1515 : vector<4x1x1xi32>
      %select_n3A_1532 = arith.select %and3A_1527, %sub3A_1531, %select_n3A_1523 : vector<4x1x1xi1>, vector<4x1x1xi32>
      %shift_left3A_1533 = arith.constant 12 : i32
      %shift_left3A_1534 = vector.broadcast %shift_left3A_1533 : i32 to vector<4x1x1xi32>
      %shift_left3A_1535 = arith.shli %select_n3A_1530, %shift_left3A_1534 : vector<4x1x1xi32>
      %or3A_1536 = arith.ori %or3A_1241, %shift_left3A_1535 : vector<4x1x1xi32>
      %shift_right_logical3A_1537 = arith.constant 12 : i32
      %shift_right_logical3A_1538 = vector.broadcast %shift_right_logical3A_1537 : i32 to vector<4x8x1024xi32>
      %shift_right_logical3A_1539 = arith.shrui %xor3A_63, %shift_right_logical3A_1538 : vector<4x8x1024xi32>
      %shift_right_logical3A_1540 = arith.constant 12 : i32
      %shift_right_logical3A_1541 = vector.broadcast %shift_right_logical3A_1540 : i32 to vector<4x1x1xi32>
      %shift_right_logical3A_1542 = arith.shrui %or3A_1536, %shift_right_logical3A_1541 : vector<4x1x1xi32>
      %eq3A_1543 = vector.broadcast %shift_right_logical3A_1542 : vector<4x1x1xi32> to vector<4x8x1024xi32>
      %eq3A_1544 = arith.cmpi eq, %shift_right_logical3A_1539, %eq3A_1543 : vector<4x8x1024xi32>
      %and3A_1545 = arith.andi %broadcast_in_dim3A_64, %eq3A_1544 : vector<4x8x1024xi1>
      %shift_right_logical3A_1546 = arith.constant 8 : i32
      %shift_right_logical3A_1547 = vector.broadcast %shift_right_logical3A_1546 : i32 to vector<4x8x1024xi32>
      %shift_right_logical3A_1548 = arith.shrui %xor3A_63, %shift_right_logical3A_1547 : vector<4x8x1024xi32>
      %and3A_1549 = arith.constant 15 : i32
      %and3A_1550 = vector.broadcast %and3A_1549 : i32 to vector<4x8x1024xi32>
      %and3A_1551 = arith.andi %shift_right_logical3A_1548, %and3A_1550 : vector<4x8x1024xi32>
      %eq3A_1552 = arith.constant 0 : i32
      %eq3A_1553 = vector.broadcast %eq3A_1552 : i32 to vector<4x8x1024xi32>
      %eq3A_1554 = arith.cmpi eq, %and3A_1551, %eq3A_1553 : vector<4x8x1024xi32>
      %and3A_1555 = arith.andi %and3A_1545, %eq3A_1554 : vector<4x8x1024xi1>
      %convert_element_type3A_1556 = arith.extui %and3A_1555 : vector<4x8x1024xi1> to vector<4x8x1024xi32>
      %reduce_sum3A_1557 = arith.constant dense<0> : vector<4xi32>
      %reduce_sum3A_1558 = vector.multi_reduction <add>, %convert_element_type3A_1556, %reduce_sum3A_1557 [1, 2] : vector<4x8x1024xi32> to vector<4xi32>
      %broadcast_in_dim3A_1559 = vector.shape_cast %reduce_sum3A_1558 : vector<4xi32> to vector<4x1x1xi32>
      %eq3A_1560 = arith.constant 1 : i32
      %eq3A_1561 = vector.broadcast %eq3A_1560 : i32 to vector<4x8x1024xi32>
      %eq3A_1562 = arith.cmpi eq, %and3A_1551, %eq3A_1561 : vector<4x8x1024xi32>
      %and3A_1563 = arith.andi %and3A_1545, %eq3A_1562 : vector<4x8x1024xi1>
      %convert_element_type3A_1564 = arith.extui %and3A_1563 : vector<4x8x1024xi1> to vector<4x8x1024xi32>
      %reduce_sum3A_1565 = arith.constant dense<0> : vector<4xi32>
      %reduce_sum3A_1566 = vector.multi_reduction <add>, %convert_element_type3A_1564, %reduce_sum3A_1565 [1, 2] : vector<4x8x1024xi32> to vector<4xi32>
      %broadcast_in_dim3A_1567 = vector.shape_cast %reduce_sum3A_1566 : vector<4xi32> to vector<4x1x1xi32>
      %eq3A_1568 = arith.constant 2 : i32
      %eq3A_1569 = vector.broadcast %eq3A_1568 : i32 to vector<4x8x1024xi32>
      %eq3A_1570 = arith.cmpi eq, %and3A_1551, %eq3A_1569 : vector<4x8x1024xi32>
      %and3A_1571 = arith.andi %and3A_1545, %eq3A_1570 : vector<4x8x1024xi1>
      %convert_element_type3A_1572 = arith.extui %and3A_1571 : vector<4x8x1024xi1> to vector<4x8x1024xi32>
      %reduce_sum3A_1573 = arith.constant dense<0> : vector<4xi32>
      %reduce_sum3A_1574 = vector.multi_reduction <add>, %convert_element_type3A_1572, %reduce_sum3A_1573 [1, 2] : vector<4x8x1024xi32> to vector<4xi32>
      %broadcast_in_dim3A_1575 = vector.shape_cast %reduce_sum3A_1574 : vector<4xi32> to vector<4x1x1xi32>
      %eq3A_1576 = arith.constant 3 : i32
      %eq3A_1577 = vector.broadcast %eq3A_1576 : i32 to vector<4x8x1024xi32>
      %eq3A_1578 = arith.cmpi eq, %and3A_1551, %eq3A_1577 : vector<4x8x1024xi32>
      %and3A_1579 = arith.andi %and3A_1545, %eq3A_1578 : vector<4x8x1024xi1>
      %convert_element_type3A_1580 = arith.extui %and3A_1579 : vector<4x8x1024xi1> to vector<4x8x1024xi32>
      %reduce_sum3A_1581 = arith.constant dense<0> : vector<4xi32>
      %reduce_sum3A_1582 = vector.multi_reduction <add>, %convert_element_type3A_1580, %reduce_sum3A_1581 [1, 2] : vector<4x8x1024xi32> to vector<4xi32>
      %broadcast_in_dim3A_1583 = vector.shape_cast %reduce_sum3A_1582 : vector<4xi32> to vector<4x1x1xi32>
      %eq3A_1584 = arith.constant 4 : i32
      %eq3A_1585 = vector.broadcast %eq3A_1584 : i32 to vector<4x8x1024xi32>
      %eq3A_1586 = arith.cmpi eq, %and3A_1551, %eq3A_1585 : vector<4x8x1024xi32>
      %and3A_1587 = arith.andi %and3A_1545, %eq3A_1586 : vector<4x8x1024xi1>
      %convert_element_type3A_1588 = arith.extui %and3A_1587 : vector<4x8x1024xi1> to vector<4x8x1024xi32>
      %reduce_sum3A_1589 = arith.constant dense<0> : vector<4xi32>
      %reduce_sum3A_1590 = vector.multi_reduction <add>, %convert_element_type3A_1588, %reduce_sum3A_1589 [1, 2] : vector<4x8x1024xi32> to vector<4xi32>
      %broadcast_in_dim3A_1591 = vector.shape_cast %reduce_sum3A_1590 : vector<4xi32> to vector<4x1x1xi32>
      %eq3A_1592 = arith.constant 5 : i32
      %eq3A_1593 = vector.broadcast %eq3A_1592 : i32 to vector<4x8x1024xi32>
      %eq3A_1594 = arith.cmpi eq, %and3A_1551, %eq3A_1593 : vector<4x8x1024xi32>
      %and3A_1595 = arith.andi %and3A_1545, %eq3A_1594 : vector<4x8x1024xi1>
      %convert_element_type3A_1596 = arith.extui %and3A_1595 : vector<4x8x1024xi1> to vector<4x8x1024xi32>
      %reduce_sum3A_1597 = arith.constant dense<0> : vector<4xi32>
      %reduce_sum3A_1598 = vector.multi_reduction <add>, %convert_element_type3A_1596, %reduce_sum3A_1597 [1, 2] : vector<4x8x1024xi32> to vector<4xi32>
      %broadcast_in_dim3A_1599 = vector.shape_cast %reduce_sum3A_1598 : vector<4xi32> to vector<4x1x1xi32>
      %eq3A_1600 = arith.constant 6 : i32
      %eq3A_1601 = vector.broadcast %eq3A_1600 : i32 to vector<4x8x1024xi32>
      %eq3A_1602 = arith.cmpi eq, %and3A_1551, %eq3A_1601 : vector<4x8x1024xi32>
      %and3A_1603 = arith.andi %and3A_1545, %eq3A_1602 : vector<4x8x1024xi1>
      %convert_element_type3A_1604 = arith.extui %and3A_1603 : vector<4x8x1024xi1> to vector<4x8x1024xi32>
      %reduce_sum3A_1605 = arith.constant dense<0> : vector<4xi32>
      %reduce_sum3A_1606 = vector.multi_reduction <add>, %convert_element_type3A_1604, %reduce_sum3A_1605 [1, 2] : vector<4x8x1024xi32> to vector<4xi32>
      %broadcast_in_dim3A_1607 = vector.shape_cast %reduce_sum3A_1606 : vector<4xi32> to vector<4x1x1xi32>
      %eq3A_1608 = arith.constant 7 : i32
      %eq3A_1609 = vector.broadcast %eq3A_1608 : i32 to vector<4x8x1024xi32>
      %eq3A_1610 = arith.cmpi eq, %and3A_1551, %eq3A_1609 : vector<4x8x1024xi32>
      %and3A_1611 = arith.andi %and3A_1545, %eq3A_1610 : vector<4x8x1024xi1>
      %convert_element_type3A_1612 = arith.extui %and3A_1611 : vector<4x8x1024xi1> to vector<4x8x1024xi32>
      %reduce_sum3A_1613 = arith.constant dense<0> : vector<4xi32>
      %reduce_sum3A_1614 = vector.multi_reduction <add>, %convert_element_type3A_1612, %reduce_sum3A_1613 [1, 2] : vector<4x8x1024xi32> to vector<4xi32>
      %broadcast_in_dim3A_1615 = vector.shape_cast %reduce_sum3A_1614 : vector<4xi32> to vector<4x1x1xi32>
      %eq3A_1616 = arith.constant 8 : i32
      %eq3A_1617 = vector.broadcast %eq3A_1616 : i32 to vector<4x8x1024xi32>
      %eq3A_1618 = arith.cmpi eq, %and3A_1551, %eq3A_1617 : vector<4x8x1024xi32>
      %and3A_1619 = arith.andi %and3A_1545, %eq3A_1618 : vector<4x8x1024xi1>
      %convert_element_type3A_1620 = arith.extui %and3A_1619 : vector<4x8x1024xi1> to vector<4x8x1024xi32>
      %reduce_sum3A_1621 = arith.constant dense<0> : vector<4xi32>
      %reduce_sum3A_1622 = vector.multi_reduction <add>, %convert_element_type3A_1620, %reduce_sum3A_1621 [1, 2] : vector<4x8x1024xi32> to vector<4xi32>
      %broadcast_in_dim3A_1623 = vector.shape_cast %reduce_sum3A_1622 : vector<4xi32> to vector<4x1x1xi32>
      %eq3A_1624 = arith.constant 9 : i32
      %eq3A_1625 = vector.broadcast %eq3A_1624 : i32 to vector<4x8x1024xi32>
      %eq3A_1626 = arith.cmpi eq, %and3A_1551, %eq3A_1625 : vector<4x8x1024xi32>
      %and3A_1627 = arith.andi %and3A_1545, %eq3A_1626 : vector<4x8x1024xi1>
      %convert_element_type3A_1628 = arith.extui %and3A_1627 : vector<4x8x1024xi1> to vector<4x8x1024xi32>
      %reduce_sum3A_1629 = arith.constant dense<0> : vector<4xi32>
      %reduce_sum3A_1630 = vector.multi_reduction <add>, %convert_element_type3A_1628, %reduce_sum3A_1629 [1, 2] : vector<4x8x1024xi32> to vector<4xi32>
      %broadcast_in_dim3A_1631 = vector.shape_cast %reduce_sum3A_1630 : vector<4xi32> to vector<4x1x1xi32>
      %eq3A_1632 = arith.constant 10 : i32
      %eq3A_1633 = vector.broadcast %eq3A_1632 : i32 to vector<4x8x1024xi32>
      %eq3A_1634 = arith.cmpi eq, %and3A_1551, %eq3A_1633 : vector<4x8x1024xi32>
      %and3A_1635 = arith.andi %and3A_1545, %eq3A_1634 : vector<4x8x1024xi1>
      %convert_element_type3A_1636 = arith.extui %and3A_1635 : vector<4x8x1024xi1> to vector<4x8x1024xi32>
      %reduce_sum3A_1637 = arith.constant dense<0> : vector<4xi32>
      %reduce_sum3A_1638 = vector.multi_reduction <add>, %convert_element_type3A_1636, %reduce_sum3A_1637 [1, 2] : vector<4x8x1024xi32> to vector<4xi32>
      %broadcast_in_dim3A_1639 = vector.shape_cast %reduce_sum3A_1638 : vector<4xi32> to vector<4x1x1xi32>
      %eq3A_1640 = arith.constant 11 : i32
      %eq3A_1641 = vector.broadcast %eq3A_1640 : i32 to vector<4x8x1024xi32>
      %eq3A_1642 = arith.cmpi eq, %and3A_1551, %eq3A_1641 : vector<4x8x1024xi32>
      %and3A_1643 = arith.andi %and3A_1545, %eq3A_1642 : vector<4x8x1024xi1>
      %convert_element_type3A_1644 = arith.extui %and3A_1643 : vector<4x8x1024xi1> to vector<4x8x1024xi32>
      %reduce_sum3A_1645 = arith.constant dense<0> : vector<4xi32>
      %reduce_sum3A_1646 = vector.multi_reduction <add>, %convert_element_type3A_1644, %reduce_sum3A_1645 [1, 2] : vector<4x8x1024xi32> to vector<4xi32>
      %broadcast_in_dim3A_1647 = vector.shape_cast %reduce_sum3A_1646 : vector<4xi32> to vector<4x1x1xi32>
      %eq3A_1648 = arith.constant 12 : i32
      %eq3A_1649 = vector.broadcast %eq3A_1648 : i32 to vector<4x8x1024xi32>
      %eq3A_1650 = arith.cmpi eq, %and3A_1551, %eq3A_1649 : vector<4x8x1024xi32>
      %and3A_1651 = arith.andi %and3A_1545, %eq3A_1650 : vector<4x8x1024xi1>
      %convert_element_type3A_1652 = arith.extui %and3A_1651 : vector<4x8x1024xi1> to vector<4x8x1024xi32>
      %reduce_sum3A_1653 = arith.constant dense<0> : vector<4xi32>
      %reduce_sum3A_1654 = vector.multi_reduction <add>, %convert_element_type3A_1652, %reduce_sum3A_1653 [1, 2] : vector<4x8x1024xi32> to vector<4xi32>
      %broadcast_in_dim3A_1655 = vector.shape_cast %reduce_sum3A_1654 : vector<4xi32> to vector<4x1x1xi32>
      %eq3A_1656 = arith.constant 13 : i32
      %eq3A_1657 = vector.broadcast %eq3A_1656 : i32 to vector<4x8x1024xi32>
      %eq3A_1658 = arith.cmpi eq, %and3A_1551, %eq3A_1657 : vector<4x8x1024xi32>
      %and3A_1659 = arith.andi %and3A_1545, %eq3A_1658 : vector<4x8x1024xi1>
      %convert_element_type3A_1660 = arith.extui %and3A_1659 : vector<4x8x1024xi1> to vector<4x8x1024xi32>
      %reduce_sum3A_1661 = arith.constant dense<0> : vector<4xi32>
      %reduce_sum3A_1662 = vector.multi_reduction <add>, %convert_element_type3A_1660, %reduce_sum3A_1661 [1, 2] : vector<4x8x1024xi32> to vector<4xi32>
      %broadcast_in_dim3A_1663 = vector.shape_cast %reduce_sum3A_1662 : vector<4xi32> to vector<4x1x1xi32>
      %eq3A_1664 = arith.constant 14 : i32
      %eq3A_1665 = vector.broadcast %eq3A_1664 : i32 to vector<4x8x1024xi32>
      %eq3A_1666 = arith.cmpi eq, %and3A_1551, %eq3A_1665 : vector<4x8x1024xi32>
      %and3A_1667 = arith.andi %and3A_1545, %eq3A_1666 : vector<4x8x1024xi1>
      %convert_element_type3A_1668 = arith.extui %and3A_1667 : vector<4x8x1024xi1> to vector<4x8x1024xi32>
      %reduce_sum3A_1669 = arith.constant dense<0> : vector<4xi32>
      %reduce_sum3A_1670 = vector.multi_reduction <add>, %convert_element_type3A_1668, %reduce_sum3A_1669 [1, 2] : vector<4x8x1024xi32> to vector<4xi32>
      %broadcast_in_dim3A_1671 = vector.shape_cast %reduce_sum3A_1670 : vector<4xi32> to vector<4x1x1xi32>
      %eq3A_1672 = arith.constant 15 : i32
      %eq3A_1673 = vector.broadcast %eq3A_1672 : i32 to vector<4x8x1024xi32>
      %eq3A_1674 = arith.cmpi eq, %and3A_1551, %eq3A_1673 : vector<4x8x1024xi32>
      %and3A_1675 = arith.andi %and3A_1545, %eq3A_1674 : vector<4x8x1024xi1>
      %convert_element_type3A_1676 = arith.extui %and3A_1675 : vector<4x8x1024xi1> to vector<4x8x1024xi32>
      %reduce_sum3A_1677 = arith.constant dense<0> : vector<4xi32>
      %reduce_sum3A_1678 = vector.multi_reduction <add>, %convert_element_type3A_1676, %reduce_sum3A_1677 [1, 2] : vector<4x8x1024xi32> to vector<4xi32>
      %broadcast_in_dim3A_1679 = vector.shape_cast %reduce_sum3A_1678 : vector<4xi32> to vector<4x1x1xi32>
      %broadcast_in_dim3A_1680 = arith.constant 0 : i32
      %broadcast_in_dim3A_1681 = vector.broadcast %broadcast_in_dim3A_1680 : i32 to vector<4x1x1xi32>
      %broadcast_in_dim3A_1682 = arith.constant 0 : i32
      %broadcast_in_dim3A_1683 = vector.broadcast %broadcast_in_dim3A_1682 : i32 to vector<4x1x1xi32>
      %add3A_1684 = arith.addi %broadcast_in_dim3A_1681, %broadcast_in_dim3A_1679 : vector<4x1x1xi32>
      %ge3A_1685 = arith.cmpi sge, %add3A_1684, %select_n3A_1532 : vector<4x1x1xi32>
      %lt3A_1686 = arith.cmpi slt, %broadcast_in_dim3A_1681, %select_n3A_1532 : vector<4x1x1xi32>
      %and3A_1687 = arith.andi %ge3A_1685, %lt3A_1686 : vector<4x1x1xi1>
      %jit3A_1688 = arith.constant 15 : i32
      %broadcast_in_dim3A_1689 = vector.broadcast %jit3A_1688 : i32 to vector<4x1x1xi32>
      %select_n3A_1690 = arith.select %and3A_1687, %broadcast_in_dim3A_1689, %broadcast_in_dim3A_1683 : vector<4x1x1xi1>, vector<4x1x1xi32>
      %sub3A_1691 = arith.subi %select_n3A_1532, %broadcast_in_dim3A_1681 : vector<4x1x1xi32>
      %select_n3A_1692 = arith.select %and3A_1687, %sub3A_1691, %select_n3A_1532 : vector<4x1x1xi1>, vector<4x1x1xi32>
      %add3A_1693 = arith.addi %add3A_1684, %broadcast_in_dim3A_1671 : vector<4x1x1xi32>
      %ge3A_1694 = arith.cmpi sge, %add3A_1693, %select_n3A_1532 : vector<4x1x1xi32>
      %lt3A_1695 = arith.cmpi slt, %add3A_1684, %select_n3A_1532 : vector<4x1x1xi32>
      %and3A_1696 = arith.andi %ge3A_1694, %lt3A_1695 : vector<4x1x1xi1>
      %jit3A_1697 = arith.constant 14 : i32
      %broadcast_in_dim3A_1698 = vector.broadcast %jit3A_1697 : i32 to vector<4x1x1xi32>
      %select_n3A_1699 = arith.select %and3A_1696, %broadcast_in_dim3A_1698, %select_n3A_1690 : vector<4x1x1xi1>, vector<4x1x1xi32>
      %sub3A_1700 = arith.subi %select_n3A_1532, %add3A_1684 : vector<4x1x1xi32>
      %select_n3A_1701 = arith.select %and3A_1696, %sub3A_1700, %select_n3A_1692 : vector<4x1x1xi1>, vector<4x1x1xi32>
      %add3A_1702 = arith.addi %add3A_1693, %broadcast_in_dim3A_1663 : vector<4x1x1xi32>
      %ge3A_1703 = arith.cmpi sge, %add3A_1702, %select_n3A_1532 : vector<4x1x1xi32>
      %lt3A_1704 = arith.cmpi slt, %add3A_1693, %select_n3A_1532 : vector<4x1x1xi32>
      %and3A_1705 = arith.andi %ge3A_1703, %lt3A_1704 : vector<4x1x1xi1>
      %jit3A_1706 = arith.constant 13 : i32
      %broadcast_in_dim3A_1707 = vector.broadcast %jit3A_1706 : i32 to vector<4x1x1xi32>
      %select_n3A_1708 = arith.select %and3A_1705, %broadcast_in_dim3A_1707, %select_n3A_1699 : vector<4x1x1xi1>, vector<4x1x1xi32>
      %sub3A_1709 = arith.subi %select_n3A_1532, %add3A_1693 : vector<4x1x1xi32>
      %select_n3A_1710 = arith.select %and3A_1705, %sub3A_1709, %select_n3A_1701 : vector<4x1x1xi1>, vector<4x1x1xi32>
      %add3A_1711 = arith.addi %add3A_1702, %broadcast_in_dim3A_1655 : vector<4x1x1xi32>
      %ge3A_1712 = arith.cmpi sge, %add3A_1711, %select_n3A_1532 : vector<4x1x1xi32>
      %lt3A_1713 = arith.cmpi slt, %add3A_1702, %select_n3A_1532 : vector<4x1x1xi32>
      %and3A_1714 = arith.andi %ge3A_1712, %lt3A_1713 : vector<4x1x1xi1>
      %jit3A_1715 = arith.constant 12 : i32
      %broadcast_in_dim3A_1716 = vector.broadcast %jit3A_1715 : i32 to vector<4x1x1xi32>
      %select_n3A_1717 = arith.select %and3A_1714, %broadcast_in_dim3A_1716, %select_n3A_1708 : vector<4x1x1xi1>, vector<4x1x1xi32>
      %sub3A_1718 = arith.subi %select_n3A_1532, %add3A_1702 : vector<4x1x1xi32>
      %select_n3A_1719 = arith.select %and3A_1714, %sub3A_1718, %select_n3A_1710 : vector<4x1x1xi1>, vector<4x1x1xi32>
      %add3A_1720 = arith.addi %add3A_1711, %broadcast_in_dim3A_1647 : vector<4x1x1xi32>
      %ge3A_1721 = arith.cmpi sge, %add3A_1720, %select_n3A_1532 : vector<4x1x1xi32>
      %lt3A_1722 = arith.cmpi slt, %add3A_1711, %select_n3A_1532 : vector<4x1x1xi32>
      %and3A_1723 = arith.andi %ge3A_1721, %lt3A_1722 : vector<4x1x1xi1>
      %jit3A_1724 = arith.constant 11 : i32
      %broadcast_in_dim3A_1725 = vector.broadcast %jit3A_1724 : i32 to vector<4x1x1xi32>
      %select_n3A_1726 = arith.select %and3A_1723, %broadcast_in_dim3A_1725, %select_n3A_1717 : vector<4x1x1xi1>, vector<4x1x1xi32>
      %sub3A_1727 = arith.subi %select_n3A_1532, %add3A_1711 : vector<4x1x1xi32>
      %select_n3A_1728 = arith.select %and3A_1723, %sub3A_1727, %select_n3A_1719 : vector<4x1x1xi1>, vector<4x1x1xi32>
      %add3A_1729 = arith.addi %add3A_1720, %broadcast_in_dim3A_1639 : vector<4x1x1xi32>
      %ge3A_1730 = arith.cmpi sge, %add3A_1729, %select_n3A_1532 : vector<4x1x1xi32>
      %lt3A_1731 = arith.cmpi slt, %add3A_1720, %select_n3A_1532 : vector<4x1x1xi32>
      %and3A_1732 = arith.andi %ge3A_1730, %lt3A_1731 : vector<4x1x1xi1>
      %jit3A_1733 = arith.constant 10 : i32
      %broadcast_in_dim3A_1734 = vector.broadcast %jit3A_1733 : i32 to vector<4x1x1xi32>
      %select_n3A_1735 = arith.select %and3A_1732, %broadcast_in_dim3A_1734, %select_n3A_1726 : vector<4x1x1xi1>, vector<4x1x1xi32>
      %sub3A_1736 = arith.subi %select_n3A_1532, %add3A_1720 : vector<4x1x1xi32>
      %select_n3A_1737 = arith.select %and3A_1732, %sub3A_1736, %select_n3A_1728 : vector<4x1x1xi1>, vector<4x1x1xi32>
      %add3A_1738 = arith.addi %add3A_1729, %broadcast_in_dim3A_1631 : vector<4x1x1xi32>
      %ge3A_1739 = arith.cmpi sge, %add3A_1738, %select_n3A_1532 : vector<4x1x1xi32>
      %lt3A_1740 = arith.cmpi slt, %add3A_1729, %select_n3A_1532 : vector<4x1x1xi32>
      %and3A_1741 = arith.andi %ge3A_1739, %lt3A_1740 : vector<4x1x1xi1>
      %jit3A_1742 = arith.constant 9 : i32
      %broadcast_in_dim3A_1743 = vector.broadcast %jit3A_1742 : i32 to vector<4x1x1xi32>
      %select_n3A_1744 = arith.select %and3A_1741, %broadcast_in_dim3A_1743, %select_n3A_1735 : vector<4x1x1xi1>, vector<4x1x1xi32>
      %sub3A_1745 = arith.subi %select_n3A_1532, %add3A_1729 : vector<4x1x1xi32>
      %select_n3A_1746 = arith.select %and3A_1741, %sub3A_1745, %select_n3A_1737 : vector<4x1x1xi1>, vector<4x1x1xi32>
      %add3A_1747 = arith.addi %add3A_1738, %broadcast_in_dim3A_1623 : vector<4x1x1xi32>
      %ge3A_1748 = arith.cmpi sge, %add3A_1747, %select_n3A_1532 : vector<4x1x1xi32>
      %lt3A_1749 = arith.cmpi slt, %add3A_1738, %select_n3A_1532 : vector<4x1x1xi32>
      %and3A_1750 = arith.andi %ge3A_1748, %lt3A_1749 : vector<4x1x1xi1>
      %jit3A_1751 = arith.constant 8 : i32
      %broadcast_in_dim3A_1752 = vector.broadcast %jit3A_1751 : i32 to vector<4x1x1xi32>
      %select_n3A_1753 = arith.select %and3A_1750, %broadcast_in_dim3A_1752, %select_n3A_1744 : vector<4x1x1xi1>, vector<4x1x1xi32>
      %sub3A_1754 = arith.subi %select_n3A_1532, %add3A_1738 : vector<4x1x1xi32>
      %select_n3A_1755 = arith.select %and3A_1750, %sub3A_1754, %select_n3A_1746 : vector<4x1x1xi1>, vector<4x1x1xi32>
      %add3A_1756 = arith.addi %add3A_1747, %broadcast_in_dim3A_1615 : vector<4x1x1xi32>
      %ge3A_1757 = arith.cmpi sge, %add3A_1756, %select_n3A_1532 : vector<4x1x1xi32>
      %lt3A_1758 = arith.cmpi slt, %add3A_1747, %select_n3A_1532 : vector<4x1x1xi32>
      %and3A_1759 = arith.andi %ge3A_1757, %lt3A_1758 : vector<4x1x1xi1>
      %jit3A_1760 = arith.constant 7 : i32
      %broadcast_in_dim3A_1761 = vector.broadcast %jit3A_1760 : i32 to vector<4x1x1xi32>
      %select_n3A_1762 = arith.select %and3A_1759, %broadcast_in_dim3A_1761, %select_n3A_1753 : vector<4x1x1xi1>, vector<4x1x1xi32>
      %sub3A_1763 = arith.subi %select_n3A_1532, %add3A_1747 : vector<4x1x1xi32>
      %select_n3A_1764 = arith.select %and3A_1759, %sub3A_1763, %select_n3A_1755 : vector<4x1x1xi1>, vector<4x1x1xi32>
      %add3A_1765 = arith.addi %add3A_1756, %broadcast_in_dim3A_1607 : vector<4x1x1xi32>
      %ge3A_1766 = arith.cmpi sge, %add3A_1765, %select_n3A_1532 : vector<4x1x1xi32>
      %lt3A_1767 = arith.cmpi slt, %add3A_1756, %select_n3A_1532 : vector<4x1x1xi32>
      %and3A_1768 = arith.andi %ge3A_1766, %lt3A_1767 : vector<4x1x1xi1>
      %jit3A_1769 = arith.constant 6 : i32
      %broadcast_in_dim3A_1770 = vector.broadcast %jit3A_1769 : i32 to vector<4x1x1xi32>
      %select_n3A_1771 = arith.select %and3A_1768, %broadcast_in_dim3A_1770, %select_n3A_1762 : vector<4x1x1xi1>, vector<4x1x1xi32>
      %sub3A_1772 = arith.subi %select_n3A_1532, %add3A_1756 : vector<4x1x1xi32>
      %select_n3A_1773 = arith.select %and3A_1768, %sub3A_1772, %select_n3A_1764 : vector<4x1x1xi1>, vector<4x1x1xi32>
      %add3A_1774 = arith.addi %add3A_1765, %broadcast_in_dim3A_1599 : vector<4x1x1xi32>
      %ge3A_1775 = arith.cmpi sge, %add3A_1774, %select_n3A_1532 : vector<4x1x1xi32>
      %lt3A_1776 = arith.cmpi slt, %add3A_1765, %select_n3A_1532 : vector<4x1x1xi32>
      %and3A_1777 = arith.andi %ge3A_1775, %lt3A_1776 : vector<4x1x1xi1>
      %jit3A_1778 = arith.constant 5 : i32
      %broadcast_in_dim3A_1779 = vector.broadcast %jit3A_1778 : i32 to vector<4x1x1xi32>
      %select_n3A_1780 = arith.select %and3A_1777, %broadcast_in_dim3A_1779, %select_n3A_1771 : vector<4x1x1xi1>, vector<4x1x1xi32>
      %sub3A_1781 = arith.subi %select_n3A_1532, %add3A_1765 : vector<4x1x1xi32>
      %select_n3A_1782 = arith.select %and3A_1777, %sub3A_1781, %select_n3A_1773 : vector<4x1x1xi1>, vector<4x1x1xi32>
      %add3A_1783 = arith.addi %add3A_1774, %broadcast_in_dim3A_1591 : vector<4x1x1xi32>
      %ge3A_1784 = arith.cmpi sge, %add3A_1783, %select_n3A_1532 : vector<4x1x1xi32>
      %lt3A_1785 = arith.cmpi slt, %add3A_1774, %select_n3A_1532 : vector<4x1x1xi32>
      %and3A_1786 = arith.andi %ge3A_1784, %lt3A_1785 : vector<4x1x1xi1>
      %jit3A_1787 = arith.constant 4 : i32
      %broadcast_in_dim3A_1788 = vector.broadcast %jit3A_1787 : i32 to vector<4x1x1xi32>
      %select_n3A_1789 = arith.select %and3A_1786, %broadcast_in_dim3A_1788, %select_n3A_1780 : vector<4x1x1xi1>, vector<4x1x1xi32>
      %sub3A_1790 = arith.subi %select_n3A_1532, %add3A_1774 : vector<4x1x1xi32>
      %select_n3A_1791 = arith.select %and3A_1786, %sub3A_1790, %select_n3A_1782 : vector<4x1x1xi1>, vector<4x1x1xi32>
      %add3A_1792 = arith.addi %add3A_1783, %broadcast_in_dim3A_1583 : vector<4x1x1xi32>
      %ge3A_1793 = arith.cmpi sge, %add3A_1792, %select_n3A_1532 : vector<4x1x1xi32>
      %lt3A_1794 = arith.cmpi slt, %add3A_1783, %select_n3A_1532 : vector<4x1x1xi32>
      %and3A_1795 = arith.andi %ge3A_1793, %lt3A_1794 : vector<4x1x1xi1>
      %jit3A_1796 = arith.constant 3 : i32
      %broadcast_in_dim3A_1797 = vector.broadcast %jit3A_1796 : i32 to vector<4x1x1xi32>
      %select_n3A_1798 = arith.select %and3A_1795, %broadcast_in_dim3A_1797, %select_n3A_1789 : vector<4x1x1xi1>, vector<4x1x1xi32>
      %sub3A_1799 = arith.subi %select_n3A_1532, %add3A_1783 : vector<4x1x1xi32>
      %select_n3A_1800 = arith.select %and3A_1795, %sub3A_1799, %select_n3A_1791 : vector<4x1x1xi1>, vector<4x1x1xi32>
      %add3A_1801 = arith.addi %add3A_1792, %broadcast_in_dim3A_1575 : vector<4x1x1xi32>
      %ge3A_1802 = arith.cmpi sge, %add3A_1801, %select_n3A_1532 : vector<4x1x1xi32>
      %lt3A_1803 = arith.cmpi slt, %add3A_1792, %select_n3A_1532 : vector<4x1x1xi32>
      %and3A_1804 = arith.andi %ge3A_1802, %lt3A_1803 : vector<4x1x1xi1>
      %jit3A_1805 = arith.constant 2 : i32
      %broadcast_in_dim3A_1806 = vector.broadcast %jit3A_1805 : i32 to vector<4x1x1xi32>
      %select_n3A_1807 = arith.select %and3A_1804, %broadcast_in_dim3A_1806, %select_n3A_1798 : vector<4x1x1xi1>, vector<4x1x1xi32>
      %sub3A_1808 = arith.subi %select_n3A_1532, %add3A_1792 : vector<4x1x1xi32>
      %select_n3A_1809 = arith.select %and3A_1804, %sub3A_1808, %select_n3A_1800 : vector<4x1x1xi1>, vector<4x1x1xi32>
      %add3A_1810 = arith.addi %add3A_1801, %broadcast_in_dim3A_1567 : vector<4x1x1xi32>
      %ge3A_1811 = arith.cmpi sge, %add3A_1810, %select_n3A_1532 : vector<4x1x1xi32>
      %lt3A_1812 = arith.cmpi slt, %add3A_1801, %select_n3A_1532 : vector<4x1x1xi32>
      %and3A_1813 = arith.andi %ge3A_1811, %lt3A_1812 : vector<4x1x1xi1>
      %jit3A_1814 = arith.constant 1 : i32
      %broadcast_in_dim3A_1815 = vector.broadcast %jit3A_1814 : i32 to vector<4x1x1xi32>
      %select_n3A_1816 = arith.select %and3A_1813, %broadcast_in_dim3A_1815, %select_n3A_1807 : vector<4x1x1xi1>, vector<4x1x1xi32>
      %sub3A_1817 = arith.subi %select_n3A_1532, %add3A_1801 : vector<4x1x1xi32>
      %select_n3A_1818 = arith.select %and3A_1813, %sub3A_1817, %select_n3A_1809 : vector<4x1x1xi1>, vector<4x1x1xi32>
      %add3A_1819 = arith.addi %add3A_1810, %broadcast_in_dim3A_1559 : vector<4x1x1xi32>
      %ge3A_1820 = arith.cmpi sge, %add3A_1819, %select_n3A_1532 : vector<4x1x1xi32>
      %lt3A_1821 = arith.cmpi slt, %add3A_1810, %select_n3A_1532 : vector<4x1x1xi32>
      %and3A_1822 = arith.andi %ge3A_1820, %lt3A_1821 : vector<4x1x1xi1>
      %jit3A_1823 = arith.constant 0 : i32
      %broadcast_in_dim3A_1824 = vector.broadcast %jit3A_1823 : i32 to vector<4x1x1xi32>
      %select_n3A_1825 = arith.select %and3A_1822, %broadcast_in_dim3A_1824, %select_n3A_1816 : vector<4x1x1xi1>, vector<4x1x1xi32>
      %sub3A_1826 = arith.subi %select_n3A_1532, %add3A_1810 : vector<4x1x1xi32>
      %select_n3A_1827 = arith.select %and3A_1822, %sub3A_1826, %select_n3A_1818 : vector<4x1x1xi1>, vector<4x1x1xi32>
      %shift_left3A_1828 = arith.constant 8 : i32
      %shift_left3A_1829 = vector.broadcast %shift_left3A_1828 : i32 to vector<4x1x1xi32>
      %shift_left3A_1830 = arith.shli %select_n3A_1825, %shift_left3A_1829 : vector<4x1x1xi32>
      %or3A_1831 = arith.ori %or3A_1536, %shift_left3A_1830 : vector<4x1x1xi32>
      %shift_right_logical3A_1832 = arith.constant 8 : i32
      %shift_right_logical3A_1833 = vector.broadcast %shift_right_logical3A_1832 : i32 to vector<4x8x1024xi32>
      %shift_right_logical3A_1834 = arith.shrui %xor3A_63, %shift_right_logical3A_1833 : vector<4x8x1024xi32>
      %shift_right_logical3A_1835 = arith.constant 8 : i32
      %shift_right_logical3A_1836 = vector.broadcast %shift_right_logical3A_1835 : i32 to vector<4x1x1xi32>
      %shift_right_logical3A_1837 = arith.shrui %or3A_1831, %shift_right_logical3A_1836 : vector<4x1x1xi32>
      %eq3A_1838 = vector.broadcast %shift_right_logical3A_1837 : vector<4x1x1xi32> to vector<4x8x1024xi32>
      %eq3A_1839 = arith.cmpi eq, %shift_right_logical3A_1834, %eq3A_1838 : vector<4x8x1024xi32>
      %and3A_1840 = arith.andi %broadcast_in_dim3A_64, %eq3A_1839 : vector<4x8x1024xi1>
      %shift_right_logical3A_1841 = arith.constant 4 : i32
      %shift_right_logical3A_1842 = vector.broadcast %shift_right_logical3A_1841 : i32 to vector<4x8x1024xi32>
      %shift_right_logical3A_1843 = arith.shrui %xor3A_63, %shift_right_logical3A_1842 : vector<4x8x1024xi32>
      %and3A_1844 = arith.constant 15 : i32
      %and3A_1845 = vector.broadcast %and3A_1844 : i32 to vector<4x8x1024xi32>
      %and3A_1846 = arith.andi %shift_right_logical3A_1843, %and3A_1845 : vector<4x8x1024xi32>
      %eq3A_1847 = arith.constant 0 : i32
      %eq3A_1848 = vector.broadcast %eq3A_1847 : i32 to vector<4x8x1024xi32>
      %eq3A_1849 = arith.cmpi eq, %and3A_1846, %eq3A_1848 : vector<4x8x1024xi32>
      %and3A_1850 = arith.andi %and3A_1840, %eq3A_1849 : vector<4x8x1024xi1>
      %convert_element_type3A_1851 = arith.extui %and3A_1850 : vector<4x8x1024xi1> to vector<4x8x1024xi32>
      %reduce_sum3A_1852 = arith.constant dense<0> : vector<4xi32>
      %reduce_sum3A_1853 = vector.multi_reduction <add>, %convert_element_type3A_1851, %reduce_sum3A_1852 [1, 2] : vector<4x8x1024xi32> to vector<4xi32>
      %broadcast_in_dim3A_1854 = vector.shape_cast %reduce_sum3A_1853 : vector<4xi32> to vector<4x1x1xi32>
      %eq3A_1855 = arith.constant 1 : i32
      %eq3A_1856 = vector.broadcast %eq3A_1855 : i32 to vector<4x8x1024xi32>
      %eq3A_1857 = arith.cmpi eq, %and3A_1846, %eq3A_1856 : vector<4x8x1024xi32>
      %and3A_1858 = arith.andi %and3A_1840, %eq3A_1857 : vector<4x8x1024xi1>
      %convert_element_type3A_1859 = arith.extui %and3A_1858 : vector<4x8x1024xi1> to vector<4x8x1024xi32>
      %reduce_sum3A_1860 = arith.constant dense<0> : vector<4xi32>
      %reduce_sum3A_1861 = vector.multi_reduction <add>, %convert_element_type3A_1859, %reduce_sum3A_1860 [1, 2] : vector<4x8x1024xi32> to vector<4xi32>
      %broadcast_in_dim3A_1862 = vector.shape_cast %reduce_sum3A_1861 : vector<4xi32> to vector<4x1x1xi32>
      %eq3A_1863 = arith.constant 2 : i32
      %eq3A_1864 = vector.broadcast %eq3A_1863 : i32 to vector<4x8x1024xi32>
      %eq3A_1865 = arith.cmpi eq, %and3A_1846, %eq3A_1864 : vector<4x8x1024xi32>
      %and3A_1866 = arith.andi %and3A_1840, %eq3A_1865 : vector<4x8x1024xi1>
      %convert_element_type3A_1867 = arith.extui %and3A_1866 : vector<4x8x1024xi1> to vector<4x8x1024xi32>
      %reduce_sum3A_1868 = arith.constant dense<0> : vector<4xi32>
      %reduce_sum3A_1869 = vector.multi_reduction <add>, %convert_element_type3A_1867, %reduce_sum3A_1868 [1, 2] : vector<4x8x1024xi32> to vector<4xi32>
      %broadcast_in_dim3A_1870 = vector.shape_cast %reduce_sum3A_1869 : vector<4xi32> to vector<4x1x1xi32>
      %eq3A_1871 = arith.constant 3 : i32
      %eq3A_1872 = vector.broadcast %eq3A_1871 : i32 to vector<4x8x1024xi32>
      %eq3A_1873 = arith.cmpi eq, %and3A_1846, %eq3A_1872 : vector<4x8x1024xi32>
      %and3A_1874 = arith.andi %and3A_1840, %eq3A_1873 : vector<4x8x1024xi1>
      %convert_element_type3A_1875 = arith.extui %and3A_1874 : vector<4x8x1024xi1> to vector<4x8x1024xi32>
      %reduce_sum3A_1876 = arith.constant dense<0> : vector<4xi32>
      %reduce_sum3A_1877 = vector.multi_reduction <add>, %convert_element_type3A_1875, %reduce_sum3A_1876 [1, 2] : vector<4x8x1024xi32> to vector<4xi32>
      %broadcast_in_dim3A_1878 = vector.shape_cast %reduce_sum3A_1877 : vector<4xi32> to vector<4x1x1xi32>
      %eq3A_1879 = arith.constant 4 : i32
      %eq3A_1880 = vector.broadcast %eq3A_1879 : i32 to vector<4x8x1024xi32>
      %eq3A_1881 = arith.cmpi eq, %and3A_1846, %eq3A_1880 : vector<4x8x1024xi32>
      %and3A_1882 = arith.andi %and3A_1840, %eq3A_1881 : vector<4x8x1024xi1>
      %convert_element_type3A_1883 = arith.extui %and3A_1882 : vector<4x8x1024xi1> to vector<4x8x1024xi32>
      %reduce_sum3A_1884 = arith.constant dense<0> : vector<4xi32>
      %reduce_sum3A_1885 = vector.multi_reduction <add>, %convert_element_type3A_1883, %reduce_sum3A_1884 [1, 2] : vector<4x8x1024xi32> to vector<4xi32>
      %broadcast_in_dim3A_1886 = vector.shape_cast %reduce_sum3A_1885 : vector<4xi32> to vector<4x1x1xi32>
      %eq3A_1887 = arith.constant 5 : i32
      %eq3A_1888 = vector.broadcast %eq3A_1887 : i32 to vector<4x8x1024xi32>
      %eq3A_1889 = arith.cmpi eq, %and3A_1846, %eq3A_1888 : vector<4x8x1024xi32>
      %and3A_1890 = arith.andi %and3A_1840, %eq3A_1889 : vector<4x8x1024xi1>
      %convert_element_type3A_1891 = arith.extui %and3A_1890 : vector<4x8x1024xi1> to vector<4x8x1024xi32>
      %reduce_sum3A_1892 = arith.constant dense<0> : vector<4xi32>
      %reduce_sum3A_1893 = vector.multi_reduction <add>, %convert_element_type3A_1891, %reduce_sum3A_1892 [1, 2] : vector<4x8x1024xi32> to vector<4xi32>
      %broadcast_in_dim3A_1894 = vector.shape_cast %reduce_sum3A_1893 : vector<4xi32> to vector<4x1x1xi32>
      %eq3A_1895 = arith.constant 6 : i32
      %eq3A_1896 = vector.broadcast %eq3A_1895 : i32 to vector<4x8x1024xi32>
      %eq3A_1897 = arith.cmpi eq, %and3A_1846, %eq3A_1896 : vector<4x8x1024xi32>
      %and3A_1898 = arith.andi %and3A_1840, %eq3A_1897 : vector<4x8x1024xi1>
      %convert_element_type3A_1899 = arith.extui %and3A_1898 : vector<4x8x1024xi1> to vector<4x8x1024xi32>
      %reduce_sum3A_1900 = arith.constant dense<0> : vector<4xi32>
      %reduce_sum3A_1901 = vector.multi_reduction <add>, %convert_element_type3A_1899, %reduce_sum3A_1900 [1, 2] : vector<4x8x1024xi32> to vector<4xi32>
      %broadcast_in_dim3A_1902 = vector.shape_cast %reduce_sum3A_1901 : vector<4xi32> to vector<4x1x1xi32>
      %eq3A_1903 = arith.constant 7 : i32
      %eq3A_1904 = vector.broadcast %eq3A_1903 : i32 to vector<4x8x1024xi32>
      %eq3A_1905 = arith.cmpi eq, %and3A_1846, %eq3A_1904 : vector<4x8x1024xi32>
      %and3A_1906 = arith.andi %and3A_1840, %eq3A_1905 : vector<4x8x1024xi1>
      %convert_element_type3A_1907 = arith.extui %and3A_1906 : vector<4x8x1024xi1> to vector<4x8x1024xi32>
      %reduce_sum3A_1908 = arith.constant dense<0> : vector<4xi32>
      %reduce_sum3A_1909 = vector.multi_reduction <add>, %convert_element_type3A_1907, %reduce_sum3A_1908 [1, 2] : vector<4x8x1024xi32> to vector<4xi32>
      %broadcast_in_dim3A_1910 = vector.shape_cast %reduce_sum3A_1909 : vector<4xi32> to vector<4x1x1xi32>
      %eq3A_1911 = arith.constant 8 : i32
      %eq3A_1912 = vector.broadcast %eq3A_1911 : i32 to vector<4x8x1024xi32>
      %eq3A_1913 = arith.cmpi eq, %and3A_1846, %eq3A_1912 : vector<4x8x1024xi32>
      %and3A_1914 = arith.andi %and3A_1840, %eq3A_1913 : vector<4x8x1024xi1>
      %convert_element_type3A_1915 = arith.extui %and3A_1914 : vector<4x8x1024xi1> to vector<4x8x1024xi32>
      %reduce_sum3A_1916 = arith.constant dense<0> : vector<4xi32>
      %reduce_sum3A_1917 = vector.multi_reduction <add>, %convert_element_type3A_1915, %reduce_sum3A_1916 [1, 2] : vector<4x8x1024xi32> to vector<4xi32>
      %broadcast_in_dim3A_1918 = vector.shape_cast %reduce_sum3A_1917 : vector<4xi32> to vector<4x1x1xi32>
      %eq3A_1919 = arith.constant 9 : i32
      %eq3A_1920 = vector.broadcast %eq3A_1919 : i32 to vector<4x8x1024xi32>
      %eq3A_1921 = arith.cmpi eq, %and3A_1846, %eq3A_1920 : vector<4x8x1024xi32>
      %and3A_1922 = arith.andi %and3A_1840, %eq3A_1921 : vector<4x8x1024xi1>
      %convert_element_type3A_1923 = arith.extui %and3A_1922 : vector<4x8x1024xi1> to vector<4x8x1024xi32>
      %reduce_sum3A_1924 = arith.constant dense<0> : vector<4xi32>
      %reduce_sum3A_1925 = vector.multi_reduction <add>, %convert_element_type3A_1923, %reduce_sum3A_1924 [1, 2] : vector<4x8x1024xi32> to vector<4xi32>
      %broadcast_in_dim3A_1926 = vector.shape_cast %reduce_sum3A_1925 : vector<4xi32> to vector<4x1x1xi32>
      %eq3A_1927 = arith.constant 10 : i32
      %eq3A_1928 = vector.broadcast %eq3A_1927 : i32 to vector<4x8x1024xi32>
      %eq3A_1929 = arith.cmpi eq, %and3A_1846, %eq3A_1928 : vector<4x8x1024xi32>
      %and3A_1930 = arith.andi %and3A_1840, %eq3A_1929 : vector<4x8x1024xi1>
      %convert_element_type3A_1931 = arith.extui %and3A_1930 : vector<4x8x1024xi1> to vector<4x8x1024xi32>
      %reduce_sum3A_1932 = arith.constant dense<0> : vector<4xi32>
      %reduce_sum3A_1933 = vector.multi_reduction <add>, %convert_element_type3A_1931, %reduce_sum3A_1932 [1, 2] : vector<4x8x1024xi32> to vector<4xi32>
      %broadcast_in_dim3A_1934 = vector.shape_cast %reduce_sum3A_1933 : vector<4xi32> to vector<4x1x1xi32>
      %eq3A_1935 = arith.constant 11 : i32
      %eq3A_1936 = vector.broadcast %eq3A_1935 : i32 to vector<4x8x1024xi32>
      %eq3A_1937 = arith.cmpi eq, %and3A_1846, %eq3A_1936 : vector<4x8x1024xi32>
      %and3A_1938 = arith.andi %and3A_1840, %eq3A_1937 : vector<4x8x1024xi1>
      %convert_element_type3A_1939 = arith.extui %and3A_1938 : vector<4x8x1024xi1> to vector<4x8x1024xi32>
      %reduce_sum3A_1940 = arith.constant dense<0> : vector<4xi32>
      %reduce_sum3A_1941 = vector.multi_reduction <add>, %convert_element_type3A_1939, %reduce_sum3A_1940 [1, 2] : vector<4x8x1024xi32> to vector<4xi32>
      %broadcast_in_dim3A_1942 = vector.shape_cast %reduce_sum3A_1941 : vector<4xi32> to vector<4x1x1xi32>
      %eq3A_1943 = arith.constant 12 : i32
      %eq3A_1944 = vector.broadcast %eq3A_1943 : i32 to vector<4x8x1024xi32>
      %eq3A_1945 = arith.cmpi eq, %and3A_1846, %eq3A_1944 : vector<4x8x1024xi32>
      %and3A_1946 = arith.andi %and3A_1840, %eq3A_1945 : vector<4x8x1024xi1>
      %convert_element_type3A_1947 = arith.extui %and3A_1946 : vector<4x8x1024xi1> to vector<4x8x1024xi32>
      %reduce_sum3A_1948 = arith.constant dense<0> : vector<4xi32>
      %reduce_sum3A_1949 = vector.multi_reduction <add>, %convert_element_type3A_1947, %reduce_sum3A_1948 [1, 2] : vector<4x8x1024xi32> to vector<4xi32>
      %broadcast_in_dim3A_1950 = vector.shape_cast %reduce_sum3A_1949 : vector<4xi32> to vector<4x1x1xi32>
      %eq3A_1951 = arith.constant 13 : i32
      %eq3A_1952 = vector.broadcast %eq3A_1951 : i32 to vector<4x8x1024xi32>
      %eq3A_1953 = arith.cmpi eq, %and3A_1846, %eq3A_1952 : vector<4x8x1024xi32>
      %and3A_1954 = arith.andi %and3A_1840, %eq3A_1953 : vector<4x8x1024xi1>
      %convert_element_type3A_1955 = arith.extui %and3A_1954 : vector<4x8x1024xi1> to vector<4x8x1024xi32>
      %reduce_sum3A_1956 = arith.constant dense<0> : vector<4xi32>
      %reduce_sum3A_1957 = vector.multi_reduction <add>, %convert_element_type3A_1955, %reduce_sum3A_1956 [1, 2] : vector<4x8x1024xi32> to vector<4xi32>
      %broadcast_in_dim3A_1958 = vector.shape_cast %reduce_sum3A_1957 : vector<4xi32> to vector<4x1x1xi32>
      %eq3A_1959 = arith.constant 14 : i32
      %eq3A_1960 = vector.broadcast %eq3A_1959 : i32 to vector<4x8x1024xi32>
      %eq3A_1961 = arith.cmpi eq, %and3A_1846, %eq3A_1960 : vector<4x8x1024xi32>
      %and3A_1962 = arith.andi %and3A_1840, %eq3A_1961 : vector<4x8x1024xi1>
      %convert_element_type3A_1963 = arith.extui %and3A_1962 : vector<4x8x1024xi1> to vector<4x8x1024xi32>
      %reduce_sum3A_1964 = arith.constant dense<0> : vector<4xi32>
      %reduce_sum3A_1965 = vector.multi_reduction <add>, %convert_element_type3A_1963, %reduce_sum3A_1964 [1, 2] : vector<4x8x1024xi32> to vector<4xi32>
      %broadcast_in_dim3A_1966 = vector.shape_cast %reduce_sum3A_1965 : vector<4xi32> to vector<4x1x1xi32>
      %eq3A_1967 = arith.constant 15 : i32
      %eq3A_1968 = vector.broadcast %eq3A_1967 : i32 to vector<4x8x1024xi32>
      %eq3A_1969 = arith.cmpi eq, %and3A_1846, %eq3A_1968 : vector<4x8x1024xi32>
      %and3A_1970 = arith.andi %and3A_1840, %eq3A_1969 : vector<4x8x1024xi1>
      %convert_element_type3A_1971 = arith.extui %and3A_1970 : vector<4x8x1024xi1> to vector<4x8x1024xi32>
      %reduce_sum3A_1972 = arith.constant dense<0> : vector<4xi32>
      %reduce_sum3A_1973 = vector.multi_reduction <add>, %convert_element_type3A_1971, %reduce_sum3A_1972 [1, 2] : vector<4x8x1024xi32> to vector<4xi32>
      %broadcast_in_dim3A_1974 = vector.shape_cast %reduce_sum3A_1973 : vector<4xi32> to vector<4x1x1xi32>
      %broadcast_in_dim3A_1975 = arith.constant 0 : i32
      %broadcast_in_dim3A_1976 = vector.broadcast %broadcast_in_dim3A_1975 : i32 to vector<4x1x1xi32>
      %broadcast_in_dim3A_1977 = arith.constant 0 : i32
      %broadcast_in_dim3A_1978 = vector.broadcast %broadcast_in_dim3A_1977 : i32 to vector<4x1x1xi32>
      %add3A_1979 = arith.addi %broadcast_in_dim3A_1976, %broadcast_in_dim3A_1974 : vector<4x1x1xi32>
      %ge3A_1980 = arith.cmpi sge, %add3A_1979, %select_n3A_1827 : vector<4x1x1xi32>
      %lt3A_1981 = arith.cmpi slt, %broadcast_in_dim3A_1976, %select_n3A_1827 : vector<4x1x1xi32>
      %and3A_1982 = arith.andi %ge3A_1980, %lt3A_1981 : vector<4x1x1xi1>
      %jit3A_1983 = arith.constant 15 : i32
      %broadcast_in_dim3A_1984 = vector.broadcast %jit3A_1983 : i32 to vector<4x1x1xi32>
      %select_n3A_1985 = arith.select %and3A_1982, %broadcast_in_dim3A_1984, %broadcast_in_dim3A_1978 : vector<4x1x1xi1>, vector<4x1x1xi32>
      %sub3A_1986 = arith.subi %select_n3A_1827, %broadcast_in_dim3A_1976 : vector<4x1x1xi32>
      %select_n3A_1987 = arith.select %and3A_1982, %sub3A_1986, %select_n3A_1827 : vector<4x1x1xi1>, vector<4x1x1xi32>
      %add3A_1988 = arith.addi %add3A_1979, %broadcast_in_dim3A_1966 : vector<4x1x1xi32>
      %ge3A_1989 = arith.cmpi sge, %add3A_1988, %select_n3A_1827 : vector<4x1x1xi32>
      %lt3A_1990 = arith.cmpi slt, %add3A_1979, %select_n3A_1827 : vector<4x1x1xi32>
      %and3A_1991 = arith.andi %ge3A_1989, %lt3A_1990 : vector<4x1x1xi1>
      %jit3A_1992 = arith.constant 14 : i32
      %broadcast_in_dim3A_1993 = vector.broadcast %jit3A_1992 : i32 to vector<4x1x1xi32>
      %select_n3A_1994 = arith.select %and3A_1991, %broadcast_in_dim3A_1993, %select_n3A_1985 : vector<4x1x1xi1>, vector<4x1x1xi32>
      %sub3A_1995 = arith.subi %select_n3A_1827, %add3A_1979 : vector<4x1x1xi32>
      %select_n3A_1996 = arith.select %and3A_1991, %sub3A_1995, %select_n3A_1987 : vector<4x1x1xi1>, vector<4x1x1xi32>
      %add3A_1997 = arith.addi %add3A_1988, %broadcast_in_dim3A_1958 : vector<4x1x1xi32>
      %ge3A_1998 = arith.cmpi sge, %add3A_1997, %select_n3A_1827 : vector<4x1x1xi32>
      %lt3A_1999 = arith.cmpi slt, %add3A_1988, %select_n3A_1827 : vector<4x1x1xi32>
      %and3A_2000 = arith.andi %ge3A_1998, %lt3A_1999 : vector<4x1x1xi1>
      %jit3A_2001 = arith.constant 13 : i32
      %broadcast_in_dim3A_2002 = vector.broadcast %jit3A_2001 : i32 to vector<4x1x1xi32>
      %select_n3A_2003 = arith.select %and3A_2000, %broadcast_in_dim3A_2002, %select_n3A_1994 : vector<4x1x1xi1>, vector<4x1x1xi32>
      %sub3A_2004 = arith.subi %select_n3A_1827, %add3A_1988 : vector<4x1x1xi32>
      %select_n3A_2005 = arith.select %and3A_2000, %sub3A_2004, %select_n3A_1996 : vector<4x1x1xi1>, vector<4x1x1xi32>
      %add3A_2006 = arith.addi %add3A_1997, %broadcast_in_dim3A_1950 : vector<4x1x1xi32>
      %ge3A_2007 = arith.cmpi sge, %add3A_2006, %select_n3A_1827 : vector<4x1x1xi32>
      %lt3A_2008 = arith.cmpi slt, %add3A_1997, %select_n3A_1827 : vector<4x1x1xi32>
      %and3A_2009 = arith.andi %ge3A_2007, %lt3A_2008 : vector<4x1x1xi1>
      %jit3A_2010 = arith.constant 12 : i32
      %broadcast_in_dim3A_2011 = vector.broadcast %jit3A_2010 : i32 to vector<4x1x1xi32>
      %select_n3A_2012 = arith.select %and3A_2009, %broadcast_in_dim3A_2011, %select_n3A_2003 : vector<4x1x1xi1>, vector<4x1x1xi32>
      %sub3A_2013 = arith.subi %select_n3A_1827, %add3A_1997 : vector<4x1x1xi32>
      %select_n3A_2014 = arith.select %and3A_2009, %sub3A_2013, %select_n3A_2005 : vector<4x1x1xi1>, vector<4x1x1xi32>
      %add3A_2015 = arith.addi %add3A_2006, %broadcast_in_dim3A_1942 : vector<4x1x1xi32>
      %ge3A_2016 = arith.cmpi sge, %add3A_2015, %select_n3A_1827 : vector<4x1x1xi32>
      %lt3A_2017 = arith.cmpi slt, %add3A_2006, %select_n3A_1827 : vector<4x1x1xi32>
      %and3A_2018 = arith.andi %ge3A_2016, %lt3A_2017 : vector<4x1x1xi1>
      %jit3A_2019 = arith.constant 11 : i32
      %broadcast_in_dim3A_2020 = vector.broadcast %jit3A_2019 : i32 to vector<4x1x1xi32>
      %select_n3A_2021 = arith.select %and3A_2018, %broadcast_in_dim3A_2020, %select_n3A_2012 : vector<4x1x1xi1>, vector<4x1x1xi32>
      %sub3A_2022 = arith.subi %select_n3A_1827, %add3A_2006 : vector<4x1x1xi32>
      %select_n3A_2023 = arith.select %and3A_2018, %sub3A_2022, %select_n3A_2014 : vector<4x1x1xi1>, vector<4x1x1xi32>
      %add3A_2024 = arith.addi %add3A_2015, %broadcast_in_dim3A_1934 : vector<4x1x1xi32>
      %ge3A_2025 = arith.cmpi sge, %add3A_2024, %select_n3A_1827 : vector<4x1x1xi32>
      %lt3A_2026 = arith.cmpi slt, %add3A_2015, %select_n3A_1827 : vector<4x1x1xi32>
      %and3A_2027 = arith.andi %ge3A_2025, %lt3A_2026 : vector<4x1x1xi1>
      %jit3A_2028 = arith.constant 10 : i32
      %broadcast_in_dim3A_2029 = vector.broadcast %jit3A_2028 : i32 to vector<4x1x1xi32>
      %select_n3A_2030 = arith.select %and3A_2027, %broadcast_in_dim3A_2029, %select_n3A_2021 : vector<4x1x1xi1>, vector<4x1x1xi32>
      %sub3A_2031 = arith.subi %select_n3A_1827, %add3A_2015 : vector<4x1x1xi32>
      %select_n3A_2032 = arith.select %and3A_2027, %sub3A_2031, %select_n3A_2023 : vector<4x1x1xi1>, vector<4x1x1xi32>
      %add3A_2033 = arith.addi %add3A_2024, %broadcast_in_dim3A_1926 : vector<4x1x1xi32>
      %ge3A_2034 = arith.cmpi sge, %add3A_2033, %select_n3A_1827 : vector<4x1x1xi32>
      %lt3A_2035 = arith.cmpi slt, %add3A_2024, %select_n3A_1827 : vector<4x1x1xi32>
      %and3A_2036 = arith.andi %ge3A_2034, %lt3A_2035 : vector<4x1x1xi1>
      %jit3A_2037 = arith.constant 9 : i32
      %broadcast_in_dim3A_2038 = vector.broadcast %jit3A_2037 : i32 to vector<4x1x1xi32>
      %select_n3A_2039 = arith.select %and3A_2036, %broadcast_in_dim3A_2038, %select_n3A_2030 : vector<4x1x1xi1>, vector<4x1x1xi32>
      %sub3A_2040 = arith.subi %select_n3A_1827, %add3A_2024 : vector<4x1x1xi32>
      %select_n3A_2041 = arith.select %and3A_2036, %sub3A_2040, %select_n3A_2032 : vector<4x1x1xi1>, vector<4x1x1xi32>
      %add3A_2042 = arith.addi %add3A_2033, %broadcast_in_dim3A_1918 : vector<4x1x1xi32>
      %ge3A_2043 = arith.cmpi sge, %add3A_2042, %select_n3A_1827 : vector<4x1x1xi32>
      %lt3A_2044 = arith.cmpi slt, %add3A_2033, %select_n3A_1827 : vector<4x1x1xi32>
      %and3A_2045 = arith.andi %ge3A_2043, %lt3A_2044 : vector<4x1x1xi1>
      %jit3A_2046 = arith.constant 8 : i32
      %broadcast_in_dim3A_2047 = vector.broadcast %jit3A_2046 : i32 to vector<4x1x1xi32>
      %select_n3A_2048 = arith.select %and3A_2045, %broadcast_in_dim3A_2047, %select_n3A_2039 : vector<4x1x1xi1>, vector<4x1x1xi32>
      %sub3A_2049 = arith.subi %select_n3A_1827, %add3A_2033 : vector<4x1x1xi32>
      %select_n3A_2050 = arith.select %and3A_2045, %sub3A_2049, %select_n3A_2041 : vector<4x1x1xi1>, vector<4x1x1xi32>
      %add3A_2051 = arith.addi %add3A_2042, %broadcast_in_dim3A_1910 : vector<4x1x1xi32>
      %ge3A_2052 = arith.cmpi sge, %add3A_2051, %select_n3A_1827 : vector<4x1x1xi32>
      %lt3A_2053 = arith.cmpi slt, %add3A_2042, %select_n3A_1827 : vector<4x1x1xi32>
      %and3A_2054 = arith.andi %ge3A_2052, %lt3A_2053 : vector<4x1x1xi1>
      %jit3A_2055 = arith.constant 7 : i32
      %broadcast_in_dim3A_2056 = vector.broadcast %jit3A_2055 : i32 to vector<4x1x1xi32>
      %select_n3A_2057 = arith.select %and3A_2054, %broadcast_in_dim3A_2056, %select_n3A_2048 : vector<4x1x1xi1>, vector<4x1x1xi32>
      %sub3A_2058 = arith.subi %select_n3A_1827, %add3A_2042 : vector<4x1x1xi32>
      %select_n3A_2059 = arith.select %and3A_2054, %sub3A_2058, %select_n3A_2050 : vector<4x1x1xi1>, vector<4x1x1xi32>
      %add3A_2060 = arith.addi %add3A_2051, %broadcast_in_dim3A_1902 : vector<4x1x1xi32>
      %ge3A_2061 = arith.cmpi sge, %add3A_2060, %select_n3A_1827 : vector<4x1x1xi32>
      %lt3A_2062 = arith.cmpi slt, %add3A_2051, %select_n3A_1827 : vector<4x1x1xi32>
      %and3A_2063 = arith.andi %ge3A_2061, %lt3A_2062 : vector<4x1x1xi1>
      %jit3A_2064 = arith.constant 6 : i32
      %broadcast_in_dim3A_2065 = vector.broadcast %jit3A_2064 : i32 to vector<4x1x1xi32>
      %select_n3A_2066 = arith.select %and3A_2063, %broadcast_in_dim3A_2065, %select_n3A_2057 : vector<4x1x1xi1>, vector<4x1x1xi32>
      %sub3A_2067 = arith.subi %select_n3A_1827, %add3A_2051 : vector<4x1x1xi32>
      %select_n3A_2068 = arith.select %and3A_2063, %sub3A_2067, %select_n3A_2059 : vector<4x1x1xi1>, vector<4x1x1xi32>
      %add3A_2069 = arith.addi %add3A_2060, %broadcast_in_dim3A_1894 : vector<4x1x1xi32>
      %ge3A_2070 = arith.cmpi sge, %add3A_2069, %select_n3A_1827 : vector<4x1x1xi32>
      %lt3A_2071 = arith.cmpi slt, %add3A_2060, %select_n3A_1827 : vector<4x1x1xi32>
      %and3A_2072 = arith.andi %ge3A_2070, %lt3A_2071 : vector<4x1x1xi1>
      %jit3A_2073 = arith.constant 5 : i32
      %broadcast_in_dim3A_2074 = vector.broadcast %jit3A_2073 : i32 to vector<4x1x1xi32>
      %select_n3A_2075 = arith.select %and3A_2072, %broadcast_in_dim3A_2074, %select_n3A_2066 : vector<4x1x1xi1>, vector<4x1x1xi32>
      %sub3A_2076 = arith.subi %select_n3A_1827, %add3A_2060 : vector<4x1x1xi32>
      %select_n3A_2077 = arith.select %and3A_2072, %sub3A_2076, %select_n3A_2068 : vector<4x1x1xi1>, vector<4x1x1xi32>
      %add3A_2078 = arith.addi %add3A_2069, %broadcast_in_dim3A_1886 : vector<4x1x1xi32>
      %ge3A_2079 = arith.cmpi sge, %add3A_2078, %select_n3A_1827 : vector<4x1x1xi32>
      %lt3A_2080 = arith.cmpi slt, %add3A_2069, %select_n3A_1827 : vector<4x1x1xi32>
      %and3A_2081 = arith.andi %ge3A_2079, %lt3A_2080 : vector<4x1x1xi1>
      %jit3A_2082 = arith.constant 4 : i32
      %broadcast_in_dim3A_2083 = vector.broadcast %jit3A_2082 : i32 to vector<4x1x1xi32>
      %select_n3A_2084 = arith.select %and3A_2081, %broadcast_in_dim3A_2083, %select_n3A_2075 : vector<4x1x1xi1>, vector<4x1x1xi32>
      %sub3A_2085 = arith.subi %select_n3A_1827, %add3A_2069 : vector<4x1x1xi32>
      %select_n3A_2086 = arith.select %and3A_2081, %sub3A_2085, %select_n3A_2077 : vector<4x1x1xi1>, vector<4x1x1xi32>
      %add3A_2087 = arith.addi %add3A_2078, %broadcast_in_dim3A_1878 : vector<4x1x1xi32>
      %ge3A_2088 = arith.cmpi sge, %add3A_2087, %select_n3A_1827 : vector<4x1x1xi32>
      %lt3A_2089 = arith.cmpi slt, %add3A_2078, %select_n3A_1827 : vector<4x1x1xi32>
      %and3A_2090 = arith.andi %ge3A_2088, %lt3A_2089 : vector<4x1x1xi1>
      %jit3A_2091 = arith.constant 3 : i32
      %broadcast_in_dim3A_2092 = vector.broadcast %jit3A_2091 : i32 to vector<4x1x1xi32>
      %select_n3A_2093 = arith.select %and3A_2090, %broadcast_in_dim3A_2092, %select_n3A_2084 : vector<4x1x1xi1>, vector<4x1x1xi32>
      %sub3A_2094 = arith.subi %select_n3A_1827, %add3A_2078 : vector<4x1x1xi32>
      %select_n3A_2095 = arith.select %and3A_2090, %sub3A_2094, %select_n3A_2086 : vector<4x1x1xi1>, vector<4x1x1xi32>
      %add3A_2096 = arith.addi %add3A_2087, %broadcast_in_dim3A_1870 : vector<4x1x1xi32>
      %ge3A_2097 = arith.cmpi sge, %add3A_2096, %select_n3A_1827 : vector<4x1x1xi32>
      %lt3A_2098 = arith.cmpi slt, %add3A_2087, %select_n3A_1827 : vector<4x1x1xi32>
      %and3A_2099 = arith.andi %ge3A_2097, %lt3A_2098 : vector<4x1x1xi1>
      %jit3A_2100 = arith.constant 2 : i32
      %broadcast_in_dim3A_2101 = vector.broadcast %jit3A_2100 : i32 to vector<4x1x1xi32>
      %select_n3A_2102 = arith.select %and3A_2099, %broadcast_in_dim3A_2101, %select_n3A_2093 : vector<4x1x1xi1>, vector<4x1x1xi32>
      %sub3A_2103 = arith.subi %select_n3A_1827, %add3A_2087 : vector<4x1x1xi32>
      %select_n3A_2104 = arith.select %and3A_2099, %sub3A_2103, %select_n3A_2095 : vector<4x1x1xi1>, vector<4x1x1xi32>
      %add3A_2105 = arith.addi %add3A_2096, %broadcast_in_dim3A_1862 : vector<4x1x1xi32>
      %ge3A_2106 = arith.cmpi sge, %add3A_2105, %select_n3A_1827 : vector<4x1x1xi32>
      %lt3A_2107 = arith.cmpi slt, %add3A_2096, %select_n3A_1827 : vector<4x1x1xi32>
      %and3A_2108 = arith.andi %ge3A_2106, %lt3A_2107 : vector<4x1x1xi1>
      %jit3A_2109 = arith.constant 1 : i32
      %broadcast_in_dim3A_2110 = vector.broadcast %jit3A_2109 : i32 to vector<4x1x1xi32>
      %select_n3A_2111 = arith.select %and3A_2108, %broadcast_in_dim3A_2110, %select_n3A_2102 : vector<4x1x1xi1>, vector<4x1x1xi32>
      %sub3A_2112 = arith.subi %select_n3A_1827, %add3A_2096 : vector<4x1x1xi32>
      %select_n3A_2113 = arith.select %and3A_2108, %sub3A_2112, %select_n3A_2104 : vector<4x1x1xi1>, vector<4x1x1xi32>
      %add3A_2114 = arith.addi %add3A_2105, %broadcast_in_dim3A_1854 : vector<4x1x1xi32>
      %ge3A_2115 = arith.cmpi sge, %add3A_2114, %select_n3A_1827 : vector<4x1x1xi32>
      %lt3A_2116 = arith.cmpi slt, %add3A_2105, %select_n3A_1827 : vector<4x1x1xi32>
      %and3A_2117 = arith.andi %ge3A_2115, %lt3A_2116 : vector<4x1x1xi1>
      %jit3A_2118 = arith.constant 0 : i32
      %broadcast_in_dim3A_2119 = vector.broadcast %jit3A_2118 : i32 to vector<4x1x1xi32>
      %select_n3A_2120 = arith.select %and3A_2117, %broadcast_in_dim3A_2119, %select_n3A_2111 : vector<4x1x1xi1>, vector<4x1x1xi32>
      %sub3A_2121 = arith.subi %select_n3A_1827, %add3A_2105 : vector<4x1x1xi32>
      %select_n3A_2122 = arith.select %and3A_2117, %sub3A_2121, %select_n3A_2113 : vector<4x1x1xi1>, vector<4x1x1xi32>
      %shift_left3A_2123 = arith.constant 4 : i32
      %shift_left3A_2124 = vector.broadcast %shift_left3A_2123 : i32 to vector<4x1x1xi32>
      %shift_left3A_2125 = arith.shli %select_n3A_2120, %shift_left3A_2124 : vector<4x1x1xi32>
      %or3A_2126 = arith.ori %or3A_1831, %shift_left3A_2125 : vector<4x1x1xi32>
      %shift_right_logical3A_2127 = arith.constant 4 : i32
      %shift_right_logical3A_2128 = vector.broadcast %shift_right_logical3A_2127 : i32 to vector<4x8x1024xi32>
      %shift_right_logical3A_2129 = arith.shrui %xor3A_63, %shift_right_logical3A_2128 : vector<4x8x1024xi32>
      %shift_right_logical3A_2130 = arith.constant 4 : i32
      %shift_right_logical3A_2131 = vector.broadcast %shift_right_logical3A_2130 : i32 to vector<4x1x1xi32>
      %shift_right_logical3A_2132 = arith.shrui %or3A_2126, %shift_right_logical3A_2131 : vector<4x1x1xi32>
      %eq3A_2133 = vector.broadcast %shift_right_logical3A_2132 : vector<4x1x1xi32> to vector<4x8x1024xi32>
      %eq3A_2134 = arith.cmpi eq, %shift_right_logical3A_2129, %eq3A_2133 : vector<4x8x1024xi32>
      %and3A_2135 = arith.andi %broadcast_in_dim3A_64, %eq3A_2134 : vector<4x8x1024xi1>
      %shift_right_logical3A_2136 = arith.constant 0 : i32
      %shift_right_logical3A_2137 = vector.broadcast %shift_right_logical3A_2136 : i32 to vector<4x8x1024xi32>
      %shift_right_logical3A_2138 = arith.shrui %xor3A_63, %shift_right_logical3A_2137 : vector<4x8x1024xi32>
      %and3A_2139 = arith.constant 15 : i32
      %and3A_2140 = vector.broadcast %and3A_2139 : i32 to vector<4x8x1024xi32>
      %and3A_2141 = arith.andi %shift_right_logical3A_2138, %and3A_2140 : vector<4x8x1024xi32>
      %eq3A_2142 = arith.constant 0 : i32
      %eq3A_2143 = vector.broadcast %eq3A_2142 : i32 to vector<4x8x1024xi32>
      %eq3A_2144 = arith.cmpi eq, %and3A_2141, %eq3A_2143 : vector<4x8x1024xi32>
      %and3A_2145 = arith.andi %and3A_2135, %eq3A_2144 : vector<4x8x1024xi1>
      %convert_element_type3A_2146 = arith.extui %and3A_2145 : vector<4x8x1024xi1> to vector<4x8x1024xi32>
      %reduce_sum3A_2147 = arith.constant dense<0> : vector<4xi32>
      %reduce_sum3A_2148 = vector.multi_reduction <add>, %convert_element_type3A_2146, %reduce_sum3A_2147 [1, 2] : vector<4x8x1024xi32> to vector<4xi32>
      %broadcast_in_dim3A_2149 = vector.shape_cast %reduce_sum3A_2148 : vector<4xi32> to vector<4x1x1xi32>
      %eq3A_2150 = arith.constant 1 : i32
      %eq3A_2151 = vector.broadcast %eq3A_2150 : i32 to vector<4x8x1024xi32>
      %eq3A_2152 = arith.cmpi eq, %and3A_2141, %eq3A_2151 : vector<4x8x1024xi32>
      %and3A_2153 = arith.andi %and3A_2135, %eq3A_2152 : vector<4x8x1024xi1>
      %convert_element_type3A_2154 = arith.extui %and3A_2153 : vector<4x8x1024xi1> to vector<4x8x1024xi32>
      %reduce_sum3A_2155 = arith.constant dense<0> : vector<4xi32>
      %reduce_sum3A_2156 = vector.multi_reduction <add>, %convert_element_type3A_2154, %reduce_sum3A_2155 [1, 2] : vector<4x8x1024xi32> to vector<4xi32>
      %broadcast_in_dim3A_2157 = vector.shape_cast %reduce_sum3A_2156 : vector<4xi32> to vector<4x1x1xi32>
      %eq3A_2158 = arith.constant 2 : i32
      %eq3A_2159 = vector.broadcast %eq3A_2158 : i32 to vector<4x8x1024xi32>
      %eq3A_2160 = arith.cmpi eq, %and3A_2141, %eq3A_2159 : vector<4x8x1024xi32>
      %and3A_2161 = arith.andi %and3A_2135, %eq3A_2160 : vector<4x8x1024xi1>
      %convert_element_type3A_2162 = arith.extui %and3A_2161 : vector<4x8x1024xi1> to vector<4x8x1024xi32>
      %reduce_sum3A_2163 = arith.constant dense<0> : vector<4xi32>
      %reduce_sum3A_2164 = vector.multi_reduction <add>, %convert_element_type3A_2162, %reduce_sum3A_2163 [1, 2] : vector<4x8x1024xi32> to vector<4xi32>
      %broadcast_in_dim3A_2165 = vector.shape_cast %reduce_sum3A_2164 : vector<4xi32> to vector<4x1x1xi32>
      %eq3A_2166 = arith.constant 3 : i32
      %eq3A_2167 = vector.broadcast %eq3A_2166 : i32 to vector<4x8x1024xi32>
      %eq3A_2168 = arith.cmpi eq, %and3A_2141, %eq3A_2167 : vector<4x8x1024xi32>
      %and3A_2169 = arith.andi %and3A_2135, %eq3A_2168 : vector<4x8x1024xi1>
      %convert_element_type3A_2170 = arith.extui %and3A_2169 : vector<4x8x1024xi1> to vector<4x8x1024xi32>
      %reduce_sum3A_2171 = arith.constant dense<0> : vector<4xi32>
      %reduce_sum3A_2172 = vector.multi_reduction <add>, %convert_element_type3A_2170, %reduce_sum3A_2171 [1, 2] : vector<4x8x1024xi32> to vector<4xi32>
      %broadcast_in_dim3A_2173 = vector.shape_cast %reduce_sum3A_2172 : vector<4xi32> to vector<4x1x1xi32>
      %eq3A_2174 = arith.constant 4 : i32
      %eq3A_2175 = vector.broadcast %eq3A_2174 : i32 to vector<4x8x1024xi32>
      %eq3A_2176 = arith.cmpi eq, %and3A_2141, %eq3A_2175 : vector<4x8x1024xi32>
      %and3A_2177 = arith.andi %and3A_2135, %eq3A_2176 : vector<4x8x1024xi1>
      %convert_element_type3A_2178 = arith.extui %and3A_2177 : vector<4x8x1024xi1> to vector<4x8x1024xi32>
      %reduce_sum3A_2179 = arith.constant dense<0> : vector<4xi32>
      %reduce_sum3A_2180 = vector.multi_reduction <add>, %convert_element_type3A_2178, %reduce_sum3A_2179 [1, 2] : vector<4x8x1024xi32> to vector<4xi32>
      %broadcast_in_dim3A_2181 = vector.shape_cast %reduce_sum3A_2180 : vector<4xi32> to vector<4x1x1xi32>
      %eq3A_2182 = arith.constant 5 : i32
      %eq3A_2183 = vector.broadcast %eq3A_2182 : i32 to vector<4x8x1024xi32>
      %eq3A_2184 = arith.cmpi eq, %and3A_2141, %eq3A_2183 : vector<4x8x1024xi32>
      %and3A_2185 = arith.andi %and3A_2135, %eq3A_2184 : vector<4x8x1024xi1>
      %convert_element_type3A_2186 = arith.extui %and3A_2185 : vector<4x8x1024xi1> to vector<4x8x1024xi32>
      %reduce_sum3A_2187 = arith.constant dense<0> : vector<4xi32>
      %reduce_sum3A_2188 = vector.multi_reduction <add>, %convert_element_type3A_2186, %reduce_sum3A_2187 [1, 2] : vector<4x8x1024xi32> to vector<4xi32>
      %broadcast_in_dim3A_2189 = vector.shape_cast %reduce_sum3A_2188 : vector<4xi32> to vector<4x1x1xi32>
      %eq3A_2190 = arith.constant 6 : i32
      %eq3A_2191 = vector.broadcast %eq3A_2190 : i32 to vector<4x8x1024xi32>
      %eq3A_2192 = arith.cmpi eq, %and3A_2141, %eq3A_2191 : vector<4x8x1024xi32>
      %and3A_2193 = arith.andi %and3A_2135, %eq3A_2192 : vector<4x8x1024xi1>
      %convert_element_type3A_2194 = arith.extui %and3A_2193 : vector<4x8x1024xi1> to vector<4x8x1024xi32>
      %reduce_sum3A_2195 = arith.constant dense<0> : vector<4xi32>
      %reduce_sum3A_2196 = vector.multi_reduction <add>, %convert_element_type3A_2194, %reduce_sum3A_2195 [1, 2] : vector<4x8x1024xi32> to vector<4xi32>
      %broadcast_in_dim3A_2197 = vector.shape_cast %reduce_sum3A_2196 : vector<4xi32> to vector<4x1x1xi32>
      %eq3A_2198 = arith.constant 7 : i32
      %eq3A_2199 = vector.broadcast %eq3A_2198 : i32 to vector<4x8x1024xi32>
      %eq3A_2200 = arith.cmpi eq, %and3A_2141, %eq3A_2199 : vector<4x8x1024xi32>
      %and3A_2201 = arith.andi %and3A_2135, %eq3A_2200 : vector<4x8x1024xi1>
      %convert_element_type3A_2202 = arith.extui %and3A_2201 : vector<4x8x1024xi1> to vector<4x8x1024xi32>
      %reduce_sum3A_2203 = arith.constant dense<0> : vector<4xi32>
      %reduce_sum3A_2204 = vector.multi_reduction <add>, %convert_element_type3A_2202, %reduce_sum3A_2203 [1, 2] : vector<4x8x1024xi32> to vector<4xi32>
      %broadcast_in_dim3A_2205 = vector.shape_cast %reduce_sum3A_2204 : vector<4xi32> to vector<4x1x1xi32>
      %eq3A_2206 = arith.constant 8 : i32
      %eq3A_2207 = vector.broadcast %eq3A_2206 : i32 to vector<4x8x1024xi32>
      %eq3A_2208 = arith.cmpi eq, %and3A_2141, %eq3A_2207 : vector<4x8x1024xi32>
      %and3A_2209 = arith.andi %and3A_2135, %eq3A_2208 : vector<4x8x1024xi1>
      %convert_element_type3A_2210 = arith.extui %and3A_2209 : vector<4x8x1024xi1> to vector<4x8x1024xi32>
      %reduce_sum3A_2211 = arith.constant dense<0> : vector<4xi32>
      %reduce_sum3A_2212 = vector.multi_reduction <add>, %convert_element_type3A_2210, %reduce_sum3A_2211 [1, 2] : vector<4x8x1024xi32> to vector<4xi32>
      %broadcast_in_dim3A_2213 = vector.shape_cast %reduce_sum3A_2212 : vector<4xi32> to vector<4x1x1xi32>
      %eq3A_2214 = arith.constant 9 : i32
      %eq3A_2215 = vector.broadcast %eq3A_2214 : i32 to vector<4x8x1024xi32>
      %eq3A_2216 = arith.cmpi eq, %and3A_2141, %eq3A_2215 : vector<4x8x1024xi32>
      %and3A_2217 = arith.andi %and3A_2135, %eq3A_2216 : vector<4x8x1024xi1>
      %convert_element_type3A_2218 = arith.extui %and3A_2217 : vector<4x8x1024xi1> to vector<4x8x1024xi32>
      %reduce_sum3A_2219 = arith.constant dense<0> : vector<4xi32>
      %reduce_sum3A_2220 = vector.multi_reduction <add>, %convert_element_type3A_2218, %reduce_sum3A_2219 [1, 2] : vector<4x8x1024xi32> to vector<4xi32>
      %broadcast_in_dim3A_2221 = vector.shape_cast %reduce_sum3A_2220 : vector<4xi32> to vector<4x1x1xi32>
      %eq3A_2222 = arith.constant 10 : i32
      %eq3A_2223 = vector.broadcast %eq3A_2222 : i32 to vector<4x8x1024xi32>
      %eq3A_2224 = arith.cmpi eq, %and3A_2141, %eq3A_2223 : vector<4x8x1024xi32>
      %and3A_2225 = arith.andi %and3A_2135, %eq3A_2224 : vector<4x8x1024xi1>
      %convert_element_type3A_2226 = arith.extui %and3A_2225 : vector<4x8x1024xi1> to vector<4x8x1024xi32>
      %reduce_sum3A_2227 = arith.constant dense<0> : vector<4xi32>
      %reduce_sum3A_2228 = vector.multi_reduction <add>, %convert_element_type3A_2226, %reduce_sum3A_2227 [1, 2] : vector<4x8x1024xi32> to vector<4xi32>
      %broadcast_in_dim3A_2229 = vector.shape_cast %reduce_sum3A_2228 : vector<4xi32> to vector<4x1x1xi32>
      %eq3A_2230 = arith.constant 11 : i32
      %eq3A_2231 = vector.broadcast %eq3A_2230 : i32 to vector<4x8x1024xi32>
      %eq3A_2232 = arith.cmpi eq, %and3A_2141, %eq3A_2231 : vector<4x8x1024xi32>
      %and3A_2233 = arith.andi %and3A_2135, %eq3A_2232 : vector<4x8x1024xi1>
      %convert_element_type3A_2234 = arith.extui %and3A_2233 : vector<4x8x1024xi1> to vector<4x8x1024xi32>
      %reduce_sum3A_2235 = arith.constant dense<0> : vector<4xi32>
      %reduce_sum3A_2236 = vector.multi_reduction <add>, %convert_element_type3A_2234, %reduce_sum3A_2235 [1, 2] : vector<4x8x1024xi32> to vector<4xi32>
      %broadcast_in_dim3A_2237 = vector.shape_cast %reduce_sum3A_2236 : vector<4xi32> to vector<4x1x1xi32>
      %eq3A_2238 = arith.constant 12 : i32
      %eq3A_2239 = vector.broadcast %eq3A_2238 : i32 to vector<4x8x1024xi32>
      %eq3A_2240 = arith.cmpi eq, %and3A_2141, %eq3A_2239 : vector<4x8x1024xi32>
      %and3A_2241 = arith.andi %and3A_2135, %eq3A_2240 : vector<4x8x1024xi1>
      %convert_element_type3A_2242 = arith.extui %and3A_2241 : vector<4x8x1024xi1> to vector<4x8x1024xi32>
      %reduce_sum3A_2243 = arith.constant dense<0> : vector<4xi32>
      %reduce_sum3A_2244 = vector.multi_reduction <add>, %convert_element_type3A_2242, %reduce_sum3A_2243 [1, 2] : vector<4x8x1024xi32> to vector<4xi32>
      %broadcast_in_dim3A_2245 = vector.shape_cast %reduce_sum3A_2244 : vector<4xi32> to vector<4x1x1xi32>
      %eq3A_2246 = arith.constant 13 : i32
      %eq3A_2247 = vector.broadcast %eq3A_2246 : i32 to vector<4x8x1024xi32>
      %eq3A_2248 = arith.cmpi eq, %and3A_2141, %eq3A_2247 : vector<4x8x1024xi32>
      %and3A_2249 = arith.andi %and3A_2135, %eq3A_2248 : vector<4x8x1024xi1>
      %convert_element_type3A_2250 = arith.extui %and3A_2249 : vector<4x8x1024xi1> to vector<4x8x1024xi32>
      %reduce_sum3A_2251 = arith.constant dense<0> : vector<4xi32>
      %reduce_sum3A_2252 = vector.multi_reduction <add>, %convert_element_type3A_2250, %reduce_sum3A_2251 [1, 2] : vector<4x8x1024xi32> to vector<4xi32>
      %broadcast_in_dim3A_2253 = vector.shape_cast %reduce_sum3A_2252 : vector<4xi32> to vector<4x1x1xi32>
      %eq3A_2254 = arith.constant 14 : i32
      %eq3A_2255 = vector.broadcast %eq3A_2254 : i32 to vector<4x8x1024xi32>
      %eq3A_2256 = arith.cmpi eq, %and3A_2141, %eq3A_2255 : vector<4x8x1024xi32>
      %and3A_2257 = arith.andi %and3A_2135, %eq3A_2256 : vector<4x8x1024xi1>
      %convert_element_type3A_2258 = arith.extui %and3A_2257 : vector<4x8x1024xi1> to vector<4x8x1024xi32>
      %reduce_sum3A_2259 = arith.constant dense<0> : vector<4xi32>
      %reduce_sum3A_2260 = vector.multi_reduction <add>, %convert_element_type3A_2258, %reduce_sum3A_2259 [1, 2] : vector<4x8x1024xi32> to vector<4xi32>
      %broadcast_in_dim3A_2261 = vector.shape_cast %reduce_sum3A_2260 : vector<4xi32> to vector<4x1x1xi32>
      %eq3A_2262 = arith.constant 15 : i32
      %eq3A_2263 = vector.broadcast %eq3A_2262 : i32 to vector<4x8x1024xi32>
      %eq3A_2264 = arith.cmpi eq, %and3A_2141, %eq3A_2263 : vector<4x8x1024xi32>
      %and3A_2265 = arith.andi %and3A_2135, %eq3A_2264 : vector<4x8x1024xi1>
      %convert_element_type3A_2266 = arith.extui %and3A_2265 : vector<4x8x1024xi1> to vector<4x8x1024xi32>
      %reduce_sum3A_2267 = arith.constant dense<0> : vector<4xi32>
      %reduce_sum3A_2268 = vector.multi_reduction <add>, %convert_element_type3A_2266, %reduce_sum3A_2267 [1, 2] : vector<4x8x1024xi32> to vector<4xi32>
      %broadcast_in_dim3A_2269 = vector.shape_cast %reduce_sum3A_2268 : vector<4xi32> to vector<4x1x1xi32>
      %broadcast_in_dim3A_2270 = arith.constant 0 : i32
      %broadcast_in_dim3A_2271 = vector.broadcast %broadcast_in_dim3A_2270 : i32 to vector<4x1x1xi32>
      %broadcast_in_dim3A_2272 = arith.constant 0 : i32
      %broadcast_in_dim3A_2273 = vector.broadcast %broadcast_in_dim3A_2272 : i32 to vector<4x1x1xi32>
      %add3A_2274 = arith.addi %broadcast_in_dim3A_2271, %broadcast_in_dim3A_2269 : vector<4x1x1xi32>
      %ge3A_2275 = arith.cmpi sge, %add3A_2274, %select_n3A_2122 : vector<4x1x1xi32>
      %lt3A_2276 = arith.cmpi slt, %broadcast_in_dim3A_2271, %select_n3A_2122 : vector<4x1x1xi32>
      %and3A_2277 = arith.andi %ge3A_2275, %lt3A_2276 : vector<4x1x1xi1>
      %jit3A_2278 = arith.constant 15 : i32
      %broadcast_in_dim3A_2279 = vector.broadcast %jit3A_2278 : i32 to vector<4x1x1xi32>
      %select_n3A_2280 = arith.select %and3A_2277, %broadcast_in_dim3A_2279, %broadcast_in_dim3A_2273 : vector<4x1x1xi1>, vector<4x1x1xi32>
      %sub3A_2281 = arith.subi %select_n3A_2122, %broadcast_in_dim3A_2271 : vector<4x1x1xi32>
      %select_n3A_2282 = arith.select %and3A_2277, %sub3A_2281, %select_n3A_2122 : vector<4x1x1xi1>, vector<4x1x1xi32>
      %add3A_2283 = arith.addi %add3A_2274, %broadcast_in_dim3A_2261 : vector<4x1x1xi32>
      %ge3A_2284 = arith.cmpi sge, %add3A_2283, %select_n3A_2122 : vector<4x1x1xi32>
      %lt3A_2285 = arith.cmpi slt, %add3A_2274, %select_n3A_2122 : vector<4x1x1xi32>
      %and3A_2286 = arith.andi %ge3A_2284, %lt3A_2285 : vector<4x1x1xi1>
      %jit3A_2287 = arith.constant 14 : i32
      %broadcast_in_dim3A_2288 = vector.broadcast %jit3A_2287 : i32 to vector<4x1x1xi32>
      %select_n3A_2289 = arith.select %and3A_2286, %broadcast_in_dim3A_2288, %select_n3A_2280 : vector<4x1x1xi1>, vector<4x1x1xi32>
      %sub3A_2290 = arith.subi %select_n3A_2122, %add3A_2274 : vector<4x1x1xi32>
      %select_n3A_2291 = arith.select %and3A_2286, %sub3A_2290, %select_n3A_2282 : vector<4x1x1xi1>, vector<4x1x1xi32>
      %add3A_2292 = arith.addi %add3A_2283, %broadcast_in_dim3A_2253 : vector<4x1x1xi32>
      %ge3A_2293 = arith.cmpi sge, %add3A_2292, %select_n3A_2122 : vector<4x1x1xi32>
      %lt3A_2294 = arith.cmpi slt, %add3A_2283, %select_n3A_2122 : vector<4x1x1xi32>
      %and3A_2295 = arith.andi %ge3A_2293, %lt3A_2294 : vector<4x1x1xi1>
      %jit3A_2296 = arith.constant 13 : i32
      %broadcast_in_dim3A_2297 = vector.broadcast %jit3A_2296 : i32 to vector<4x1x1xi32>
      %select_n3A_2298 = arith.select %and3A_2295, %broadcast_in_dim3A_2297, %select_n3A_2289 : vector<4x1x1xi1>, vector<4x1x1xi32>
      %sub3A_2299 = arith.subi %select_n3A_2122, %add3A_2283 : vector<4x1x1xi32>
      %select_n3A_2300 = arith.select %and3A_2295, %sub3A_2299, %select_n3A_2291 : vector<4x1x1xi1>, vector<4x1x1xi32>
      %add3A_2301 = arith.addi %add3A_2292, %broadcast_in_dim3A_2245 : vector<4x1x1xi32>
      %ge3A_2302 = arith.cmpi sge, %add3A_2301, %select_n3A_2122 : vector<4x1x1xi32>
      %lt3A_2303 = arith.cmpi slt, %add3A_2292, %select_n3A_2122 : vector<4x1x1xi32>
      %and3A_2304 = arith.andi %ge3A_2302, %lt3A_2303 : vector<4x1x1xi1>
      %jit3A_2305 = arith.constant 12 : i32
      %broadcast_in_dim3A_2306 = vector.broadcast %jit3A_2305 : i32 to vector<4x1x1xi32>
      %select_n3A_2307 = arith.select %and3A_2304, %broadcast_in_dim3A_2306, %select_n3A_2298 : vector<4x1x1xi1>, vector<4x1x1xi32>
      %sub3A_2308 = arith.subi %select_n3A_2122, %add3A_2292 : vector<4x1x1xi32>
      %select_n3A_2309 = arith.select %and3A_2304, %sub3A_2308, %select_n3A_2300 : vector<4x1x1xi1>, vector<4x1x1xi32>
      %add3A_2310 = arith.addi %add3A_2301, %broadcast_in_dim3A_2237 : vector<4x1x1xi32>
      %ge3A_2311 = arith.cmpi sge, %add3A_2310, %select_n3A_2122 : vector<4x1x1xi32>
      %lt3A_2312 = arith.cmpi slt, %add3A_2301, %select_n3A_2122 : vector<4x1x1xi32>
      %and3A_2313 = arith.andi %ge3A_2311, %lt3A_2312 : vector<4x1x1xi1>
      %jit3A_2314 = arith.constant 11 : i32
      %broadcast_in_dim3A_2315 = vector.broadcast %jit3A_2314 : i32 to vector<4x1x1xi32>
      %select_n3A_2316 = arith.select %and3A_2313, %broadcast_in_dim3A_2315, %select_n3A_2307 : vector<4x1x1xi1>, vector<4x1x1xi32>
      %sub3A_2317 = arith.subi %select_n3A_2122, %add3A_2301 : vector<4x1x1xi32>
      %select_n3A_2318 = arith.select %and3A_2313, %sub3A_2317, %select_n3A_2309 : vector<4x1x1xi1>, vector<4x1x1xi32>
      %add3A_2319 = arith.addi %add3A_2310, %broadcast_in_dim3A_2229 : vector<4x1x1xi32>
      %ge3A_2320 = arith.cmpi sge, %add3A_2319, %select_n3A_2122 : vector<4x1x1xi32>
      %lt3A_2321 = arith.cmpi slt, %add3A_2310, %select_n3A_2122 : vector<4x1x1xi32>
      %and3A_2322 = arith.andi %ge3A_2320, %lt3A_2321 : vector<4x1x1xi1>
      %jit3A_2323 = arith.constant 10 : i32
      %broadcast_in_dim3A_2324 = vector.broadcast %jit3A_2323 : i32 to vector<4x1x1xi32>
      %select_n3A_2325 = arith.select %and3A_2322, %broadcast_in_dim3A_2324, %select_n3A_2316 : vector<4x1x1xi1>, vector<4x1x1xi32>
      %sub3A_2326 = arith.subi %select_n3A_2122, %add3A_2310 : vector<4x1x1xi32>
      %select_n3A_2327 = arith.select %and3A_2322, %sub3A_2326, %select_n3A_2318 : vector<4x1x1xi1>, vector<4x1x1xi32>
      %add3A_2328 = arith.addi %add3A_2319, %broadcast_in_dim3A_2221 : vector<4x1x1xi32>
      %ge3A_2329 = arith.cmpi sge, %add3A_2328, %select_n3A_2122 : vector<4x1x1xi32>
      %lt3A_2330 = arith.cmpi slt, %add3A_2319, %select_n3A_2122 : vector<4x1x1xi32>
      %and3A_2331 = arith.andi %ge3A_2329, %lt3A_2330 : vector<4x1x1xi1>
      %jit3A_2332 = arith.constant 9 : i32
      %broadcast_in_dim3A_2333 = vector.broadcast %jit3A_2332 : i32 to vector<4x1x1xi32>
      %select_n3A_2334 = arith.select %and3A_2331, %broadcast_in_dim3A_2333, %select_n3A_2325 : vector<4x1x1xi1>, vector<4x1x1xi32>
      %sub3A_2335 = arith.subi %select_n3A_2122, %add3A_2319 : vector<4x1x1xi32>
      %select_n3A_2336 = arith.select %and3A_2331, %sub3A_2335, %select_n3A_2327 : vector<4x1x1xi1>, vector<4x1x1xi32>
      %add3A_2337 = arith.addi %add3A_2328, %broadcast_in_dim3A_2213 : vector<4x1x1xi32>
      %ge3A_2338 = arith.cmpi sge, %add3A_2337, %select_n3A_2122 : vector<4x1x1xi32>
      %lt3A_2339 = arith.cmpi slt, %add3A_2328, %select_n3A_2122 : vector<4x1x1xi32>
      %and3A_2340 = arith.andi %ge3A_2338, %lt3A_2339 : vector<4x1x1xi1>
      %jit3A_2341 = arith.constant 8 : i32
      %broadcast_in_dim3A_2342 = vector.broadcast %jit3A_2341 : i32 to vector<4x1x1xi32>
      %select_n3A_2343 = arith.select %and3A_2340, %broadcast_in_dim3A_2342, %select_n3A_2334 : vector<4x1x1xi1>, vector<4x1x1xi32>
      %sub3A_2344 = arith.subi %select_n3A_2122, %add3A_2328 : vector<4x1x1xi32>
      %select_n3A_2345 = arith.select %and3A_2340, %sub3A_2344, %select_n3A_2336 : vector<4x1x1xi1>, vector<4x1x1xi32>
      %add3A_2346 = arith.addi %add3A_2337, %broadcast_in_dim3A_2205 : vector<4x1x1xi32>
      %ge3A_2347 = arith.cmpi sge, %add3A_2346, %select_n3A_2122 : vector<4x1x1xi32>
      %lt3A_2348 = arith.cmpi slt, %add3A_2337, %select_n3A_2122 : vector<4x1x1xi32>
      %and3A_2349 = arith.andi %ge3A_2347, %lt3A_2348 : vector<4x1x1xi1>
      %jit3A_2350 = arith.constant 7 : i32
      %broadcast_in_dim3A_2351 = vector.broadcast %jit3A_2350 : i32 to vector<4x1x1xi32>
      %select_n3A_2352 = arith.select %and3A_2349, %broadcast_in_dim3A_2351, %select_n3A_2343 : vector<4x1x1xi1>, vector<4x1x1xi32>
      %sub3A_2353 = arith.subi %select_n3A_2122, %add3A_2337 : vector<4x1x1xi32>
      %select_n3A_2354 = arith.select %and3A_2349, %sub3A_2353, %select_n3A_2345 : vector<4x1x1xi1>, vector<4x1x1xi32>
      %add3A_2355 = arith.addi %add3A_2346, %broadcast_in_dim3A_2197 : vector<4x1x1xi32>
      %ge3A_2356 = arith.cmpi sge, %add3A_2355, %select_n3A_2122 : vector<4x1x1xi32>
      %lt3A_2357 = arith.cmpi slt, %add3A_2346, %select_n3A_2122 : vector<4x1x1xi32>
      %and3A_2358 = arith.andi %ge3A_2356, %lt3A_2357 : vector<4x1x1xi1>
      %jit3A_2359 = arith.constant 6 : i32
      %broadcast_in_dim3A_2360 = vector.broadcast %jit3A_2359 : i32 to vector<4x1x1xi32>
      %select_n3A_2361 = arith.select %and3A_2358, %broadcast_in_dim3A_2360, %select_n3A_2352 : vector<4x1x1xi1>, vector<4x1x1xi32>
      %sub3A_2362 = arith.subi %select_n3A_2122, %add3A_2346 : vector<4x1x1xi32>
      %select_n3A_2363 = arith.select %and3A_2358, %sub3A_2362, %select_n3A_2354 : vector<4x1x1xi1>, vector<4x1x1xi32>
      %add3A_2364 = arith.addi %add3A_2355, %broadcast_in_dim3A_2189 : vector<4x1x1xi32>
      %ge3A_2365 = arith.cmpi sge, %add3A_2364, %select_n3A_2122 : vector<4x1x1xi32>
      %lt3A_2366 = arith.cmpi slt, %add3A_2355, %select_n3A_2122 : vector<4x1x1xi32>
      %and3A_2367 = arith.andi %ge3A_2365, %lt3A_2366 : vector<4x1x1xi1>
      %jit3A_2368 = arith.constant 5 : i32
      %broadcast_in_dim3A_2369 = vector.broadcast %jit3A_2368 : i32 to vector<4x1x1xi32>
      %select_n3A_2370 = arith.select %and3A_2367, %broadcast_in_dim3A_2369, %select_n3A_2361 : vector<4x1x1xi1>, vector<4x1x1xi32>
      %sub3A_2371 = arith.subi %select_n3A_2122, %add3A_2355 : vector<4x1x1xi32>
      %select_n3A_2372 = arith.select %and3A_2367, %sub3A_2371, %select_n3A_2363 : vector<4x1x1xi1>, vector<4x1x1xi32>
      %add3A_2373 = arith.addi %add3A_2364, %broadcast_in_dim3A_2181 : vector<4x1x1xi32>
      %ge3A_2374 = arith.cmpi sge, %add3A_2373, %select_n3A_2122 : vector<4x1x1xi32>
      %lt3A_2375 = arith.cmpi slt, %add3A_2364, %select_n3A_2122 : vector<4x1x1xi32>
      %and3A_2376 = arith.andi %ge3A_2374, %lt3A_2375 : vector<4x1x1xi1>
      %jit3A_2377 = arith.constant 4 : i32
      %broadcast_in_dim3A_2378 = vector.broadcast %jit3A_2377 : i32 to vector<4x1x1xi32>
      %select_n3A_2379 = arith.select %and3A_2376, %broadcast_in_dim3A_2378, %select_n3A_2370 : vector<4x1x1xi1>, vector<4x1x1xi32>
      %sub3A_2380 = arith.subi %select_n3A_2122, %add3A_2364 : vector<4x1x1xi32>
      %select_n3A_2381 = arith.select %and3A_2376, %sub3A_2380, %select_n3A_2372 : vector<4x1x1xi1>, vector<4x1x1xi32>
      %add3A_2382 = arith.addi %add3A_2373, %broadcast_in_dim3A_2173 : vector<4x1x1xi32>
      %ge3A_2383 = arith.cmpi sge, %add3A_2382, %select_n3A_2122 : vector<4x1x1xi32>
      %lt3A_2384 = arith.cmpi slt, %add3A_2373, %select_n3A_2122 : vector<4x1x1xi32>
      %and3A_2385 = arith.andi %ge3A_2383, %lt3A_2384 : vector<4x1x1xi1>
      %jit3A_2386 = arith.constant 3 : i32
      %broadcast_in_dim3A_2387 = vector.broadcast %jit3A_2386 : i32 to vector<4x1x1xi32>
      %select_n3A_2388 = arith.select %and3A_2385, %broadcast_in_dim3A_2387, %select_n3A_2379 : vector<4x1x1xi1>, vector<4x1x1xi32>
      %sub3A_2389 = arith.subi %select_n3A_2122, %add3A_2373 : vector<4x1x1xi32>
      %select_n3A_2390 = arith.select %and3A_2385, %sub3A_2389, %select_n3A_2381 : vector<4x1x1xi1>, vector<4x1x1xi32>
      %add3A_2391 = arith.addi %add3A_2382, %broadcast_in_dim3A_2165 : vector<4x1x1xi32>
      %ge3A_2392 = arith.cmpi sge, %add3A_2391, %select_n3A_2122 : vector<4x1x1xi32>
      %lt3A_2393 = arith.cmpi slt, %add3A_2382, %select_n3A_2122 : vector<4x1x1xi32>
      %and3A_2394 = arith.andi %ge3A_2392, %lt3A_2393 : vector<4x1x1xi1>
      %jit3A_2395 = arith.constant 2 : i32
      %broadcast_in_dim3A_2396 = vector.broadcast %jit3A_2395 : i32 to vector<4x1x1xi32>
      %select_n3A_2397 = arith.select %and3A_2394, %broadcast_in_dim3A_2396, %select_n3A_2388 : vector<4x1x1xi1>, vector<4x1x1xi32>
      %sub3A_2398 = arith.subi %select_n3A_2122, %add3A_2382 : vector<4x1x1xi32>
      %select_n3A_2399 = arith.select %and3A_2394, %sub3A_2398, %select_n3A_2390 : vector<4x1x1xi1>, vector<4x1x1xi32>
      %add3A_2400 = arith.addi %add3A_2391, %broadcast_in_dim3A_2157 : vector<4x1x1xi32>
      %ge3A_2401 = arith.cmpi sge, %add3A_2400, %select_n3A_2122 : vector<4x1x1xi32>
      %lt3A_2402 = arith.cmpi slt, %add3A_2391, %select_n3A_2122 : vector<4x1x1xi32>
      %and3A_2403 = arith.andi %ge3A_2401, %lt3A_2402 : vector<4x1x1xi1>
      %jit3A_2404 = arith.constant 1 : i32
      %broadcast_in_dim3A_2405 = vector.broadcast %jit3A_2404 : i32 to vector<4x1x1xi32>
      %select_n3A_2406 = arith.select %and3A_2403, %broadcast_in_dim3A_2405, %select_n3A_2397 : vector<4x1x1xi1>, vector<4x1x1xi32>
      %sub3A_2407 = arith.subi %select_n3A_2122, %add3A_2391 : vector<4x1x1xi32>
      %select_n3A_2408 = arith.select %and3A_2403, %sub3A_2407, %select_n3A_2399 : vector<4x1x1xi1>, vector<4x1x1xi32>
      %add3A_2409 = arith.addi %add3A_2400, %broadcast_in_dim3A_2149 : vector<4x1x1xi32>
      %ge3A_2410 = arith.cmpi sge, %add3A_2409, %select_n3A_2122 : vector<4x1x1xi32>
      %lt3A_2411 = arith.cmpi slt, %add3A_2400, %select_n3A_2122 : vector<4x1x1xi32>
      %and3A_2412 = arith.andi %ge3A_2410, %lt3A_2411 : vector<4x1x1xi1>
      %jit3A_2413 = arith.constant 0 : i32
      %broadcast_in_dim3A_2414 = vector.broadcast %jit3A_2413 : i32 to vector<4x1x1xi32>
      %select_n3A_2415 = arith.select %and3A_2412, %broadcast_in_dim3A_2414, %select_n3A_2406 : vector<4x1x1xi1>, vector<4x1x1xi32>
      %sub3A_2416 = arith.subi %select_n3A_2122, %add3A_2400 : vector<4x1x1xi32>
      %select_n3A_2417 = arith.select %and3A_2412, %sub3A_2416, %select_n3A_2408 : vector<4x1x1xi1>, vector<4x1x1xi32>
      %shift_left3A_2418 = arith.constant 0 : i32
      %shift_left3A_2419 = vector.broadcast %shift_left3A_2418 : i32 to vector<4x1x1xi32>
      %shift_left3A_2420 = arith.shli %select_n3A_2415, %shift_left3A_2419 : vector<4x1x1xi32>
      %or3A_2421 = arith.ori %or3A_2126, %shift_left3A_2420 : vector<4x1x1xi32>
      %xor3A_2422 = arith.constant -2147483648 : i32
      %xor3A_2423 = vector.broadcast %xor3A_2422 : i32 to vector<4x1x1xi32>
      %xor3A_2424 = arith.xori %or3A_2421, %xor3A_2423 : vector<4x1x1xi32>
      %eq3A_2425 = vector.broadcast %xor3A_2424 : vector<4x1x1xi32> to vector<4x8x1024xi32>
      %eq3A_2426 = arith.cmpi eq, %select_n3A, %eq3A_2425 : vector<4x8x1024xi32>
      %iota3A = tpu.iota {dimensions = array<i32: 1>} : vector<4x8x1024xi32>
      %mul3A_2427 = arith.constant 1024 : i32
      %mul3A_2428 = vector.broadcast %mul3A_2427 : i32 to vector<4x8x1024xi32>
      %mul3A_2429 = arith.muli %iota3A, %mul3A_2428 : vector<4x8x1024xi32>
      %iota3A_2430 = tpu.iota {dimensions = array<i32: 2>} : vector<4x8x1024xi32>
      %add3A_2431 = arith.addi %mul3A_2429, %iota3A_2430 : vector<4x8x1024xi32>
      %sub3A_2432 = arith.constant 8191 : i32
      %sub3A_2433 = vector.broadcast %sub3A_2432 : i32 to vector<4x8x1024xi32>
      %sub3A_2434 = arith.subi %sub3A_2433, %add3A_2431 : vector<4x8x1024xi32>
      %broadcast_in_dim3A_2435 = arith.constant 0 : i32
      %broadcast_in_dim3A_2436 = vector.broadcast %broadcast_in_dim3A_2435 : i32 to vector<4x1x1xi32>
      %shift_right_logical3A_2437 = arith.constant 16 : i32
      %shift_right_logical3A_2438 = vector.broadcast %shift_right_logical3A_2437 : i32 to vector<4x8x1024xi32>
      %shift_right_logical3A_2439 = arith.shrui %sub3A_2434, %shift_right_logical3A_2438 : vector<4x8x1024xi32>
      %shift_right_logical3A_2440 = arith.constant 16 : i32
      %shift_right_logical3A_2441 = vector.broadcast %shift_right_logical3A_2440 : i32 to vector<4x1x1xi32>
      %shift_right_logical3A_2442 = arith.shrui %broadcast_in_dim3A_2436, %shift_right_logical3A_2441 : vector<4x1x1xi32>
      %eq3A_2443 = vector.broadcast %shift_right_logical3A_2442 : vector<4x1x1xi32> to vector<4x8x1024xi32>
      %eq3A_2444 = arith.cmpi eq, %shift_right_logical3A_2439, %eq3A_2443 : vector<4x8x1024xi32>
      %and3A_2445 = arith.andi %eq3A_2426, %eq3A_2444 : vector<4x8x1024xi1>
      %shift_right_logical3A_2446 = arith.constant 12 : i32
      %shift_right_logical3A_2447 = vector.broadcast %shift_right_logical3A_2446 : i32 to vector<4x8x1024xi32>
      %shift_right_logical3A_2448 = arith.shrui %sub3A_2434, %shift_right_logical3A_2447 : vector<4x8x1024xi32>
      %and3A_2449 = arith.constant 15 : i32
      %and3A_2450 = vector.broadcast %and3A_2449 : i32 to vector<4x8x1024xi32>
      %and3A_2451 = arith.andi %shift_right_logical3A_2448, %and3A_2450 : vector<4x8x1024xi32>
      %eq3A_2452 = arith.constant 0 : i32
      %eq3A_2453 = vector.broadcast %eq3A_2452 : i32 to vector<4x8x1024xi32>
      %eq3A_2454 = arith.cmpi eq, %and3A_2451, %eq3A_2453 : vector<4x8x1024xi32>
      %and3A_2455 = arith.andi %and3A_2445, %eq3A_2454 : vector<4x8x1024xi1>
      %convert_element_type3A_2456 = arith.extui %and3A_2455 : vector<4x8x1024xi1> to vector<4x8x1024xi32>
      %reduce_sum3A_2457 = arith.constant dense<0> : vector<4xi32>
      %reduce_sum3A_2458 = vector.multi_reduction <add>, %convert_element_type3A_2456, %reduce_sum3A_2457 [1, 2] : vector<4x8x1024xi32> to vector<4xi32>
      %broadcast_in_dim3A_2459 = vector.shape_cast %reduce_sum3A_2458 : vector<4xi32> to vector<4x1x1xi32>
      %eq3A_2460 = arith.constant 1 : i32
      %eq3A_2461 = vector.broadcast %eq3A_2460 : i32 to vector<4x8x1024xi32>
      %eq3A_2462 = arith.cmpi eq, %and3A_2451, %eq3A_2461 : vector<4x8x1024xi32>
      %and3A_2463 = arith.andi %and3A_2445, %eq3A_2462 : vector<4x8x1024xi1>
      %convert_element_type3A_2464 = arith.extui %and3A_2463 : vector<4x8x1024xi1> to vector<4x8x1024xi32>
      %reduce_sum3A_2465 = arith.constant dense<0> : vector<4xi32>
      %reduce_sum3A_2466 = vector.multi_reduction <add>, %convert_element_type3A_2464, %reduce_sum3A_2465 [1, 2] : vector<4x8x1024xi32> to vector<4xi32>
      %broadcast_in_dim3A_2467 = vector.shape_cast %reduce_sum3A_2466 : vector<4xi32> to vector<4x1x1xi32>
      %eq3A_2468 = arith.constant 2 : i32
      %eq3A_2469 = vector.broadcast %eq3A_2468 : i32 to vector<4x8x1024xi32>
      %eq3A_2470 = arith.cmpi eq, %and3A_2451, %eq3A_2469 : vector<4x8x1024xi32>
      %and3A_2471 = arith.andi %and3A_2445, %eq3A_2470 : vector<4x8x1024xi1>
      %convert_element_type3A_2472 = arith.extui %and3A_2471 : vector<4x8x1024xi1> to vector<4x8x1024xi32>
      %reduce_sum3A_2473 = arith.constant dense<0> : vector<4xi32>
      %reduce_sum3A_2474 = vector.multi_reduction <add>, %convert_element_type3A_2472, %reduce_sum3A_2473 [1, 2] : vector<4x8x1024xi32> to vector<4xi32>
      %broadcast_in_dim3A_2475 = vector.shape_cast %reduce_sum3A_2474 : vector<4xi32> to vector<4x1x1xi32>
      %eq3A_2476 = arith.constant 3 : i32
      %eq3A_2477 = vector.broadcast %eq3A_2476 : i32 to vector<4x8x1024xi32>
      %eq3A_2478 = arith.cmpi eq, %and3A_2451, %eq3A_2477 : vector<4x8x1024xi32>
      %and3A_2479 = arith.andi %and3A_2445, %eq3A_2478 : vector<4x8x1024xi1>
      %convert_element_type3A_2480 = arith.extui %and3A_2479 : vector<4x8x1024xi1> to vector<4x8x1024xi32>
      %reduce_sum3A_2481 = arith.constant dense<0> : vector<4xi32>
      %reduce_sum3A_2482 = vector.multi_reduction <add>, %convert_element_type3A_2480, %reduce_sum3A_2481 [1, 2] : vector<4x8x1024xi32> to vector<4xi32>
      %broadcast_in_dim3A_2483 = vector.shape_cast %reduce_sum3A_2482 : vector<4xi32> to vector<4x1x1xi32>
      %eq3A_2484 = arith.constant 4 : i32
      %eq3A_2485 = vector.broadcast %eq3A_2484 : i32 to vector<4x8x1024xi32>
      %eq3A_2486 = arith.cmpi eq, %and3A_2451, %eq3A_2485 : vector<4x8x1024xi32>
      %and3A_2487 = arith.andi %and3A_2445, %eq3A_2486 : vector<4x8x1024xi1>
      %convert_element_type3A_2488 = arith.extui %and3A_2487 : vector<4x8x1024xi1> to vector<4x8x1024xi32>
      %reduce_sum3A_2489 = arith.constant dense<0> : vector<4xi32>
      %reduce_sum3A_2490 = vector.multi_reduction <add>, %convert_element_type3A_2488, %reduce_sum3A_2489 [1, 2] : vector<4x8x1024xi32> to vector<4xi32>
      %broadcast_in_dim3A_2491 = vector.shape_cast %reduce_sum3A_2490 : vector<4xi32> to vector<4x1x1xi32>
      %eq3A_2492 = arith.constant 5 : i32
      %eq3A_2493 = vector.broadcast %eq3A_2492 : i32 to vector<4x8x1024xi32>
      %eq3A_2494 = arith.cmpi eq, %and3A_2451, %eq3A_2493 : vector<4x8x1024xi32>
      %and3A_2495 = arith.andi %and3A_2445, %eq3A_2494 : vector<4x8x1024xi1>
      %convert_element_type3A_2496 = arith.extui %and3A_2495 : vector<4x8x1024xi1> to vector<4x8x1024xi32>
      %reduce_sum3A_2497 = arith.constant dense<0> : vector<4xi32>
      %reduce_sum3A_2498 = vector.multi_reduction <add>, %convert_element_type3A_2496, %reduce_sum3A_2497 [1, 2] : vector<4x8x1024xi32> to vector<4xi32>
      %broadcast_in_dim3A_2499 = vector.shape_cast %reduce_sum3A_2498 : vector<4xi32> to vector<4x1x1xi32>
      %eq3A_2500 = arith.constant 6 : i32
      %eq3A_2501 = vector.broadcast %eq3A_2500 : i32 to vector<4x8x1024xi32>
      %eq3A_2502 = arith.cmpi eq, %and3A_2451, %eq3A_2501 : vector<4x8x1024xi32>
      %and3A_2503 = arith.andi %and3A_2445, %eq3A_2502 : vector<4x8x1024xi1>
      %convert_element_type3A_2504 = arith.extui %and3A_2503 : vector<4x8x1024xi1> to vector<4x8x1024xi32>
      %reduce_sum3A_2505 = arith.constant dense<0> : vector<4xi32>
      %reduce_sum3A_2506 = vector.multi_reduction <add>, %convert_element_type3A_2504, %reduce_sum3A_2505 [1, 2] : vector<4x8x1024xi32> to vector<4xi32>
      %broadcast_in_dim3A_2507 = vector.shape_cast %reduce_sum3A_2506 : vector<4xi32> to vector<4x1x1xi32>
      %eq3A_2508 = arith.constant 7 : i32
      %eq3A_2509 = vector.broadcast %eq3A_2508 : i32 to vector<4x8x1024xi32>
      %eq3A_2510 = arith.cmpi eq, %and3A_2451, %eq3A_2509 : vector<4x8x1024xi32>
      %and3A_2511 = arith.andi %and3A_2445, %eq3A_2510 : vector<4x8x1024xi1>
      %convert_element_type3A_2512 = arith.extui %and3A_2511 : vector<4x8x1024xi1> to vector<4x8x1024xi32>
      %reduce_sum3A_2513 = arith.constant dense<0> : vector<4xi32>
      %reduce_sum3A_2514 = vector.multi_reduction <add>, %convert_element_type3A_2512, %reduce_sum3A_2513 [1, 2] : vector<4x8x1024xi32> to vector<4xi32>
      %broadcast_in_dim3A_2515 = vector.shape_cast %reduce_sum3A_2514 : vector<4xi32> to vector<4x1x1xi32>
      %eq3A_2516 = arith.constant 8 : i32
      %eq3A_2517 = vector.broadcast %eq3A_2516 : i32 to vector<4x8x1024xi32>
      %eq3A_2518 = arith.cmpi eq, %and3A_2451, %eq3A_2517 : vector<4x8x1024xi32>
      %and3A_2519 = arith.andi %and3A_2445, %eq3A_2518 : vector<4x8x1024xi1>
      %convert_element_type3A_2520 = arith.extui %and3A_2519 : vector<4x8x1024xi1> to vector<4x8x1024xi32>
      %reduce_sum3A_2521 = arith.constant dense<0> : vector<4xi32>
      %reduce_sum3A_2522 = vector.multi_reduction <add>, %convert_element_type3A_2520, %reduce_sum3A_2521 [1, 2] : vector<4x8x1024xi32> to vector<4xi32>
      %broadcast_in_dim3A_2523 = vector.shape_cast %reduce_sum3A_2522 : vector<4xi32> to vector<4x1x1xi32>
      %eq3A_2524 = arith.constant 9 : i32
      %eq3A_2525 = vector.broadcast %eq3A_2524 : i32 to vector<4x8x1024xi32>
      %eq3A_2526 = arith.cmpi eq, %and3A_2451, %eq3A_2525 : vector<4x8x1024xi32>
      %and3A_2527 = arith.andi %and3A_2445, %eq3A_2526 : vector<4x8x1024xi1>
      %convert_element_type3A_2528 = arith.extui %and3A_2527 : vector<4x8x1024xi1> to vector<4x8x1024xi32>
      %reduce_sum3A_2529 = arith.constant dense<0> : vector<4xi32>
      %reduce_sum3A_2530 = vector.multi_reduction <add>, %convert_element_type3A_2528, %reduce_sum3A_2529 [1, 2] : vector<4x8x1024xi32> to vector<4xi32>
      %broadcast_in_dim3A_2531 = vector.shape_cast %reduce_sum3A_2530 : vector<4xi32> to vector<4x1x1xi32>
      %eq3A_2532 = arith.constant 10 : i32
      %eq3A_2533 = vector.broadcast %eq3A_2532 : i32 to vector<4x8x1024xi32>
      %eq3A_2534 = arith.cmpi eq, %and3A_2451, %eq3A_2533 : vector<4x8x1024xi32>
      %and3A_2535 = arith.andi %and3A_2445, %eq3A_2534 : vector<4x8x1024xi1>
      %convert_element_type3A_2536 = arith.extui %and3A_2535 : vector<4x8x1024xi1> to vector<4x8x1024xi32>
      %reduce_sum3A_2537 = arith.constant dense<0> : vector<4xi32>
      %reduce_sum3A_2538 = vector.multi_reduction <add>, %convert_element_type3A_2536, %reduce_sum3A_2537 [1, 2] : vector<4x8x1024xi32> to vector<4xi32>
      %broadcast_in_dim3A_2539 = vector.shape_cast %reduce_sum3A_2538 : vector<4xi32> to vector<4x1x1xi32>
      %eq3A_2540 = arith.constant 11 : i32
      %eq3A_2541 = vector.broadcast %eq3A_2540 : i32 to vector<4x8x1024xi32>
      %eq3A_2542 = arith.cmpi eq, %and3A_2451, %eq3A_2541 : vector<4x8x1024xi32>
      %and3A_2543 = arith.andi %and3A_2445, %eq3A_2542 : vector<4x8x1024xi1>
      %convert_element_type3A_2544 = arith.extui %and3A_2543 : vector<4x8x1024xi1> to vector<4x8x1024xi32>
      %reduce_sum3A_2545 = arith.constant dense<0> : vector<4xi32>
      %reduce_sum3A_2546 = vector.multi_reduction <add>, %convert_element_type3A_2544, %reduce_sum3A_2545 [1, 2] : vector<4x8x1024xi32> to vector<4xi32>
      %broadcast_in_dim3A_2547 = vector.shape_cast %reduce_sum3A_2546 : vector<4xi32> to vector<4x1x1xi32>
      %eq3A_2548 = arith.constant 12 : i32
      %eq3A_2549 = vector.broadcast %eq3A_2548 : i32 to vector<4x8x1024xi32>
      %eq3A_2550 = arith.cmpi eq, %and3A_2451, %eq3A_2549 : vector<4x8x1024xi32>
      %and3A_2551 = arith.andi %and3A_2445, %eq3A_2550 : vector<4x8x1024xi1>
      %convert_element_type3A_2552 = arith.extui %and3A_2551 : vector<4x8x1024xi1> to vector<4x8x1024xi32>
      %reduce_sum3A_2553 = arith.constant dense<0> : vector<4xi32>
      %reduce_sum3A_2554 = vector.multi_reduction <add>, %convert_element_type3A_2552, %reduce_sum3A_2553 [1, 2] : vector<4x8x1024xi32> to vector<4xi32>
      %broadcast_in_dim3A_2555 = vector.shape_cast %reduce_sum3A_2554 : vector<4xi32> to vector<4x1x1xi32>
      %eq3A_2556 = arith.constant 13 : i32
      %eq3A_2557 = vector.broadcast %eq3A_2556 : i32 to vector<4x8x1024xi32>
      %eq3A_2558 = arith.cmpi eq, %and3A_2451, %eq3A_2557 : vector<4x8x1024xi32>
      %and3A_2559 = arith.andi %and3A_2445, %eq3A_2558 : vector<4x8x1024xi1>
      %convert_element_type3A_2560 = arith.extui %and3A_2559 : vector<4x8x1024xi1> to vector<4x8x1024xi32>
      %reduce_sum3A_2561 = arith.constant dense<0> : vector<4xi32>
      %reduce_sum3A_2562 = vector.multi_reduction <add>, %convert_element_type3A_2560, %reduce_sum3A_2561 [1, 2] : vector<4x8x1024xi32> to vector<4xi32>
      %broadcast_in_dim3A_2563 = vector.shape_cast %reduce_sum3A_2562 : vector<4xi32> to vector<4x1x1xi32>
      %eq3A_2564 = arith.constant 14 : i32
      %eq3A_2565 = vector.broadcast %eq3A_2564 : i32 to vector<4x8x1024xi32>
      %eq3A_2566 = arith.cmpi eq, %and3A_2451, %eq3A_2565 : vector<4x8x1024xi32>
      %and3A_2567 = arith.andi %and3A_2445, %eq3A_2566 : vector<4x8x1024xi1>
      %convert_element_type3A_2568 = arith.extui %and3A_2567 : vector<4x8x1024xi1> to vector<4x8x1024xi32>
      %reduce_sum3A_2569 = arith.constant dense<0> : vector<4xi32>
      %reduce_sum3A_2570 = vector.multi_reduction <add>, %convert_element_type3A_2568, %reduce_sum3A_2569 [1, 2] : vector<4x8x1024xi32> to vector<4xi32>
      %broadcast_in_dim3A_2571 = vector.shape_cast %reduce_sum3A_2570 : vector<4xi32> to vector<4x1x1xi32>
      %eq3A_2572 = arith.constant 15 : i32
      %eq3A_2573 = vector.broadcast %eq3A_2572 : i32 to vector<4x8x1024xi32>
      %eq3A_2574 = arith.cmpi eq, %and3A_2451, %eq3A_2573 : vector<4x8x1024xi32>
      %and3A_2575 = arith.andi %and3A_2445, %eq3A_2574 : vector<4x8x1024xi1>
      %convert_element_type3A_2576 = arith.extui %and3A_2575 : vector<4x8x1024xi1> to vector<4x8x1024xi32>
      %reduce_sum3A_2577 = arith.constant dense<0> : vector<4xi32>
      %reduce_sum3A_2578 = vector.multi_reduction <add>, %convert_element_type3A_2576, %reduce_sum3A_2577 [1, 2] : vector<4x8x1024xi32> to vector<4xi32>
      %broadcast_in_dim3A_2579 = vector.shape_cast %reduce_sum3A_2578 : vector<4xi32> to vector<4x1x1xi32>
      %broadcast_in_dim3A_2580 = arith.constant 0 : i32
      %broadcast_in_dim3A_2581 = vector.broadcast %broadcast_in_dim3A_2580 : i32 to vector<4x1x1xi32>
      %broadcast_in_dim3A_2582 = arith.constant 0 : i32
      %broadcast_in_dim3A_2583 = vector.broadcast %broadcast_in_dim3A_2582 : i32 to vector<4x1x1xi32>
      %add3A_2584 = arith.addi %broadcast_in_dim3A_2581, %broadcast_in_dim3A_2579 : vector<4x1x1xi32>
      %ge3A_2585 = arith.cmpi sge, %add3A_2584, %select_n3A_2417 : vector<4x1x1xi32>
      %lt3A_2586 = arith.cmpi slt, %broadcast_in_dim3A_2581, %select_n3A_2417 : vector<4x1x1xi32>
      %and3A_2587 = arith.andi %ge3A_2585, %lt3A_2586 : vector<4x1x1xi1>
      %jit3A_2588 = arith.constant 15 : i32
      %broadcast_in_dim3A_2589 = vector.broadcast %jit3A_2588 : i32 to vector<4x1x1xi32>
      %select_n3A_2590 = arith.select %and3A_2587, %broadcast_in_dim3A_2589, %broadcast_in_dim3A_2583 : vector<4x1x1xi1>, vector<4x1x1xi32>
      %sub3A_2591 = arith.subi %select_n3A_2417, %broadcast_in_dim3A_2581 : vector<4x1x1xi32>
      %select_n3A_2592 = arith.select %and3A_2587, %sub3A_2591, %select_n3A_2417 : vector<4x1x1xi1>, vector<4x1x1xi32>
      %add3A_2593 = arith.addi %add3A_2584, %broadcast_in_dim3A_2571 : vector<4x1x1xi32>
      %ge3A_2594 = arith.cmpi sge, %add3A_2593, %select_n3A_2417 : vector<4x1x1xi32>
      %lt3A_2595 = arith.cmpi slt, %add3A_2584, %select_n3A_2417 : vector<4x1x1xi32>
      %and3A_2596 = arith.andi %ge3A_2594, %lt3A_2595 : vector<4x1x1xi1>
      %jit3A_2597 = arith.constant 14 : i32
      %broadcast_in_dim3A_2598 = vector.broadcast %jit3A_2597 : i32 to vector<4x1x1xi32>
      %select_n3A_2599 = arith.select %and3A_2596, %broadcast_in_dim3A_2598, %select_n3A_2590 : vector<4x1x1xi1>, vector<4x1x1xi32>
      %sub3A_2600 = arith.subi %select_n3A_2417, %add3A_2584 : vector<4x1x1xi32>
      %select_n3A_2601 = arith.select %and3A_2596, %sub3A_2600, %select_n3A_2592 : vector<4x1x1xi1>, vector<4x1x1xi32>
      %add3A_2602 = arith.addi %add3A_2593, %broadcast_in_dim3A_2563 : vector<4x1x1xi32>
      %ge3A_2603 = arith.cmpi sge, %add3A_2602, %select_n3A_2417 : vector<4x1x1xi32>
      %lt3A_2604 = arith.cmpi slt, %add3A_2593, %select_n3A_2417 : vector<4x1x1xi32>
      %and3A_2605 = arith.andi %ge3A_2603, %lt3A_2604 : vector<4x1x1xi1>
      %jit3A_2606 = arith.constant 13 : i32
      %broadcast_in_dim3A_2607 = vector.broadcast %jit3A_2606 : i32 to vector<4x1x1xi32>
      %select_n3A_2608 = arith.select %and3A_2605, %broadcast_in_dim3A_2607, %select_n3A_2599 : vector<4x1x1xi1>, vector<4x1x1xi32>
      %sub3A_2609 = arith.subi %select_n3A_2417, %add3A_2593 : vector<4x1x1xi32>
      %select_n3A_2610 = arith.select %and3A_2605, %sub3A_2609, %select_n3A_2601 : vector<4x1x1xi1>, vector<4x1x1xi32>
      %add3A_2611 = arith.addi %add3A_2602, %broadcast_in_dim3A_2555 : vector<4x1x1xi32>
      %ge3A_2612 = arith.cmpi sge, %add3A_2611, %select_n3A_2417 : vector<4x1x1xi32>
      %lt3A_2613 = arith.cmpi slt, %add3A_2602, %select_n3A_2417 : vector<4x1x1xi32>
      %and3A_2614 = arith.andi %ge3A_2612, %lt3A_2613 : vector<4x1x1xi1>
      %jit3A_2615 = arith.constant 12 : i32
      %broadcast_in_dim3A_2616 = vector.broadcast %jit3A_2615 : i32 to vector<4x1x1xi32>
      %select_n3A_2617 = arith.select %and3A_2614, %broadcast_in_dim3A_2616, %select_n3A_2608 : vector<4x1x1xi1>, vector<4x1x1xi32>
      %sub3A_2618 = arith.subi %select_n3A_2417, %add3A_2602 : vector<4x1x1xi32>
      %select_n3A_2619 = arith.select %and3A_2614, %sub3A_2618, %select_n3A_2610 : vector<4x1x1xi1>, vector<4x1x1xi32>
      %add3A_2620 = arith.addi %add3A_2611, %broadcast_in_dim3A_2547 : vector<4x1x1xi32>
      %ge3A_2621 = arith.cmpi sge, %add3A_2620, %select_n3A_2417 : vector<4x1x1xi32>
      %lt3A_2622 = arith.cmpi slt, %add3A_2611, %select_n3A_2417 : vector<4x1x1xi32>
      %and3A_2623 = arith.andi %ge3A_2621, %lt3A_2622 : vector<4x1x1xi1>
      %jit3A_2624 = arith.constant 11 : i32
      %broadcast_in_dim3A_2625 = vector.broadcast %jit3A_2624 : i32 to vector<4x1x1xi32>
      %select_n3A_2626 = arith.select %and3A_2623, %broadcast_in_dim3A_2625, %select_n3A_2617 : vector<4x1x1xi1>, vector<4x1x1xi32>
      %sub3A_2627 = arith.subi %select_n3A_2417, %add3A_2611 : vector<4x1x1xi32>
      %select_n3A_2628 = arith.select %and3A_2623, %sub3A_2627, %select_n3A_2619 : vector<4x1x1xi1>, vector<4x1x1xi32>
      %add3A_2629 = arith.addi %add3A_2620, %broadcast_in_dim3A_2539 : vector<4x1x1xi32>
      %ge3A_2630 = arith.cmpi sge, %add3A_2629, %select_n3A_2417 : vector<4x1x1xi32>
      %lt3A_2631 = arith.cmpi slt, %add3A_2620, %select_n3A_2417 : vector<4x1x1xi32>
      %and3A_2632 = arith.andi %ge3A_2630, %lt3A_2631 : vector<4x1x1xi1>
      %jit3A_2633 = arith.constant 10 : i32
      %broadcast_in_dim3A_2634 = vector.broadcast %jit3A_2633 : i32 to vector<4x1x1xi32>
      %select_n3A_2635 = arith.select %and3A_2632, %broadcast_in_dim3A_2634, %select_n3A_2626 : vector<4x1x1xi1>, vector<4x1x1xi32>
      %sub3A_2636 = arith.subi %select_n3A_2417, %add3A_2620 : vector<4x1x1xi32>
      %select_n3A_2637 = arith.select %and3A_2632, %sub3A_2636, %select_n3A_2628 : vector<4x1x1xi1>, vector<4x1x1xi32>
      %add3A_2638 = arith.addi %add3A_2629, %broadcast_in_dim3A_2531 : vector<4x1x1xi32>
      %ge3A_2639 = arith.cmpi sge, %add3A_2638, %select_n3A_2417 : vector<4x1x1xi32>
      %lt3A_2640 = arith.cmpi slt, %add3A_2629, %select_n3A_2417 : vector<4x1x1xi32>
      %and3A_2641 = arith.andi %ge3A_2639, %lt3A_2640 : vector<4x1x1xi1>
      %jit3A_2642 = arith.constant 9 : i32
      %broadcast_in_dim3A_2643 = vector.broadcast %jit3A_2642 : i32 to vector<4x1x1xi32>
      %select_n3A_2644 = arith.select %and3A_2641, %broadcast_in_dim3A_2643, %select_n3A_2635 : vector<4x1x1xi1>, vector<4x1x1xi32>
      %sub3A_2645 = arith.subi %select_n3A_2417, %add3A_2629 : vector<4x1x1xi32>
      %select_n3A_2646 = arith.select %and3A_2641, %sub3A_2645, %select_n3A_2637 : vector<4x1x1xi1>, vector<4x1x1xi32>
      %add3A_2647 = arith.addi %add3A_2638, %broadcast_in_dim3A_2523 : vector<4x1x1xi32>
      %ge3A_2648 = arith.cmpi sge, %add3A_2647, %select_n3A_2417 : vector<4x1x1xi32>
      %lt3A_2649 = arith.cmpi slt, %add3A_2638, %select_n3A_2417 : vector<4x1x1xi32>
      %and3A_2650 = arith.andi %ge3A_2648, %lt3A_2649 : vector<4x1x1xi1>
      %jit3A_2651 = arith.constant 8 : i32
      %broadcast_in_dim3A_2652 = vector.broadcast %jit3A_2651 : i32 to vector<4x1x1xi32>
      %select_n3A_2653 = arith.select %and3A_2650, %broadcast_in_dim3A_2652, %select_n3A_2644 : vector<4x1x1xi1>, vector<4x1x1xi32>
      %sub3A_2654 = arith.subi %select_n3A_2417, %add3A_2638 : vector<4x1x1xi32>
      %select_n3A_2655 = arith.select %and3A_2650, %sub3A_2654, %select_n3A_2646 : vector<4x1x1xi1>, vector<4x1x1xi32>
      %add3A_2656 = arith.addi %add3A_2647, %broadcast_in_dim3A_2515 : vector<4x1x1xi32>
      %ge3A_2657 = arith.cmpi sge, %add3A_2656, %select_n3A_2417 : vector<4x1x1xi32>
      %lt3A_2658 = arith.cmpi slt, %add3A_2647, %select_n3A_2417 : vector<4x1x1xi32>
      %and3A_2659 = arith.andi %ge3A_2657, %lt3A_2658 : vector<4x1x1xi1>
      %jit3A_2660 = arith.constant 7 : i32
      %broadcast_in_dim3A_2661 = vector.broadcast %jit3A_2660 : i32 to vector<4x1x1xi32>
      %select_n3A_2662 = arith.select %and3A_2659, %broadcast_in_dim3A_2661, %select_n3A_2653 : vector<4x1x1xi1>, vector<4x1x1xi32>
      %sub3A_2663 = arith.subi %select_n3A_2417, %add3A_2647 : vector<4x1x1xi32>
      %select_n3A_2664 = arith.select %and3A_2659, %sub3A_2663, %select_n3A_2655 : vector<4x1x1xi1>, vector<4x1x1xi32>
      %add3A_2665 = arith.addi %add3A_2656, %broadcast_in_dim3A_2507 : vector<4x1x1xi32>
      %ge3A_2666 = arith.cmpi sge, %add3A_2665, %select_n3A_2417 : vector<4x1x1xi32>
      %lt3A_2667 = arith.cmpi slt, %add3A_2656, %select_n3A_2417 : vector<4x1x1xi32>
      %and3A_2668 = arith.andi %ge3A_2666, %lt3A_2667 : vector<4x1x1xi1>
      %jit3A_2669 = arith.constant 6 : i32
      %broadcast_in_dim3A_2670 = vector.broadcast %jit3A_2669 : i32 to vector<4x1x1xi32>
      %select_n3A_2671 = arith.select %and3A_2668, %broadcast_in_dim3A_2670, %select_n3A_2662 : vector<4x1x1xi1>, vector<4x1x1xi32>
      %sub3A_2672 = arith.subi %select_n3A_2417, %add3A_2656 : vector<4x1x1xi32>
      %select_n3A_2673 = arith.select %and3A_2668, %sub3A_2672, %select_n3A_2664 : vector<4x1x1xi1>, vector<4x1x1xi32>
      %add3A_2674 = arith.addi %add3A_2665, %broadcast_in_dim3A_2499 : vector<4x1x1xi32>
      %ge3A_2675 = arith.cmpi sge, %add3A_2674, %select_n3A_2417 : vector<4x1x1xi32>
      %lt3A_2676 = arith.cmpi slt, %add3A_2665, %select_n3A_2417 : vector<4x1x1xi32>
      %and3A_2677 = arith.andi %ge3A_2675, %lt3A_2676 : vector<4x1x1xi1>
      %jit3A_2678 = arith.constant 5 : i32
      %broadcast_in_dim3A_2679 = vector.broadcast %jit3A_2678 : i32 to vector<4x1x1xi32>
      %select_n3A_2680 = arith.select %and3A_2677, %broadcast_in_dim3A_2679, %select_n3A_2671 : vector<4x1x1xi1>, vector<4x1x1xi32>
      %sub3A_2681 = arith.subi %select_n3A_2417, %add3A_2665 : vector<4x1x1xi32>
      %select_n3A_2682 = arith.select %and3A_2677, %sub3A_2681, %select_n3A_2673 : vector<4x1x1xi1>, vector<4x1x1xi32>
      %add3A_2683 = arith.addi %add3A_2674, %broadcast_in_dim3A_2491 : vector<4x1x1xi32>
      %ge3A_2684 = arith.cmpi sge, %add3A_2683, %select_n3A_2417 : vector<4x1x1xi32>
      %lt3A_2685 = arith.cmpi slt, %add3A_2674, %select_n3A_2417 : vector<4x1x1xi32>
      %and3A_2686 = arith.andi %ge3A_2684, %lt3A_2685 : vector<4x1x1xi1>
      %jit3A_2687 = arith.constant 4 : i32
      %broadcast_in_dim3A_2688 = vector.broadcast %jit3A_2687 : i32 to vector<4x1x1xi32>
      %select_n3A_2689 = arith.select %and3A_2686, %broadcast_in_dim3A_2688, %select_n3A_2680 : vector<4x1x1xi1>, vector<4x1x1xi32>
      %sub3A_2690 = arith.subi %select_n3A_2417, %add3A_2674 : vector<4x1x1xi32>
      %select_n3A_2691 = arith.select %and3A_2686, %sub3A_2690, %select_n3A_2682 : vector<4x1x1xi1>, vector<4x1x1xi32>
      %add3A_2692 = arith.addi %add3A_2683, %broadcast_in_dim3A_2483 : vector<4x1x1xi32>
      %ge3A_2693 = arith.cmpi sge, %add3A_2692, %select_n3A_2417 : vector<4x1x1xi32>
      %lt3A_2694 = arith.cmpi slt, %add3A_2683, %select_n3A_2417 : vector<4x1x1xi32>
      %and3A_2695 = arith.andi %ge3A_2693, %lt3A_2694 : vector<4x1x1xi1>
      %jit3A_2696 = arith.constant 3 : i32
      %broadcast_in_dim3A_2697 = vector.broadcast %jit3A_2696 : i32 to vector<4x1x1xi32>
      %select_n3A_2698 = arith.select %and3A_2695, %broadcast_in_dim3A_2697, %select_n3A_2689 : vector<4x1x1xi1>, vector<4x1x1xi32>
      %sub3A_2699 = arith.subi %select_n3A_2417, %add3A_2683 : vector<4x1x1xi32>
      %select_n3A_2700 = arith.select %and3A_2695, %sub3A_2699, %select_n3A_2691 : vector<4x1x1xi1>, vector<4x1x1xi32>
      %add3A_2701 = arith.addi %add3A_2692, %broadcast_in_dim3A_2475 : vector<4x1x1xi32>
      %ge3A_2702 = arith.cmpi sge, %add3A_2701, %select_n3A_2417 : vector<4x1x1xi32>
      %lt3A_2703 = arith.cmpi slt, %add3A_2692, %select_n3A_2417 : vector<4x1x1xi32>
      %and3A_2704 = arith.andi %ge3A_2702, %lt3A_2703 : vector<4x1x1xi1>
      %jit3A_2705 = arith.constant 2 : i32
      %broadcast_in_dim3A_2706 = vector.broadcast %jit3A_2705 : i32 to vector<4x1x1xi32>
      %select_n3A_2707 = arith.select %and3A_2704, %broadcast_in_dim3A_2706, %select_n3A_2698 : vector<4x1x1xi1>, vector<4x1x1xi32>
      %sub3A_2708 = arith.subi %select_n3A_2417, %add3A_2692 : vector<4x1x1xi32>
      %select_n3A_2709 = arith.select %and3A_2704, %sub3A_2708, %select_n3A_2700 : vector<4x1x1xi1>, vector<4x1x1xi32>
      %add3A_2710 = arith.addi %add3A_2701, %broadcast_in_dim3A_2467 : vector<4x1x1xi32>
      %ge3A_2711 = arith.cmpi sge, %add3A_2710, %select_n3A_2417 : vector<4x1x1xi32>
      %lt3A_2712 = arith.cmpi slt, %add3A_2701, %select_n3A_2417 : vector<4x1x1xi32>
      %and3A_2713 = arith.andi %ge3A_2711, %lt3A_2712 : vector<4x1x1xi1>
      %jit3A_2714 = arith.constant 1 : i32
      %broadcast_in_dim3A_2715 = vector.broadcast %jit3A_2714 : i32 to vector<4x1x1xi32>
      %select_n3A_2716 = arith.select %and3A_2713, %broadcast_in_dim3A_2715, %select_n3A_2707 : vector<4x1x1xi1>, vector<4x1x1xi32>
      %sub3A_2717 = arith.subi %select_n3A_2417, %add3A_2701 : vector<4x1x1xi32>
      %select_n3A_2718 = arith.select %and3A_2713, %sub3A_2717, %select_n3A_2709 : vector<4x1x1xi1>, vector<4x1x1xi32>
      %add3A_2719 = arith.addi %add3A_2710, %broadcast_in_dim3A_2459 : vector<4x1x1xi32>
      %ge3A_2720 = arith.cmpi sge, %add3A_2719, %select_n3A_2417 : vector<4x1x1xi32>
      %lt3A_2721 = arith.cmpi slt, %add3A_2710, %select_n3A_2417 : vector<4x1x1xi32>
      %and3A_2722 = arith.andi %ge3A_2720, %lt3A_2721 : vector<4x1x1xi1>
      %jit3A_2723 = arith.constant 0 : i32
      %broadcast_in_dim3A_2724 = vector.broadcast %jit3A_2723 : i32 to vector<4x1x1xi32>
      %select_n3A_2725 = arith.select %and3A_2722, %broadcast_in_dim3A_2724, %select_n3A_2716 : vector<4x1x1xi1>, vector<4x1x1xi32>
      %sub3A_2726 = arith.subi %select_n3A_2417, %add3A_2710 : vector<4x1x1xi32>
      %select_n3A_2727 = arith.select %and3A_2722, %sub3A_2726, %select_n3A_2718 : vector<4x1x1xi1>, vector<4x1x1xi32>
      %shift_left3A_2728 = arith.constant 12 : i32
      %shift_left3A_2729 = vector.broadcast %shift_left3A_2728 : i32 to vector<4x1x1xi32>
      %shift_left3A_2730 = arith.shli %select_n3A_2725, %shift_left3A_2729 : vector<4x1x1xi32>
      %or3A_2731 = arith.ori %broadcast_in_dim3A_2436, %shift_left3A_2730 : vector<4x1x1xi32>
      %shift_right_logical3A_2732 = arith.constant 12 : i32
      %shift_right_logical3A_2733 = vector.broadcast %shift_right_logical3A_2732 : i32 to vector<4x8x1024xi32>
      %shift_right_logical3A_2734 = arith.shrui %sub3A_2434, %shift_right_logical3A_2733 : vector<4x8x1024xi32>
      %shift_right_logical3A_2735 = arith.constant 12 : i32
      %shift_right_logical3A_2736 = vector.broadcast %shift_right_logical3A_2735 : i32 to vector<4x1x1xi32>
      %shift_right_logical3A_2737 = arith.shrui %or3A_2731, %shift_right_logical3A_2736 : vector<4x1x1xi32>
      %eq3A_2738 = vector.broadcast %shift_right_logical3A_2737 : vector<4x1x1xi32> to vector<4x8x1024xi32>
      %eq3A_2739 = arith.cmpi eq, %shift_right_logical3A_2734, %eq3A_2738 : vector<4x8x1024xi32>
      %and3A_2740 = arith.andi %eq3A_2426, %eq3A_2739 : vector<4x8x1024xi1>
      %shift_right_logical3A_2741 = arith.constant 8 : i32
      %shift_right_logical3A_2742 = vector.broadcast %shift_right_logical3A_2741 : i32 to vector<4x8x1024xi32>
      %shift_right_logical3A_2743 = arith.shrui %sub3A_2434, %shift_right_logical3A_2742 : vector<4x8x1024xi32>
      %and3A_2744 = arith.constant 15 : i32
      %and3A_2745 = vector.broadcast %and3A_2744 : i32 to vector<4x8x1024xi32>
      %and3A_2746 = arith.andi %shift_right_logical3A_2743, %and3A_2745 : vector<4x8x1024xi32>
      %eq3A_2747 = arith.constant 0 : i32
      %eq3A_2748 = vector.broadcast %eq3A_2747 : i32 to vector<4x8x1024xi32>
      %eq3A_2749 = arith.cmpi eq, %and3A_2746, %eq3A_2748 : vector<4x8x1024xi32>
      %and3A_2750 = arith.andi %and3A_2740, %eq3A_2749 : vector<4x8x1024xi1>
      %convert_element_type3A_2751 = arith.extui %and3A_2750 : vector<4x8x1024xi1> to vector<4x8x1024xi32>
      %reduce_sum3A_2752 = arith.constant dense<0> : vector<4xi32>
      %reduce_sum3A_2753 = vector.multi_reduction <add>, %convert_element_type3A_2751, %reduce_sum3A_2752 [1, 2] : vector<4x8x1024xi32> to vector<4xi32>
      %broadcast_in_dim3A_2754 = vector.shape_cast %reduce_sum3A_2753 : vector<4xi32> to vector<4x1x1xi32>
      %eq3A_2755 = arith.constant 1 : i32
      %eq3A_2756 = vector.broadcast %eq3A_2755 : i32 to vector<4x8x1024xi32>
      %eq3A_2757 = arith.cmpi eq, %and3A_2746, %eq3A_2756 : vector<4x8x1024xi32>
      %and3A_2758 = arith.andi %and3A_2740, %eq3A_2757 : vector<4x8x1024xi1>
      %convert_element_type3A_2759 = arith.extui %and3A_2758 : vector<4x8x1024xi1> to vector<4x8x1024xi32>
      %reduce_sum3A_2760 = arith.constant dense<0> : vector<4xi32>
      %reduce_sum3A_2761 = vector.multi_reduction <add>, %convert_element_type3A_2759, %reduce_sum3A_2760 [1, 2] : vector<4x8x1024xi32> to vector<4xi32>
      %broadcast_in_dim3A_2762 = vector.shape_cast %reduce_sum3A_2761 : vector<4xi32> to vector<4x1x1xi32>
      %eq3A_2763 = arith.constant 2 : i32
      %eq3A_2764 = vector.broadcast %eq3A_2763 : i32 to vector<4x8x1024xi32>
      %eq3A_2765 = arith.cmpi eq, %and3A_2746, %eq3A_2764 : vector<4x8x1024xi32>
      %and3A_2766 = arith.andi %and3A_2740, %eq3A_2765 : vector<4x8x1024xi1>
      %convert_element_type3A_2767 = arith.extui %and3A_2766 : vector<4x8x1024xi1> to vector<4x8x1024xi32>
      %reduce_sum3A_2768 = arith.constant dense<0> : vector<4xi32>
      %reduce_sum3A_2769 = vector.multi_reduction <add>, %convert_element_type3A_2767, %reduce_sum3A_2768 [1, 2] : vector<4x8x1024xi32> to vector<4xi32>
      %broadcast_in_dim3A_2770 = vector.shape_cast %reduce_sum3A_2769 : vector<4xi32> to vector<4x1x1xi32>
      %eq3A_2771 = arith.constant 3 : i32
      %eq3A_2772 = vector.broadcast %eq3A_2771 : i32 to vector<4x8x1024xi32>
      %eq3A_2773 = arith.cmpi eq, %and3A_2746, %eq3A_2772 : vector<4x8x1024xi32>
      %and3A_2774 = arith.andi %and3A_2740, %eq3A_2773 : vector<4x8x1024xi1>
      %convert_element_type3A_2775 = arith.extui %and3A_2774 : vector<4x8x1024xi1> to vector<4x8x1024xi32>
      %reduce_sum3A_2776 = arith.constant dense<0> : vector<4xi32>
      %reduce_sum3A_2777 = vector.multi_reduction <add>, %convert_element_type3A_2775, %reduce_sum3A_2776 [1, 2] : vector<4x8x1024xi32> to vector<4xi32>
      %broadcast_in_dim3A_2778 = vector.shape_cast %reduce_sum3A_2777 : vector<4xi32> to vector<4x1x1xi32>
      %eq3A_2779 = arith.constant 4 : i32
      %eq3A_2780 = vector.broadcast %eq3A_2779 : i32 to vector<4x8x1024xi32>
      %eq3A_2781 = arith.cmpi eq, %and3A_2746, %eq3A_2780 : vector<4x8x1024xi32>
      %and3A_2782 = arith.andi %and3A_2740, %eq3A_2781 : vector<4x8x1024xi1>
      %convert_element_type3A_2783 = arith.extui %and3A_2782 : vector<4x8x1024xi1> to vector<4x8x1024xi32>
      %reduce_sum3A_2784 = arith.constant dense<0> : vector<4xi32>
      %reduce_sum3A_2785 = vector.multi_reduction <add>, %convert_element_type3A_2783, %reduce_sum3A_2784 [1, 2] : vector<4x8x1024xi32> to vector<4xi32>
      %broadcast_in_dim3A_2786 = vector.shape_cast %reduce_sum3A_2785 : vector<4xi32> to vector<4x1x1xi32>
      %eq3A_2787 = arith.constant 5 : i32
      %eq3A_2788 = vector.broadcast %eq3A_2787 : i32 to vector<4x8x1024xi32>
      %eq3A_2789 = arith.cmpi eq, %and3A_2746, %eq3A_2788 : vector<4x8x1024xi32>
      %and3A_2790 = arith.andi %and3A_2740, %eq3A_2789 : vector<4x8x1024xi1>
      %convert_element_type3A_2791 = arith.extui %and3A_2790 : vector<4x8x1024xi1> to vector<4x8x1024xi32>
      %reduce_sum3A_2792 = arith.constant dense<0> : vector<4xi32>
      %reduce_sum3A_2793 = vector.multi_reduction <add>, %convert_element_type3A_2791, %reduce_sum3A_2792 [1, 2] : vector<4x8x1024xi32> to vector<4xi32>
      %broadcast_in_dim3A_2794 = vector.shape_cast %reduce_sum3A_2793 : vector<4xi32> to vector<4x1x1xi32>
      %eq3A_2795 = arith.constant 6 : i32
      %eq3A_2796 = vector.broadcast %eq3A_2795 : i32 to vector<4x8x1024xi32>
      %eq3A_2797 = arith.cmpi eq, %and3A_2746, %eq3A_2796 : vector<4x8x1024xi32>
      %and3A_2798 = arith.andi %and3A_2740, %eq3A_2797 : vector<4x8x1024xi1>
      %convert_element_type3A_2799 = arith.extui %and3A_2798 : vector<4x8x1024xi1> to vector<4x8x1024xi32>
      %reduce_sum3A_2800 = arith.constant dense<0> : vector<4xi32>
      %reduce_sum3A_2801 = vector.multi_reduction <add>, %convert_element_type3A_2799, %reduce_sum3A_2800 [1, 2] : vector<4x8x1024xi32> to vector<4xi32>
      %broadcast_in_dim3A_2802 = vector.shape_cast %reduce_sum3A_2801 : vector<4xi32> to vector<4x1x1xi32>
      %eq3A_2803 = arith.constant 7 : i32
      %eq3A_2804 = vector.broadcast %eq3A_2803 : i32 to vector<4x8x1024xi32>
      %eq3A_2805 = arith.cmpi eq, %and3A_2746, %eq3A_2804 : vector<4x8x1024xi32>
      %and3A_2806 = arith.andi %and3A_2740, %eq3A_2805 : vector<4x8x1024xi1>
      %convert_element_type3A_2807 = arith.extui %and3A_2806 : vector<4x8x1024xi1> to vector<4x8x1024xi32>
      %reduce_sum3A_2808 = arith.constant dense<0> : vector<4xi32>
      %reduce_sum3A_2809 = vector.multi_reduction <add>, %convert_element_type3A_2807, %reduce_sum3A_2808 [1, 2] : vector<4x8x1024xi32> to vector<4xi32>
      %broadcast_in_dim3A_2810 = vector.shape_cast %reduce_sum3A_2809 : vector<4xi32> to vector<4x1x1xi32>
      %eq3A_2811 = arith.constant 8 : i32
      %eq3A_2812 = vector.broadcast %eq3A_2811 : i32 to vector<4x8x1024xi32>
      %eq3A_2813 = arith.cmpi eq, %and3A_2746, %eq3A_2812 : vector<4x8x1024xi32>
      %and3A_2814 = arith.andi %and3A_2740, %eq3A_2813 : vector<4x8x1024xi1>
      %convert_element_type3A_2815 = arith.extui %and3A_2814 : vector<4x8x1024xi1> to vector<4x8x1024xi32>
      %reduce_sum3A_2816 = arith.constant dense<0> : vector<4xi32>
      %reduce_sum3A_2817 = vector.multi_reduction <add>, %convert_element_type3A_2815, %reduce_sum3A_2816 [1, 2] : vector<4x8x1024xi32> to vector<4xi32>
      %broadcast_in_dim3A_2818 = vector.shape_cast %reduce_sum3A_2817 : vector<4xi32> to vector<4x1x1xi32>
      %eq3A_2819 = arith.constant 9 : i32
      %eq3A_2820 = vector.broadcast %eq3A_2819 : i32 to vector<4x8x1024xi32>
      %eq3A_2821 = arith.cmpi eq, %and3A_2746, %eq3A_2820 : vector<4x8x1024xi32>
      %and3A_2822 = arith.andi %and3A_2740, %eq3A_2821 : vector<4x8x1024xi1>
      %convert_element_type3A_2823 = arith.extui %and3A_2822 : vector<4x8x1024xi1> to vector<4x8x1024xi32>
      %reduce_sum3A_2824 = arith.constant dense<0> : vector<4xi32>
      %reduce_sum3A_2825 = vector.multi_reduction <add>, %convert_element_type3A_2823, %reduce_sum3A_2824 [1, 2] : vector<4x8x1024xi32> to vector<4xi32>
      %broadcast_in_dim3A_2826 = vector.shape_cast %reduce_sum3A_2825 : vector<4xi32> to vector<4x1x1xi32>
      %eq3A_2827 = arith.constant 10 : i32
      %eq3A_2828 = vector.broadcast %eq3A_2827 : i32 to vector<4x8x1024xi32>
      %eq3A_2829 = arith.cmpi eq, %and3A_2746, %eq3A_2828 : vector<4x8x1024xi32>
      %and3A_2830 = arith.andi %and3A_2740, %eq3A_2829 : vector<4x8x1024xi1>
      %convert_element_type3A_2831 = arith.extui %and3A_2830 : vector<4x8x1024xi1> to vector<4x8x1024xi32>
      %reduce_sum3A_2832 = arith.constant dense<0> : vector<4xi32>
      %reduce_sum3A_2833 = vector.multi_reduction <add>, %convert_element_type3A_2831, %reduce_sum3A_2832 [1, 2] : vector<4x8x1024xi32> to vector<4xi32>
      %broadcast_in_dim3A_2834 = vector.shape_cast %reduce_sum3A_2833 : vector<4xi32> to vector<4x1x1xi32>
      %eq3A_2835 = arith.constant 11 : i32
      %eq3A_2836 = vector.broadcast %eq3A_2835 : i32 to vector<4x8x1024xi32>
      %eq3A_2837 = arith.cmpi eq, %and3A_2746, %eq3A_2836 : vector<4x8x1024xi32>
      %and3A_2838 = arith.andi %and3A_2740, %eq3A_2837 : vector<4x8x1024xi1>
      %convert_element_type3A_2839 = arith.extui %and3A_2838 : vector<4x8x1024xi1> to vector<4x8x1024xi32>
      %reduce_sum3A_2840 = arith.constant dense<0> : vector<4xi32>
      %reduce_sum3A_2841 = vector.multi_reduction <add>, %convert_element_type3A_2839, %reduce_sum3A_2840 [1, 2] : vector<4x8x1024xi32> to vector<4xi32>
      %broadcast_in_dim3A_2842 = vector.shape_cast %reduce_sum3A_2841 : vector<4xi32> to vector<4x1x1xi32>
      %eq3A_2843 = arith.constant 12 : i32
      %eq3A_2844 = vector.broadcast %eq3A_2843 : i32 to vector<4x8x1024xi32>
      %eq3A_2845 = arith.cmpi eq, %and3A_2746, %eq3A_2844 : vector<4x8x1024xi32>
      %and3A_2846 = arith.andi %and3A_2740, %eq3A_2845 : vector<4x8x1024xi1>
      %convert_element_type3A_2847 = arith.extui %and3A_2846 : vector<4x8x1024xi1> to vector<4x8x1024xi32>
      %reduce_sum3A_2848 = arith.constant dense<0> : vector<4xi32>
      %reduce_sum3A_2849 = vector.multi_reduction <add>, %convert_element_type3A_2847, %reduce_sum3A_2848 [1, 2] : vector<4x8x1024xi32> to vector<4xi32>
      %broadcast_in_dim3A_2850 = vector.shape_cast %reduce_sum3A_2849 : vector<4xi32> to vector<4x1x1xi32>
      %eq3A_2851 = arith.constant 13 : i32
      %eq3A_2852 = vector.broadcast %eq3A_2851 : i32 to vector<4x8x1024xi32>
      %eq3A_2853 = arith.cmpi eq, %and3A_2746, %eq3A_2852 : vector<4x8x1024xi32>
      %and3A_2854 = arith.andi %and3A_2740, %eq3A_2853 : vector<4x8x1024xi1>
      %convert_element_type3A_2855 = arith.extui %and3A_2854 : vector<4x8x1024xi1> to vector<4x8x1024xi32>
      %reduce_sum3A_2856 = arith.constant dense<0> : vector<4xi32>
      %reduce_sum3A_2857 = vector.multi_reduction <add>, %convert_element_type3A_2855, %reduce_sum3A_2856 [1, 2] : vector<4x8x1024xi32> to vector<4xi32>
      %broadcast_in_dim3A_2858 = vector.shape_cast %reduce_sum3A_2857 : vector<4xi32> to vector<4x1x1xi32>
      %eq3A_2859 = arith.constant 14 : i32
      %eq3A_2860 = vector.broadcast %eq3A_2859 : i32 to vector<4x8x1024xi32>
      %eq3A_2861 = arith.cmpi eq, %and3A_2746, %eq3A_2860 : vector<4x8x1024xi32>
      %and3A_2862 = arith.andi %and3A_2740, %eq3A_2861 : vector<4x8x1024xi1>
      %convert_element_type3A_2863 = arith.extui %and3A_2862 : vector<4x8x1024xi1> to vector<4x8x1024xi32>
      %reduce_sum3A_2864 = arith.constant dense<0> : vector<4xi32>
      %reduce_sum3A_2865 = vector.multi_reduction <add>, %convert_element_type3A_2863, %reduce_sum3A_2864 [1, 2] : vector<4x8x1024xi32> to vector<4xi32>
      %broadcast_in_dim3A_2866 = vector.shape_cast %reduce_sum3A_2865 : vector<4xi32> to vector<4x1x1xi32>
      %eq3A_2867 = arith.constant 15 : i32
      %eq3A_2868 = vector.broadcast %eq3A_2867 : i32 to vector<4x8x1024xi32>
      %eq3A_2869 = arith.cmpi eq, %and3A_2746, %eq3A_2868 : vector<4x8x1024xi32>
      %and3A_2870 = arith.andi %and3A_2740, %eq3A_2869 : vector<4x8x1024xi1>
      %convert_element_type3A_2871 = arith.extui %and3A_2870 : vector<4x8x1024xi1> to vector<4x8x1024xi32>
      %reduce_sum3A_2872 = arith.constant dense<0> : vector<4xi32>
      %reduce_sum3A_2873 = vector.multi_reduction <add>, %convert_element_type3A_2871, %reduce_sum3A_2872 [1, 2] : vector<4x8x1024xi32> to vector<4xi32>
      %broadcast_in_dim3A_2874 = vector.shape_cast %reduce_sum3A_2873 : vector<4xi32> to vector<4x1x1xi32>
      %broadcast_in_dim3A_2875 = arith.constant 0 : i32
      %broadcast_in_dim3A_2876 = vector.broadcast %broadcast_in_dim3A_2875 : i32 to vector<4x1x1xi32>
      %broadcast_in_dim3A_2877 = arith.constant 0 : i32
      %broadcast_in_dim3A_2878 = vector.broadcast %broadcast_in_dim3A_2877 : i32 to vector<4x1x1xi32>
      %add3A_2879 = arith.addi %broadcast_in_dim3A_2876, %broadcast_in_dim3A_2874 : vector<4x1x1xi32>
      %ge3A_2880 = arith.cmpi sge, %add3A_2879, %select_n3A_2727 : vector<4x1x1xi32>
      %lt3A_2881 = arith.cmpi slt, %broadcast_in_dim3A_2876, %select_n3A_2727 : vector<4x1x1xi32>
      %and3A_2882 = arith.andi %ge3A_2880, %lt3A_2881 : vector<4x1x1xi1>
      %jit3A_2883 = arith.constant 15 : i32
      %broadcast_in_dim3A_2884 = vector.broadcast %jit3A_2883 : i32 to vector<4x1x1xi32>
      %select_n3A_2885 = arith.select %and3A_2882, %broadcast_in_dim3A_2884, %broadcast_in_dim3A_2878 : vector<4x1x1xi1>, vector<4x1x1xi32>
      %sub3A_2886 = arith.subi %select_n3A_2727, %broadcast_in_dim3A_2876 : vector<4x1x1xi32>
      %select_n3A_2887 = arith.select %and3A_2882, %sub3A_2886, %select_n3A_2727 : vector<4x1x1xi1>, vector<4x1x1xi32>
      %add3A_2888 = arith.addi %add3A_2879, %broadcast_in_dim3A_2866 : vector<4x1x1xi32>
      %ge3A_2889 = arith.cmpi sge, %add3A_2888, %select_n3A_2727 : vector<4x1x1xi32>
      %lt3A_2890 = arith.cmpi slt, %add3A_2879, %select_n3A_2727 : vector<4x1x1xi32>
      %and3A_2891 = arith.andi %ge3A_2889, %lt3A_2890 : vector<4x1x1xi1>
      %jit3A_2892 = arith.constant 14 : i32
      %broadcast_in_dim3A_2893 = vector.broadcast %jit3A_2892 : i32 to vector<4x1x1xi32>
      %select_n3A_2894 = arith.select %and3A_2891, %broadcast_in_dim3A_2893, %select_n3A_2885 : vector<4x1x1xi1>, vector<4x1x1xi32>
      %sub3A_2895 = arith.subi %select_n3A_2727, %add3A_2879 : vector<4x1x1xi32>
      %select_n3A_2896 = arith.select %and3A_2891, %sub3A_2895, %select_n3A_2887 : vector<4x1x1xi1>, vector<4x1x1xi32>
      %add3A_2897 = arith.addi %add3A_2888, %broadcast_in_dim3A_2858 : vector<4x1x1xi32>
      %ge3A_2898 = arith.cmpi sge, %add3A_2897, %select_n3A_2727 : vector<4x1x1xi32>
      %lt3A_2899 = arith.cmpi slt, %add3A_2888, %select_n3A_2727 : vector<4x1x1xi32>
      %and3A_2900 = arith.andi %ge3A_2898, %lt3A_2899 : vector<4x1x1xi1>
      %jit3A_2901 = arith.constant 13 : i32
      %broadcast_in_dim3A_2902 = vector.broadcast %jit3A_2901 : i32 to vector<4x1x1xi32>
      %select_n3A_2903 = arith.select %and3A_2900, %broadcast_in_dim3A_2902, %select_n3A_2894 : vector<4x1x1xi1>, vector<4x1x1xi32>
      %sub3A_2904 = arith.subi %select_n3A_2727, %add3A_2888 : vector<4x1x1xi32>
      %select_n3A_2905 = arith.select %and3A_2900, %sub3A_2904, %select_n3A_2896 : vector<4x1x1xi1>, vector<4x1x1xi32>
      %add3A_2906 = arith.addi %add3A_2897, %broadcast_in_dim3A_2850 : vector<4x1x1xi32>
      %ge3A_2907 = arith.cmpi sge, %add3A_2906, %select_n3A_2727 : vector<4x1x1xi32>
      %lt3A_2908 = arith.cmpi slt, %add3A_2897, %select_n3A_2727 : vector<4x1x1xi32>
      %and3A_2909 = arith.andi %ge3A_2907, %lt3A_2908 : vector<4x1x1xi1>
      %jit3A_2910 = arith.constant 12 : i32
      %broadcast_in_dim3A_2911 = vector.broadcast %jit3A_2910 : i32 to vector<4x1x1xi32>
      %select_n3A_2912 = arith.select %and3A_2909, %broadcast_in_dim3A_2911, %select_n3A_2903 : vector<4x1x1xi1>, vector<4x1x1xi32>
      %sub3A_2913 = arith.subi %select_n3A_2727, %add3A_2897 : vector<4x1x1xi32>
      %select_n3A_2914 = arith.select %and3A_2909, %sub3A_2913, %select_n3A_2905 : vector<4x1x1xi1>, vector<4x1x1xi32>
      %add3A_2915 = arith.addi %add3A_2906, %broadcast_in_dim3A_2842 : vector<4x1x1xi32>
      %ge3A_2916 = arith.cmpi sge, %add3A_2915, %select_n3A_2727 : vector<4x1x1xi32>
      %lt3A_2917 = arith.cmpi slt, %add3A_2906, %select_n3A_2727 : vector<4x1x1xi32>
      %and3A_2918 = arith.andi %ge3A_2916, %lt3A_2917 : vector<4x1x1xi1>
      %jit3A_2919 = arith.constant 11 : i32
      %broadcast_in_dim3A_2920 = vector.broadcast %jit3A_2919 : i32 to vector<4x1x1xi32>
      %select_n3A_2921 = arith.select %and3A_2918, %broadcast_in_dim3A_2920, %select_n3A_2912 : vector<4x1x1xi1>, vector<4x1x1xi32>
      %sub3A_2922 = arith.subi %select_n3A_2727, %add3A_2906 : vector<4x1x1xi32>
      %select_n3A_2923 = arith.select %and3A_2918, %sub3A_2922, %select_n3A_2914 : vector<4x1x1xi1>, vector<4x1x1xi32>
      %add3A_2924 = arith.addi %add3A_2915, %broadcast_in_dim3A_2834 : vector<4x1x1xi32>
      %ge3A_2925 = arith.cmpi sge, %add3A_2924, %select_n3A_2727 : vector<4x1x1xi32>
      %lt3A_2926 = arith.cmpi slt, %add3A_2915, %select_n3A_2727 : vector<4x1x1xi32>
      %and3A_2927 = arith.andi %ge3A_2925, %lt3A_2926 : vector<4x1x1xi1>
      %jit3A_2928 = arith.constant 10 : i32
      %broadcast_in_dim3A_2929 = vector.broadcast %jit3A_2928 : i32 to vector<4x1x1xi32>
      %select_n3A_2930 = arith.select %and3A_2927, %broadcast_in_dim3A_2929, %select_n3A_2921 : vector<4x1x1xi1>, vector<4x1x1xi32>
      %sub3A_2931 = arith.subi %select_n3A_2727, %add3A_2915 : vector<4x1x1xi32>
      %select_n3A_2932 = arith.select %and3A_2927, %sub3A_2931, %select_n3A_2923 : vector<4x1x1xi1>, vector<4x1x1xi32>
      %add3A_2933 = arith.addi %add3A_2924, %broadcast_in_dim3A_2826 : vector<4x1x1xi32>
      %ge3A_2934 = arith.cmpi sge, %add3A_2933, %select_n3A_2727 : vector<4x1x1xi32>
      %lt3A_2935 = arith.cmpi slt, %add3A_2924, %select_n3A_2727 : vector<4x1x1xi32>
      %and3A_2936 = arith.andi %ge3A_2934, %lt3A_2935 : vector<4x1x1xi1>
      %jit3A_2937 = arith.constant 9 : i32
      %broadcast_in_dim3A_2938 = vector.broadcast %jit3A_2937 : i32 to vector<4x1x1xi32>
      %select_n3A_2939 = arith.select %and3A_2936, %broadcast_in_dim3A_2938, %select_n3A_2930 : vector<4x1x1xi1>, vector<4x1x1xi32>
      %sub3A_2940 = arith.subi %select_n3A_2727, %add3A_2924 : vector<4x1x1xi32>
      %select_n3A_2941 = arith.select %and3A_2936, %sub3A_2940, %select_n3A_2932 : vector<4x1x1xi1>, vector<4x1x1xi32>
      %add3A_2942 = arith.addi %add3A_2933, %broadcast_in_dim3A_2818 : vector<4x1x1xi32>
      %ge3A_2943 = arith.cmpi sge, %add3A_2942, %select_n3A_2727 : vector<4x1x1xi32>
      %lt3A_2944 = arith.cmpi slt, %add3A_2933, %select_n3A_2727 : vector<4x1x1xi32>
      %and3A_2945 = arith.andi %ge3A_2943, %lt3A_2944 : vector<4x1x1xi1>
      %jit3A_2946 = arith.constant 8 : i32
      %broadcast_in_dim3A_2947 = vector.broadcast %jit3A_2946 : i32 to vector<4x1x1xi32>
      %select_n3A_2948 = arith.select %and3A_2945, %broadcast_in_dim3A_2947, %select_n3A_2939 : vector<4x1x1xi1>, vector<4x1x1xi32>
      %sub3A_2949 = arith.subi %select_n3A_2727, %add3A_2933 : vector<4x1x1xi32>
      %select_n3A_2950 = arith.select %and3A_2945, %sub3A_2949, %select_n3A_2941 : vector<4x1x1xi1>, vector<4x1x1xi32>
      %add3A_2951 = arith.addi %add3A_2942, %broadcast_in_dim3A_2810 : vector<4x1x1xi32>
      %ge3A_2952 = arith.cmpi sge, %add3A_2951, %select_n3A_2727 : vector<4x1x1xi32>
      %lt3A_2953 = arith.cmpi slt, %add3A_2942, %select_n3A_2727 : vector<4x1x1xi32>
      %and3A_2954 = arith.andi %ge3A_2952, %lt3A_2953 : vector<4x1x1xi1>
      %jit3A_2955 = arith.constant 7 : i32
      %broadcast_in_dim3A_2956 = vector.broadcast %jit3A_2955 : i32 to vector<4x1x1xi32>
      %select_n3A_2957 = arith.select %and3A_2954, %broadcast_in_dim3A_2956, %select_n3A_2948 : vector<4x1x1xi1>, vector<4x1x1xi32>
      %sub3A_2958 = arith.subi %select_n3A_2727, %add3A_2942 : vector<4x1x1xi32>
      %select_n3A_2959 = arith.select %and3A_2954, %sub3A_2958, %select_n3A_2950 : vector<4x1x1xi1>, vector<4x1x1xi32>
      %add3A_2960 = arith.addi %add3A_2951, %broadcast_in_dim3A_2802 : vector<4x1x1xi32>
      %ge3A_2961 = arith.cmpi sge, %add3A_2960, %select_n3A_2727 : vector<4x1x1xi32>
      %lt3A_2962 = arith.cmpi slt, %add3A_2951, %select_n3A_2727 : vector<4x1x1xi32>
      %and3A_2963 = arith.andi %ge3A_2961, %lt3A_2962 : vector<4x1x1xi1>
      %jit3A_2964 = arith.constant 6 : i32
      %broadcast_in_dim3A_2965 = vector.broadcast %jit3A_2964 : i32 to vector<4x1x1xi32>
      %select_n3A_2966 = arith.select %and3A_2963, %broadcast_in_dim3A_2965, %select_n3A_2957 : vector<4x1x1xi1>, vector<4x1x1xi32>
      %sub3A_2967 = arith.subi %select_n3A_2727, %add3A_2951 : vector<4x1x1xi32>
      %select_n3A_2968 = arith.select %and3A_2963, %sub3A_2967, %select_n3A_2959 : vector<4x1x1xi1>, vector<4x1x1xi32>
      %add3A_2969 = arith.addi %add3A_2960, %broadcast_in_dim3A_2794 : vector<4x1x1xi32>
      %ge3A_2970 = arith.cmpi sge, %add3A_2969, %select_n3A_2727 : vector<4x1x1xi32>
      %lt3A_2971 = arith.cmpi slt, %add3A_2960, %select_n3A_2727 : vector<4x1x1xi32>
      %and3A_2972 = arith.andi %ge3A_2970, %lt3A_2971 : vector<4x1x1xi1>
      %jit3A_2973 = arith.constant 5 : i32
      %broadcast_in_dim3A_2974 = vector.broadcast %jit3A_2973 : i32 to vector<4x1x1xi32>
      %select_n3A_2975 = arith.select %and3A_2972, %broadcast_in_dim3A_2974, %select_n3A_2966 : vector<4x1x1xi1>, vector<4x1x1xi32>
      %sub3A_2976 = arith.subi %select_n3A_2727, %add3A_2960 : vector<4x1x1xi32>
      %select_n3A_2977 = arith.select %and3A_2972, %sub3A_2976, %select_n3A_2968 : vector<4x1x1xi1>, vector<4x1x1xi32>
      %add3A_2978 = arith.addi %add3A_2969, %broadcast_in_dim3A_2786 : vector<4x1x1xi32>
      %ge3A_2979 = arith.cmpi sge, %add3A_2978, %select_n3A_2727 : vector<4x1x1xi32>
      %lt3A_2980 = arith.cmpi slt, %add3A_2969, %select_n3A_2727 : vector<4x1x1xi32>
      %and3A_2981 = arith.andi %ge3A_2979, %lt3A_2980 : vector<4x1x1xi1>
      %jit3A_2982 = arith.constant 4 : i32
      %broadcast_in_dim3A_2983 = vector.broadcast %jit3A_2982 : i32 to vector<4x1x1xi32>
      %select_n3A_2984 = arith.select %and3A_2981, %broadcast_in_dim3A_2983, %select_n3A_2975 : vector<4x1x1xi1>, vector<4x1x1xi32>
      %sub3A_2985 = arith.subi %select_n3A_2727, %add3A_2969 : vector<4x1x1xi32>
      %select_n3A_2986 = arith.select %and3A_2981, %sub3A_2985, %select_n3A_2977 : vector<4x1x1xi1>, vector<4x1x1xi32>
      %add3A_2987 = arith.addi %add3A_2978, %broadcast_in_dim3A_2778 : vector<4x1x1xi32>
      %ge3A_2988 = arith.cmpi sge, %add3A_2987, %select_n3A_2727 : vector<4x1x1xi32>
      %lt3A_2989 = arith.cmpi slt, %add3A_2978, %select_n3A_2727 : vector<4x1x1xi32>
      %and3A_2990 = arith.andi %ge3A_2988, %lt3A_2989 : vector<4x1x1xi1>
      %jit3A_2991 = arith.constant 3 : i32
      %broadcast_in_dim3A_2992 = vector.broadcast %jit3A_2991 : i32 to vector<4x1x1xi32>
      %select_n3A_2993 = arith.select %and3A_2990, %broadcast_in_dim3A_2992, %select_n3A_2984 : vector<4x1x1xi1>, vector<4x1x1xi32>
      %sub3A_2994 = arith.subi %select_n3A_2727, %add3A_2978 : vector<4x1x1xi32>
      %select_n3A_2995 = arith.select %and3A_2990, %sub3A_2994, %select_n3A_2986 : vector<4x1x1xi1>, vector<4x1x1xi32>
      %add3A_2996 = arith.addi %add3A_2987, %broadcast_in_dim3A_2770 : vector<4x1x1xi32>
      %ge3A_2997 = arith.cmpi sge, %add3A_2996, %select_n3A_2727 : vector<4x1x1xi32>
      %lt3A_2998 = arith.cmpi slt, %add3A_2987, %select_n3A_2727 : vector<4x1x1xi32>
      %and3A_2999 = arith.andi %ge3A_2997, %lt3A_2998 : vector<4x1x1xi1>
      %jit3A_3000 = arith.constant 2 : i32
      %broadcast_in_dim3A_3001 = vector.broadcast %jit3A_3000 : i32 to vector<4x1x1xi32>
      %select_n3A_3002 = arith.select %and3A_2999, %broadcast_in_dim3A_3001, %select_n3A_2993 : vector<4x1x1xi1>, vector<4x1x1xi32>
      %sub3A_3003 = arith.subi %select_n3A_2727, %add3A_2987 : vector<4x1x1xi32>
      %select_n3A_3004 = arith.select %and3A_2999, %sub3A_3003, %select_n3A_2995 : vector<4x1x1xi1>, vector<4x1x1xi32>
      %add3A_3005 = arith.addi %add3A_2996, %broadcast_in_dim3A_2762 : vector<4x1x1xi32>
      %ge3A_3006 = arith.cmpi sge, %add3A_3005, %select_n3A_2727 : vector<4x1x1xi32>
      %lt3A_3007 = arith.cmpi slt, %add3A_2996, %select_n3A_2727 : vector<4x1x1xi32>
      %and3A_3008 = arith.andi %ge3A_3006, %lt3A_3007 : vector<4x1x1xi1>
      %jit3A_3009 = arith.constant 1 : i32
      %broadcast_in_dim3A_3010 = vector.broadcast %jit3A_3009 : i32 to vector<4x1x1xi32>
      %select_n3A_3011 = arith.select %and3A_3008, %broadcast_in_dim3A_3010, %select_n3A_3002 : vector<4x1x1xi1>, vector<4x1x1xi32>
      %sub3A_3012 = arith.subi %select_n3A_2727, %add3A_2996 : vector<4x1x1xi32>
      %select_n3A_3013 = arith.select %and3A_3008, %sub3A_3012, %select_n3A_3004 : vector<4x1x1xi1>, vector<4x1x1xi32>
      %add3A_3014 = arith.addi %add3A_3005, %broadcast_in_dim3A_2754 : vector<4x1x1xi32>
      %ge3A_3015 = arith.cmpi sge, %add3A_3014, %select_n3A_2727 : vector<4x1x1xi32>
      %lt3A_3016 = arith.cmpi slt, %add3A_3005, %select_n3A_2727 : vector<4x1x1xi32>
      %and3A_3017 = arith.andi %ge3A_3015, %lt3A_3016 : vector<4x1x1xi1>
      %jit3A_3018 = arith.constant 0 : i32
      %broadcast_in_dim3A_3019 = vector.broadcast %jit3A_3018 : i32 to vector<4x1x1xi32>
      %select_n3A_3020 = arith.select %and3A_3017, %broadcast_in_dim3A_3019, %select_n3A_3011 : vector<4x1x1xi1>, vector<4x1x1xi32>
      %sub3A_3021 = arith.subi %select_n3A_2727, %add3A_3005 : vector<4x1x1xi32>
      %select_n3A_3022 = arith.select %and3A_3017, %sub3A_3021, %select_n3A_3013 : vector<4x1x1xi1>, vector<4x1x1xi32>
      %shift_left3A_3023 = arith.constant 8 : i32
      %shift_left3A_3024 = vector.broadcast %shift_left3A_3023 : i32 to vector<4x1x1xi32>
      %shift_left3A_3025 = arith.shli %select_n3A_3020, %shift_left3A_3024 : vector<4x1x1xi32>
      %or3A_3026 = arith.ori %or3A_2731, %shift_left3A_3025 : vector<4x1x1xi32>
      %shift_right_logical3A_3027 = arith.constant 8 : i32
      %shift_right_logical3A_3028 = vector.broadcast %shift_right_logical3A_3027 : i32 to vector<4x8x1024xi32>
      %shift_right_logical3A_3029 = arith.shrui %sub3A_2434, %shift_right_logical3A_3028 : vector<4x8x1024xi32>
      %shift_right_logical3A_3030 = arith.constant 8 : i32
      %shift_right_logical3A_3031 = vector.broadcast %shift_right_logical3A_3030 : i32 to vector<4x1x1xi32>
      %shift_right_logical3A_3032 = arith.shrui %or3A_3026, %shift_right_logical3A_3031 : vector<4x1x1xi32>
      %eq3A_3033 = vector.broadcast %shift_right_logical3A_3032 : vector<4x1x1xi32> to vector<4x8x1024xi32>
      %eq3A_3034 = arith.cmpi eq, %shift_right_logical3A_3029, %eq3A_3033 : vector<4x8x1024xi32>
      %and3A_3035 = arith.andi %eq3A_2426, %eq3A_3034 : vector<4x8x1024xi1>
      %shift_right_logical3A_3036 = arith.constant 4 : i32
      %shift_right_logical3A_3037 = vector.broadcast %shift_right_logical3A_3036 : i32 to vector<4x8x1024xi32>
      %shift_right_logical3A_3038 = arith.shrui %sub3A_2434, %shift_right_logical3A_3037 : vector<4x8x1024xi32>
      %and3A_3039 = arith.constant 15 : i32
      %and3A_3040 = vector.broadcast %and3A_3039 : i32 to vector<4x8x1024xi32>
      %and3A_3041 = arith.andi %shift_right_logical3A_3038, %and3A_3040 : vector<4x8x1024xi32>
      %eq3A_3042 = arith.constant 0 : i32
      %eq3A_3043 = vector.broadcast %eq3A_3042 : i32 to vector<4x8x1024xi32>
      %eq3A_3044 = arith.cmpi eq, %and3A_3041, %eq3A_3043 : vector<4x8x1024xi32>
      %and3A_3045 = arith.andi %and3A_3035, %eq3A_3044 : vector<4x8x1024xi1>
      %convert_element_type3A_3046 = arith.extui %and3A_3045 : vector<4x8x1024xi1> to vector<4x8x1024xi32>
      %reduce_sum3A_3047 = arith.constant dense<0> : vector<4xi32>
      %reduce_sum3A_3048 = vector.multi_reduction <add>, %convert_element_type3A_3046, %reduce_sum3A_3047 [1, 2] : vector<4x8x1024xi32> to vector<4xi32>
      %broadcast_in_dim3A_3049 = vector.shape_cast %reduce_sum3A_3048 : vector<4xi32> to vector<4x1x1xi32>
      %eq3A_3050 = arith.constant 1 : i32
      %eq3A_3051 = vector.broadcast %eq3A_3050 : i32 to vector<4x8x1024xi32>
      %eq3A_3052 = arith.cmpi eq, %and3A_3041, %eq3A_3051 : vector<4x8x1024xi32>
      %and3A_3053 = arith.andi %and3A_3035, %eq3A_3052 : vector<4x8x1024xi1>
      %convert_element_type3A_3054 = arith.extui %and3A_3053 : vector<4x8x1024xi1> to vector<4x8x1024xi32>
      %reduce_sum3A_3055 = arith.constant dense<0> : vector<4xi32>
      %reduce_sum3A_3056 = vector.multi_reduction <add>, %convert_element_type3A_3054, %reduce_sum3A_3055 [1, 2] : vector<4x8x1024xi32> to vector<4xi32>
      %broadcast_in_dim3A_3057 = vector.shape_cast %reduce_sum3A_3056 : vector<4xi32> to vector<4x1x1xi32>
      %eq3A_3058 = arith.constant 2 : i32
      %eq3A_3059 = vector.broadcast %eq3A_3058 : i32 to vector<4x8x1024xi32>
      %eq3A_3060 = arith.cmpi eq, %and3A_3041, %eq3A_3059 : vector<4x8x1024xi32>
      %and3A_3061 = arith.andi %and3A_3035, %eq3A_3060 : vector<4x8x1024xi1>
      %convert_element_type3A_3062 = arith.extui %and3A_3061 : vector<4x8x1024xi1> to vector<4x8x1024xi32>
      %reduce_sum3A_3063 = arith.constant dense<0> : vector<4xi32>
      %reduce_sum3A_3064 = vector.multi_reduction <add>, %convert_element_type3A_3062, %reduce_sum3A_3063 [1, 2] : vector<4x8x1024xi32> to vector<4xi32>
      %broadcast_in_dim3A_3065 = vector.shape_cast %reduce_sum3A_3064 : vector<4xi32> to vector<4x1x1xi32>
      %eq3A_3066 = arith.constant 3 : i32
      %eq3A_3067 = vector.broadcast %eq3A_3066 : i32 to vector<4x8x1024xi32>
      %eq3A_3068 = arith.cmpi eq, %and3A_3041, %eq3A_3067 : vector<4x8x1024xi32>
      %and3A_3069 = arith.andi %and3A_3035, %eq3A_3068 : vector<4x8x1024xi1>
      %convert_element_type3A_3070 = arith.extui %and3A_3069 : vector<4x8x1024xi1> to vector<4x8x1024xi32>
      %reduce_sum3A_3071 = arith.constant dense<0> : vector<4xi32>
      %reduce_sum3A_3072 = vector.multi_reduction <add>, %convert_element_type3A_3070, %reduce_sum3A_3071 [1, 2] : vector<4x8x1024xi32> to vector<4xi32>
      %broadcast_in_dim3A_3073 = vector.shape_cast %reduce_sum3A_3072 : vector<4xi32> to vector<4x1x1xi32>
      %eq3A_3074 = arith.constant 4 : i32
      %eq3A_3075 = vector.broadcast %eq3A_3074 : i32 to vector<4x8x1024xi32>
      %eq3A_3076 = arith.cmpi eq, %and3A_3041, %eq3A_3075 : vector<4x8x1024xi32>
      %and3A_3077 = arith.andi %and3A_3035, %eq3A_3076 : vector<4x8x1024xi1>
      %convert_element_type3A_3078 = arith.extui %and3A_3077 : vector<4x8x1024xi1> to vector<4x8x1024xi32>
      %reduce_sum3A_3079 = arith.constant dense<0> : vector<4xi32>
      %reduce_sum3A_3080 = vector.multi_reduction <add>, %convert_element_type3A_3078, %reduce_sum3A_3079 [1, 2] : vector<4x8x1024xi32> to vector<4xi32>
      %broadcast_in_dim3A_3081 = vector.shape_cast %reduce_sum3A_3080 : vector<4xi32> to vector<4x1x1xi32>
      %eq3A_3082 = arith.constant 5 : i32
      %eq3A_3083 = vector.broadcast %eq3A_3082 : i32 to vector<4x8x1024xi32>
      %eq3A_3084 = arith.cmpi eq, %and3A_3041, %eq3A_3083 : vector<4x8x1024xi32>
      %and3A_3085 = arith.andi %and3A_3035, %eq3A_3084 : vector<4x8x1024xi1>
      %convert_element_type3A_3086 = arith.extui %and3A_3085 : vector<4x8x1024xi1> to vector<4x8x1024xi32>
      %reduce_sum3A_3087 = arith.constant dense<0> : vector<4xi32>
      %reduce_sum3A_3088 = vector.multi_reduction <add>, %convert_element_type3A_3086, %reduce_sum3A_3087 [1, 2] : vector<4x8x1024xi32> to vector<4xi32>
      %broadcast_in_dim3A_3089 = vector.shape_cast %reduce_sum3A_3088 : vector<4xi32> to vector<4x1x1xi32>
      %eq3A_3090 = arith.constant 6 : i32
      %eq3A_3091 = vector.broadcast %eq3A_3090 : i32 to vector<4x8x1024xi32>
      %eq3A_3092 = arith.cmpi eq, %and3A_3041, %eq3A_3091 : vector<4x8x1024xi32>
      %and3A_3093 = arith.andi %and3A_3035, %eq3A_3092 : vector<4x8x1024xi1>
      %convert_element_type3A_3094 = arith.extui %and3A_3093 : vector<4x8x1024xi1> to vector<4x8x1024xi32>
      %reduce_sum3A_3095 = arith.constant dense<0> : vector<4xi32>
      %reduce_sum3A_3096 = vector.multi_reduction <add>, %convert_element_type3A_3094, %reduce_sum3A_3095 [1, 2] : vector<4x8x1024xi32> to vector<4xi32>
      %broadcast_in_dim3A_3097 = vector.shape_cast %reduce_sum3A_3096 : vector<4xi32> to vector<4x1x1xi32>
      %eq3A_3098 = arith.constant 7 : i32
      %eq3A_3099 = vector.broadcast %eq3A_3098 : i32 to vector<4x8x1024xi32>
      %eq3A_3100 = arith.cmpi eq, %and3A_3041, %eq3A_3099 : vector<4x8x1024xi32>
      %and3A_3101 = arith.andi %and3A_3035, %eq3A_3100 : vector<4x8x1024xi1>
      %convert_element_type3A_3102 = arith.extui %and3A_3101 : vector<4x8x1024xi1> to vector<4x8x1024xi32>
      %reduce_sum3A_3103 = arith.constant dense<0> : vector<4xi32>
      %reduce_sum3A_3104 = vector.multi_reduction <add>, %convert_element_type3A_3102, %reduce_sum3A_3103 [1, 2] : vector<4x8x1024xi32> to vector<4xi32>
      %broadcast_in_dim3A_3105 = vector.shape_cast %reduce_sum3A_3104 : vector<4xi32> to vector<4x1x1xi32>
      %eq3A_3106 = arith.constant 8 : i32
      %eq3A_3107 = vector.broadcast %eq3A_3106 : i32 to vector<4x8x1024xi32>
      %eq3A_3108 = arith.cmpi eq, %and3A_3041, %eq3A_3107 : vector<4x8x1024xi32>
      %and3A_3109 = arith.andi %and3A_3035, %eq3A_3108 : vector<4x8x1024xi1>
      %convert_element_type3A_3110 = arith.extui %and3A_3109 : vector<4x8x1024xi1> to vector<4x8x1024xi32>
      %reduce_sum3A_3111 = arith.constant dense<0> : vector<4xi32>
      %reduce_sum3A_3112 = vector.multi_reduction <add>, %convert_element_type3A_3110, %reduce_sum3A_3111 [1, 2] : vector<4x8x1024xi32> to vector<4xi32>
      %broadcast_in_dim3A_3113 = vector.shape_cast %reduce_sum3A_3112 : vector<4xi32> to vector<4x1x1xi32>
      %eq3A_3114 = arith.constant 9 : i32
      %eq3A_3115 = vector.broadcast %eq3A_3114 : i32 to vector<4x8x1024xi32>
      %eq3A_3116 = arith.cmpi eq, %and3A_3041, %eq3A_3115 : vector<4x8x1024xi32>
      %and3A_3117 = arith.andi %and3A_3035, %eq3A_3116 : vector<4x8x1024xi1>
      %convert_element_type3A_3118 = arith.extui %and3A_3117 : vector<4x8x1024xi1> to vector<4x8x1024xi32>
      %reduce_sum3A_3119 = arith.constant dense<0> : vector<4xi32>
      %reduce_sum3A_3120 = vector.multi_reduction <add>, %convert_element_type3A_3118, %reduce_sum3A_3119 [1, 2] : vector<4x8x1024xi32> to vector<4xi32>
      %broadcast_in_dim3A_3121 = vector.shape_cast %reduce_sum3A_3120 : vector<4xi32> to vector<4x1x1xi32>
      %eq3A_3122 = arith.constant 10 : i32
      %eq3A_3123 = vector.broadcast %eq3A_3122 : i32 to vector<4x8x1024xi32>
      %eq3A_3124 = arith.cmpi eq, %and3A_3041, %eq3A_3123 : vector<4x8x1024xi32>
      %and3A_3125 = arith.andi %and3A_3035, %eq3A_3124 : vector<4x8x1024xi1>
      %convert_element_type3A_3126 = arith.extui %and3A_3125 : vector<4x8x1024xi1> to vector<4x8x1024xi32>
      %reduce_sum3A_3127 = arith.constant dense<0> : vector<4xi32>
      %reduce_sum3A_3128 = vector.multi_reduction <add>, %convert_element_type3A_3126, %reduce_sum3A_3127 [1, 2] : vector<4x8x1024xi32> to vector<4xi32>
      %broadcast_in_dim3A_3129 = vector.shape_cast %reduce_sum3A_3128 : vector<4xi32> to vector<4x1x1xi32>
      %eq3A_3130 = arith.constant 11 : i32
      %eq3A_3131 = vector.broadcast %eq3A_3130 : i32 to vector<4x8x1024xi32>
      %eq3A_3132 = arith.cmpi eq, %and3A_3041, %eq3A_3131 : vector<4x8x1024xi32>
      %and3A_3133 = arith.andi %and3A_3035, %eq3A_3132 : vector<4x8x1024xi1>
      %convert_element_type3A_3134 = arith.extui %and3A_3133 : vector<4x8x1024xi1> to vector<4x8x1024xi32>
      %reduce_sum3A_3135 = arith.constant dense<0> : vector<4xi32>
      %reduce_sum3A_3136 = vector.multi_reduction <add>, %convert_element_type3A_3134, %reduce_sum3A_3135 [1, 2] : vector<4x8x1024xi32> to vector<4xi32>
      %broadcast_in_dim3A_3137 = vector.shape_cast %reduce_sum3A_3136 : vector<4xi32> to vector<4x1x1xi32>
      %eq3A_3138 = arith.constant 12 : i32
      %eq3A_3139 = vector.broadcast %eq3A_3138 : i32 to vector<4x8x1024xi32>
      %eq3A_3140 = arith.cmpi eq, %and3A_3041, %eq3A_3139 : vector<4x8x1024xi32>
      %and3A_3141 = arith.andi %and3A_3035, %eq3A_3140 : vector<4x8x1024xi1>
      %convert_element_type3A_3142 = arith.extui %and3A_3141 : vector<4x8x1024xi1> to vector<4x8x1024xi32>
      %reduce_sum3A_3143 = arith.constant dense<0> : vector<4xi32>
      %reduce_sum3A_3144 = vector.multi_reduction <add>, %convert_element_type3A_3142, %reduce_sum3A_3143 [1, 2] : vector<4x8x1024xi32> to vector<4xi32>
      %broadcast_in_dim3A_3145 = vector.shape_cast %reduce_sum3A_3144 : vector<4xi32> to vector<4x1x1xi32>
      %eq3A_3146 = arith.constant 13 : i32
      %eq3A_3147 = vector.broadcast %eq3A_3146 : i32 to vector<4x8x1024xi32>
      %eq3A_3148 = arith.cmpi eq, %and3A_3041, %eq3A_3147 : vector<4x8x1024xi32>
      %and3A_3149 = arith.andi %and3A_3035, %eq3A_3148 : vector<4x8x1024xi1>
      %convert_element_type3A_3150 = arith.extui %and3A_3149 : vector<4x8x1024xi1> to vector<4x8x1024xi32>
      %reduce_sum3A_3151 = arith.constant dense<0> : vector<4xi32>
      %reduce_sum3A_3152 = vector.multi_reduction <add>, %convert_element_type3A_3150, %reduce_sum3A_3151 [1, 2] : vector<4x8x1024xi32> to vector<4xi32>
      %broadcast_in_dim3A_3153 = vector.shape_cast %reduce_sum3A_3152 : vector<4xi32> to vector<4x1x1xi32>
      %eq3A_3154 = arith.constant 14 : i32
      %eq3A_3155 = vector.broadcast %eq3A_3154 : i32 to vector<4x8x1024xi32>
      %eq3A_3156 = arith.cmpi eq, %and3A_3041, %eq3A_3155 : vector<4x8x1024xi32>
      %and3A_3157 = arith.andi %and3A_3035, %eq3A_3156 : vector<4x8x1024xi1>
      %convert_element_type3A_3158 = arith.extui %and3A_3157 : vector<4x8x1024xi1> to vector<4x8x1024xi32>
      %reduce_sum3A_3159 = arith.constant dense<0> : vector<4xi32>
      %reduce_sum3A_3160 = vector.multi_reduction <add>, %convert_element_type3A_3158, %reduce_sum3A_3159 [1, 2] : vector<4x8x1024xi32> to vector<4xi32>
      %broadcast_in_dim3A_3161 = vector.shape_cast %reduce_sum3A_3160 : vector<4xi32> to vector<4x1x1xi32>
      %eq3A_3162 = arith.constant 15 : i32
      %eq3A_3163 = vector.broadcast %eq3A_3162 : i32 to vector<4x8x1024xi32>
      %eq3A_3164 = arith.cmpi eq, %and3A_3041, %eq3A_3163 : vector<4x8x1024xi32>
      %and3A_3165 = arith.andi %and3A_3035, %eq3A_3164 : vector<4x8x1024xi1>
      %convert_element_type3A_3166 = arith.extui %and3A_3165 : vector<4x8x1024xi1> to vector<4x8x1024xi32>
      %reduce_sum3A_3167 = arith.constant dense<0> : vector<4xi32>
      %reduce_sum3A_3168 = vector.multi_reduction <add>, %convert_element_type3A_3166, %reduce_sum3A_3167 [1, 2] : vector<4x8x1024xi32> to vector<4xi32>
      %broadcast_in_dim3A_3169 = vector.shape_cast %reduce_sum3A_3168 : vector<4xi32> to vector<4x1x1xi32>
      %broadcast_in_dim3A_3170 = arith.constant 0 : i32
      %broadcast_in_dim3A_3171 = vector.broadcast %broadcast_in_dim3A_3170 : i32 to vector<4x1x1xi32>
      %broadcast_in_dim3A_3172 = arith.constant 0 : i32
      %broadcast_in_dim3A_3173 = vector.broadcast %broadcast_in_dim3A_3172 : i32 to vector<4x1x1xi32>
      %add3A_3174 = arith.addi %broadcast_in_dim3A_3171, %broadcast_in_dim3A_3169 : vector<4x1x1xi32>
      %ge3A_3175 = arith.cmpi sge, %add3A_3174, %select_n3A_3022 : vector<4x1x1xi32>
      %lt3A_3176 = arith.cmpi slt, %broadcast_in_dim3A_3171, %select_n3A_3022 : vector<4x1x1xi32>
      %and3A_3177 = arith.andi %ge3A_3175, %lt3A_3176 : vector<4x1x1xi1>
      %jit3A_3178 = arith.constant 15 : i32
      %broadcast_in_dim3A_3179 = vector.broadcast %jit3A_3178 : i32 to vector<4x1x1xi32>
      %select_n3A_3180 = arith.select %and3A_3177, %broadcast_in_dim3A_3179, %broadcast_in_dim3A_3173 : vector<4x1x1xi1>, vector<4x1x1xi32>
      %sub3A_3181 = arith.subi %select_n3A_3022, %broadcast_in_dim3A_3171 : vector<4x1x1xi32>
      %select_n3A_3182 = arith.select %and3A_3177, %sub3A_3181, %select_n3A_3022 : vector<4x1x1xi1>, vector<4x1x1xi32>
      %add3A_3183 = arith.addi %add3A_3174, %broadcast_in_dim3A_3161 : vector<4x1x1xi32>
      %ge3A_3184 = arith.cmpi sge, %add3A_3183, %select_n3A_3022 : vector<4x1x1xi32>
      %lt3A_3185 = arith.cmpi slt, %add3A_3174, %select_n3A_3022 : vector<4x1x1xi32>
      %and3A_3186 = arith.andi %ge3A_3184, %lt3A_3185 : vector<4x1x1xi1>
      %jit3A_3187 = arith.constant 14 : i32
      %broadcast_in_dim3A_3188 = vector.broadcast %jit3A_3187 : i32 to vector<4x1x1xi32>
      %select_n3A_3189 = arith.select %and3A_3186, %broadcast_in_dim3A_3188, %select_n3A_3180 : vector<4x1x1xi1>, vector<4x1x1xi32>
      %sub3A_3190 = arith.subi %select_n3A_3022, %add3A_3174 : vector<4x1x1xi32>
      %select_n3A_3191 = arith.select %and3A_3186, %sub3A_3190, %select_n3A_3182 : vector<4x1x1xi1>, vector<4x1x1xi32>
      %add3A_3192 = arith.addi %add3A_3183, %broadcast_in_dim3A_3153 : vector<4x1x1xi32>
      %ge3A_3193 = arith.cmpi sge, %add3A_3192, %select_n3A_3022 : vector<4x1x1xi32>
      %lt3A_3194 = arith.cmpi slt, %add3A_3183, %select_n3A_3022 : vector<4x1x1xi32>
      %and3A_3195 = arith.andi %ge3A_3193, %lt3A_3194 : vector<4x1x1xi1>
      %jit3A_3196 = arith.constant 13 : i32
      %broadcast_in_dim3A_3197 = vector.broadcast %jit3A_3196 : i32 to vector<4x1x1xi32>
      %select_n3A_3198 = arith.select %and3A_3195, %broadcast_in_dim3A_3197, %select_n3A_3189 : vector<4x1x1xi1>, vector<4x1x1xi32>
      %sub3A_3199 = arith.subi %select_n3A_3022, %add3A_3183 : vector<4x1x1xi32>
      %select_n3A_3200 = arith.select %and3A_3195, %sub3A_3199, %select_n3A_3191 : vector<4x1x1xi1>, vector<4x1x1xi32>
      %add3A_3201 = arith.addi %add3A_3192, %broadcast_in_dim3A_3145 : vector<4x1x1xi32>
      %ge3A_3202 = arith.cmpi sge, %add3A_3201, %select_n3A_3022 : vector<4x1x1xi32>
      %lt3A_3203 = arith.cmpi slt, %add3A_3192, %select_n3A_3022 : vector<4x1x1xi32>
      %and3A_3204 = arith.andi %ge3A_3202, %lt3A_3203 : vector<4x1x1xi1>
      %jit3A_3205 = arith.constant 12 : i32
      %broadcast_in_dim3A_3206 = vector.broadcast %jit3A_3205 : i32 to vector<4x1x1xi32>
      %select_n3A_3207 = arith.select %and3A_3204, %broadcast_in_dim3A_3206, %select_n3A_3198 : vector<4x1x1xi1>, vector<4x1x1xi32>
      %sub3A_3208 = arith.subi %select_n3A_3022, %add3A_3192 : vector<4x1x1xi32>
      %select_n3A_3209 = arith.select %and3A_3204, %sub3A_3208, %select_n3A_3200 : vector<4x1x1xi1>, vector<4x1x1xi32>
      %add3A_3210 = arith.addi %add3A_3201, %broadcast_in_dim3A_3137 : vector<4x1x1xi32>
      %ge3A_3211 = arith.cmpi sge, %add3A_3210, %select_n3A_3022 : vector<4x1x1xi32>
      %lt3A_3212 = arith.cmpi slt, %add3A_3201, %select_n3A_3022 : vector<4x1x1xi32>
      %and3A_3213 = arith.andi %ge3A_3211, %lt3A_3212 : vector<4x1x1xi1>
      %jit3A_3214 = arith.constant 11 : i32
      %broadcast_in_dim3A_3215 = vector.broadcast %jit3A_3214 : i32 to vector<4x1x1xi32>
      %select_n3A_3216 = arith.select %and3A_3213, %broadcast_in_dim3A_3215, %select_n3A_3207 : vector<4x1x1xi1>, vector<4x1x1xi32>
      %sub3A_3217 = arith.subi %select_n3A_3022, %add3A_3201 : vector<4x1x1xi32>
      %select_n3A_3218 = arith.select %and3A_3213, %sub3A_3217, %select_n3A_3209 : vector<4x1x1xi1>, vector<4x1x1xi32>
      %add3A_3219 = arith.addi %add3A_3210, %broadcast_in_dim3A_3129 : vector<4x1x1xi32>
      %ge3A_3220 = arith.cmpi sge, %add3A_3219, %select_n3A_3022 : vector<4x1x1xi32>
      %lt3A_3221 = arith.cmpi slt, %add3A_3210, %select_n3A_3022 : vector<4x1x1xi32>
      %and3A_3222 = arith.andi %ge3A_3220, %lt3A_3221 : vector<4x1x1xi1>
      %jit3A_3223 = arith.constant 10 : i32
      %broadcast_in_dim3A_3224 = vector.broadcast %jit3A_3223 : i32 to vector<4x1x1xi32>
      %select_n3A_3225 = arith.select %and3A_3222, %broadcast_in_dim3A_3224, %select_n3A_3216 : vector<4x1x1xi1>, vector<4x1x1xi32>
      %sub3A_3226 = arith.subi %select_n3A_3022, %add3A_3210 : vector<4x1x1xi32>
      %select_n3A_3227 = arith.select %and3A_3222, %sub3A_3226, %select_n3A_3218 : vector<4x1x1xi1>, vector<4x1x1xi32>
      %add3A_3228 = arith.addi %add3A_3219, %broadcast_in_dim3A_3121 : vector<4x1x1xi32>
      %ge3A_3229 = arith.cmpi sge, %add3A_3228, %select_n3A_3022 : vector<4x1x1xi32>
      %lt3A_3230 = arith.cmpi slt, %add3A_3219, %select_n3A_3022 : vector<4x1x1xi32>
      %and3A_3231 = arith.andi %ge3A_3229, %lt3A_3230 : vector<4x1x1xi1>
      %jit3A_3232 = arith.constant 9 : i32
      %broadcast_in_dim3A_3233 = vector.broadcast %jit3A_3232 : i32 to vector<4x1x1xi32>
      %select_n3A_3234 = arith.select %and3A_3231, %broadcast_in_dim3A_3233, %select_n3A_3225 : vector<4x1x1xi1>, vector<4x1x1xi32>
      %sub3A_3235 = arith.subi %select_n3A_3022, %add3A_3219 : vector<4x1x1xi32>
      %select_n3A_3236 = arith.select %and3A_3231, %sub3A_3235, %select_n3A_3227 : vector<4x1x1xi1>, vector<4x1x1xi32>
      %add3A_3237 = arith.addi %add3A_3228, %broadcast_in_dim3A_3113 : vector<4x1x1xi32>
      %ge3A_3238 = arith.cmpi sge, %add3A_3237, %select_n3A_3022 : vector<4x1x1xi32>
      %lt3A_3239 = arith.cmpi slt, %add3A_3228, %select_n3A_3022 : vector<4x1x1xi32>
      %and3A_3240 = arith.andi %ge3A_3238, %lt3A_3239 : vector<4x1x1xi1>
      %jit3A_3241 = arith.constant 8 : i32
      %broadcast_in_dim3A_3242 = vector.broadcast %jit3A_3241 : i32 to vector<4x1x1xi32>
      %select_n3A_3243 = arith.select %and3A_3240, %broadcast_in_dim3A_3242, %select_n3A_3234 : vector<4x1x1xi1>, vector<4x1x1xi32>
      %sub3A_3244 = arith.subi %select_n3A_3022, %add3A_3228 : vector<4x1x1xi32>
      %select_n3A_3245 = arith.select %and3A_3240, %sub3A_3244, %select_n3A_3236 : vector<4x1x1xi1>, vector<4x1x1xi32>
      %add3A_3246 = arith.addi %add3A_3237, %broadcast_in_dim3A_3105 : vector<4x1x1xi32>
      %ge3A_3247 = arith.cmpi sge, %add3A_3246, %select_n3A_3022 : vector<4x1x1xi32>
      %lt3A_3248 = arith.cmpi slt, %add3A_3237, %select_n3A_3022 : vector<4x1x1xi32>
      %and3A_3249 = arith.andi %ge3A_3247, %lt3A_3248 : vector<4x1x1xi1>
      %jit3A_3250 = arith.constant 7 : i32
      %broadcast_in_dim3A_3251 = vector.broadcast %jit3A_3250 : i32 to vector<4x1x1xi32>
      %select_n3A_3252 = arith.select %and3A_3249, %broadcast_in_dim3A_3251, %select_n3A_3243 : vector<4x1x1xi1>, vector<4x1x1xi32>
      %sub3A_3253 = arith.subi %select_n3A_3022, %add3A_3237 : vector<4x1x1xi32>
      %select_n3A_3254 = arith.select %and3A_3249, %sub3A_3253, %select_n3A_3245 : vector<4x1x1xi1>, vector<4x1x1xi32>
      %add3A_3255 = arith.addi %add3A_3246, %broadcast_in_dim3A_3097 : vector<4x1x1xi32>
      %ge3A_3256 = arith.cmpi sge, %add3A_3255, %select_n3A_3022 : vector<4x1x1xi32>
      %lt3A_3257 = arith.cmpi slt, %add3A_3246, %select_n3A_3022 : vector<4x1x1xi32>
      %and3A_3258 = arith.andi %ge3A_3256, %lt3A_3257 : vector<4x1x1xi1>
      %jit3A_3259 = arith.constant 6 : i32
      %broadcast_in_dim3A_3260 = vector.broadcast %jit3A_3259 : i32 to vector<4x1x1xi32>
      %select_n3A_3261 = arith.select %and3A_3258, %broadcast_in_dim3A_3260, %select_n3A_3252 : vector<4x1x1xi1>, vector<4x1x1xi32>
      %sub3A_3262 = arith.subi %select_n3A_3022, %add3A_3246 : vector<4x1x1xi32>
      %select_n3A_3263 = arith.select %and3A_3258, %sub3A_3262, %select_n3A_3254 : vector<4x1x1xi1>, vector<4x1x1xi32>
      %add3A_3264 = arith.addi %add3A_3255, %broadcast_in_dim3A_3089 : vector<4x1x1xi32>
      %ge3A_3265 = arith.cmpi sge, %add3A_3264, %select_n3A_3022 : vector<4x1x1xi32>
      %lt3A_3266 = arith.cmpi slt, %add3A_3255, %select_n3A_3022 : vector<4x1x1xi32>
      %and3A_3267 = arith.andi %ge3A_3265, %lt3A_3266 : vector<4x1x1xi1>
      %jit3A_3268 = arith.constant 5 : i32
      %broadcast_in_dim3A_3269 = vector.broadcast %jit3A_3268 : i32 to vector<4x1x1xi32>
      %select_n3A_3270 = arith.select %and3A_3267, %broadcast_in_dim3A_3269, %select_n3A_3261 : vector<4x1x1xi1>, vector<4x1x1xi32>
      %sub3A_3271 = arith.subi %select_n3A_3022, %add3A_3255 : vector<4x1x1xi32>
      %select_n3A_3272 = arith.select %and3A_3267, %sub3A_3271, %select_n3A_3263 : vector<4x1x1xi1>, vector<4x1x1xi32>
      %add3A_3273 = arith.addi %add3A_3264, %broadcast_in_dim3A_3081 : vector<4x1x1xi32>
      %ge3A_3274 = arith.cmpi sge, %add3A_3273, %select_n3A_3022 : vector<4x1x1xi32>
      %lt3A_3275 = arith.cmpi slt, %add3A_3264, %select_n3A_3022 : vector<4x1x1xi32>
      %and3A_3276 = arith.andi %ge3A_3274, %lt3A_3275 : vector<4x1x1xi1>
      %jit3A_3277 = arith.constant 4 : i32
      %broadcast_in_dim3A_3278 = vector.broadcast %jit3A_3277 : i32 to vector<4x1x1xi32>
      %select_n3A_3279 = arith.select %and3A_3276, %broadcast_in_dim3A_3278, %select_n3A_3270 : vector<4x1x1xi1>, vector<4x1x1xi32>
      %sub3A_3280 = arith.subi %select_n3A_3022, %add3A_3264 : vector<4x1x1xi32>
      %select_n3A_3281 = arith.select %and3A_3276, %sub3A_3280, %select_n3A_3272 : vector<4x1x1xi1>, vector<4x1x1xi32>
      %add3A_3282 = arith.addi %add3A_3273, %broadcast_in_dim3A_3073 : vector<4x1x1xi32>
      %ge3A_3283 = arith.cmpi sge, %add3A_3282, %select_n3A_3022 : vector<4x1x1xi32>
      %lt3A_3284 = arith.cmpi slt, %add3A_3273, %select_n3A_3022 : vector<4x1x1xi32>
      %and3A_3285 = arith.andi %ge3A_3283, %lt3A_3284 : vector<4x1x1xi1>
      %jit3A_3286 = arith.constant 3 : i32
      %broadcast_in_dim3A_3287 = vector.broadcast %jit3A_3286 : i32 to vector<4x1x1xi32>
      %select_n3A_3288 = arith.select %and3A_3285, %broadcast_in_dim3A_3287, %select_n3A_3279 : vector<4x1x1xi1>, vector<4x1x1xi32>
      %sub3A_3289 = arith.subi %select_n3A_3022, %add3A_3273 : vector<4x1x1xi32>
      %select_n3A_3290 = arith.select %and3A_3285, %sub3A_3289, %select_n3A_3281 : vector<4x1x1xi1>, vector<4x1x1xi32>
      %add3A_3291 = arith.addi %add3A_3282, %broadcast_in_dim3A_3065 : vector<4x1x1xi32>
      %ge3A_3292 = arith.cmpi sge, %add3A_3291, %select_n3A_3022 : vector<4x1x1xi32>
      %lt3A_3293 = arith.cmpi slt, %add3A_3282, %select_n3A_3022 : vector<4x1x1xi32>
      %and3A_3294 = arith.andi %ge3A_3292, %lt3A_3293 : vector<4x1x1xi1>
      %jit3A_3295 = arith.constant 2 : i32
      %broadcast_in_dim3A_3296 = vector.broadcast %jit3A_3295 : i32 to vector<4x1x1xi32>
      %select_n3A_3297 = arith.select %and3A_3294, %broadcast_in_dim3A_3296, %select_n3A_3288 : vector<4x1x1xi1>, vector<4x1x1xi32>
      %sub3A_3298 = arith.subi %select_n3A_3022, %add3A_3282 : vector<4x1x1xi32>
      %select_n3A_3299 = arith.select %and3A_3294, %sub3A_3298, %select_n3A_3290 : vector<4x1x1xi1>, vector<4x1x1xi32>
      %add3A_3300 = arith.addi %add3A_3291, %broadcast_in_dim3A_3057 : vector<4x1x1xi32>
      %ge3A_3301 = arith.cmpi sge, %add3A_3300, %select_n3A_3022 : vector<4x1x1xi32>
      %lt3A_3302 = arith.cmpi slt, %add3A_3291, %select_n3A_3022 : vector<4x1x1xi32>
      %and3A_3303 = arith.andi %ge3A_3301, %lt3A_3302 : vector<4x1x1xi1>
      %jit3A_3304 = arith.constant 1 : i32
      %broadcast_in_dim3A_3305 = vector.broadcast %jit3A_3304 : i32 to vector<4x1x1xi32>
      %select_n3A_3306 = arith.select %and3A_3303, %broadcast_in_dim3A_3305, %select_n3A_3297 : vector<4x1x1xi1>, vector<4x1x1xi32>
      %sub3A_3307 = arith.subi %select_n3A_3022, %add3A_3291 : vector<4x1x1xi32>
      %select_n3A_3308 = arith.select %and3A_3303, %sub3A_3307, %select_n3A_3299 : vector<4x1x1xi1>, vector<4x1x1xi32>
      %add3A_3309 = arith.addi %add3A_3300, %broadcast_in_dim3A_3049 : vector<4x1x1xi32>
      %ge3A_3310 = arith.cmpi sge, %add3A_3309, %select_n3A_3022 : vector<4x1x1xi32>
      %lt3A_3311 = arith.cmpi slt, %add3A_3300, %select_n3A_3022 : vector<4x1x1xi32>
      %and3A_3312 = arith.andi %ge3A_3310, %lt3A_3311 : vector<4x1x1xi1>
      %jit3A_3313 = arith.constant 0 : i32
      %broadcast_in_dim3A_3314 = vector.broadcast %jit3A_3313 : i32 to vector<4x1x1xi32>
      %select_n3A_3315 = arith.select %and3A_3312, %broadcast_in_dim3A_3314, %select_n3A_3306 : vector<4x1x1xi1>, vector<4x1x1xi32>
      %sub3A_3316 = arith.subi %select_n3A_3022, %add3A_3300 : vector<4x1x1xi32>
      %select_n3A_3317 = arith.select %and3A_3312, %sub3A_3316, %select_n3A_3308 : vector<4x1x1xi1>, vector<4x1x1xi32>
      %shift_left3A_3318 = arith.constant 4 : i32
      %shift_left3A_3319 = vector.broadcast %shift_left3A_3318 : i32 to vector<4x1x1xi32>
      %shift_left3A_3320 = arith.shli %select_n3A_3315, %shift_left3A_3319 : vector<4x1x1xi32>
      %or3A_3321 = arith.ori %or3A_3026, %shift_left3A_3320 : vector<4x1x1xi32>
      %shift_right_logical3A_3322 = arith.constant 4 : i32
      %shift_right_logical3A_3323 = vector.broadcast %shift_right_logical3A_3322 : i32 to vector<4x8x1024xi32>
      %shift_right_logical3A_3324 = arith.shrui %sub3A_2434, %shift_right_logical3A_3323 : vector<4x8x1024xi32>
      %shift_right_logical3A_3325 = arith.constant 4 : i32
      %shift_right_logical3A_3326 = vector.broadcast %shift_right_logical3A_3325 : i32 to vector<4x1x1xi32>
      %shift_right_logical3A_3327 = arith.shrui %or3A_3321, %shift_right_logical3A_3326 : vector<4x1x1xi32>
      %eq3A_3328 = vector.broadcast %shift_right_logical3A_3327 : vector<4x1x1xi32> to vector<4x8x1024xi32>
      %eq3A_3329 = arith.cmpi eq, %shift_right_logical3A_3324, %eq3A_3328 : vector<4x8x1024xi32>
      %and3A_3330 = arith.andi %eq3A_2426, %eq3A_3329 : vector<4x8x1024xi1>
      %shift_right_logical3A_3331 = arith.constant 0 : i32
      %shift_right_logical3A_3332 = vector.broadcast %shift_right_logical3A_3331 : i32 to vector<4x8x1024xi32>
      %shift_right_logical3A_3333 = arith.shrui %sub3A_2434, %shift_right_logical3A_3332 : vector<4x8x1024xi32>
      %and3A_3334 = arith.constant 15 : i32
      %and3A_3335 = vector.broadcast %and3A_3334 : i32 to vector<4x8x1024xi32>
      %and3A_3336 = arith.andi %shift_right_logical3A_3333, %and3A_3335 : vector<4x8x1024xi32>
      %eq3A_3337 = arith.constant 0 : i32
      %eq3A_3338 = vector.broadcast %eq3A_3337 : i32 to vector<4x8x1024xi32>
      %eq3A_3339 = arith.cmpi eq, %and3A_3336, %eq3A_3338 : vector<4x8x1024xi32>
      %and3A_3340 = arith.andi %and3A_3330, %eq3A_3339 : vector<4x8x1024xi1>
      %convert_element_type3A_3341 = arith.extui %and3A_3340 : vector<4x8x1024xi1> to vector<4x8x1024xi32>
      %reduce_sum3A_3342 = arith.constant dense<0> : vector<4xi32>
      %reduce_sum3A_3343 = vector.multi_reduction <add>, %convert_element_type3A_3341, %reduce_sum3A_3342 [1, 2] : vector<4x8x1024xi32> to vector<4xi32>
      %broadcast_in_dim3A_3344 = vector.shape_cast %reduce_sum3A_3343 : vector<4xi32> to vector<4x1x1xi32>
      %eq3A_3345 = arith.constant 1 : i32
      %eq3A_3346 = vector.broadcast %eq3A_3345 : i32 to vector<4x8x1024xi32>
      %eq3A_3347 = arith.cmpi eq, %and3A_3336, %eq3A_3346 : vector<4x8x1024xi32>
      %and3A_3348 = arith.andi %and3A_3330, %eq3A_3347 : vector<4x8x1024xi1>
      %convert_element_type3A_3349 = arith.extui %and3A_3348 : vector<4x8x1024xi1> to vector<4x8x1024xi32>
      %reduce_sum3A_3350 = arith.constant dense<0> : vector<4xi32>
      %reduce_sum3A_3351 = vector.multi_reduction <add>, %convert_element_type3A_3349, %reduce_sum3A_3350 [1, 2] : vector<4x8x1024xi32> to vector<4xi32>
      %broadcast_in_dim3A_3352 = vector.shape_cast %reduce_sum3A_3351 : vector<4xi32> to vector<4x1x1xi32>
      %eq3A_3353 = arith.constant 2 : i32
      %eq3A_3354 = vector.broadcast %eq3A_3353 : i32 to vector<4x8x1024xi32>
      %eq3A_3355 = arith.cmpi eq, %and3A_3336, %eq3A_3354 : vector<4x8x1024xi32>
      %and3A_3356 = arith.andi %and3A_3330, %eq3A_3355 : vector<4x8x1024xi1>
      %convert_element_type3A_3357 = arith.extui %and3A_3356 : vector<4x8x1024xi1> to vector<4x8x1024xi32>
      %reduce_sum3A_3358 = arith.constant dense<0> : vector<4xi32>
      %reduce_sum3A_3359 = vector.multi_reduction <add>, %convert_element_type3A_3357, %reduce_sum3A_3358 [1, 2] : vector<4x8x1024xi32> to vector<4xi32>
      %broadcast_in_dim3A_3360 = vector.shape_cast %reduce_sum3A_3359 : vector<4xi32> to vector<4x1x1xi32>
      %eq3A_3361 = arith.constant 3 : i32
      %eq3A_3362 = vector.broadcast %eq3A_3361 : i32 to vector<4x8x1024xi32>
      %eq3A_3363 = arith.cmpi eq, %and3A_3336, %eq3A_3362 : vector<4x8x1024xi32>
      %and3A_3364 = arith.andi %and3A_3330, %eq3A_3363 : vector<4x8x1024xi1>
      %convert_element_type3A_3365 = arith.extui %and3A_3364 : vector<4x8x1024xi1> to vector<4x8x1024xi32>
      %reduce_sum3A_3366 = arith.constant dense<0> : vector<4xi32>
      %reduce_sum3A_3367 = vector.multi_reduction <add>, %convert_element_type3A_3365, %reduce_sum3A_3366 [1, 2] : vector<4x8x1024xi32> to vector<4xi32>
      %broadcast_in_dim3A_3368 = vector.shape_cast %reduce_sum3A_3367 : vector<4xi32> to vector<4x1x1xi32>
      %eq3A_3369 = arith.constant 4 : i32
      %eq3A_3370 = vector.broadcast %eq3A_3369 : i32 to vector<4x8x1024xi32>
      %eq3A_3371 = arith.cmpi eq, %and3A_3336, %eq3A_3370 : vector<4x8x1024xi32>
      %and3A_3372 = arith.andi %and3A_3330, %eq3A_3371 : vector<4x8x1024xi1>
      %convert_element_type3A_3373 = arith.extui %and3A_3372 : vector<4x8x1024xi1> to vector<4x8x1024xi32>
      %reduce_sum3A_3374 = arith.constant dense<0> : vector<4xi32>
      %reduce_sum3A_3375 = vector.multi_reduction <add>, %convert_element_type3A_3373, %reduce_sum3A_3374 [1, 2] : vector<4x8x1024xi32> to vector<4xi32>
      %broadcast_in_dim3A_3376 = vector.shape_cast %reduce_sum3A_3375 : vector<4xi32> to vector<4x1x1xi32>
      %eq3A_3377 = arith.constant 5 : i32
      %eq3A_3378 = vector.broadcast %eq3A_3377 : i32 to vector<4x8x1024xi32>
      %eq3A_3379 = arith.cmpi eq, %and3A_3336, %eq3A_3378 : vector<4x8x1024xi32>
      %and3A_3380 = arith.andi %and3A_3330, %eq3A_3379 : vector<4x8x1024xi1>
      %convert_element_type3A_3381 = arith.extui %and3A_3380 : vector<4x8x1024xi1> to vector<4x8x1024xi32>
      %reduce_sum3A_3382 = arith.constant dense<0> : vector<4xi32>
      %reduce_sum3A_3383 = vector.multi_reduction <add>, %convert_element_type3A_3381, %reduce_sum3A_3382 [1, 2] : vector<4x8x1024xi32> to vector<4xi32>
      %broadcast_in_dim3A_3384 = vector.shape_cast %reduce_sum3A_3383 : vector<4xi32> to vector<4x1x1xi32>
      %eq3A_3385 = arith.constant 6 : i32
      %eq3A_3386 = vector.broadcast %eq3A_3385 : i32 to vector<4x8x1024xi32>
      %eq3A_3387 = arith.cmpi eq, %and3A_3336, %eq3A_3386 : vector<4x8x1024xi32>
      %and3A_3388 = arith.andi %and3A_3330, %eq3A_3387 : vector<4x8x1024xi1>
      %convert_element_type3A_3389 = arith.extui %and3A_3388 : vector<4x8x1024xi1> to vector<4x8x1024xi32>
      %reduce_sum3A_3390 = arith.constant dense<0> : vector<4xi32>
      %reduce_sum3A_3391 = vector.multi_reduction <add>, %convert_element_type3A_3389, %reduce_sum3A_3390 [1, 2] : vector<4x8x1024xi32> to vector<4xi32>
      %broadcast_in_dim3A_3392 = vector.shape_cast %reduce_sum3A_3391 : vector<4xi32> to vector<4x1x1xi32>
      %eq3A_3393 = arith.constant 7 : i32
      %eq3A_3394 = vector.broadcast %eq3A_3393 : i32 to vector<4x8x1024xi32>
      %eq3A_3395 = arith.cmpi eq, %and3A_3336, %eq3A_3394 : vector<4x8x1024xi32>
      %and3A_3396 = arith.andi %and3A_3330, %eq3A_3395 : vector<4x8x1024xi1>
      %convert_element_type3A_3397 = arith.extui %and3A_3396 : vector<4x8x1024xi1> to vector<4x8x1024xi32>
      %reduce_sum3A_3398 = arith.constant dense<0> : vector<4xi32>
      %reduce_sum3A_3399 = vector.multi_reduction <add>, %convert_element_type3A_3397, %reduce_sum3A_3398 [1, 2] : vector<4x8x1024xi32> to vector<4xi32>
      %broadcast_in_dim3A_3400 = vector.shape_cast %reduce_sum3A_3399 : vector<4xi32> to vector<4x1x1xi32>
      %eq3A_3401 = arith.constant 8 : i32
      %eq3A_3402 = vector.broadcast %eq3A_3401 : i32 to vector<4x8x1024xi32>
      %eq3A_3403 = arith.cmpi eq, %and3A_3336, %eq3A_3402 : vector<4x8x1024xi32>
      %and3A_3404 = arith.andi %and3A_3330, %eq3A_3403 : vector<4x8x1024xi1>
      %convert_element_type3A_3405 = arith.extui %and3A_3404 : vector<4x8x1024xi1> to vector<4x8x1024xi32>
      %reduce_sum3A_3406 = arith.constant dense<0> : vector<4xi32>
      %reduce_sum3A_3407 = vector.multi_reduction <add>, %convert_element_type3A_3405, %reduce_sum3A_3406 [1, 2] : vector<4x8x1024xi32> to vector<4xi32>
      %broadcast_in_dim3A_3408 = vector.shape_cast %reduce_sum3A_3407 : vector<4xi32> to vector<4x1x1xi32>
      %eq3A_3409 = arith.constant 9 : i32
      %eq3A_3410 = vector.broadcast %eq3A_3409 : i32 to vector<4x8x1024xi32>
      %eq3A_3411 = arith.cmpi eq, %and3A_3336, %eq3A_3410 : vector<4x8x1024xi32>
      %and3A_3412 = arith.andi %and3A_3330, %eq3A_3411 : vector<4x8x1024xi1>
      %convert_element_type3A_3413 = arith.extui %and3A_3412 : vector<4x8x1024xi1> to vector<4x8x1024xi32>
      %reduce_sum3A_3414 = arith.constant dense<0> : vector<4xi32>
      %reduce_sum3A_3415 = vector.multi_reduction <add>, %convert_element_type3A_3413, %reduce_sum3A_3414 [1, 2] : vector<4x8x1024xi32> to vector<4xi32>
      %broadcast_in_dim3A_3416 = vector.shape_cast %reduce_sum3A_3415 : vector<4xi32> to vector<4x1x1xi32>
      %eq3A_3417 = arith.constant 10 : i32
      %eq3A_3418 = vector.broadcast %eq3A_3417 : i32 to vector<4x8x1024xi32>
      %eq3A_3419 = arith.cmpi eq, %and3A_3336, %eq3A_3418 : vector<4x8x1024xi32>
      %and3A_3420 = arith.andi %and3A_3330, %eq3A_3419 : vector<4x8x1024xi1>
      %convert_element_type3A_3421 = arith.extui %and3A_3420 : vector<4x8x1024xi1> to vector<4x8x1024xi32>
      %reduce_sum3A_3422 = arith.constant dense<0> : vector<4xi32>
      %reduce_sum3A_3423 = vector.multi_reduction <add>, %convert_element_type3A_3421, %reduce_sum3A_3422 [1, 2] : vector<4x8x1024xi32> to vector<4xi32>
      %broadcast_in_dim3A_3424 = vector.shape_cast %reduce_sum3A_3423 : vector<4xi32> to vector<4x1x1xi32>
      %eq3A_3425 = arith.constant 11 : i32
      %eq3A_3426 = vector.broadcast %eq3A_3425 : i32 to vector<4x8x1024xi32>
      %eq3A_3427 = arith.cmpi eq, %and3A_3336, %eq3A_3426 : vector<4x8x1024xi32>
      %and3A_3428 = arith.andi %and3A_3330, %eq3A_3427 : vector<4x8x1024xi1>
      %convert_element_type3A_3429 = arith.extui %and3A_3428 : vector<4x8x1024xi1> to vector<4x8x1024xi32>
      %reduce_sum3A_3430 = arith.constant dense<0> : vector<4xi32>
      %reduce_sum3A_3431 = vector.multi_reduction <add>, %convert_element_type3A_3429, %reduce_sum3A_3430 [1, 2] : vector<4x8x1024xi32> to vector<4xi32>
      %broadcast_in_dim3A_3432 = vector.shape_cast %reduce_sum3A_3431 : vector<4xi32> to vector<4x1x1xi32>
      %eq3A_3433 = arith.constant 12 : i32
      %eq3A_3434 = vector.broadcast %eq3A_3433 : i32 to vector<4x8x1024xi32>
      %eq3A_3435 = arith.cmpi eq, %and3A_3336, %eq3A_3434 : vector<4x8x1024xi32>
      %and3A_3436 = arith.andi %and3A_3330, %eq3A_3435 : vector<4x8x1024xi1>
      %convert_element_type3A_3437 = arith.extui %and3A_3436 : vector<4x8x1024xi1> to vector<4x8x1024xi32>
      %reduce_sum3A_3438 = arith.constant dense<0> : vector<4xi32>
      %reduce_sum3A_3439 = vector.multi_reduction <add>, %convert_element_type3A_3437, %reduce_sum3A_3438 [1, 2] : vector<4x8x1024xi32> to vector<4xi32>
      %broadcast_in_dim3A_3440 = vector.shape_cast %reduce_sum3A_3439 : vector<4xi32> to vector<4x1x1xi32>
      %eq3A_3441 = arith.constant 13 : i32
      %eq3A_3442 = vector.broadcast %eq3A_3441 : i32 to vector<4x8x1024xi32>
      %eq3A_3443 = arith.cmpi eq, %and3A_3336, %eq3A_3442 : vector<4x8x1024xi32>
      %and3A_3444 = arith.andi %and3A_3330, %eq3A_3443 : vector<4x8x1024xi1>
      %convert_element_type3A_3445 = arith.extui %and3A_3444 : vector<4x8x1024xi1> to vector<4x8x1024xi32>
      %reduce_sum3A_3446 = arith.constant dense<0> : vector<4xi32>
      %reduce_sum3A_3447 = vector.multi_reduction <add>, %convert_element_type3A_3445, %reduce_sum3A_3446 [1, 2] : vector<4x8x1024xi32> to vector<4xi32>
      %broadcast_in_dim3A_3448 = vector.shape_cast %reduce_sum3A_3447 : vector<4xi32> to vector<4x1x1xi32>
      %eq3A_3449 = arith.constant 14 : i32
      %eq3A_3450 = vector.broadcast %eq3A_3449 : i32 to vector<4x8x1024xi32>
      %eq3A_3451 = arith.cmpi eq, %and3A_3336, %eq3A_3450 : vector<4x8x1024xi32>
      %and3A_3452 = arith.andi %and3A_3330, %eq3A_3451 : vector<4x8x1024xi1>
      %convert_element_type3A_3453 = arith.extui %and3A_3452 : vector<4x8x1024xi1> to vector<4x8x1024xi32>
      %reduce_sum3A_3454 = arith.constant dense<0> : vector<4xi32>
      %reduce_sum3A_3455 = vector.multi_reduction <add>, %convert_element_type3A_3453, %reduce_sum3A_3454 [1, 2] : vector<4x8x1024xi32> to vector<4xi32>
      %broadcast_in_dim3A_3456 = vector.shape_cast %reduce_sum3A_3455 : vector<4xi32> to vector<4x1x1xi32>
      %eq3A_3457 = arith.constant 15 : i32
      %eq3A_3458 = vector.broadcast %eq3A_3457 : i32 to vector<4x8x1024xi32>
      %eq3A_3459 = arith.cmpi eq, %and3A_3336, %eq3A_3458 : vector<4x8x1024xi32>
      %and3A_3460 = arith.andi %and3A_3330, %eq3A_3459 : vector<4x8x1024xi1>
      %convert_element_type3A_3461 = arith.extui %and3A_3460 : vector<4x8x1024xi1> to vector<4x8x1024xi32>
      %reduce_sum3A_3462 = arith.constant dense<0> : vector<4xi32>
      %reduce_sum3A_3463 = vector.multi_reduction <add>, %convert_element_type3A_3461, %reduce_sum3A_3462 [1, 2] : vector<4x8x1024xi32> to vector<4xi32>
      %broadcast_in_dim3A_3464 = vector.shape_cast %reduce_sum3A_3463 : vector<4xi32> to vector<4x1x1xi32>
      %broadcast_in_dim3A_3465 = arith.constant 0 : i32
      %broadcast_in_dim3A_3466 = vector.broadcast %broadcast_in_dim3A_3465 : i32 to vector<4x1x1xi32>
      %broadcast_in_dim3A_3467 = arith.constant 0 : i32
      %broadcast_in_dim3A_3468 = vector.broadcast %broadcast_in_dim3A_3467 : i32 to vector<4x1x1xi32>
      %add3A_3469 = arith.addi %broadcast_in_dim3A_3466, %broadcast_in_dim3A_3464 : vector<4x1x1xi32>
      %ge3A_3470 = arith.cmpi sge, %add3A_3469, %select_n3A_3317 : vector<4x1x1xi32>
      %lt3A_3471 = arith.cmpi slt, %broadcast_in_dim3A_3466, %select_n3A_3317 : vector<4x1x1xi32>
      %and3A_3472 = arith.andi %ge3A_3470, %lt3A_3471 : vector<4x1x1xi1>
      %jit3A_3473 = arith.constant 15 : i32
      %broadcast_in_dim3A_3474 = vector.broadcast %jit3A_3473 : i32 to vector<4x1x1xi32>
      %select_n3A_3475 = arith.select %and3A_3472, %broadcast_in_dim3A_3474, %broadcast_in_dim3A_3468 : vector<4x1x1xi1>, vector<4x1x1xi32>
      %add3A_3476 = arith.addi %add3A_3469, %broadcast_in_dim3A_3456 : vector<4x1x1xi32>
      %ge3A_3477 = arith.cmpi sge, %add3A_3476, %select_n3A_3317 : vector<4x1x1xi32>
      %lt3A_3478 = arith.cmpi slt, %add3A_3469, %select_n3A_3317 : vector<4x1x1xi32>
      %and3A_3479 = arith.andi %ge3A_3477, %lt3A_3478 : vector<4x1x1xi1>
      %jit3A_3480 = arith.constant 14 : i32
      %broadcast_in_dim3A_3481 = vector.broadcast %jit3A_3480 : i32 to vector<4x1x1xi32>
      %select_n3A_3482 = arith.select %and3A_3479, %broadcast_in_dim3A_3481, %select_n3A_3475 : vector<4x1x1xi1>, vector<4x1x1xi32>
      %add3A_3483 = arith.addi %add3A_3476, %broadcast_in_dim3A_3448 : vector<4x1x1xi32>
      %ge3A_3484 = arith.cmpi sge, %add3A_3483, %select_n3A_3317 : vector<4x1x1xi32>
      %lt3A_3485 = arith.cmpi slt, %add3A_3476, %select_n3A_3317 : vector<4x1x1xi32>
      %and3A_3486 = arith.andi %ge3A_3484, %lt3A_3485 : vector<4x1x1xi1>
      %jit3A_3487 = arith.constant 13 : i32
      %broadcast_in_dim3A_3488 = vector.broadcast %jit3A_3487 : i32 to vector<4x1x1xi32>
      %select_n3A_3489 = arith.select %and3A_3486, %broadcast_in_dim3A_3488, %select_n3A_3482 : vector<4x1x1xi1>, vector<4x1x1xi32>
      %add3A_3490 = arith.addi %add3A_3483, %broadcast_in_dim3A_3440 : vector<4x1x1xi32>
      %ge3A_3491 = arith.cmpi sge, %add3A_3490, %select_n3A_3317 : vector<4x1x1xi32>
      %lt3A_3492 = arith.cmpi slt, %add3A_3483, %select_n3A_3317 : vector<4x1x1xi32>
      %and3A_3493 = arith.andi %ge3A_3491, %lt3A_3492 : vector<4x1x1xi1>
      %jit3A_3494 = arith.constant 12 : i32
      %broadcast_in_dim3A_3495 = vector.broadcast %jit3A_3494 : i32 to vector<4x1x1xi32>
      %select_n3A_3496 = arith.select %and3A_3493, %broadcast_in_dim3A_3495, %select_n3A_3489 : vector<4x1x1xi1>, vector<4x1x1xi32>
      %add3A_3497 = arith.addi %add3A_3490, %broadcast_in_dim3A_3432 : vector<4x1x1xi32>
      %ge3A_3498 = arith.cmpi sge, %add3A_3497, %select_n3A_3317 : vector<4x1x1xi32>
      %lt3A_3499 = arith.cmpi slt, %add3A_3490, %select_n3A_3317 : vector<4x1x1xi32>
      %and3A_3500 = arith.andi %ge3A_3498, %lt3A_3499 : vector<4x1x1xi1>
      %jit3A_3501 = arith.constant 11 : i32
      %broadcast_in_dim3A_3502 = vector.broadcast %jit3A_3501 : i32 to vector<4x1x1xi32>
      %select_n3A_3503 = arith.select %and3A_3500, %broadcast_in_dim3A_3502, %select_n3A_3496 : vector<4x1x1xi1>, vector<4x1x1xi32>
      %add3A_3504 = arith.addi %add3A_3497, %broadcast_in_dim3A_3424 : vector<4x1x1xi32>
      %ge3A_3505 = arith.cmpi sge, %add3A_3504, %select_n3A_3317 : vector<4x1x1xi32>
      %lt3A_3506 = arith.cmpi slt, %add3A_3497, %select_n3A_3317 : vector<4x1x1xi32>
      %and3A_3507 = arith.andi %ge3A_3505, %lt3A_3506 : vector<4x1x1xi1>
      %jit3A_3508 = arith.constant 10 : i32
      %broadcast_in_dim3A_3509 = vector.broadcast %jit3A_3508 : i32 to vector<4x1x1xi32>
      %select_n3A_3510 = arith.select %and3A_3507, %broadcast_in_dim3A_3509, %select_n3A_3503 : vector<4x1x1xi1>, vector<4x1x1xi32>
      %add3A_3511 = arith.addi %add3A_3504, %broadcast_in_dim3A_3416 : vector<4x1x1xi32>
      %ge3A_3512 = arith.cmpi sge, %add3A_3511, %select_n3A_3317 : vector<4x1x1xi32>
      %lt3A_3513 = arith.cmpi slt, %add3A_3504, %select_n3A_3317 : vector<4x1x1xi32>
      %and3A_3514 = arith.andi %ge3A_3512, %lt3A_3513 : vector<4x1x1xi1>
      %jit3A_3515 = arith.constant 9 : i32
      %broadcast_in_dim3A_3516 = vector.broadcast %jit3A_3515 : i32 to vector<4x1x1xi32>
      %select_n3A_3517 = arith.select %and3A_3514, %broadcast_in_dim3A_3516, %select_n3A_3510 : vector<4x1x1xi1>, vector<4x1x1xi32>
      %add3A_3518 = arith.addi %add3A_3511, %broadcast_in_dim3A_3408 : vector<4x1x1xi32>
      %ge3A_3519 = arith.cmpi sge, %add3A_3518, %select_n3A_3317 : vector<4x1x1xi32>
      %lt3A_3520 = arith.cmpi slt, %add3A_3511, %select_n3A_3317 : vector<4x1x1xi32>
      %and3A_3521 = arith.andi %ge3A_3519, %lt3A_3520 : vector<4x1x1xi1>
      %jit3A_3522 = arith.constant 8 : i32
      %broadcast_in_dim3A_3523 = vector.broadcast %jit3A_3522 : i32 to vector<4x1x1xi32>
      %select_n3A_3524 = arith.select %and3A_3521, %broadcast_in_dim3A_3523, %select_n3A_3517 : vector<4x1x1xi1>, vector<4x1x1xi32>
      %add3A_3525 = arith.addi %add3A_3518, %broadcast_in_dim3A_3400 : vector<4x1x1xi32>
      %ge3A_3526 = arith.cmpi sge, %add3A_3525, %select_n3A_3317 : vector<4x1x1xi32>
      %lt3A_3527 = arith.cmpi slt, %add3A_3518, %select_n3A_3317 : vector<4x1x1xi32>
      %and3A_3528 = arith.andi %ge3A_3526, %lt3A_3527 : vector<4x1x1xi1>
      %jit3A_3529 = arith.constant 7 : i32
      %broadcast_in_dim3A_3530 = vector.broadcast %jit3A_3529 : i32 to vector<4x1x1xi32>
      %select_n3A_3531 = arith.select %and3A_3528, %broadcast_in_dim3A_3530, %select_n3A_3524 : vector<4x1x1xi1>, vector<4x1x1xi32>
      %add3A_3532 = arith.addi %add3A_3525, %broadcast_in_dim3A_3392 : vector<4x1x1xi32>
      %ge3A_3533 = arith.cmpi sge, %add3A_3532, %select_n3A_3317 : vector<4x1x1xi32>
      %lt3A_3534 = arith.cmpi slt, %add3A_3525, %select_n3A_3317 : vector<4x1x1xi32>
      %and3A_3535 = arith.andi %ge3A_3533, %lt3A_3534 : vector<4x1x1xi1>
      %jit3A_3536 = arith.constant 6 : i32
      %broadcast_in_dim3A_3537 = vector.broadcast %jit3A_3536 : i32 to vector<4x1x1xi32>
      %select_n3A_3538 = arith.select %and3A_3535, %broadcast_in_dim3A_3537, %select_n3A_3531 : vector<4x1x1xi1>, vector<4x1x1xi32>
      %add3A_3539 = arith.addi %add3A_3532, %broadcast_in_dim3A_3384 : vector<4x1x1xi32>
      %ge3A_3540 = arith.cmpi sge, %add3A_3539, %select_n3A_3317 : vector<4x1x1xi32>
      %lt3A_3541 = arith.cmpi slt, %add3A_3532, %select_n3A_3317 : vector<4x1x1xi32>
      %and3A_3542 = arith.andi %ge3A_3540, %lt3A_3541 : vector<4x1x1xi1>
      %jit3A_3543 = arith.constant 5 : i32
      %broadcast_in_dim3A_3544 = vector.broadcast %jit3A_3543 : i32 to vector<4x1x1xi32>
      %select_n3A_3545 = arith.select %and3A_3542, %broadcast_in_dim3A_3544, %select_n3A_3538 : vector<4x1x1xi1>, vector<4x1x1xi32>
      %add3A_3546 = arith.addi %add3A_3539, %broadcast_in_dim3A_3376 : vector<4x1x1xi32>
      %ge3A_3547 = arith.cmpi sge, %add3A_3546, %select_n3A_3317 : vector<4x1x1xi32>
      %lt3A_3548 = arith.cmpi slt, %add3A_3539, %select_n3A_3317 : vector<4x1x1xi32>
      %and3A_3549 = arith.andi %ge3A_3547, %lt3A_3548 : vector<4x1x1xi1>
      %jit3A_3550 = arith.constant 4 : i32
      %broadcast_in_dim3A_3551 = vector.broadcast %jit3A_3550 : i32 to vector<4x1x1xi32>
      %select_n3A_3552 = arith.select %and3A_3549, %broadcast_in_dim3A_3551, %select_n3A_3545 : vector<4x1x1xi1>, vector<4x1x1xi32>
      %add3A_3553 = arith.addi %add3A_3546, %broadcast_in_dim3A_3368 : vector<4x1x1xi32>
      %ge3A_3554 = arith.cmpi sge, %add3A_3553, %select_n3A_3317 : vector<4x1x1xi32>
      %lt3A_3555 = arith.cmpi slt, %add3A_3546, %select_n3A_3317 : vector<4x1x1xi32>
      %and3A_3556 = arith.andi %ge3A_3554, %lt3A_3555 : vector<4x1x1xi1>
      %jit3A_3557 = arith.constant 3 : i32
      %broadcast_in_dim3A_3558 = vector.broadcast %jit3A_3557 : i32 to vector<4x1x1xi32>
      %select_n3A_3559 = arith.select %and3A_3556, %broadcast_in_dim3A_3558, %select_n3A_3552 : vector<4x1x1xi1>, vector<4x1x1xi32>
      %add3A_3560 = arith.addi %add3A_3553, %broadcast_in_dim3A_3360 : vector<4x1x1xi32>
      %ge3A_3561 = arith.cmpi sge, %add3A_3560, %select_n3A_3317 : vector<4x1x1xi32>
      %lt3A_3562 = arith.cmpi slt, %add3A_3553, %select_n3A_3317 : vector<4x1x1xi32>
      %and3A_3563 = arith.andi %ge3A_3561, %lt3A_3562 : vector<4x1x1xi1>
      %jit3A_3564 = arith.constant 2 : i32
      %broadcast_in_dim3A_3565 = vector.broadcast %jit3A_3564 : i32 to vector<4x1x1xi32>
      %select_n3A_3566 = arith.select %and3A_3563, %broadcast_in_dim3A_3565, %select_n3A_3559 : vector<4x1x1xi1>, vector<4x1x1xi32>
      %add3A_3567 = arith.addi %add3A_3560, %broadcast_in_dim3A_3352 : vector<4x1x1xi32>
      %ge3A_3568 = arith.cmpi sge, %add3A_3567, %select_n3A_3317 : vector<4x1x1xi32>
      %lt3A_3569 = arith.cmpi slt, %add3A_3560, %select_n3A_3317 : vector<4x1x1xi32>
      %and3A_3570 = arith.andi %ge3A_3568, %lt3A_3569 : vector<4x1x1xi1>
      %jit3A_3571 = arith.constant 1 : i32
      %broadcast_in_dim3A_3572 = vector.broadcast %jit3A_3571 : i32 to vector<4x1x1xi32>
      %select_n3A_3573 = arith.select %and3A_3570, %broadcast_in_dim3A_3572, %select_n3A_3566 : vector<4x1x1xi1>, vector<4x1x1xi32>
      %add3A_3574 = arith.addi %add3A_3567, %broadcast_in_dim3A_3344 : vector<4x1x1xi32>
      %ge3A_3575 = arith.cmpi sge, %add3A_3574, %select_n3A_3317 : vector<4x1x1xi32>
      %lt3A_3576 = arith.cmpi slt, %add3A_3567, %select_n3A_3317 : vector<4x1x1xi32>
      %and3A_3577 = arith.andi %ge3A_3575, %lt3A_3576 : vector<4x1x1xi1>
      %jit3A_3578 = arith.constant 0 : i32
      %broadcast_in_dim3A_3579 = vector.broadcast %jit3A_3578 : i32 to vector<4x1x1xi32>
      %select_n3A_3580 = arith.select %and3A_3577, %broadcast_in_dim3A_3579, %select_n3A_3573 : vector<4x1x1xi1>, vector<4x1x1xi32>
      %shift_left3A_3581 = arith.constant 0 : i32
      %shift_left3A_3582 = vector.broadcast %shift_left3A_3581 : i32 to vector<4x1x1xi32>
      %shift_left3A_3583 = arith.shli %select_n3A_3580, %shift_left3A_3582 : vector<4x1x1xi32>
      %or3A_3584 = arith.ori %or3A_3321, %shift_left3A_3583 : vector<4x1x1xi32>
      %sub3A_3585 = arith.constant 8191 : i32
      %sub3A_3586 = vector.broadcast %sub3A_3585 : i32 to vector<4x1x1xi32>
      %sub3A_3587 = arith.subi %sub3A_3586, %or3A_3584 : vector<4x1x1xi32>
      %gt3A = vector.broadcast %xor3A_2424 : vector<4x1x1xi32> to vector<4x8x1024xi32>
      %gt3A_3588 = arith.cmpi sgt, %select_n3A, %gt3A : vector<4x8x1024xi32>
      %le3A = vector.broadcast %sub3A_3587 : vector<4x1x1xi32> to vector<4x8x1024xi32>
      %le3A_3589 = arith.cmpi sle, %add3A_2431, %le3A : vector<4x8x1024xi32>
      %and3A_3590 = arith.andi %eq3A_2426, %le3A_3589 : vector<4x8x1024xi1>
      %or3A_3591 = arith.ori %gt3A_3588, %and3A_3590 : vector<4x8x1024xi1>
      %convert_element_type3A_3592 = arith.extui %or3A_3591 : vector<4x8x1024xi1> to vector<4x8x1024xi32>
      %reshape3A_3593 = vector.shape_cast %convert_element_type3A_3592 : vector<4x8x1024xi32> to vector<32x1024xi32>
      %swap3A_3594 = arith.constant 0 : index
      %swap3A_3595 = arith.constant 0 : index
      %swap3A_3596 = vector.load %arg4[%swap3A_3594, %swap3A_3595] : memref<32x1024xi32, #tpu.memory_space<vmem>>, vector<32x1024xi32>
      tpu.vector_store %arg4[%swap3A_3594, %swap3A_3595], %reshape3A_3593 {strides = array<i32>} : memref<32x1024xi32, #tpu.memory_space<vmem>>, vector<32x1024xi32>,
    } else {
    }
    return
  }
  func.func @transform_0(%arg0: i32, %arg1: i32) -> (i32, i32, i32) {
    %c0_i32 = arith.constant 0 : i32
    %c0_i32_0 = arith.constant 0 : i32
    return %arg0, %arg1, %c0_i32 : i32, i32, i32
  }
  func.func @transform_1(%arg0: i32, %arg1: i32) -> (i32, i32) {
    %c0_i32 = arith.constant 0 : i32
    %c0_i32_0 = arith.constant 0 : i32
    %c0_i32_1 = arith.constant 0 : i32
    return %c0_i32, %c0_i32_0 : i32, i32
  }
  func.func @transform_2(%arg0: i32, %arg1: i32) -> (i32, i32) {
    %c0_i32 = arith.constant 0 : i32
    %c0_i32_0 = arith.constant 0 : i32
    %c0_i32_1 = arith.constant 0 : i32
    return %c0_i32, %c0_i32_0 : i32, i32
  }
}

</mosaic_0001>

<sc_bundles>
// kernel: kernel.4.cloned.1.call-start
scs
__scs_entry_jumppad:
0x0: {  	(pc) =	sbr.rel $0x88, $3  }
0x1: {  	(tag) =	ssettag $0x0;
	lr =	simm.s32 $0x1  }
0x2: {  	[smem:$0x3F9F] =	sst lr;
	_ =	strace $0xD0000000  }
0x3: {  	_ = 	snop  }
0x4: {  	_ = 	snop  }
0x5: {  	_ = 	snop  }
0x6: {  	_ = 	snop  }
0x7: {  	_ = 	snop  }
__scs_overlays_trampoline_lowered:
0x8: {  	[smem:$0x3FAE] =	sst s0  }
0x9: {  	[smem:$0x3FAF] =	sst s1  }
0xa: {  	[smem:$0x3FB0] =	sst s2  }
0xb: {  	[smem:$0x3FB1] =	sst s3  }
0xc: {  	[smem:$0x3FB2] =	sst s4  }
0xd: {  	[smem:$0x3FB3] =	sst s5  }
0xe: {  	[smem:$0x3FB4] =	sst s6  }
0xf: {  	[smem:$0x3FB5] =	sst s7  }
0x10: {  	[smem:$0x3FB6] =	sst s8  }
0x11: {  	[smem:$0x3FB7] =	sst s9;
	s0 =	simm.s32 @!p0 $0x0  }
0x12: {  	s1 =	sld [smem:$0x3F9D];
	s0 =	simm.s32 @p0 $0x1  }
0x13: {  	[smem:$0x3FB8] =	sst s0;
	s0 =	simm.s32 @!p1 $0x0  }
0x14: {  	s2 =	sld [smem:$0x3F9C];
	s0 =	simm.s32 @p1 $0x1  }
0x15: {  	[smem:$0x3FB9] =	sst s0;
	s0 =	simm.s32 @!p2 $0x0  }
0x16: {  	s3 =	sld [smem:$0x3FDB];
	s0 =	simm.s32 @p2 $0x1  }
0x17: {  	s4 =	simm.s32 $0x1BF5;
	[smem:$0x3FBB] =	sst s0  }
0x18: {  	s0 =	sld [smem:$0x3F9E];
	_ =	swait.ge [sflag:s4], $0x0  }
0x19: {  	s7 =	sld [smem:$0x3F9F]  }
0x1a: {  	s8 =	sadd.s32 $0xFFFFE003, lr  }
0x1b: {  	s9 =	sadd.s32 $0xFFFFFEF7, lr;
	s5 =	simm.s32 $0xFFFFFFFF;
	p2 =	slt.u32 s8, $0xFFFFF086  }
0x1c: {  	p1 =	slt.u32 s9, $0xF7A;
	s5 =	simm.s32 @!p2 $0x0  }
0x1d: {  	s5 =	simm.s32 @p1 $0x1;
	p0 =	seq.s32 s7, s2  }
0x1e: {  	s7 =	smul.u32 @!p0 $0xF7A, s2;
	p2 =	seq.s32 @!p0 s5, $0x0  }
0x1f: {  	s9 =	smul.u32 $0xF7A, s1;
	s8 =	simm.s32 @!p0 $0x1BF5;
	p2 =	por !p2, p0  }
0x20: {  	[sflag:s8] =	ssyncset.s32 @!p0 $0xFFFFF086;
	s6 =	sadd.s32 @!p0 s3, s7;
	s7 =	simm.s32 @!p0 $0x108  }
0x21: {  	s3 =	sadd.s32 s3, s9;
	s6 =	sadd.s32 @!p0 $0x88, s6;
	s7 =	simm.s32 @p2 $0x1082  }
0x22: {  	[simem:s7], [sflag:s8] =	dma.local @!p0 [hbm:s6], $0xF7A  }
0x23: {  	s9 =	sor.u32 $0xD0000000, s2;
	s6 =	simm.s32 $0x108;
	_ =	swait.ge @!p0 [sflag:s8], $0x0  }
0x24: {  	s3 =	sadd.s32 $0x88, s3;
	s6 =	simm.s32 @!p1 $0x1082;
	[sflag:s4] =	ssyncset.s32 $0xFFFFF086  }
0x25: {  	[simem:s6], [sflag:s4] =	dma.local [hbm:s3], $0xF7A  }
0x26: {  	[smem:$0x3F9F] =	sst s1;
	(tag) =	ssettag s2;
	_ =	strace s9  }
0x27: {  	s1 =	sld [smem:$0x3FAF]  }
0x28: {  	s2 =	sld [smem:$0x3FB0]  }
0x29: {  	s4 =	sld [smem:$0x3FB2]  }
0x2a: {  	p0 =	seq.s32 s5, $0x0;
	s5 =	sld [smem:$0x3FB3]  }
0x2b: {  	s6 =	sld [smem:$0x3FB4]  }
0x2c: {  	s7 =	sld [smem:$0x3FB5]  }
0x2d: {  	s3 =	simm.s32 $0x108;
	s8 =	sld [smem:$0x3FB6]  }
0x2e: {  	s3 =	simm.s32 @!p0 $0x1082;
	s9 =	sld [smem:$0x3FB7]  }
0x2f: {  	lr =	sadd.s32 s0, s3;
	s0 =	sld [smem:$0x3FAE]  }
0x30: {  	s3 =	sld [smem:$0x3FB1]  }
0x31: {  	[smem:$0x3FBA] =	sst s10  }
0x32: {  	s10 =	sld [smem:$0x3FB8];
	_ =	sdelay $0x3  }
0x33: {  	p0 =	seq.s32 s10, $0x1;
	s10 =	sld [smem:$0x3FBA];
	_ =	sdelay $0x3  }
0x34: {  	[smem:$0x3FBA] =	sst s10  }
0x35: {  	s10 =	sld [smem:$0x3FB9];
	_ =	sdelay $0x3  }
0x36: {  	p1 =	seq.s32 s10, $0x1;
	s10 =	sld [smem:$0x3FBA];
	_ =	sdelay $0x3  }
0x37: {  	[smem:$0x3FBA] =	sst s10  }
0x38: {  	s10 =	sld [smem:$0x3FBB]  }
0x39: {  	_ = 	snop;
	(pc) =	sbr.ind lr, $3  }
0x3a: {  	_ = 	snop  }
0x3b: {  	_ = 	snop  }
0x3c: {  	p2 =	seq.s32 s10, $0x1;
	s10 =	sld [smem:$0x3FBA]  }
0x3d: {  	_ =	shalt  }
0x3e: {  	_ =	shalt  }
0x3f: {  	_ =	shalt  }
0x40: {  	_ =	shalt  }
0x41: {  	_ =	shalt  }
0x42: {  	_ =	shalt  }
0x43: {  	_ =	shalt  }
0x44: {  	_ =	shalt  }
0x45: {  	_ =	shalt  }
0x46: {  	_ =	shalt  }
0x47: {  	_ =	shalt  }
0x48: {  	_ =	shalt  }
0x49: {  	_ =	shalt  }
0x4a: {  	_ =	shalt  }
0x4b: {  	_ =	shalt  }
0x4c: {  	_ =	shalt  }
0x4d: {  	_ =	shalt  }
0x4e: {  	_ =	shalt  }
0x4f: {  	_ =	shalt  }
0x50: {  	_ =	shalt  }
0x51: {  	_ =	shalt  }
0x52: {  	_ =	shalt  }
0x53: {  	_ =	shalt  }
0x54: {  	_ =	shalt  }
0x55: {  	_ =	shalt  }
0x56: {  	_ =	shalt  }
0x57: {  	_ =	shalt  }
0x58: {  	_ =	shalt  }
0x59: {  	_ =	shalt  }
0x5a: {  	_ =	shalt  }
0x5b: {  	_ =	shalt  }
0x5c: {  	_ =	shalt  }
0x5d: {  	_ =	shalt  }
0x5e: {  	_ =	shalt  }
0x5f: {  	_ =	shalt  }
0x60: {  	_ =	shalt  }
0x61: {  	_ =	shalt  }
0x62: {  	_ =	shalt  }
0x63: {  	_ =	shalt  }
0x64: {  	_ =	shalt  }
0x65: {  	_ =	shalt  }
0x66: {  	_ =	shalt  }
0x67: {  	_ =	shalt  }
0x68: {  	_ =	shalt  }
0x69: {  	_ =	shalt  }
0x6a: {  	_ =	shalt  }
0x6b: {  	_ =	shalt  }
0x6c: {  	_ =	shalt  }
0x6d: {  	_ =	shalt  }
0x6e: {  	_ =	shalt  }
0x6f: {  	_ =	shalt  }
0x70: {  	_ =	shalt  }
0x71: {  	_ =	shalt  }
0x72: {  	_ =	shalt  }
0x73: {  	_ =	shalt  }
0x74: {  	_ =	shalt  }
0x75: {  	_ =	shalt  }
0x76: {  	_ =	shalt  }
0x77: {  	_ =	shalt  }
0x78: {  	_ =	shalt  }
0x79: {  	_ =	shalt  }
0x7a: {  	_ =	shalt  }
0x7b: {  	_ =	shalt  }
0x7c: {  	_ =	shalt  }
0x7d: {  	_ =	shalt  }
0x7e: {  	_ =	shalt  }
0x7f: {  	_ =	shalt  }
0x80: {  	_ =	shalt  }
0x81: {  	_ =	shalt  }
0x82: {  	_ =	shalt  }
0x83: {  	_ =	shalt  }
0x84: {  	_ =	shalt  }
0x85: {  	_ =	shalt  }
0x86: {  	_ =	shalt  }
0x87: {  	_ =	shalt  }
.Lfunc_end0:
.L_simem_size_0:
called_computation_lowered:
.L_overlay_start_0:
0x88: {  	s2 =	sld [smem:$0x3FD9]  }
0x89: {  	s3 =	sld [smem:$0x3FFE];
	_ =	sdelay $0x1  }
0x8a: {  	s1 =	srdreg.scid  }
0x8b: {  	s0 =	sand.u32 $0x1, s1  }
0x8c: {  	s14 =	sshll.u32 s0, $0xA;
	s2 =	sadd.s32 s3, s2  }
0x8d: {  	s2 =	sadd.s32 s2, s14  }
0x8e: {  	[smem:$0x3FC6] =	sst s2  }
0x8f: {  	_ = 	snop  }
0x90: {  	s2 =	sld [smem:$0x3FD0];
	_ =	sdelay $0x2  }
0x91: {  	s4 =	simm.s32 $0xA;
	s5 =	simm.s32 $0x10;
	s15 =	sld [smem:$0x3FC9]  }
0x92: {  	[smem:s5], [sflag:s4] =	dma.local [hbm:s2], $0x1  }
0x93: {  	_ =	swait.eq [sflag:s4], $0x1  }
0x94: {  	[sflag:s4] =	ssyncset.done $0x0  }
0x95: {  	[sflag:s4] =	ssyncadd.s32 $0xFFFFFFFF  }
0x96: {  	s16 =	sld [smem:$0x10];
	(tm) =	ssettm $0x1  }
0x97: {  	s17 =	sld [smem:$0x3FFB];
	_ =	sdelay $0x3  }
0x98: {  	_ =	strace s17  }
0x99: {  	s4 =	sld [smem:$0x3FFC];
	_ =	sdelay $0x3  }
0x9a: {  	_ =	strace s4  }
0x9b: {  	s4 =	sld [smem:$0x3FFD];
	_ =	sdelay $0x3  }
0x9c: {  	_ =	strace s4  }
0x9d: {  	_ =	strace $0x8FFFFFFF  }
0x9e: {  	s18 =	sld [smem:$0x3FDB];
	_ =	sdelay $0x1  }
0x9f: {  	s19 =	simm.s32 $_scs_section_size  }
0xa0: {  	s6 =	simm.s32 $_size__tile_overlayer_lowered;
	s7 =	simm.s32 $_tile_overlayer_lowered  }
0xa1: {  	s22 =	simm.s32 $0x1BFF;
	s21 =	sshll.u32 s7, $0x1;
	s4 =	sadd.s32 s19, s18  }
0xa2: {  	s8 =	simm.s32 $0x0;
	s20 =	sshll.u32 s6, $0x1;
	s6 =	sadd.s32 s21, s4  }
0xa3: {  	[timem:s8], [sflag:s22] =	dma.local [hbm:s6], s20  }
0xa4: {  	_ =	swait.ge [sflag:s22], s20  }
0xa5: {  	s5 =	ssub.s32 $0x0, s20;
	[sflag:s22] =	ssyncset.done $0x0  }
0xa6: {  	[sflag:s22] =	ssyncadd.s32 s5;
	_ =	sdelay $0x1  }
0xa7: {  	s23 =	simm.s32 $0x1B8B  }
0xa8: {  	_ =	swait.ge [sflag:s23], $0x1  }
0xa9: {  	[sflag:s23] =	ssyncset.done $0x0  }
0xaa: {  	s25 =	simm.s32 $0x1B8E;
	s24 =	sld [smem:$0x3FFE];
	[sflag:s23] =	ssyncadd.s32 $0xFFFFFFFF  }
0xab: {  	s26 =	simm.s32 $execute0_lowered;
	[smem:$0x3FD2] =	sst s25  }
0xac: {  	s6 =	sshll.u32 s26, $0x1;
	_ =	strace $0x80000046;
	[dreg:$0x1] =	wrdreg $0xFFFFFFFF  }
0xad: {  	s28 =	simm.s32 $_size_execute0_lowered;
	s4 =	sadd.s32 s4, s6;
	[dreg:$0x0] =	wrdreg $0x0  }
0xae: {  	s6 =	sshll.u32 s28, $0x1;
	[dreg:$0x2] =	wrdreg s4  }
0xaf: {  	[dreg:$0x3] =	wrdreg s6  }
0xb0: {  	[dreg:$0x4] =	wrdreg $0xC0  }
0xb1: {  	_ =	task [dreg:s8], $0x5FFFF  }
0xb2: {  	[dreg:$0x1] =	wrdreg $0xFFFFFFFF  }
0xb3: {  	[dreg:$0x0] =	wrdreg $0x60  }
0xb4: {  	[dreg:$0x2] =	wrdreg s15  }
0xb5: {  	[dreg:$0x3] =	wrdreg s24  }
0xb6: {  	[dreg:$0x4] =	wrdreg s16  }
0xb7: {  	[dreg:$0x5] =	wrdreg $0x9  }
0xb8: {  	_ =	task.clear_ibuf [dreg:s8], $0x6FFFF;
	_ =	strace $0x90000046  }
0xb9: {  	s29 =	simm.s32 $0x9;
	_ =	strace $0x80000048  }
0xba: {  	_ =	swait.ge [sflag:s29], $0x1  }
0xbb: {  	[sflag:s29] =	ssyncadd.s32 $0xFFFFFFFF  }
0xbc: {  	_ =	strace $0x90000048  }
0xbd: {  	_ =	sfence  }
0xbe: {  	s30 =	sld [smem:$0x0];
	_ =	sdelay $0x2  }
0xbf: {  	s31 =	sshll.u32 s1, $0xD;
	s1 =	sshrl.u32 s1, $0x2  }
0xc0: {  	s3 =	sand.u32 $0x4000, s31;
	s1 =	sadd.s32 s1, s30  }
0xc1: {  	s0 =	sor.u32 s3, s0;
	s1 =	sshll.u32 s1, $0x11  }
0xc2: {  	s0 =	sor.u32 s1, s0  }
0xc3: {  	s0 =	sadd.s32 $0x8F2B, s0  }
0xc4: {  	[sflag:s0] =	ssyncadd.remote.s32 $0x1  }
0xc5: {  	_ =	sfence.sel $0xFFFF  }
0xc6: {  	[dreg:$0x0] =	wrdreg $0xFFFFFFFF;
	(pc) =	sbr.abs _section_cstart, $3  }
0xc7: {  	[dreg:$0x1] =	wrdreg $0xFFFFFFFF  }
0xc8: {  	_ =	task.clear_ibuf [dreg:s8], $0x2FFFF;
	_ =	strace $0x9FFFFFFF  }
0xc9: {  	(tm) =	ssettm $0x7FFFFFFF  }
tec
execute0_lowered:
.L_overlay_start_1:
0x0: {  	(tag) =	ssettag $0x1  }
0x1: {  	s1 =	rddreg [dreg:$0x0]  }
0x2: {  	s4 =	stileid.u32;
	s0 =	rddreg [dreg:$0x1]  }
0x3: {  	s2 =	srdreg.scid;
	s5 =	rddreg [dreg:$0x2];
	s3 =	sshll.u32 s4, $0x1  }
0x4: {  	v0 =	vimm.s32 $0xEDCBA987;
	s2 =	sand.u32 $0x1, s2;
	s6 =	sshrl.u32 s4, $0x2;
	s3 =	sand.u32 $0x6, s3  }
0x5: {  	v1 =	vimm.s32 $0x65432100;
	vm0 =	vcmask $0x300;
	s7 =	sshll.u32 s6, $0xC;
	s8 =	sshll.u32 s6, $0x4;
	s17 =	sor.u32 s2, s3  }
0x6: {  	v2 =	vimm.s32 $0x54321000;
	v3 =	vimm.s32 $0xDCBA9876;
	v4 =	vimm.s32 $0xFFFFFFFF;
	s19 =	sshll.u32 s6, $0xD;
	s3 =	simm.s32 $0x0;
	s4 =	sshll.u32 s17, $0x9  }
0x7: {  	v5 =	vimm.s32 $0xE40000;
	v6 =	vimm.s32 $0x32100000;
	v7 =	vimm.s32 $0xBA987654;
	s2 =	ssub.s32 $0x2, s2;
	s0 =	sadd.s32 s8, s0;
	s7 =	sor.u32 s7, s4  }
0x8: {  	v8 =	vimm.s32 $0x7060504;
	v0 =	vunpack.c.l.s4.s8 v0;
	v1 =	vunpack.c.l.s4.s8 v1;
	[smem:$0x7FF] =	sst s3;
	s18 =	sshrl.u32 s2, $0x1;
	s7 =	sshrl.u32 s7, $0x3  }
0x9: {  	v2 =	vunpack.c.l.s4.s8 v2;
	v3 =	vunpack.c.l.s4.s8 v3;
	v5 =	vunpack.c.l.s2.s4 v5;
	s0 =	sadd.s32 $0x600, s0;
	_ =	strace $0x80000047;
	s9 =	smul.u32 $0x1800, s7  }
0xa: {  	v6 =	vunpack.c.l.s4.s8 v6;
	v7 =	vunpack.c.l.s4.s8 v7;
	v8 =	vunpack.c.0.s8.s32 v8;
	s2 =	ssub.s32 s2, s18;
	[dreg:$0x4] =	wrdreg s0;
	s20 =	smul.u32 $0x300, s7  }
0xb: {  	v0 =	vunpack.c.0.s8.s32 v0;
	v1 =	vunpack.c.0.s8.s32 v1;
	v3 =	vunpack.c.0.s8.s32 v3;
	[dreg:$0x5] =	wrdreg s19;
	s31 =	smax.u32 s2, $0x1;
	s21 =	sshrl.u32 s9, $0x3  }
0xc: {  	v2 =	vunpack.c.0.s8.s32 v2;
	v5 =	vunpack.c.l.s4.s8 v5;
	v7 =	vunpack.c.0.s8.s32 v7;
	[dreg:$0xe] =	wrdreg s31;
	s0 =	sadd.s32 s5, s20;
	s6 =	sadd.s32 s5, s21  }
0xd: {  	v6 =	vunpack.c.0.s8.s32 v6;
	v0 =	vand.u32 $0xF, v0;
	v3 =	vand.u32 $0xF, v3;
	[dreg:$0x6] =	wrdreg s0;
	s22 =	sadd.s32 $0x1800, s6  }
0xe: {  	v5 =	vunpack.c.0.s8.s32 v5;
	v7 =	vand.u32 $0xF, v7;
	v0 =	vcombine.low v1, v0;
	s23 =	sadd.s32 $0x3000, s6;
	[dreg:$0x7] =	wrdreg s22  }
0xf: {  	v1 =	vsel vm0, $0x0, v4;
	v2 =	vcombine.low v2, v3;
	vm0 =	vcmask $0x700;
	s24 =	sadd.s32 $0x4800, s6;
	[dreg:$0x8] =	wrdreg s23  }
0x10: {  	s28 =	simm.s32 $0x0;
	v6 =	vcombine.low v6, v7;
	v3 =	vsel vm0, $0x0, v4;
	vm0 =	vcmask $0xF00;
	s25 =	sadd.s32 $0x6000, s6;
	[dreg:$0x9] =	wrdreg s24  }
0x11: {  	s8 =	sadd.s32 $0x200, s1;
	v9 =	vand.u32 $0x3, v5;
	v5 =	vlaneseq.u32;
	v4 =	vsel vm0, $0x0, v4;
	s26 =	sadd.s32 $0x7800, s6;
	[dreg:$0xa] =	wrdreg s25  }
0x12: {  	s7 =	sadd.s32 $0x100, s1;
	vm0 =	vcmask $0x3F30;
	v11 =	vshrl.u32 v5, $0x3;
	v10 =	vand.u32 $0x7, v5;
	s29 =	sadd.s32 $0x9000, s6;
	[dreg:$0xb] =	wrdreg s26  }
0x13: {  	v12 =	vor.u32 $0x8, v5;
	v7 =	vsel vm0, v8, v9;
	v8 =	vmul.u32 $0xFFFFFFFF, v11;
	s21 =	simm.s32 $0x2000;
	s30 =	sadd.s32 $0xA800, s6;
	[dreg:$0xc] =	wrdreg s29  }
0x14: {  	v9 =	vor.u32 $0x1000, v5;
	v11 =	vmul.u32 $0x8, v11;
	vm0 =	vmmov $0xffff;
	[dreg:$0xd] =	wrdreg s30;
	s24 =	simm.s32 $0x1;
	s25 =	simm.s32 $0x3  }
.LBB2_1:
0x15: {  	s2 =	rddreg [dreg:$0x4]  }
0x16: {  	s29 =	simm.s32 $0x80;
	s30 =	simm.s32 $0x200;
	s23 =	simm.s32 $0x5  }
0x17: {  	[tilespmem:s3], [sflag:$0x5] =	stream.strided.gather [hbm4b:s2+s29], $0x2000, s30, s29, $0x38;
	[tilespmem:$0x1B080] =	vst v63  }
0x18: {  	_ =	swait.ge [sflag:s23], $0x2000  }
0x19: {  	[sflag:s23] =	ssyncset.done $0x0  }
0x1a: {  	s26 =	simm.s32 $0x0;
	[sflag:s23] =	ssyncadd.s32 $0xFFFFE000  }
0x1b: {  	v13 =	vld [tilespmem:s26+$0x0];
	_ =	sdelay $0x4  }
0x1c: {  	v14 =	vperm.xlane v13, v0;
	_ =	sdelay $0x1  }
0x1d: {  	v14 =	vand.u32 v1, v14  }
0x1e: {  	v14 =	vadd.s32 v13, v14  }
0x1f: {  	v15 =	vperm.xlane v14, v2;
	_ =	sdelay $0x1  }
0x20: {  	v15 =	vand.u32 v3, v15  }
0x21: {  	v14 =	vadd.s32 v15, v14  }
0x22: {  	v15 =	vperm.xlane v14, v6;
	_ =	sdelay $0x1  }
0x23: {  	v15 =	vand.u32 v4, v15  }
0x24: {  	v14 =	vadd.s32 v15, v14  }
0x25: {  	v16 =	vmov s3;
	v15 =	vperm.xlane v14, v7  }
0x26: {  	v16 =	vadd.s32 $0xFFFFFFFF, v16  }
0x27: {  	v16 =	vbroadcast v16, $0x0;
	v15 =	vand.u32 v8, v15  }
0x28: {  	v14 =	vadd.s32 v15, v14  }
0x29: {  	v15 =	vsub.s32 $0x1, v13;
	v16 =	vadd.s32 v14, v16;
	v14 =	vxor.u32 $0x80000000, v14  }
0x2a: {  	v15 =	vmul.u32 v9, v15;
	v13 =	vmul.u32 v13, v16;
	(xrf0) =	vmax.scan.msk.u32 $0xffff, v14;
	_ =	sdelay $0x1  }
0x2b: {  	v13 =	vadd.s32 v15, v13;
	_ =	sdelay $0x2  }
0x2c: {  	s29 =	rddreg [dreg:$0x5]  }
0x2d: {  	v14 =	vor.u32 s29, v5;
	v15, _, _ =	vpop (xrf0)  }
0x2e: {  	s31 =	simm.s32 $0x80;
	s2 =	simm.s32 $0x10;
	s30 =	simm.s32 $0x0;
	[tilespmem:v13+s21+$0x0] =	vst.idx.msk $0xffff, v14;
	(v2sf) =	vpush v15, $0xF  }
.LBB2_2:
0x2f: {  	p0 =	sne.s32 s31, $0x7FC0;
	v13 =	vld [tilespmem:s2+$0x0];
	_ =	sdelay $0x4  }
0x30: {  	v14 =	vperm.xlane v13, v0;
	v15 =	vsub.s32 $0x1, v13;
	_ =	sdelay $0x1  }
0x31: {  	v14 =	vand.u32 v1, v14  }
0x32: {  	v14 =	vadd.s32 v13, v14  }
0x33: {  	v16 =	vperm.xlane v14, v2;
	_ =	sdelay $0x1  }
0x34: {  	v16 =	vand.u32 v3, v16  }
0x35: {  	v14 =	vadd.s32 v16, v14  }
0x36: {  	v16 =	vperm.xlane v14, v6  }
0x37: {  	s2 =	spop (v2sf)  }
0x38: {  	v16 =	vand.u32 v4, v16;
	s2 =	sadd.s32 s2, s30  }
0x39: {  	v14 =	vadd.s32 v16, v14;
	s30 =	sadd.s32 $0x80000000, s2  }
0x3a: {  	v16 =	vperm.xlane v14, v7;
	v17 =	vmov s30  }
0x3b: {  	v17 =	vadd.s32 $0xFFFFFFFF, v17  }
0x3c: {  	v16 =	vand.u32 v8, v16;
	v17 =	vbroadcast v17, $0x0  }
0x3d: {  	v14 =	vadd.s32 v16, v14  }
0x3e: {  	v16 =	vadd.s32 v14, v17;
	v14 =	vxor.u32 $0x80000000, v14  }
0x3f: {  	v15 =	vmul.u32 v9, v15;
	v13 =	vmul.u32 v13, v16;
	(xrf0) =	vmax.scan.msk.u32 $0xffff, v14;
	_ =	sdelay $0x1  }
0x40: {  	v13 =	vadd.s32 v15, v13  }
.Ltmp0:
0x41: {  	(pc) =	sbr.rel @p0 .LBB2_2-.Ltmp0, $4  }
0x42: {  	_ = 	snop  }
0x43: {  	s29 =	sadd.s32 $0x10, s29  }
0x44: {  	v14 =	vor.u32 s29, v5;
	v15, _, _ =	vpop (xrf0)  }
0x45: {  	s2 =	sshra.s32 s31, $0x2;
	s31 =	sadd.s32 $0x40, s31;
	[tilespmem:v13+s21+$0x0] =	vst.idx.msk $0xffff, v14;
	(v2sf) =	vpush v15, $0xF  }
0x46: {  	v13 =	vld [tilespmem:s2+$0x0];
	_ =	sdelay $0x4  }
0x47: {  	v14 =	vperm.xlane v13, v0;
	_ =	sdelay $0x1  }
0x48: {  	v14 =	vand.u32 v1, v14  }
0x49: {  	v14 =	vadd.s32 v13, v14  }
0x4a: {  	v15 =	vperm.xlane v14, v2;
	_ =	sdelay $0x1  }
0x4b: {  	v15 =	vand.u32 v3, v15  }
0x4c: {  	v14 =	vadd.s32 v15, v14  }
0x4d: {  	v15 =	vperm.xlane v14, v6  }
0x4e: {  	s18 =	spop (v2sf)  }
0x4f: {  	s2 =	sadd.s32 s18, s30;
	v15 =	vand.u32 v4, v15  }
0x50: {  	v14 =	vadd.s32 v15, v14;
	s2 =	sadd.s32 $0x80000000, s2  }
0x51: {  	v15 =	vmov s2;
	v16 =	vperm.xlane v14, v7  }
0x52: {  	v15 =	vadd.s32 $0xFFFFFFFF, v15  }
0x53: {  	v16 =	vand.u32 v8, v16;
	v15 =	vbroadcast v15, $0x0  }
0x54: {  	v14 =	vadd.s32 v16, v14  }
0x55: {  	v63 =	vsub.s32 $0x1, v13;
	v15 =	vadd.s32 v14, v15  }
0x56: {  	v13 =	vmul.u32 v13, v15;
	v15 =	vmul.u32 v9, v63;
	_ =	sdelay $0x1  }
0x57: {  	v13 =	vadd.s32 v15, v13;
	_ =	sdelay $0x2  }
0x58: {  	s19 =	sadd.s32 $0x10, s29  }
0x59: {  	v15 =	vor.u32 s19, v5  }
0x5a: {  	[tilespmem:v13+s21+$0x0] =	vst.idx.msk $0xffff, v15  }
0x5b: {  	v13 =	vld [tilespmem:s4+$0x2000];
	_ =	sdelay $0x4  }
0x5c: {  	v15 =	vshrl.u32 v13, $0x3  }
0x5d: {  	v15 =	vmul.u32 $0x30, v15  }
0x5e: {  	v13 =	vand.u32 $0x7, v13  }
0x5f: {  	v13 =	vor.u32 v13, v15  }
0x60: {  	v15 =	vperm.xlane v13, v10;
	_ =	sdelay $0x1  }
0x61: {  	v15 =	vadd.s32 v11, v15;
	_ =	sdelay $0x3  }
0x62: {  	s30 =	simm.s32 $0x3080;
	v13 =	vperm.xlane v13, v12  }
0x63: {  	[tilespmem:s30], [sflag:$0x1] =	stream.indirect_vreg.gather [hbm4b:s1+s3], $0x80, v15, vm0, $0xb8;
	[tilespmem:$0x1B080] =	vst v63  }
0x64: {  	s0 =	simm.s32 $0x3880;
	v13 =	vadd.s32 v11, v13  }
0x65: {  	[tilespmem:s0], [sflag:$0x1] =	stream.indirect_vreg.gather [hbm4b:s7+s3], $0x80, v15, vm0, $0xb8;
	[tilespmem:$0x1B080] =	vst v63  }
0x66: {  	s20 =	simm.s32 $0x4080  }
0x67: {  	[tilespmem:s20], [sflag:$0x1] =	stream.indirect_vreg.gather [hbm4b:s8+s3], $0x80, v15, vm0, $0xb8;
	[tilespmem:$0x1B080] =	vst v63  }
0x68: {  	s22 =	simm.s32 $0x4880  }
0x69: {  	[tilespmem:s22], [sflag:$0x1] =	stream.indirect_vreg.gather [hbm4b:s1+s3], $0x80, v13, vm0, $0xb8;
	[tilespmem:$0x1B080] =	vst v63  }
0x6a: {  	s23 =	simm.s32 $0x5080  }
0x6b: {  	[tilespmem:s23], [sflag:$0x1] =	stream.indirect_vreg.gather [hbm4b:s7+s3], $0x80, v13, vm0, $0xb8;
	[tilespmem:$0x1B080] =	vst v63  }
0x6c: {  	s26 =	simm.s32 $0x5880  }
0x6d: {  	[tilespmem:s26], [sflag:$0x1] =	stream.indirect_vreg.gather [hbm4b:s8+s3], $0x80, v13, vm0, $0xb8;
	[tilespmem:$0x1B080] =	vst v63  }
0x6e: {  	v13 =	vld [tilespmem:s4+$0x2010];
	_ =	sdelay $0x4  }
0x6f: {  	v15 =	vshrl.u32 v13, $0x3  }
0x70: {  	v15 =	vmul.u32 $0x30, v15  }
0x71: {  	v13 =	vand.u32 $0x7, v13  }
0x72: {  	v13 =	vor.u32 v13, v15  }
0x73: {  	v15 =	vperm.xlane v13, v10;
	_ =	sdelay $0x1  }
0x74: {  	v15 =	vadd.s32 v11, v15;
	_ =	sdelay $0x3  }
0x75: {  	s29 =	simm.s32 $0x6080;
	v13 =	vperm.xlane v13, v12  }
0x76: {  	[tilespmem:s29], [sflag:$0x1] =	stream.indirect_vreg.gather [hbm4b:s1+s3], $0x80, v15, vm0, $0xb8;
	[tilespmem:$0x1B080] =	vst v63  }
0x77: {  	s31 =	simm.s32 $0x6880;
	v13 =	vadd.s32 v11, v13  }
0x78: {  	[tilespmem:s31], [sflag:$0x1] =	stream.indirect_vreg.gather [hbm4b:s7+s3], $0x80, v15, vm0, $0xb8;
	[tilespmem:$0x1B080] =	vst v63  }
0x79: {  	s2 =	simm.s32 $0x7080  }
0x7a: {  	[tilespmem:s2], [sflag:$0x1] =	stream.indirect_vreg.gather [hbm4b:s8+s3], $0x80, v15, vm0, $0xb8;
	[tilespmem:$0x1B080] =	vst v63  }
0x7b: {  	s9 =	simm.s32 $0x7880  }
0x7c: {  	[tilespmem:s9], [sflag:$0x1] =	stream.indirect_vreg.gather [hbm4b:s1+s3], $0x80, v13, vm0, $0xb8;
	[tilespmem:$0x1B080] =	vst v63  }
0x7d: {  	s10 =	simm.s32 $0x8080  }
0x7e: {  	[tilespmem:s10], [sflag:$0x1] =	stream.indirect_vreg.gather [hbm4b:s7+s3], $0x80, v13, vm0, $0xb8;
	[tilespmem:$0x1B080] =	vst v63  }
0x7f: {  	s11 =	simm.s32 $0x8880  }
0x80: {  	[tilespmem:s11], [sflag:$0x1] =	stream.indirect_vreg.gather [hbm4b:s8+s3], $0x80, v13, vm0, $0xb8;
	[tilespmem:$0x1B080] =	vst v63  }
0x81: {  	v13 =	vld [tilespmem:s4+$0x2020];
	_ =	sdelay $0x4  }
0x82: {  	v15 =	vshrl.u32 v13, $0x3  }
0x83: {  	v15 =	vmul.u32 $0x30, v15  }
0x84: {  	v13 =	vand.u32 $0x7, v13  }
0x85: {  	v13 =	vor.u32 v13, v15  }
0x86: {  	v15 =	vperm.xlane v13, v10;
	_ =	sdelay $0x1  }
0x87: {  	v15 =	vadd.s32 v11, v15;
	_ =	sdelay $0x3  }
0x88: {  	s12 =	simm.s32 $0x9080;
	v13 =	vperm.xlane v13, v12  }
0x89: {  	[tilespmem:s12], [sflag:$0x1] =	stream.indirect_vreg.gather [hbm4b:s1+s3], $0x80, v15, vm0, $0xb8;
	[tilespmem:$0x1B080] =	vst v63  }
0x8a: {  	s13 =	simm.s32 $0x9880;
	v13 =	vadd.s32 v11, v13  }
0x8b: {  	[tilespmem:s13], [sflag:$0x1] =	stream.indirect_vreg.gather [hbm4b:s7+s3], $0x80, v15, vm0, $0xb8;
	[tilespmem:$0x1B080] =	vst v63  }
0x8c: {  	s14 =	simm.s32 $0xA080  }
0x8d: {  	[tilespmem:s14], [sflag:$0x1] =	stream.indirect_vreg.gather [hbm4b:s8+s3], $0x80, v15, vm0, $0xb8;
	[tilespmem:$0x1B080] =	vst v63  }
0x8e: {  	s15 =	simm.s32 $0xA880  }
0x8f: {  	[tilespmem:s15], [sflag:$0x1] =	stream.indirect_vreg.gather [hbm4b:s1+s3], $0x80, v13, vm0, $0xb8;
	[tilespmem:$0x1B080] =	vst v63  }
0x90: {  	s16 =	simm.s32 $0xB080  }
0x91: {  	[tilespmem:s16], [sflag:$0x1] =	stream.indirect_vreg.gather [hbm4b:s7+s3], $0x80, v13, vm0, $0xb8;
	[tilespmem:$0x1B080] =	vst v63  }
0x92: {  	s17 =	simm.s32 $0xB880  }
0x93: {  	[tilespmem:s17], [sflag:$0x1] =	stream.indirect_vreg.gather [hbm4b:s8+s3], $0x80, v13, vm0, $0xb8;
	[tilespmem:$0x1B080] =	vst v63  }
0x94: {  	v13 =	vld [tilespmem:s4+$0x2030];
	_ =	sdelay $0x4  }
0x95: {  	v15 =	vshrl.u32 v13, $0x3  }
0x96: {  	v15 =	vmul.u32 $0x30, v15  }
0x97: {  	v13 =	vand.u32 $0x7, v13  }
0x98: {  	v13 =	vor.u32 v13, v15  }
0x99: {  	v15 =	vperm.xlane v13, v10;
	_ =	sdelay $0x1  }
0x9a: {  	v15 =	vadd.s32 v11, v15;
	_ =	sdelay $0x3  }
0x9b: {  	s18 =	simm.s32 $0xC080;
	v13 =	vperm.xlane v13, v12  }
0x9c: {  	[tilespmem:s18], [sflag:$0x1] =	stream.indirect_vreg.gather [hbm4b:s1+s3], $0x80, v15, vm0, $0xb8;
	[tilespmem:$0x1B080] =	vst v63  }
0x9d: {  	s19 =	simm.s32 $0xC880;
	v13 =	vadd.s32 v11, v13  }
0x9e: {  	[tilespmem:s19], [sflag:$0x1] =	stream.indirect_vreg.gather [hbm4b:s7+s3], $0x80, v15, vm0, $0xb8;
	[tilespmem:$0x1B080] =	vst v63  }
0x9f: {  	s20 =	simm.s32 $0xD080  }
0xa0: {  	[tilespmem:s20], [sflag:$0x1] =	stream.indirect_vreg.gather [hbm4b:s8+s3], $0x80, v15, vm0, $0xb8;
	[tilespmem:$0x1B080] =	vst v63  }
0xa1: {  	s22 =	simm.s32 $0xD880  }
0xa2: {  	[tilespmem:s22], [sflag:$0x1] =	stream.indirect_vreg.gather [hbm4b:s1+s3], $0x80, v13, vm0, $0xb8;
	[tilespmem:$0x1B080] =	vst v63  }
0xa3: {  	s23 =	simm.s32 $0xE080  }
0xa4: {  	[tilespmem:s23], [sflag:$0x1] =	stream.indirect_vreg.gather [hbm4b:s7+s3], $0x80, v13, vm0, $0xb8;
	[tilespmem:$0x1B080] =	vst v63  }
0xa5: {  	s29 =	simm.s32 $0xE880  }
0xa6: {  	[tilespmem:s29], [sflag:$0x1] =	stream.indirect_vreg.gather [hbm4b:s8+s3], $0x80, v13, vm0, $0xb8;
	[tilespmem:$0x1B080] =	vst v63  }
0xa7: {  	v13 =	vld [tilespmem:s4+$0x2040];
	_ =	sdelay $0x4  }
0xa8: {  	v15 =	vshrl.u32 v13, $0x3  }
0xa9: {  	v15 =	vmul.u32 $0x30, v15  }
0xaa: {  	v13 =	vand.u32 $0x7, v13  }
0xab: {  	v13 =	vor.u32 v13, v15  }
0xac: {  	v15 =	vperm.xlane v13, v10;
	_ =	sdelay $0x1  }
0xad: {  	v15 =	vadd.s32 v11, v15;
	_ =	sdelay $0x3  }
0xae: {  	s29 =	simm.s32 $0xF080;
	v13 =	vperm.xlane v13, v12  }
0xaf: {  	[tilespmem:s29], [sflag:$0x2] =	stream.indirect_vreg.gather [hbm4b:s1+s3], $0x80, v15, vm0, $0xb8;
	[tilespmem:$0x1B080] =	vst v63  }
0xb0: {  	s31 =	simm.s32 $0xF880;
	v13 =	vadd.s32 v11, v13  }
0xb1: {  	[tilespmem:s31], [sflag:$0x2] =	stream.indirect_vreg.gather [hbm4b:s7+s3], $0x80, v15, vm0, $0xb8;
	[tilespmem:$0x1B080] =	vst v63  }
0xb2: {  	s11 =	simm.s32 $0x10080  }
0xb3: {  	[tilespmem:s11], [sflag:$0x2] =	stream.indirect_vreg.gather [hbm4b:s8+s3], $0x80, v15, vm0, $0xb8;
	[tilespmem:$0x1B080] =	vst v63  }
0xb4: {  	s12 =	simm.s32 $0x10880  }
0xb5: {  	[tilespmem:s12], [sflag:$0x2] =	stream.indirect_vreg.gather [hbm4b:s1+s3], $0x80, v13, vm0, $0xb8;
	[tilespmem:$0x1B080] =	vst v63  }
0xb6: {  	s14 =	simm.s32 $0x11080  }
0xb7: {  	[tilespmem:s14], [sflag:$0x2] =	stream.indirect_vreg.gather [hbm4b:s7+s3], $0x80, v13, vm0, $0xb8;
	[tilespmem:$0x1B080] =	vst v63  }
0xb8: {  	s15 =	simm.s32 $0x11880  }
0xb9: {  	[tilespmem:s15], [sflag:$0x2] =	stream.indirect_vreg.gather [hbm4b:s8+s3], $0x80, v13, vm0, $0xb8;
	[tilespmem:$0x1B080] =	vst v63  }
0xba: {  	v13 =	vld [tilespmem:s4+$0x2050];
	_ =	sdelay $0x4  }
0xbb: {  	v15 =	vshrl.u32 v13, $0x3  }
0xbc: {  	v15 =	vmul.u32 $0x30, v15  }
0xbd: {  	v13 =	vand.u32 $0x7, v13  }
0xbe: {  	v13 =	vor.u32 v13, v15  }
0xbf: {  	v15 =	vperm.xlane v13, v10;
	_ =	sdelay $0x1  }
0xc0: {  	v15 =	vadd.s32 v11, v15;
	_ =	sdelay $0x3  }
0xc1: {  	s16 =	simm.s32 $0x12080;
	v13 =	vperm.xlane v13, v12  }
0xc2: {  	[tilespmem:s16], [sflag:$0x2] =	stream.indirect_vreg.gather [hbm4b:s1+s3], $0x80, v15, vm0, $0xb8;
	[tilespmem:$0x1B080] =	vst v63  }
0xc3: {  	s17 =	simm.s32 $0x12880;
	v13 =	vadd.s32 v11, v13  }
0xc4: {  	[tilespmem:s17], [sflag:$0x2] =	stream.indirect_vreg.gather [hbm4b:s7+s3], $0x80, v15, vm0, $0xb8;
	[tilespmem:$0x1B080] =	vst v63  }
0xc5: {  	s18 =	simm.s32 $0x13080  }
0xc6: {  	[tilespmem:s18], [sflag:$0x2] =	stream.indirect_vreg.gather [hbm4b:s8+s3], $0x80, v15, vm0, $0xb8;
	[tilespmem:$0x1B080] =	vst v63  }
0xc7: {  	s19 =	simm.s32 $0x13880  }
0xc8: {  	[tilespmem:s19], [sflag:$0x2] =	stream.indirect_vreg.gather [hbm4b:s1+s3], $0x80, v13, vm0, $0xb8;
	[tilespmem:$0x1B080] =	vst v63  }
0xc9: {  	s20 =	simm.s32 $0x14080  }
0xca: {  	[tilespmem:s20], [sflag:$0x2] =	stream.indirect_vreg.gather [hbm4b:s7+s3], $0x80, v13, vm0, $0xb8;
	[tilespmem:$0x1B080] =	vst v63  }
0xcb: {  	s22 =	simm.s32 $0x14880  }
0xcc: {  	[tilespmem:s22], [sflag:$0x2] =	stream.indirect_vreg.gather [hbm4b:s8+s3], $0x80, v13, vm0, $0xb8;
	[tilespmem:$0x1B080] =	vst v63  }
0xcd: {  	v13 =	vld [tilespmem:s4+$0x2060];
	_ =	sdelay $0x4  }
0xce: {  	v15 =	vshrl.u32 v13, $0x3  }
0xcf: {  	v15 =	vmul.u32 $0x30, v15  }
0xd0: {  	v13 =	vand.u32 $0x7, v13  }
0xd1: {  	v13 =	vor.u32 v13, v15  }
0xd2: {  	v15 =	vperm.xlane v13, v10;
	_ =	sdelay $0x1  }
0xd3: {  	v15 =	vadd.s32 v11, v15;
	_ =	sdelay $0x3  }
0xd4: {  	s23 =	simm.s32 $0x15080;
	v13 =	vperm.xlane v13, v12  }
0xd5: {  	[tilespmem:s23], [sflag:$0x2] =	stream.indirect_vreg.gather [hbm4b:s1+s3], $0x80, v15, vm0, $0xb8;
	[tilespmem:$0x1B080] =	vst v63  }
0xd6: {  	s31 =	simm.s32 $0x15880;
	v13 =	vadd.s32 v11, v13  }
0xd7: {  	[tilespmem:s31], [sflag:$0x2] =	stream.indirect_vreg.gather [hbm4b:s7+s3], $0x80, v15, vm0, $0xb8;
	[tilespmem:$0x1B080] =	vst v63  }
0xd8: {  	s11 =	simm.s32 $0x16080  }
0xd9: {  	[tilespmem:s11], [sflag:$0x2] =	stream.indirect_vreg.gather [hbm4b:s8+s3], $0x80, v15, vm0, $0xb8;
	[tilespmem:$0x1B080] =	vst v63  }
0xda: {  	s12 =	simm.s32 $0x16880  }
0xdb: {  	[tilespmem:s12], [sflag:$0x2] =	stream.indirect_vreg.gather [hbm4b:s1+s3], $0x80, v13, vm0, $0xb8;
	[tilespmem:$0x1B080] =	vst v63  }
0xdc: {  	s14 =	simm.s32 $0x17080  }
0xdd: {  	[tilespmem:s14], [sflag:$0x2] =	stream.indirect_vreg.gather [hbm4b:s7+s3], $0x80, v13, vm0, $0xb8;
	[tilespmem:$0x1B080] =	vst v63  }
0xde: {  	s15 =	simm.s32 $0x17880  }
0xdf: {  	[tilespmem:s15], [sflag:$0x2] =	stream.indirect_vreg.gather [hbm4b:s8+s3], $0x80, v13, vm0, $0xb8;
	[tilespmem:$0x1B080] =	vst v63  }
0xe0: {  	v13 =	vld [tilespmem:s4+$0x2070];
	_ =	sdelay $0x2  }
0xe1: {  	v14 =	vxor.u32 $0x80000000, v14  }
0xe2: {  	(xrf0) =	vmax.scan.msk.u32 $0xffff, v14  }
0xe3: {  	v14 =	vshrl.u32 v13, $0x3  }
0xe4: {  	v14 =	vmul.u32 $0x30, v14;
	_ =	sdelay $0x1  }
0xe5: {  	v13 =	vand.u32 $0x7, v13  }
0xe6: {  	v13 =	vor.u32 v13, v14  }
0xe7: {  	v15 =	vperm.xlane v13, v10;
	v14, _, _ =	vpop (xrf0)  }
0xe8: {  	(v2sf) =	vpush v14, $0xF  }
0xe9: {  	v14 =	vadd.s32 v11, v15;
	_ =	sdelay $0x3  }
0xea: {  	s16 =	simm.s32 $0x18080;
	v13 =	vperm.xlane v13, v12  }
0xeb: {  	[tilespmem:s16], [sflag:$0x2] =	stream.indirect_vreg.gather [hbm4b:s1+s3], $0x80, v14, vm0, $0xb8;
	[tilespmem:$0x1B080] =	vst v63  }
0xec: {  	s17 =	simm.s32 $0x18880;
	v13 =	vadd.s32 v11, v13  }
0xed: {  	[tilespmem:s17], [sflag:$0x2] =	stream.indirect_vreg.gather [hbm4b:s7+s3], $0x80, v14, vm0, $0xb8;
	[tilespmem:$0x1B080] =	vst v63  }
0xee: {  	s18 =	simm.s32 $0x19080  }
0xef: {  	[tilespmem:s18], [sflag:$0x2] =	stream.indirect_vreg.gather [hbm4b:s8+s3], $0x80, v14, vm0, $0xb8;
	[tilespmem:$0x1B080] =	vst v63  }
0xf0: {  	s19 =	simm.s32 $0x19880  }
0xf1: {  	[tilespmem:s19], [sflag:$0x2] =	stream.indirect_vreg.gather [hbm4b:s1+s3], $0x80, v13, vm0, $0xb8;
	[tilespmem:$0x1B080] =	vst v63  }
0xf2: {  	s20 =	simm.s32 $0x1A080  }
0xf3: {  	[tilespmem:s20], [sflag:$0x2] =	stream.indirect_vreg.gather [hbm4b:s7+s3], $0x80, v13, vm0, $0xb8;
	[tilespmem:$0x1B080] =	vst v63  }
0xf4: {  	s2 =	simm.s32 $0x1A880;
	s22 =	spop (v2sf)  }
0xf5: {  	[tilespmem:s2], [sflag:$0x2] =	stream.indirect_vreg.gather [hbm4b:s8+s3], $0x80, v13, vm0, $0xb8;
	[tilespmem:$0x1B080] =	vst v63  }
0xf6: {  	_ =	swait.ge [sflag:s24], $0xC000  }
0xf7: {  	[sflag:s24] =	ssyncset.done $0x0  }
0xf8: {  	s23 =	rddreg [dreg:$0x6];
	[sflag:s24] =	ssyncadd.s32 $0xFFFF4000  }
0xf9: {  	[hbm4b:s23+s3] =	stream.linear.scatter [tilespmem:s30], [sflag:$0x3], $0xC000, $0x38;
	[tilespmem:$0x1B080] =	vst v63  }
0xfa: {  	_ =	swait.ge [sflag:s25], $0xC000  }
0xfb: {  	[sflag:s25] =	ssyncset.done $0x0  }
0xfc: {  	[sflag:s25] =	ssyncadd.s32 $0xFFFF4000  }
0xfd: {  	v13 =	vld [tilespmem:s4+$0x2080];
	_ =	sdelay $0x4  }
0xfe: {  	v14 =	vshrl.u32 v13, $0x3  }
0xff: {  	v14 =	vmul.u32 $0x30, v14  }
0x100: {  	v13 =	vand.u32 $0x7, v13  }
0x101: {  	v13 =	vor.u32 v13, v14  }
0x102: {  	v14 =	vperm.xlane v13, v10;
	_ =	sdelay $0x1  }
0x103: {  	v14 =	vadd.s32 v11, v14;
	_ =	sdelay $0x3  }
0x104: {  	v13 =	vperm.xlane v13, v12  }
0x105: {  	[tilespmem:s30], [sflag:$0x1] =	stream.indirect_vreg.gather [hbm4b:s1+s3], $0x80, v14, vm0, $0xb8;
	[tilespmem:$0x1B080] =	vst v63  }
0x106: {  	s23 =	simm.s32 $0x3880;
	v13 =	vadd.s32 v11, v13  }
0x107: {  	[tilespmem:s23], [sflag:$0x1] =	stream.indirect_vreg.gather [hbm4b:s7+s3], $0x80, v14, vm0, $0xb8;
	[tilespmem:$0x1B080] =	vst v63  }
0x108: {  	s19 =	simm.s32 $0x4080  }
0x109: {  	[tilespmem:s19], [sflag:$0x1] =	stream.indirect_vreg.gather [hbm4b:s8+s3], $0x80, v14, vm0, $0xb8;
	[tilespmem:$0x1B080] =	vst v63  }
0x10a: {  	s20 =	simm.s32 $0x4880  }
0x10b: {  	[tilespmem:s20], [sflag:$0x1] =	stream.indirect_vreg.gather [hbm4b:s1+s3], $0x80, v13, vm0, $0xb8;
	[tilespmem:$0x1B080] =	vst v63  }
0x10c: {  	s22 =	simm.s32 $0x5080  }
0x10d: {  	[tilespmem:s22], [sflag:$0x1] =	stream.indirect_vreg.gather [hbm4b:s7+s3], $0x80, v13, vm0, $0xb8;
	[tilespmem:$0x1B080] =	vst v63  }
0x10e: {  	s5 =	simm.s32 $0x5880  }
0x10f: {  	[tilespmem:s5], [sflag:$0x1] =	stream.indirect_vreg.gather [hbm4b:s8+s3], $0x80, v13, vm0, $0xb8;
	[tilespmem:$0x1B080] =	vst v63  }
0x110: {  	v13 =	vld [tilespmem:s4+$0x2090];
	_ =	sdelay $0x4  }
0x111: {  	v14 =	vshrl.u32 v13, $0x3  }
0x112: {  	v14 =	vmul.u32 $0x30, v14  }
0x113: {  	v13 =	vand.u32 $0x7, v13  }
0x114: {  	v13 =	vor.u32 v13, v14  }
0x115: {  	v14 =	vperm.xlane v13, v10;
	_ =	sdelay $0x1  }
0x116: {  	v14 =	vadd.s32 v11, v14;
	_ =	sdelay $0x3  }
0x117: {  	s6 =	simm.s32 $0x6080;
	v13 =	vperm.xlane v13, v12  }
0x118: {  	[tilespmem:s6], [sflag:$0x1] =	stream.indirect_vreg.gather [hbm4b:s1+s3], $0x80, v14, vm0, $0xb8;
	[tilespmem:$0x1B080] =	vst v63  }
0x119: {  	s14 =	simm.s32 $0x6880;
	v13 =	vadd.s32 v11, v13  }
0x11a: {  	[tilespmem:s14], [sflag:$0x1] =	stream.indirect_vreg.gather [hbm4b:s7+s3], $0x80, v14, vm0, $0xb8;
	[tilespmem:$0x1B080] =	vst v63  }
0x11b: {  	s15 =	simm.s32 $0x7080  }
0x11c: {  	[tilespmem:s15], [sflag:$0x1] =	stream.indirect_vreg.gather [hbm4b:s8+s3], $0x80, v14, vm0, $0xb8;
	[tilespmem:$0x1B080] =	vst v63  }
0x11d: {  	s16 =	simm.s32 $0x7880  }
0x11e: {  	[tilespmem:s16], [sflag:$0x1] =	stream.indirect_vreg.gather [hbm4b:s1+s3], $0x80, v13, vm0, $0xb8;
	[tilespmem:$0x1B080] =	vst v63  }
0x11f: {  	s17 =	simm.s32 $0x8080  }
0x120: {  	[tilespmem:s17], [sflag:$0x1] =	stream.indirect_vreg.gather [hbm4b:s7+s3], $0x80, v13, vm0, $0xb8;
	[tilespmem:$0x1B080] =	vst v63  }
0x121: {  	s9 =	simm.s32 $0x8880  }
0x122: {  	[tilespmem:s9], [sflag:$0x1] =	stream.indirect_vreg.gather [hbm4b:s8+s3], $0x80, v13, vm0, $0xb8;
	[tilespmem:$0x1B080] =	vst v63  }
0x123: {  	v13 =	vld [tilespmem:s4+$0x20A0];
	_ =	sdelay $0x4  }
0x124: {  	v14 =	vshrl.u32 v13, $0x3  }
0x125: {  	v14 =	vmul.u32 $0x30, v14  }
0x126: {  	v13 =	vand.u32 $0x7, v13  }
0x127: {  	v13 =	vor.u32 v13, v14  }
0x128: {  	v14 =	vperm.xlane v13, v10;
	_ =	sdelay $0x1  }
0x129: {  	v14 =	vadd.s32 v11, v14;
	_ =	sdelay $0x3  }
0x12a: {  	s10 =	simm.s32 $0x9080;
	v13 =	vperm.xlane v13, v12  }
0x12b: {  	[tilespmem:s10], [sflag:$0x1] =	stream.indirect_vreg.gather [hbm4b:s1+s3], $0x80, v14, vm0, $0xb8;
	[tilespmem:$0x1B080] =	vst v63  }
0x12c: {  	s18 =	simm.s32 $0x9880;
	v13 =	vadd.s32 v11, v13  }
0x12d: {  	[tilespmem:s18], [sflag:$0x1] =	stream.indirect_vreg.gather [hbm4b:s7+s3], $0x80, v14, vm0, $0xb8;
	[tilespmem:$0x1B080] =	vst v63  }
0x12e: {  	s11 =	simm.s32 $0xA080  }
0x12f: {  	[tilespmem:s11], [sflag:$0x1] =	stream.indirect_vreg.gather [hbm4b:s8+s3], $0x80, v14, vm0, $0xb8;
	[tilespmem:$0x1B080] =	vst v63  }
0x130: {  	s12 =	simm.s32 $0xA880  }
0x131: {  	[tilespmem:s12], [sflag:$0x1] =	stream.indirect_vreg.gather [hbm4b:s1+s3], $0x80, v13, vm0, $0xb8;
	[tilespmem:$0x1B080] =	vst v63  }
0x132: {  	s9 =	simm.s32 $0xB080  }
0x133: {  	[tilespmem:s9], [sflag:$0x1] =	stream.indirect_vreg.gather [hbm4b:s7+s3], $0x80, v13, vm0, $0xb8;
	[tilespmem:$0x1B080] =	vst v63  }
0x134: {  	s13 =	simm.s32 $0xB880  }
0x135: {  	[tilespmem:s13], [sflag:$0x1] =	stream.indirect_vreg.gather [hbm4b:s8+s3], $0x80, v13, vm0, $0xb8;
	[tilespmem:$0x1B080] =	vst v63  }
0x136: {  	v13 =	vld [tilespmem:s4+$0x20B0];
	_ =	sdelay $0x4  }
0x137: {  	v14 =	vshrl.u32 v13, $0x3  }
0x138: {  	v14 =	vmul.u32 $0x30, v14  }
0x139: {  	v13 =	vand.u32 $0x7, v13  }
0x13a: {  	v13 =	vor.u32 v13, v14  }
0x13b: {  	v14 =	vperm.xlane v13, v10;
	_ =	sdelay $0x1  }
0x13c: {  	v14 =	vadd.s32 v11, v14;
	_ =	sdelay $0x3  }
0x13d: {  	s26 =	simm.s32 $0xC080;
	v13 =	vperm.xlane v13, v12  }
0x13e: {  	[tilespmem:s26], [sflag:$0x1] =	stream.indirect_vreg.gather [hbm4b:s1+s3], $0x80, v14, vm0, $0xb8;
	[tilespmem:$0x1B080] =	vst v63  }
0x13f: {  	s10 =	simm.s32 $0xC880;
	v13 =	vadd.s32 v11, v13  }
0x140: {  	[tilespmem:s10], [sflag:$0x1] =	stream.indirect_vreg.gather [hbm4b:s7+s3], $0x80, v14, vm0, $0xb8;
	[tilespmem:$0x1B080] =	vst v63  }
0x141: {  	s5 =	simm.s32 $0xD080  }
0x142: {  	[tilespmem:s5], [sflag:$0x1] =	stream.indirect_vreg.gather [hbm4b:s8+s3], $0x80, v14, vm0, $0xb8;
	[tilespmem:$0x1B080] =	vst v63  }
0x143: {  	s13 =	simm.s32 $0xD880  }
0x144: {  	[tilespmem:s13], [sflag:$0x1] =	stream.indirect_vreg.gather [hbm4b:s1+s3], $0x80, v13, vm0, $0xb8;
	[tilespmem:$0x1B080] =	vst v63  }
0x145: {  	s6 =	simm.s32 $0xE080  }
0x146: {  	[tilespmem:s6], [sflag:$0x1] =	stream.indirect_vreg.gather [hbm4b:s7+s3], $0x80, v13, vm0, $0xb8;
	[tilespmem:$0x1B080] =	vst v63  }
0x147: {  	s0 =	simm.s32 $0xE880;
	s26 =	simm.s32 $0x2  }
0x148: {  	[tilespmem:s0], [sflag:$0x1] =	stream.indirect_vreg.gather [hbm4b:s8+s3], $0x80, v13, vm0, $0xb8;
	[tilespmem:$0x1B080] =	vst v63  }
0x149: {  	_ =	swait.ge [sflag:s26], $0xC000  }
0x14a: {  	[sflag:s26] =	ssyncset.done $0x0  }
0x14b: {  	s0 =	rddreg [dreg:$0x7];
	[sflag:s26] =	ssyncadd.s32 $0xFFFF4000  }
0x14c: {  	[hbm4b:s0+s3] =	stream.linear.scatter [tilespmem:s29], [sflag:$0x4], $0xC000, $0x38;
	[tilespmem:$0x1B080] =	vst v63  }
0x14d: {  	s0 =	simm.s32 $0x4  }
0x14e: {  	_ =	swait.ge [sflag:s0], $0xC000  }
0x14f: {  	[sflag:s0] =	ssyncset.done $0x0  }
0x150: {  	[sflag:s0] =	ssyncadd.s32 $0xFFFF4000  }
0x151: {  	v13 =	vld [tilespmem:s4+$0x20C0];
	_ =	sdelay $0x4  }
0x152: {  	v14 =	vshrl.u32 v13, $0x3  }
0x153: {  	v14 =	vmul.u32 $0x30, v14  }
0x154: {  	v13 =	vand.u32 $0x7, v13  }
0x155: {  	v13 =	vor.u32 v13, v14  }
0x156: {  	v14 =	vperm.xlane v13, v10;
	_ =	sdelay $0x1  }
0x157: {  	v14 =	vadd.s32 v11, v14;
	_ =	sdelay $0x3  }
0x158: {  	v13 =	vperm.xlane v13, v12  }
0x159: {  	[tilespmem:s29], [sflag:$0x2] =	stream.indirect_vreg.gather [hbm4b:s1+s3], $0x80, v14, vm0, $0xb8;
	[tilespmem:$0x1B080] =	vst v63  }
0x15a: {  	s2 =	simm.s32 $0xF880;
	v13 =	vadd.s32 v11, v13  }
0x15b: {  	[tilespmem:s2], [sflag:$0x2] =	stream.indirect_vreg.gather [hbm4b:s7+s3], $0x80, v14, vm0, $0xb8;
	[tilespmem:$0x1B080] =	vst v63  }
0x15c: {  	s2 =	simm.s32 $0x10080  }
0x15d: {  	[tilespmem:s2], [sflag:$0x2] =	stream.indirect_vreg.gather [hbm4b:s8+s3], $0x80, v14, vm0, $0xb8;
	[tilespmem:$0x1B080] =	vst v63  }
0x15e: {  	s2 =	simm.s32 $0x10880  }
0x15f: {  	[tilespmem:s2], [sflag:$0x2] =	stream.indirect_vreg.gather [hbm4b:s1+s3], $0x80, v13, vm0, $0xb8;
	[tilespmem:$0x1B080] =	vst v63  }
0x160: {  	s2 =	simm.s32 $0x11080  }
0x161: {  	[tilespmem:s2], [sflag:$0x2] =	stream.indirect_vreg.gather [hbm4b:s7+s3], $0x80, v13, vm0, $0xb8;
	[tilespmem:$0x1B080] =	vst v63  }
0x162: {  	s2 =	simm.s32 $0x11880  }
0x163: {  	[tilespmem:s2], [sflag:$0x2] =	stream.indirect_vreg.gather [hbm4b:s8+s3], $0x80, v13, vm0, $0xb8;
	[tilespmem:$0x1B080] =	vst v63  }
0x164: {  	v13 =	vld [tilespmem:s4+$0x20D0];
	_ =	sdelay $0x4  }
0x165: {  	v14 =	vshrl.u32 v13, $0x3  }
0x166: {  	v14 =	vmul.u32 $0x30, v14  }
0x167: {  	v13 =	vand.u32 $0x7, v13  }
0x168: {  	v13 =	vor.u32 v13, v14  }
0x169: {  	v14 =	vperm.xlane v13, v10;
	_ =	sdelay $0x1  }
0x16a: {  	v14 =	vadd.s32 v11, v14;
	_ =	sdelay $0x3  }
0x16b: {  	s2 =	simm.s32 $0x12080;
	v13 =	vperm.xlane v13, v12  }
0x16c: {  	[tilespmem:s2], [sflag:$0x2] =	stream.indirect_vreg.gather [hbm4b:s1+s3], $0x80, v14, vm0, $0xb8;
	[tilespmem:$0x1B080] =	vst v63  }
0x16d: {  	v13 =	vadd.s32 v11, v13;
	s2 =	simm.s32 $0x12880  }
0x16e: {  	[tilespmem:s2], [sflag:$0x2] =	stream.indirect_vreg.gather [hbm4b:s7+s3], $0x80, v14, vm0, $0xb8;
	[tilespmem:$0x1B080] =	vst v63  }
0x16f: {  	s2 =	simm.s32 $0x13080  }
0x170: {  	[tilespmem:s2], [sflag:$0x2] =	stream.indirect_vreg.gather [hbm4b:s8+s3], $0x80, v14, vm0, $0xb8;
	[tilespmem:$0x1B080] =	vst v63  }
0x171: {  	s2 =	simm.s32 $0x13880  }
0x172: {  	[tilespmem:s2], [sflag:$0x2] =	stream.indirect_vreg.gather [hbm4b:s1+s3], $0x80, v13, vm0, $0xb8;
	[tilespmem:$0x1B080] =	vst v63  }
0x173: {  	s2 =	simm.s32 $0x14080  }
0x174: {  	[tilespmem:s2], [sflag:$0x2] =	stream.indirect_vreg.gather [hbm4b:s7+s3], $0x80, v13, vm0, $0xb8;
	[tilespmem:$0x1B080] =	vst v63  }
0x175: {  	s2 =	simm.s32 $0x14880  }
0x176: {  	[tilespmem:s2], [sflag:$0x2] =	stream.indirect_vreg.gather [hbm4b:s8+s3], $0x80, v13, vm0, $0xb8;
	[tilespmem:$0x1B080] =	vst v63  }
0x177: {  	v13 =	vld [tilespmem:s4+$0x20E0];
	_ =	sdelay $0x4  }
0x178: {  	v14 =	vshrl.u32 v13, $0x3  }
0x179: {  	v14 =	vmul.u32 $0x30, v14  }
0x17a: {  	v13 =	vand.u32 $0x7, v13  }
0x17b: {  	v13 =	vor.u32 v13, v14  }
0x17c: {  	v14 =	vperm.xlane v13, v10;
	_ =	sdelay $0x1  }
0x17d: {  	v14 =	vadd.s32 v11, v14;
	_ =	sdelay $0x3  }
0x17e: {  	s2 =	simm.s32 $0x15080;
	v13 =	vperm.xlane v13, v12  }
0x17f: {  	[tilespmem:s2], [sflag:$0x2] =	stream.indirect_vreg.gather [hbm4b:s1+s3], $0x80, v14, vm0, $0xb8;
	[tilespmem:$0x1B080] =	vst v63  }
0x180: {  	v13 =	vadd.s32 v11, v13;
	s2 =	simm.s32 $0x15880  }
0x181: {  	[tilespmem:s2], [sflag:$0x2] =	stream.indirect_vreg.gather [hbm4b:s7+s3], $0x80, v14, vm0, $0xb8;
	[tilespmem:$0x1B080] =	vst v63  }
0x182: {  	s2 =	simm.s32 $0x16080  }
0x183: {  	[tilespmem:s2], [sflag:$0x2] =	stream.indirect_vreg.gather [hbm4b:s8+s3], $0x80, v14, vm0, $0xb8;
	[tilespmem:$0x1B080] =	vst v63  }
0x184: {  	s2 =	simm.s32 $0x16880  }
0x185: {  	[tilespmem:s2], [sflag:$0x2] =	stream.indirect_vreg.gather [hbm4b:s1+s3], $0x80, v13, vm0, $0xb8;
	[tilespmem:$0x1B080] =	vst v63  }
0x186: {  	s2 =	simm.s32 $0x17080  }
0x187: {  	[tilespmem:s2], [sflag:$0x2] =	stream.indirect_vreg.gather [hbm4b:s7+s3], $0x80, v13, vm0, $0xb8;
	[tilespmem:$0x1B080] =	vst v63  }
0x188: {  	s2 =	simm.s32 $0x17880  }
0x189: {  	[tilespmem:s2], [sflag:$0x2] =	stream.indirect_vreg.gather [hbm4b:s8+s3], $0x80, v13, vm0, $0xb8;
	[tilespmem:$0x1B080] =	vst v63  }
0x18a: {  	v13 =	vld [tilespmem:s4+$0x20F0];
	_ =	sdelay $0x4  }
0x18b: {  	v14 =	vshrl.u32 v13, $0x3  }
0x18c: {  	v14 =	vmul.u32 $0x30, v14  }
0x18d: {  	v13 =	vand.u32 $0x7, v13  }
0x18e: {  	v13 =	vor.u32 v13, v14  }
0x18f: {  	v14 =	vperm.xlane v13, v10;
	_ =	sdelay $0x1  }
0x190: {  	v14 =	vadd.s32 v11, v14;
	_ =	sdelay $0x3  }
0x191: {  	s2 =	simm.s32 $0x18080;
	v13 =	vperm.xlane v13, v12  }
0x192: {  	[tilespmem:s2], [sflag:$0x2] =	stream.indirect_vreg.gather [hbm4b:s1+s3], $0x80, v14, vm0, $0xb8;
	[tilespmem:$0x1B080] =	vst v63  }
0x193: {  	v13 =	vadd.s32 v11, v13;
	s2 =	simm.s32 $0x18880  }
0x194: {  	[tilespmem:s2], [sflag:$0x2] =	stream.indirect_vreg.gather [hbm4b:s7+s3], $0x80, v14, vm0, $0xb8;
	[tilespmem:$0x1B080] =	vst v63  }
0x195: {  	s2 =	simm.s32 $0x19080  }
0x196: {  	[tilespmem:s2], [sflag:$0x2] =	stream.indirect_vreg.gather [hbm4b:s8+s3], $0x80, v14, vm0, $0xb8;
	[tilespmem:$0x1B080] =	vst v63  }
0x197: {  	s2 =	simm.s32 $0x19880  }
0x198: {  	[tilespmem:s2], [sflag:$0x2] =	stream.indirect_vreg.gather [hbm4b:s1+s3], $0x80, v13, vm0, $0xb8;
	[tilespmem:$0x1B080] =	vst v63  }
0x199: {  	s2 =	simm.s32 $0x1A080  }
0x19a: {  	[tilespmem:s2], [sflag:$0x2] =	stream.indirect_vreg.gather [hbm4b:s7+s3], $0x80, v13, vm0, $0xb8;
	[tilespmem:$0x1B080] =	vst v63  }
0x19b: {  	s31 =	simm.s32 $0x1A880  }
0x19c: {  	[tilespmem:s31], [sflag:$0x2] =	stream.indirect_vreg.gather [hbm4b:s8+s3], $0x80, v13, vm0, $0xb8;
	[tilespmem:$0x1B080] =	vst v63  }
0x19d: {  	_ =	swait.ge [sflag:s24], $0xC000  }
0x19e: {  	[sflag:s24] =	ssyncset.done $0x0  }
0x19f: {  	s31 =	rddreg [dreg:$0x8];
	[sflag:s24] =	ssyncadd.s32 $0xFFFF4000  }
0x1a0: {  	[hbm4b:s31+s3] =	stream.linear.scatter [tilespmem:s30], [sflag:$0x3], $0xC000, $0x38;
	[tilespmem:$0x1B080] =	vst v63  }
0x1a1: {  	_ =	swait.ge [sflag:s25], $0xC000  }
0x1a2: {  	[sflag:s25] =	ssyncset.done $0x0  }
0x1a3: {  	[sflag:s25] =	ssyncadd.s32 $0xFFFF4000  }
0x1a4: {  	v13 =	vld [tilespmem:s4+$0x2100];
	_ =	sdelay $0x4  }
0x1a5: {  	v14 =	vshrl.u32 v13, $0x3  }
0x1a6: {  	v14 =	vmul.u32 $0x30, v14  }
0x1a7: {  	v13 =	vand.u32 $0x7, v13  }
0x1a8: {  	v13 =	vor.u32 v13, v14  }
0x1a9: {  	v14 =	vperm.xlane v13, v10;
	_ =	sdelay $0x1  }
0x1aa: {  	v14 =	vadd.s32 v11, v14;
	_ =	sdelay $0x3  }
0x1ab: {  	v13 =	vperm.xlane v13, v12  }
0x1ac: {  	[tilespmem:s30], [sflag:$0x1] =	stream.indirect_vreg.gather [hbm4b:s1+s3], $0x80, v14, vm0, $0xb8;
	[tilespmem:$0x1B080] =	vst v63  }
0x1ad: {  	v13 =	vadd.s32 v11, v13  }
0x1ae: {  	[tilespmem:s23], [sflag:$0x1] =	stream.indirect_vreg.gather [hbm4b:s7+s3], $0x80, v14, vm0, $0xb8;
	[tilespmem:$0x1B080] =	vst v63  }
0x1af: {  	_ = 	snop  }
0x1b0: {  	[tilespmem:s19], [sflag:$0x1] =	stream.indirect_vreg.gather [hbm4b:s8+s3], $0x80, v14, vm0, $0xb8;
	[tilespmem:$0x1B080] =	vst v63  }
0x1b1: {  	_ = 	snop  }
0x1b2: {  	[tilespmem:s20], [sflag:$0x1] =	stream.indirect_vreg.gather [hbm4b:s1+s3], $0x80, v13, vm0, $0xb8;
	[tilespmem:$0x1B080] =	vst v63  }
0x1b3: {  	_ = 	snop  }
0x1b4: {  	[tilespmem:s22], [sflag:$0x1] =	stream.indirect_vreg.gather [hbm4b:s7+s3], $0x80, v13, vm0, $0xb8;
	[tilespmem:$0x1B080] =	vst v63  }
0x1b5: {  	s22 =	simm.s32 $0x5880  }
0x1b6: {  	[tilespmem:s22], [sflag:$0x1] =	stream.indirect_vreg.gather [hbm4b:s8+s3], $0x80, v13, vm0, $0xb8;
	[tilespmem:$0x1B080] =	vst v63  }
0x1b7: {  	v13 =	vld [tilespmem:s4+$0x2110];
	_ =	sdelay $0x4  }
0x1b8: {  	v14 =	vshrl.u32 v13, $0x3  }
0x1b9: {  	v14 =	vmul.u32 $0x30, v14  }
0x1ba: {  	v13 =	vand.u32 $0x7, v13  }
0x1bb: {  	v13 =	vor.u32 v13, v14  }
0x1bc: {  	v14 =	vperm.xlane v13, v10;
	_ =	sdelay $0x1  }
0x1bd: {  	v14 =	vadd.s32 v11, v14;
	_ =	sdelay $0x3  }
0x1be: {  	s22 =	simm.s32 $0x6080;
	v13 =	vperm.xlane v13, v12  }
0x1bf: {  	[tilespmem:s22], [sflag:$0x1] =	stream.indirect_vreg.gather [hbm4b:s1+s3], $0x80, v14, vm0, $0xb8;
	[tilespmem:$0x1B080] =	vst v63  }
0x1c0: {  	v13 =	vadd.s32 v11, v13  }
0x1c1: {  	[tilespmem:s14], [sflag:$0x1] =	stream.indirect_vreg.gather [hbm4b:s7+s3], $0x80, v14, vm0, $0xb8;
	[tilespmem:$0x1B080] =	vst v63  }
0x1c2: {  	_ = 	snop  }
0x1c3: {  	[tilespmem:s15], [sflag:$0x1] =	stream.indirect_vreg.gather [hbm4b:s8+s3], $0x80, v14, vm0, $0xb8;
	[tilespmem:$0x1B080] =	vst v63  }
0x1c4: {  	_ = 	snop  }
0x1c5: {  	[tilespmem:s16], [sflag:$0x1] =	stream.indirect_vreg.gather [hbm4b:s1+s3], $0x80, v13, vm0, $0xb8;
	[tilespmem:$0x1B080] =	vst v63  }
0x1c6: {  	_ = 	snop  }
0x1c7: {  	[tilespmem:s17], [sflag:$0x1] =	stream.indirect_vreg.gather [hbm4b:s7+s3], $0x80, v13, vm0, $0xb8;
	[tilespmem:$0x1B080] =	vst v63  }
0x1c8: {  	s22 =	simm.s32 $0x8880  }
0x1c9: {  	[tilespmem:s22], [sflag:$0x1] =	stream.indirect_vreg.gather [hbm4b:s8+s3], $0x80, v13, vm0, $0xb8;
	[tilespmem:$0x1B080] =	vst v63  }
0x1ca: {  	v13 =	vld [tilespmem:s4+$0x2120];
	_ =	sdelay $0x4  }
0x1cb: {  	v14 =	vshrl.u32 v13, $0x3  }
0x1cc: {  	v14 =	vmul.u32 $0x30, v14  }
0x1cd: {  	v13 =	vand.u32 $0x7, v13  }
0x1ce: {  	v13 =	vor.u32 v13, v14  }
0x1cf: {  	v14 =	vperm.xlane v13, v10;
	_ =	sdelay $0x1  }
0x1d0: {  	v14 =	vadd.s32 v11, v14;
	_ =	sdelay $0x3  }
0x1d1: {  	s22 =	simm.s32 $0x9080;
	v13 =	vperm.xlane v13, v12  }
0x1d2: {  	[tilespmem:s22], [sflag:$0x1] =	stream.indirect_vreg.gather [hbm4b:s1+s3], $0x80, v14, vm0, $0xb8;
	[tilespmem:$0x1B080] =	vst v63  }
0x1d3: {  	v13 =	vadd.s32 v11, v13  }
0x1d4: {  	[tilespmem:s18], [sflag:$0x1] =	stream.indirect_vreg.gather [hbm4b:s7+s3], $0x80, v14, vm0, $0xb8;
	[tilespmem:$0x1B080] =	vst v63  }
0x1d5: {  	_ = 	snop  }
0x1d6: {  	[tilespmem:s11], [sflag:$0x1] =	stream.indirect_vreg.gather [hbm4b:s8+s3], $0x80, v14, vm0, $0xb8;
	[tilespmem:$0x1B080] =	vst v63  }
0x1d7: {  	_ = 	snop  }
0x1d8: {  	[tilespmem:s12], [sflag:$0x1] =	stream.indirect_vreg.gather [hbm4b:s1+s3], $0x80, v13, vm0, $0xb8;
	[tilespmem:$0x1B080] =	vst v63  }
0x1d9: {  	_ = 	snop  }
0x1da: {  	[tilespmem:s9], [sflag:$0x1] =	stream.indirect_vreg.gather [hbm4b:s7+s3], $0x80, v13, vm0, $0xb8;
	[tilespmem:$0x1B080] =	vst v63  }
0x1db: {  	s22 =	simm.s32 $0xB880  }
0x1dc: {  	[tilespmem:s22], [sflag:$0x1] =	stream.indirect_vreg.gather [hbm4b:s8+s3], $0x80, v13, vm0, $0xb8;
	[tilespmem:$0x1B080] =	vst v63  }
0x1dd: {  	v13 =	vld [tilespmem:s4+$0x2130];
	_ =	sdelay $0x4  }
0x1de: {  	v14 =	vshrl.u32 v13, $0x3  }
0x1df: {  	v14 =	vmul.u32 $0x30, v14  }
0x1e0: {  	v13 =	vand.u32 $0x7, v13  }
0x1e1: {  	v13 =	vor.u32 v13, v14  }
0x1e2: {  	v14 =	vperm.xlane v13, v10;
	_ =	sdelay $0x1  }
0x1e3: {  	v14 =	vadd.s32 v11, v14;
	_ =	sdelay $0x3  }
0x1e4: {  	s22 =	simm.s32 $0xC080;
	v13 =	vperm.xlane v13, v12  }
0x1e5: {  	[tilespmem:s22], [sflag:$0x1] =	stream.indirect_vreg.gather [hbm4b:s1+s3], $0x80, v14, vm0, $0xb8;
	[tilespmem:$0x1B080] =	vst v63  }
0x1e6: {  	v13 =	vadd.s32 v11, v13  }
0x1e7: {  	[tilespmem:s10], [sflag:$0x1] =	stream.indirect_vreg.gather [hbm4b:s7+s3], $0x80, v14, vm0, $0xb8;
	[tilespmem:$0x1B080] =	vst v63  }
0x1e8: {  	_ = 	snop  }
0x1e9: {  	[tilespmem:s5], [sflag:$0x1] =	stream.indirect_vreg.gather [hbm4b:s8+s3], $0x80, v14, vm0, $0xb8;
	[tilespmem:$0x1B080] =	vst v63  }
0x1ea: {  	_ = 	snop  }
0x1eb: {  	[tilespmem:s13], [sflag:$0x1] =	stream.indirect_vreg.gather [hbm4b:s1+s3], $0x80, v13, vm0, $0xb8;
	[tilespmem:$0x1B080] =	vst v63  }
0x1ec: {  	_ = 	snop  }
0x1ed: {  	[tilespmem:s6], [sflag:$0x1] =	stream.indirect_vreg.gather [hbm4b:s7+s3], $0x80, v13, vm0, $0xb8;
	[tilespmem:$0x1B080] =	vst v63  }
0x1ee: {  	s22 =	simm.s32 $0xE880  }
0x1ef: {  	[tilespmem:s22], [sflag:$0x1] =	stream.indirect_vreg.gather [hbm4b:s8+s3], $0x80, v13, vm0, $0xb8;
	[tilespmem:$0x1B080] =	vst v63  }
0x1f0: {  	_ =	swait.ge [sflag:s26], $0xC000  }
0x1f1: {  	[sflag:s26] =	ssyncset.done $0x0  }
0x1f2: {  	s2 =	rddreg [dreg:$0x9];
	[sflag:s26] =	ssyncadd.s32 $0xFFFF4000  }
0x1f3: {  	[hbm4b:s2+s3] =	stream.linear.scatter [tilespmem:s29], [sflag:$0x4], $0xC000, $0x38;
	[tilespmem:$0x1B080] =	vst v63  }
0x1f4: {  	_ =	swait.ge [sflag:s0], $0xC000  }
0x1f5: {  	[sflag:s0] =	ssyncset.done $0x0  }
0x1f6: {  	[sflag:s0] =	ssyncadd.s32 $0xFFFF4000  }
0x1f7: {  	v13 =	vld [tilespmem:s4+$0x2140];
	_ =	sdelay $0x4  }
0x1f8: {  	v14 =	vshrl.u32 v13, $0x3  }
0x1f9: {  	v14 =	vmul.u32 $0x30, v14  }
0x1fa: {  	v13 =	vand.u32 $0x7, v13  }
0x1fb: {  	v13 =	vor.u32 v13, v14  }
0x1fc: {  	v14 =	vperm.xlane v13, v10;
	_ =	sdelay $0x1  }
0x1fd: {  	v14 =	vadd.s32 v11, v14;
	_ =	sdelay $0x3  }
0x1fe: {  	v13 =	vperm.xlane v13, v12  }
0x1ff: {  	[tilespmem:s29], [sflag:$0x2] =	stream.indirect_vreg.gather [hbm4b:s1+s3], $0x80, v14, vm0, $0xb8;
	[tilespmem:$0x1B080] =	vst v63  }
0x200: {  	s2 =	simm.s32 $0xF880;
	v13 =	vadd.s32 v11, v13  }
0x201: {  	[tilespmem:s2], [sflag:$0x2] =	stream.indirect_vreg.gather [hbm4b:s7+s3], $0x80, v14, vm0, $0xb8;
	[tilespmem:$0x1B080] =	vst v63  }
0x202: {  	s2 =	simm.s32 $0x10080  }
0x203: {  	[tilespmem:s2], [sflag:$0x2] =	stream.indirect_vreg.gather [hbm4b:s8+s3], $0x80, v14, vm0, $0xb8;
	[tilespmem:$0x1B080] =	vst v63  }
0x204: {  	s2 =	simm.s32 $0x10880  }
0x205: {  	[tilespmem:s2], [sflag:$0x2] =	stream.indirect_vreg.gather [hbm4b:s1+s3], $0x80, v13, vm0, $0xb8;
	[tilespmem:$0x1B080] =	vst v63  }
0x206: {  	s2 =	simm.s32 $0x11080  }
0x207: {  	[tilespmem:s2], [sflag:$0x2] =	stream.indirect_vreg.gather [hbm4b:s7+s3], $0x80, v13, vm0, $0xb8;
	[tilespmem:$0x1B080] =	vst v63  }
0x208: {  	s2 =	simm.s32 $0x11880  }
0x209: {  	[tilespmem:s2], [sflag:$0x2] =	stream.indirect_vreg.gather [hbm4b:s8+s3], $0x80, v13, vm0, $0xb8;
	[tilespmem:$0x1B080] =	vst v63  }
0x20a: {  	v13 =	vld [tilespmem:s4+$0x2150];
	_ =	sdelay $0x4  }
0x20b: {  	v14 =	vshrl.u32 v13, $0x3  }
0x20c: {  	v14 =	vmul.u32 $0x30, v14  }
0x20d: {  	v13 =	vand.u32 $0x7, v13  }
0x20e: {  	v13 =	vor.u32 v13, v14  }
0x20f: {  	v14 =	vperm.xlane v13, v10;
	_ =	sdelay $0x1  }
0x210: {  	v14 =	vadd.s32 v11, v14;
	_ =	sdelay $0x3  }
0x211: {  	s2 =	simm.s32 $0x12080;
	v13 =	vperm.xlane v13, v12  }
0x212: {  	[tilespmem:s2], [sflag:$0x2] =	stream.indirect_vreg.gather [hbm4b:s1+s3], $0x80, v14, vm0, $0xb8;
	[tilespmem:$0x1B080] =	vst v63  }
0x213: {  	v13 =	vadd.s32 v11, v13;
	s2 =	simm.s32 $0x12880  }
0x214: {  	[tilespmem:s2], [sflag:$0x2] =	stream.indirect_vreg.gather [hbm4b:s7+s3], $0x80, v14, vm0, $0xb8;
	[tilespmem:$0x1B080] =	vst v63  }
0x215: {  	s2 =	simm.s32 $0x13080  }
0x216: {  	[tilespmem:s2], [sflag:$0x2] =	stream.indirect_vreg.gather [hbm4b:s8+s3], $0x80, v14, vm0, $0xb8;
	[tilespmem:$0x1B080] =	vst v63  }
0x217: {  	s2 =	simm.s32 $0x13880  }
0x218: {  	[tilespmem:s2], [sflag:$0x2] =	stream.indirect_vreg.gather [hbm4b:s1+s3], $0x80, v13, vm0, $0xb8;
	[tilespmem:$0x1B080] =	vst v63  }
0x219: {  	s2 =	simm.s32 $0x14080  }
0x21a: {  	[tilespmem:s2], [sflag:$0x2] =	stream.indirect_vreg.gather [hbm4b:s7+s3], $0x80, v13, vm0, $0xb8;
	[tilespmem:$0x1B080] =	vst v63  }
0x21b: {  	s2 =	simm.s32 $0x14880  }
0x21c: {  	[tilespmem:s2], [sflag:$0x2] =	stream.indirect_vreg.gather [hbm4b:s8+s3], $0x80, v13, vm0, $0xb8;
	[tilespmem:$0x1B080] =	vst v63  }
0x21d: {  	v13 =	vld [tilespmem:s4+$0x2160];
	_ =	sdelay $0x4  }
0x21e: {  	v14 =	vshrl.u32 v13, $0x3  }
0x21f: {  	v14 =	vmul.u32 $0x30, v14  }
0x220: {  	v13 =	vand.u32 $0x7, v13  }
0x221: {  	v13 =	vor.u32 v13, v14  }
0x222: {  	v14 =	vperm.xlane v13, v10;
	_ =	sdelay $0x1  }
0x223: {  	v14 =	vadd.s32 v11, v14;
	_ =	sdelay $0x3  }
0x224: {  	s2 =	simm.s32 $0x15080;
	v13 =	vperm.xlane v13, v12  }
0x225: {  	[tilespmem:s2], [sflag:$0x2] =	stream.indirect_vreg.gather [hbm4b:s1+s3], $0x80, v14, vm0, $0xb8;
	[tilespmem:$0x1B080] =	vst v63  }
0x226: {  	v13 =	vadd.s32 v11, v13;
	s2 =	simm.s32 $0x15880  }
0x227: {  	[tilespmem:s2], [sflag:$0x2] =	stream.indirect_vreg.gather [hbm4b:s7+s3], $0x80, v14, vm0, $0xb8;
	[tilespmem:$0x1B080] =	vst v63  }
0x228: {  	s2 =	simm.s32 $0x16080  }
0x229: {  	[tilespmem:s2], [sflag:$0x2] =	stream.indirect_vreg.gather [hbm4b:s8+s3], $0x80, v14, vm0, $0xb8;
	[tilespmem:$0x1B080] =	vst v63  }
0x22a: {  	s2 =	simm.s32 $0x16880  }
0x22b: {  	[tilespmem:s2], [sflag:$0x2] =	stream.indirect_vreg.gather [hbm4b:s1+s3], $0x80, v13, vm0, $0xb8;
	[tilespmem:$0x1B080] =	vst v63  }
0x22c: {  	s2 =	simm.s32 $0x17080  }
0x22d: {  	[tilespmem:s2], [sflag:$0x2] =	stream.indirect_vreg.gather [hbm4b:s7+s3], $0x80, v13, vm0, $0xb8;
	[tilespmem:$0x1B080] =	vst v63  }
0x22e: {  	s2 =	simm.s32 $0x17880  }
0x22f: {  	[tilespmem:s2], [sflag:$0x2] =	stream.indirect_vreg.gather [hbm4b:s8+s3], $0x80, v13, vm0, $0xb8;
	[tilespmem:$0x1B080] =	vst v63  }
0x230: {  	v13 =	vld [tilespmem:s4+$0x2170];
	_ =	sdelay $0x4  }
0x231: {  	v14 =	vshrl.u32 v13, $0x3  }
0x232: {  	v14 =	vmul.u32 $0x30, v14  }
0x233: {  	v13 =	vand.u32 $0x7, v13  }
0x234: {  	v13 =	vor.u32 v13, v14  }
0x235: {  	v14 =	vperm.xlane v13, v10;
	_ =	sdelay $0x1  }
0x236: {  	v14 =	vadd.s32 v11, v14;
	_ =	sdelay $0x3  }
0x237: {  	s2 =	simm.s32 $0x18080;
	v13 =	vperm.xlane v13, v12  }
0x238: {  	[tilespmem:s2], [sflag:$0x2] =	stream.indirect_vreg.gather [hbm4b:s1+s3], $0x80, v14, vm0, $0xb8;
	[tilespmem:$0x1B080] =	vst v63  }
0x239: {  	v13 =	vadd.s32 v11, v13;
	s2 =	simm.s32 $0x18880  }
0x23a: {  	[tilespmem:s2], [sflag:$0x2] =	stream.indirect_vreg.gather [hbm4b:s7+s3], $0x80, v14, vm0, $0xb8;
	[tilespmem:$0x1B080] =	vst v63  }
0x23b: {  	s2 =	simm.s32 $0x19080  }
0x23c: {  	[tilespmem:s2], [sflag:$0x2] =	stream.indirect_vreg.gather [hbm4b:s8+s3], $0x80, v14, vm0, $0xb8;
	[tilespmem:$0x1B080] =	vst v63  }
0x23d: {  	s2 =	simm.s32 $0x19880  }
0x23e: {  	[tilespmem:s2], [sflag:$0x2] =	stream.indirect_vreg.gather [hbm4b:s1+s3], $0x80, v13, vm0, $0xb8;
	[tilespmem:$0x1B080] =	vst v63  }
0x23f: {  	s2 =	simm.s32 $0x1A080  }
0x240: {  	[tilespmem:s2], [sflag:$0x2] =	stream.indirect_vreg.gather [hbm4b:s7+s3], $0x80, v13, vm0, $0xb8;
	[tilespmem:$0x1B080] =	vst v63  }
0x241: {  	s2 =	simm.s32 $0x1A880  }
0x242: {  	[tilespmem:s2], [sflag:$0x2] =	stream.indirect_vreg.gather [hbm4b:s8+s3], $0x80, v13, vm0, $0xb8;
	[tilespmem:$0x1B080] =	vst v63  }
0x243: {  	_ =	swait.ge [sflag:s24], $0xC000  }
0x244: {  	[sflag:s24] =	ssyncset.done $0x0  }
0x245: {  	s2 =	rddreg [dreg:$0xa];
	[sflag:s24] =	ssyncadd.s32 $0xFFFF4000  }
0x246: {  	[hbm4b:s2+s3] =	stream.linear.scatter [tilespmem:s30], [sflag:$0x3], $0xC000, $0x38;
	[tilespmem:$0x1B080] =	vst v63  }
0x247: {  	_ =	swait.ge [sflag:s25], $0xC000  }
0x248: {  	[sflag:s25] =	ssyncset.done $0x0  }
0x249: {  	[sflag:s25] =	ssyncadd.s32 $0xFFFF4000  }
0x24a: {  	v13 =	vld [tilespmem:s4+$0x2180];
	_ =	sdelay $0x4  }
0x24b: {  	v14 =	vshrl.u32 v13, $0x3  }
0x24c: {  	v14 =	vmul.u32 $0x30, v14  }
0x24d: {  	v13 =	vand.u32 $0x7, v13  }
0x24e: {  	v13 =	vor.u32 v13, v14  }
0x24f: {  	v14 =	vperm.xlane v13, v10;
	_ =	sdelay $0x1  }
0x250: {  	v14 =	vadd.s32 v11, v14;
	_ =	sdelay $0x3  }
0x251: {  	v13 =	vperm.xlane v13, v12  }
0x252: {  	[tilespmem:s30], [sflag:$0x1] =	stream.indirect_vreg.gather [hbm4b:s1+s3], $0x80, v14, vm0, $0xb8;
	[tilespmem:$0x1B080] =	vst v63  }
0x253: {  	s23 =	simm.s32 $0x3880;
	v13 =	vadd.s32 v11, v13  }
0x254: {  	[tilespmem:s23], [sflag:$0x1] =	stream.indirect_vreg.gather [hbm4b:s7+s3], $0x80, v14, vm0, $0xb8;
	[tilespmem:$0x1B080] =	vst v63  }
0x255: {  	s31 =	simm.s32 $0x4080  }
0x256: {  	[tilespmem:s31], [sflag:$0x1] =	stream.indirect_vreg.gather [hbm4b:s8+s3], $0x80, v14, vm0, $0xb8;
	[tilespmem:$0x1B080] =	vst v63  }
0x257: {  	s19 =	simm.s32 $0x4880  }
0x258: {  	[tilespmem:s19], [sflag:$0x1] =	stream.indirect_vreg.gather [hbm4b:s1+s3], $0x80, v13, vm0, $0xb8;
	[tilespmem:$0x1B080] =	vst v63  }
0x259: {  	s20 =	simm.s32 $0x5080  }
0x25a: {  	[tilespmem:s20], [sflag:$0x1] =	stream.indirect_vreg.gather [hbm4b:s7+s3], $0x80, v13, vm0, $0xb8;
	[tilespmem:$0x1B080] =	vst v63  }
0x25b: {  	s19 =	simm.s32 $0x5880  }
0x25c: {  	[tilespmem:s19], [sflag:$0x1] =	stream.indirect_vreg.gather [hbm4b:s8+s3], $0x80, v13, vm0, $0xb8;
	[tilespmem:$0x1B080] =	vst v63  }
0x25d: {  	v13 =	vld [tilespmem:s4+$0x2190];
	_ =	sdelay $0x4  }
0x25e: {  	v14 =	vshrl.u32 v13, $0x3  }
0x25f: {  	v14 =	vmul.u32 $0x30, v14  }
0x260: {  	v13 =	vand.u32 $0x7, v13  }
0x261: {  	v13 =	vor.u32 v13, v14  }
0x262: {  	v14 =	vperm.xlane v13, v10;
	_ =	sdelay $0x1  }
0x263: {  	v14 =	vadd.s32 v11, v14;
	_ =	sdelay $0x3  }
0x264: {  	s20 =	simm.s32 $0x6080;
	v13 =	vperm.xlane v13, v12  }
0x265: {  	[tilespmem:s20], [sflag:$0x1] =	stream.indirect_vreg.gather [hbm4b:s1+s3], $0x80, v14, vm0, $0xb8;
	[tilespmem:$0x1B080] =	vst v63  }
0x266: {  	s14 =	simm.s32 $0x6880;
	v13 =	vadd.s32 v11, v13  }
0x267: {  	[tilespmem:s14], [sflag:$0x1] =	stream.indirect_vreg.gather [hbm4b:s7+s3], $0x80, v14, vm0, $0xb8;
	[tilespmem:$0x1B080] =	vst v63  }
0x268: {  	s15 =	simm.s32 $0x7080  }
0x269: {  	[tilespmem:s15], [sflag:$0x1] =	stream.indirect_vreg.gather [hbm4b:s8+s3], $0x80, v14, vm0, $0xb8;
	[tilespmem:$0x1B080] =	vst v63  }
0x26a: {  	s16 =	simm.s32 $0x7880  }
0x26b: {  	[tilespmem:s16], [sflag:$0x1] =	stream.indirect_vreg.gather [hbm4b:s1+s3], $0x80, v13, vm0, $0xb8;
	[tilespmem:$0x1B080] =	vst v63  }
0x26c: {  	s17 =	simm.s32 $0x8080  }
0x26d: {  	[tilespmem:s17], [sflag:$0x1] =	stream.indirect_vreg.gather [hbm4b:s7+s3], $0x80, v13, vm0, $0xb8;
	[tilespmem:$0x1B080] =	vst v63  }
0x26e: {  	s23 =	simm.s32 $0x8880  }
0x26f: {  	[tilespmem:s23], [sflag:$0x1] =	stream.indirect_vreg.gather [hbm4b:s8+s3], $0x80, v13, vm0, $0xb8;
	[tilespmem:$0x1B080] =	vst v63  }
0x270: {  	v13 =	vld [tilespmem:s4+$0x21A0];
	_ =	sdelay $0x4  }
0x271: {  	v14 =	vshrl.u32 v13, $0x3  }
0x272: {  	v14 =	vmul.u32 $0x30, v14  }
0x273: {  	v13 =	vand.u32 $0x7, v13  }
0x274: {  	v13 =	vor.u32 v13, v14  }
0x275: {  	v14 =	vperm.xlane v13, v10;
	_ =	sdelay $0x1  }
0x276: {  	v14 =	vadd.s32 v11, v14;
	_ =	sdelay $0x3  }
0x277: {  	s31 =	simm.s32 $0x9080;
	v13 =	vperm.xlane v13, v12  }
0x278: {  	[tilespmem:s31], [sflag:$0x1] =	stream.indirect_vreg.gather [hbm4b:s1+s3], $0x80, v14, vm0, $0xb8;
	[tilespmem:$0x1B080] =	vst v63  }
0x279: {  	s18 =	simm.s32 $0x9880;
	v13 =	vadd.s32 v11, v13  }
0x27a: {  	[tilespmem:s18], [sflag:$0x1] =	stream.indirect_vreg.gather [hbm4b:s7+s3], $0x80, v14, vm0, $0xb8;
	[tilespmem:$0x1B080] =	vst v63  }
0x27b: {  	s11 =	simm.s32 $0xA080  }
0x27c: {  	[tilespmem:s11], [sflag:$0x1] =	stream.indirect_vreg.gather [hbm4b:s8+s3], $0x80, v14, vm0, $0xb8;
	[tilespmem:$0x1B080] =	vst v63  }
0x27d: {  	s12 =	simm.s32 $0xA880  }
0x27e: {  	[tilespmem:s12], [sflag:$0x1] =	stream.indirect_vreg.gather [hbm4b:s1+s3], $0x80, v13, vm0, $0xb8;
	[tilespmem:$0x1B080] =	vst v63  }
0x27f: {  	s9 =	simm.s32 $0xB080  }
0x280: {  	[tilespmem:s9], [sflag:$0x1] =	stream.indirect_vreg.gather [hbm4b:s7+s3], $0x80, v13, vm0, $0xb8;
	[tilespmem:$0x1B080] =	vst v63  }
0x281: {  	s12 =	simm.s32 $0xB880  }
0x282: {  	[tilespmem:s12], [sflag:$0x1] =	stream.indirect_vreg.gather [hbm4b:s8+s3], $0x80, v13, vm0, $0xb8;
	[tilespmem:$0x1B080] =	vst v63  }
0x283: {  	v13 =	vld [tilespmem:s4+$0x21B0];
	_ =	sdelay $0x4  }
0x284: {  	v14 =	vshrl.u32 v13, $0x3  }
0x285: {  	v14 =	vmul.u32 $0x30, v14  }
0x286: {  	v13 =	vand.u32 $0x7, v13  }
0x287: {  	v13 =	vor.u32 v13, v14  }
0x288: {  	v14 =	vperm.xlane v13, v10;
	_ =	sdelay $0x1  }
0x289: {  	v14 =	vadd.s32 v11, v14;
	_ =	sdelay $0x3  }
0x28a: {  	s14 =	simm.s32 $0xC080;
	v13 =	vperm.xlane v13, v12  }
0x28b: {  	[tilespmem:s14], [sflag:$0x1] =	stream.indirect_vreg.gather [hbm4b:s1+s3], $0x80, v14, vm0, $0xb8;
	[tilespmem:$0x1B080] =	vst v63  }
0x28c: {  	s10 =	simm.s32 $0xC880;
	v13 =	vadd.s32 v11, v13  }
0x28d: {  	[tilespmem:s10], [sflag:$0x1] =	stream.indirect_vreg.gather [hbm4b:s7+s3], $0x80, v14, vm0, $0xb8;
	[tilespmem:$0x1B080] =	vst v63  }
0x28e: {  	s5 =	simm.s32 $0xD080  }
0x28f: {  	[tilespmem:s5], [sflag:$0x1] =	stream.indirect_vreg.gather [hbm4b:s8+s3], $0x80, v14, vm0, $0xb8;
	[tilespmem:$0x1B080] =	vst v63  }
0x290: {  	s13 =	simm.s32 $0xD880  }
0x291: {  	[tilespmem:s13], [sflag:$0x1] =	stream.indirect_vreg.gather [hbm4b:s1+s3], $0x80, v13, vm0, $0xb8;
	[tilespmem:$0x1B080] =	vst v63  }
0x292: {  	s6 =	simm.s32 $0xE080  }
0x293: {  	[tilespmem:s6], [sflag:$0x1] =	stream.indirect_vreg.gather [hbm4b:s7+s3], $0x80, v13, vm0, $0xb8;
	[tilespmem:$0x1B080] =	vst v63  }
0x294: {  	s22 =	simm.s32 $0xE880  }
0x295: {  	[tilespmem:s22], [sflag:$0x1] =	stream.indirect_vreg.gather [hbm4b:s8+s3], $0x80, v13, vm0, $0xb8;
	[tilespmem:$0x1B080] =	vst v63  }
0x296: {  	_ =	swait.ge [sflag:s26], $0xC000  }
0x297: {  	[sflag:s26] =	ssyncset.done $0x0  }
0x298: {  	s15 =	rddreg [dreg:$0xb];
	[sflag:s26] =	ssyncadd.s32 $0xFFFF4000  }
0x299: {  	[hbm4b:s15+s3] =	stream.linear.scatter [tilespmem:s29], [sflag:$0x4], $0xC000, $0x38;
	[tilespmem:$0x1B080] =	vst v63  }
0x29a: {  	_ =	swait.ge [sflag:s0], $0xC000  }
0x29b: {  	[sflag:s0] =	ssyncset.done $0x0  }
0x29c: {  	[sflag:s0] =	ssyncadd.s32 $0xFFFF4000  }
0x29d: {  	v13 =	vld [tilespmem:s4+$0x21C0];
	_ =	sdelay $0x4  }
0x29e: {  	v14 =	vshrl.u32 v13, $0x3  }
0x29f: {  	v14 =	vmul.u32 $0x30, v14  }
0x2a0: {  	v13 =	vand.u32 $0x7, v13  }
0x2a1: {  	v13 =	vor.u32 v13, v14  }
0x2a2: {  	v14 =	vperm.xlane v13, v10;
	_ =	sdelay $0x1  }
0x2a3: {  	v14 =	vadd.s32 v11, v14;
	_ =	sdelay $0x3  }
0x2a4: {  	v13 =	vperm.xlane v13, v12  }
0x2a5: {  	[tilespmem:s29], [sflag:$0x2] =	stream.indirect_vreg.gather [hbm4b:s1+s3], $0x80, v14, vm0, $0xb8;
	[tilespmem:$0x1B080] =	vst v63  }
0x2a6: {  	s16 =	simm.s32 $0xF880;
	v13 =	vadd.s32 v11, v13  }
0x2a7: {  	[tilespmem:s16], [sflag:$0x2] =	stream.indirect_vreg.gather [hbm4b:s7+s3], $0x80, v14, vm0, $0xb8;
	[tilespmem:$0x1B080] =	vst v63  }
0x2a8: {  	s17 =	simm.s32 $0x10080  }
0x2a9: {  	[tilespmem:s17], [sflag:$0x2] =	stream.indirect_vreg.gather [hbm4b:s8+s3], $0x80, v14, vm0, $0xb8;
	[tilespmem:$0x1B080] =	vst v63  }
0x2aa: {  	s18 =	simm.s32 $0x10880  }
0x2ab: {  	[tilespmem:s18], [sflag:$0x2] =	stream.indirect_vreg.gather [hbm4b:s1+s3], $0x80, v13, vm0, $0xb8;
	[tilespmem:$0x1B080] =	vst v63  }
0x2ac: {  	s19 =	simm.s32 $0x11080  }
0x2ad: {  	[tilespmem:s19], [sflag:$0x2] =	stream.indirect_vreg.gather [hbm4b:s7+s3], $0x80, v13, vm0, $0xb8;
	[tilespmem:$0x1B080] =	vst v63  }
0x2ae: {  	s20 =	simm.s32 $0x11880  }
0x2af: {  	[tilespmem:s20], [sflag:$0x2] =	stream.indirect_vreg.gather [hbm4b:s8+s3], $0x80, v13, vm0, $0xb8;
	[tilespmem:$0x1B080] =	vst v63  }
0x2b0: {  	v13 =	vld [tilespmem:s4+$0x21D0];
	_ =	sdelay $0x4  }
0x2b1: {  	v14 =	vshrl.u32 v13, $0x3  }
0x2b2: {  	v14 =	vmul.u32 $0x30, v14  }
0x2b3: {  	v13 =	vand.u32 $0x7, v13  }
0x2b4: {  	v13 =	vor.u32 v13, v14  }
0x2b5: {  	v14 =	vperm.xlane v13, v10;
	_ =	sdelay $0x1  }
0x2b6: {  	v14 =	vadd.s32 v11, v14;
	_ =	sdelay $0x3  }
0x2b7: {  	s22 =	simm.s32 $0x12080;
	v13 =	vperm.xlane v13, v12  }
0x2b8: {  	[tilespmem:s22], [sflag:$0x2] =	stream.indirect_vreg.gather [hbm4b:s1+s3], $0x80, v14, vm0, $0xb8;
	[tilespmem:$0x1B080] =	vst v63  }
0x2b9: {  	s23 =	simm.s32 $0x12880;
	v13 =	vadd.s32 v11, v13  }
0x2ba: {  	[tilespmem:s23], [sflag:$0x2] =	stream.indirect_vreg.gather [hbm4b:s7+s3], $0x80, v14, vm0, $0xb8;
	[tilespmem:$0x1B080] =	vst v63  }
0x2bb: {  	s31 =	simm.s32 $0x13080  }
0x2bc: {  	[tilespmem:s31], [sflag:$0x2] =	stream.indirect_vreg.gather [hbm4b:s8+s3], $0x80, v14, vm0, $0xb8;
	[tilespmem:$0x1B080] =	vst v63  }
0x2bd: {  	s5 =	simm.s32 $0x13880  }
0x2be: {  	[tilespmem:s5], [sflag:$0x2] =	stream.indirect_vreg.gather [hbm4b:s1+s3], $0x80, v13, vm0, $0xb8;
	[tilespmem:$0x1B080] =	vst v63  }
0x2bf: {  	s6 =	simm.s32 $0x14080  }
0x2c0: {  	[tilespmem:s6], [sflag:$0x2] =	stream.indirect_vreg.gather [hbm4b:s7+s3], $0x80, v13, vm0, $0xb8;
	[tilespmem:$0x1B080] =	vst v63  }
0x2c1: {  	s9 =	simm.s32 $0x14880  }
0x2c2: {  	[tilespmem:s9], [sflag:$0x2] =	stream.indirect_vreg.gather [hbm4b:s8+s3], $0x80, v13, vm0, $0xb8;
	[tilespmem:$0x1B080] =	vst v63  }
0x2c3: {  	v13 =	vld [tilespmem:s4+$0x21E0];
	_ =	sdelay $0x4  }
0x2c4: {  	v14 =	vshrl.u32 v13, $0x3  }
0x2c5: {  	v14 =	vmul.u32 $0x30, v14  }
0x2c6: {  	v13 =	vand.u32 $0x7, v13  }
0x2c7: {  	v13 =	vor.u32 v13, v14  }
0x2c8: {  	v14 =	vperm.xlane v13, v10;
	_ =	sdelay $0x1  }
0x2c9: {  	v14 =	vadd.s32 v11, v14;
	_ =	sdelay $0x3  }
0x2ca: {  	s10 =	simm.s32 $0x15080;
	v13 =	vperm.xlane v13, v12  }
0x2cb: {  	[tilespmem:s10], [sflag:$0x2] =	stream.indirect_vreg.gather [hbm4b:s1+s3], $0x80, v14, vm0, $0xb8;
	[tilespmem:$0x1B080] =	vst v63  }
0x2cc: {  	s11 =	simm.s32 $0x15880;
	v13 =	vadd.s32 v11, v13  }
0x2cd: {  	[tilespmem:s11], [sflag:$0x2] =	stream.indirect_vreg.gather [hbm4b:s7+s3], $0x80, v14, vm0, $0xb8;
	[tilespmem:$0x1B080] =	vst v63  }
0x2ce: {  	s12 =	simm.s32 $0x16080  }
0x2cf: {  	[tilespmem:s12], [sflag:$0x2] =	stream.indirect_vreg.gather [hbm4b:s8+s3], $0x80, v14, vm0, $0xb8;
	[tilespmem:$0x1B080] =	vst v63  }
0x2d0: {  	s13 =	simm.s32 $0x16880  }
0x2d1: {  	[tilespmem:s13], [sflag:$0x2] =	stream.indirect_vreg.gather [hbm4b:s1+s3], $0x80, v13, vm0, $0xb8;
	[tilespmem:$0x1B080] =	vst v63  }
0x2d2: {  	s14 =	simm.s32 $0x17080  }
0x2d3: {  	[tilespmem:s14], [sflag:$0x2] =	stream.indirect_vreg.gather [hbm4b:s7+s3], $0x80, v13, vm0, $0xb8;
	[tilespmem:$0x1B080] =	vst v63  }
0x2d4: {  	s15 =	simm.s32 $0x17880  }
0x2d5: {  	[tilespmem:s15], [sflag:$0x2] =	stream.indirect_vreg.gather [hbm4b:s8+s3], $0x80, v13, vm0, $0xb8;
	[tilespmem:$0x1B080] =	vst v63  }
0x2d6: {  	v13 =	vld [tilespmem:s4+$0x21F0];
	_ =	sdelay $0x4  }
0x2d7: {  	v14 =	vshrl.u32 v13, $0x3  }
0x2d8: {  	v14 =	vmul.u32 $0x30, v14  }
0x2d9: {  	v13 =	vand.u32 $0x7, v13  }
0x2da: {  	v13 =	vor.u32 v13, v14  }
0x2db: {  	v14 =	vperm.xlane v13, v10;
	_ =	sdelay $0x1  }
0x2dc: {  	v14 =	vadd.s32 v11, v14;
	_ =	sdelay $0x3  }
0x2dd: {  	s16 =	simm.s32 $0x18080;
	v13 =	vperm.xlane v13, v12  }
0x2de: {  	[tilespmem:s16], [sflag:$0x2] =	stream.indirect_vreg.gather [hbm4b:s1+s3], $0x80, v14, vm0, $0xb8;
	[tilespmem:$0x1B080] =	vst v63  }
0x2df: {  	s17 =	simm.s32 $0x18880;
	v13 =	vadd.s32 v11, v13  }
0x2e0: {  	[tilespmem:s17], [sflag:$0x2] =	stream.indirect_vreg.gather [hbm4b:s7+s3], $0x80, v14, vm0, $0xb8;
	[tilespmem:$0x1B080] =	vst v63  }
0x2e1: {  	s18 =	simm.s32 $0x19080  }
0x2e2: {  	[tilespmem:s18], [sflag:$0x2] =	stream.indirect_vreg.gather [hbm4b:s8+s3], $0x80, v14, vm0, $0xb8;
	[tilespmem:$0x1B080] =	vst v63  }
0x2e3: {  	s19 =	simm.s32 $0x19880  }
0x2e4: {  	[tilespmem:s19], [sflag:$0x2] =	stream.indirect_vreg.gather [hbm4b:s1+s3], $0x80, v13, vm0, $0xb8;
	[tilespmem:$0x1B080] =	vst v63  }
0x2e5: {  	s20 =	simm.s32 $0x1A080  }
0x2e6: {  	[tilespmem:s20], [sflag:$0x2] =	stream.indirect_vreg.gather [hbm4b:s7+s3], $0x80, v13, vm0, $0xb8;
	[tilespmem:$0x1B080] =	vst v63  }
0x2e7: {  	s22 =	simm.s32 $0x1A880  }
0x2e8: {  	[tilespmem:s22], [sflag:$0x2] =	stream.indirect_vreg.gather [hbm4b:s8+s3], $0x80, v13, vm0, $0xb8;
	[tilespmem:$0x1B080] =	vst v63  }
0x2e9: {  	_ =	swait.ge [sflag:s24], $0xC000  }
0x2ea: {  	[sflag:s24] =	ssyncset.done $0x0  }
0x2eb: {  	s23 =	rddreg [dreg:$0xc];
	[sflag:s24] =	ssyncadd.s32 $0xFFFF4000  }
0x2ec: {  	[hbm4b:s23+s3] =	stream.linear.scatter [tilespmem:s30], [sflag:$0x3], $0xC000, $0x38;
	[tilespmem:$0x1B080] =	vst v63  }
0x2ed: {  	_ =	swait.ge [sflag:s26], $0xC000  }
0x2ee: {  	[sflag:s26] =	ssyncset.done $0x0  }
0x2ef: {  	s30 =	rddreg [dreg:$0xd];
	[sflag:s26] =	ssyncadd.s32 $0xFFFF4000  }
0x2f0: {  	[hbm4b:s30+s3] =	stream.linear.scatter [tilespmem:s29], [sflag:$0x4], $0xC000, $0x38;
	[tilespmem:$0x1B080] =	vst v63  }
0x2f1: {  	_ =	swait.ge [sflag:s25], $0xC000  }
0x2f2: {  	[sflag:s25] =	ssyncset.done $0x0  }
0x2f3: {  	[sflag:s25] =	ssyncadd.s32 $0xFFFF4000  }
0x2f4: {  	_ =	swait.ge [sflag:s0], $0xC000  }
0x2f5: {  	s28 =	sadd.s32 $0x1, s28;
	s31 =	rddreg [dreg:$0xe]  }
0x2f6: {  	p0 =	sne.s32 s28, s31  }
.Ltmp1:
0x2f7: {  	_ = 	snop;
	(pc) =	sbr.rel @p0 .LBB2_1-.Ltmp1, $3  }
0x2f8: {  	_ =	sdelay $0x1  }
0x2f9: {  	[sflag:s0] =	ssyncset.done $0x0  }
0x2fa: {  	[sflag:s0] =	ssyncadd.s32 $0xFFFF4000  }
0x2fb: {  	_ =	sfence.sel $0x180000  }
0x2fc: {  	[bflag:$0x0] =	sbarrier.arrive $0xFFFF  }
0x2fd: {  	_ =	strace $0x90000047  }
0x2fe: {  	s0 =	stileid.u32;
	[bflag:$0x2] =	sbarrier.arrive $0xFFFF  }
0x2ff: {  	p0 =	sne.s32 s0, $0x0;
	s0 =	rddreg [dreg:$0x3]  }
0x300: {  	s0 =	sadd.s32 @!p0 $0x100000, s0  }
0x301: {  	[sflag:s0] =	ssyncadd.tile.s32 @!p0 $0x1;
	_ =	shalt  }
.Lfunc_end2:
_tile_overlayer_lowered:
.L_overlay_start_2:
0x302: {  	(tag) =	ssettag $0x2  }
0x303: {  	s0 =	rddreg [dreg:$0x0];
	s2 =	stileid.u32  }
0x304: {  	s1 =	rddreg [dreg:$0x1];
	p0 =	sne.s32 s2, $0x0  }
0x305: {  	s3 =	rddreg [dreg:$0x2];
	[bflag:$0x3] =	sbarrier.arrive $0xFFFF;
	s2 =	simm.s32 @!p0 $0x1C05  }
0x306: {  	[timem:s3], [sflag:s2] =	dma.local @!p0 [hbm:s0], s1  }
0x307: {  	s0 =	simm.s32 @!p0 $0x5  }
0x308: {  	_ =	swait.ge @!p0 [sflag:s0], s1  }
0x309: {  	s1 =	ssub.s32 @!p0 $0x0, s1;
	[sflag:s0] =	ssyncset.done @!p0 $0x0  }
0x30a: {  	[sflag:s0] =	ssyncadd.s32 @!p0 s1  }
0x30b: {  	[bflag:$0x3] =	sbarrier.arrive $0xFFFF  }
0x30c: {  	_ =	shalt  }

</sc_bundles>
